<compile_context>
chip_gen: v7x
topology: tpu7x:2x2x1
jax: 0.10.2.dev20260603
libtpu: 0.0.44.dev20260713+nightly
codegen_flags: <defaults>
</compile_context>

<pallas_src>
import functools

import jax
import jax.numpy as jnp
from jax import lax
from jax.experimental import pallas as pl
from jax.experimental.pallas import tpu as pltpu
from jax.experimental.pallas import tpu_sc as plsc


def _make_spmm(N, D, E, NC, NS):
    W_ = NC * NS
    NP = -(-N // (W_ * 8)) * (W_ * 8)
    SPT = NP // W_
    SEG = min(4000, E)
    NSEG = E // SEG
    KG = 128
    LCAP = SEG + KG + 16
    assert SEG % 16 == 0 and E % SEG == 0
    mesh = plsc.VectorSubcoreMesh(core_axis_name="c", subcore_axis_name="s",
                                  num_cores=NC, num_subcores=NS)

    @functools.partial(
        pl.kernel,
        out_type=jax.ShapeDtypeStruct((NP, D), jnp.float32),
        mesh=mesh,
        compiler_params=pltpu.CompilerParams(needs_layout_passes=False),
        scratch_types=[
            pltpu.VMEM((SEG,), jnp.int32),
            pltpu.VMEM((LCAP,), jnp.int32),
            pltpu.VMEM((LCAP,), jnp.int32),
            pltpu.VMEM((KG,), jnp.int32),
            pltpu.VMEM((KG,), jnp.float32),
            pltpu.VMEM((KG, D), jnp.float32),
            pltpu.VMEM((SPT + 8, D), jnp.float32),
            pltpu.SemaphoreType.DMA,
        ],
    )
    def spmm(x_hbm, src_hbm, dst_hbm, ev_hbm, z_hbm, out_hbm,
             dseg, elist, dlist, srcg, evg, rows, acc, sem):
        c = lax.axis_index("c")
        s = lax.axis_index("s")
        wid = c * NS + s
        base = wid * SPT

        pltpu.sync_copy(z_hbm, acc)

        iota16 = lax.iota(jnp.int32, 16)

        def process_chunk(off):
            off = pl.multiple_of(off, 8)
            pltpu.async_copy(src_hbm.at[elist.at[pl.ds(off, KG)]], srcg,
                             sem).wait()
            pltpu.async_copy(ev_hbm.at[elist.at[pl.ds(off, KG)]], evg,
                             sem).wait()
            pltpu.async_copy(x_hbm.at[srcg], rows, sem).wait()

            def accg(g, _):
                evv = evg[pl.ds(g * 16, 16)]
                dlv = dlist[pl.ds(off + g * 16, 16)]
                for r in range(16):
                    sc = evv[r]
                    dl = dlv[r]
                    row = g * 16 + r
                    for j in range(D // 16):
                        sl = pl.ds(j * 16, 16)
                        plsc.addupdate(acc.at[dl, sl], rows[row, sl] * sc)
                return 0

            lax.fori_loop(0, KG // 16, accg, 0)

        def seg_body(g, fill):
            segbase = g * SEG
            pltpu.sync_copy(dst_hbm.at[pl.ds(segbase, SEG)], dseg)

            def scan(v, cnt):
                dv = dseg[pl.ds(v * 16, 16)]
                lv = dv - base
                mask = (lv >= 0) & (lv < SPT)
                eids = iota16 + (segbase + v * 16)
                plsc.store_compressed(elist.at[pl.ds(cnt, 16)], eids,
                                      mask=mask)
                plsc.store_compressed(dlist.at[pl.ds(cnt, 16)], lv,
                                      mask=mask)
                return cnt + plsc.all_reduce_population_count(mask)[0]

            fill = lax.fori_loop(0, SEG // 16, scan, fill)

            def drain(k, off):
                @pl.when(fill - off >= KG)
                def _():
                    process_chunk(off)
                return jnp.where(fill - off >= KG, off + KG, off)

            off0 = lax.fori_loop(0, SEG // KG + 1, drain, jnp.int32(0))

            rem = fill - off0

            def mv(k, _):
                @pl.when(k * 16 < rem)
                def _():
                    sl_from = pl.ds(off0 + k * 16, 16)
                    sl_to = pl.ds(k * 16, 16)
                    elist[sl_to] = elist[sl_from]
                    dlist[sl_to] = dlist[sl_from]
                return 0

            lax.fori_loop(0, KG // 16, mv, 0)
            return rem

        fill = lax.fori_loop(0, NSEG, seg_body, jnp.int32(0))

        for k in range(KG // 16):
            elist[pl.ds(fill + k * 16, 16)] = jnp.zeros((16,), jnp.int32)
            dlist[pl.ds(fill + k * 16, 16)] = jnp.full((16,), SPT, jnp.int32)

        @pl.when(fill > 0)
        def _():
            process_chunk(jnp.int32(0))

        pltpu.sync_copy(acc.at[pl.ds(0, SPT)], out_hbm.at[pl.ds(base, SPT)])

    return spmm


def _mm_body(p_ref, w_ref, o_ref):
    o_ref[...] = jnp.dot(p_ref[...], w_ref[...],
                         preferred_element_type=jnp.float32)


def _matmul(p, w):
    NPD, D = p.shape
    DO = w.shape[1]
    BLK = 1024
    return pl.pallas_call(
        _mm_body,
        grid=(NPD // BLK,),
        in_specs=[pl.BlockSpec((BLK, D), lambda i: (i, 0)),
                  pl.BlockSpec((D, DO), lambda i: (0, 0))],
        out_specs=pl.BlockSpec((BLK, DO), lambda i: (i, 0)),
        out_shape=jax.ShapeDtypeStruct((NPD, DO), jnp.float32),
    )(p, w)


def kernel(x, edge_index, edge_value, W):
    N, D = x.shape
    E = edge_value.shape[0]
    info = plsc.get_sparse_core_info()
    NC, NS = info.num_cores, info.num_subcores
    src = edge_index[0]
    dst = edge_index[1]
    W_ = NC * NS
    NP = -(-N // (W_ * 8)) * (W_ * 8)
    SPT = NP // W_
    z = jnp.zeros((SPT + 8, D), jnp.float32)
    spmm = _make_spmm(N, D, E, NC, NS)
    agg = spmm(x, src, dst, edge_value, z)
    return _matmul(agg, W)[:N]

# --- scband reference (transcript-rebuilt; emitter-appended) ---
"""Pipeline reference for scband-gcnconv-62182536511741 (READ-ONLY COPY).

The authoritative reference and input builder live on the scoring server;
editing this copy changes nothing except your own understanding.
"""

import jax, jax.numpy as jnp
import numpy as np

N_NODES = 10000
N_EDGES = 320000
D_IN = 128
D_OUT = 128


def setup_inputs(seed: int = 0) -> dict:
    key = jax.random.key(seed)
    k1, k2, k3, k4 = jax.random.split(key, 4)
    x = jax.random.normal(k1, (N_NODES, D_IN), dtype=jnp.float32)
    edge_index = jax.random.randint(k2, (2, N_EDGES), 0, N_NODES).astype(jnp.int32)
    edge_value = jax.random.uniform(k3, (N_EDGES,), dtype=jnp.float32)
    # learned weight, init uniform(-stdv, stdv) with stdv = 1/sqrt(output_dim) as in reset_parameters
    stdv = 1.0 / np.sqrt(D_OUT)
    W = jax.random.uniform(k4, (D_IN, D_OUT), minval=-stdv, maxval=stdv, dtype=jnp.float32)
    return {"x": x, "edge_index": edge_index, "edge_value": edge_value, "W": W}


def reference(x, edge_index, edge_value, W):
    # X' = X @ W  (dense GEMM)
    xw = x @ W
    # SpMM: out = A @ X'  where A is given as weighted COO edges
    # (the original Libra3GCN kernel consumes a hybrid CSR split; mathematically it is A @ X')
    src = edge_index[0]
    dst = edge_index[1]
    msg = jnp.take(xw, src, axis=0) * edge_value[:, None]
    out = jax.ops.segment_sum(msg, dst, num_segments=x.shape[0])
    return out

if __name__ == "__main__":
    import jax
    _d = setup_inputs()
    print(jax.jit(kernel)(*tuple(_d.values())))

</pallas_src>

<mosaic_0001>
#map = affine_map<(d0, d1) -> (0, 0)>
#map1 = affine_map<(d0, d1) -> (0)>
module attributes {stable_mosaic.version = 14 : i64} {
  func.func @spmm(%arg0: i32, %arg1: i32, %arg2: memref<10000x128xf32, #tpu.memory_space<hbm>>, %arg3: memref<320000xi32, #tpu.memory_space<hbm>>, %arg4: memref<320000xi32, #tpu.memory_space<hbm>>, %arg5: memref<320000xf32, #tpu.memory_space<hbm>>, %arg6: memref<328x128xf32, #tpu.memory_space<hbm>>, %arg7: memref<10240x128xf32, #tpu.memory_space<hbm>>, %arg8: memref<4000xi32, #tpu.memory_space<vmem>>, %arg9: memref<4144xi32, #tpu.memory_space<vmem>>, %arg10: memref<4144xi32, #tpu.memory_space<vmem>>, %arg11: memref<128xi32, #tpu.memory_space<vmem>>, %arg12: memref<128xf32, #tpu.memory_space<vmem>>, %arg13: memref<128x128xf32, #tpu.memory_space<vmem>>, %arg14: memref<328x128xf32, #tpu.memory_space<vmem>>, %arg15: memref<!tpu.dma_semaphore, #tpu.memory_space<semaphore_mem>>) attributes {dimension_semantics = [#tpu.dimension_semantics<core_parallel>, #tpu.dimension_semantics<subcore_parallel>], iteration_bounds = array<i64: 2, 16>, scalar_prefetch = 0 : i64, scratch_operands = 8 : i64, tpu.core_type = #tpu.core_type<sc_vector_subcore>, window_params = [{transform_indices = #map}, {transform_indices = #map1}, {transform_indices = #map1}, {transform_indices = #map1}, {transform_indices = #map}, {transform_indices = #map}]} {
    %mul3A = arith.constant 16 : i32
    %mul3A_0 = arith.muli %arg0, %mul3A : i32
    %add3A = arith.addi %mul3A_0, %arg1 : i32
    %mul3A_1 = arith.constant 320 : i32
    %mul3A_2 = arith.muli %add3A, %mul3A_1 : i32
    "tpu.region"() ({
      %run_scoped3A = tpu.sem_alloc : memref<!tpu.dma_semaphore, #tpu.memory_space<semaphore_mem>>
      tpu.enqueue_dma source(%arg6 : memref<328x128xf32, #tpu.memory_space<hbm>>) target(%arg14 : memref<328x128xf32, #tpu.memory_space<vmem>>) target_semaphore(%run_scoped3A : memref<!tpu.dma_semaphore, #tpu.memory_space<semaphore_mem>>)
      tpu.wait_dma2 semaphore(%run_scoped3A : memref<!tpu.dma_semaphore, #tpu.memory_space<semaphore_mem>>) src(%arg6 : memref<328x128xf32, #tpu.memory_space<hbm>>) dst(%arg14 : memref<328x128xf32, #tpu.memory_space<vmem>>)
      tpu.yield
    }) : () -> ()
    %iota3A = tpu.iota {dimensions = array<i32: 0>} : vector<16xi32>
    %scan3A = arith.constant 0 : i32
    %scan3A_3 = arith.constant 0 : i32
    %scan3A_4 = arith.constant 80 : i32
    %scan3A_5 = arith.addi %scan3A_3, %scan3A_4 : i32
    %scan3A_6 = arith.constant 1 : i32
    %scan3A_7 = scf.for %scan3A_105 = %scan3A_3 to %scan3A_5 step %scan3A_6 iter_args(%scan3A_106 = %scan3A) -> (i32)  : i32 {
      %mul3A_107 = arith.constant 4000 : i32
      %mul3A_108 = arith.muli %scan3A_105, %mul3A_107 : i32
      "tpu.region"() ({
        %run_scoped3A = tpu.sem_alloc : memref<!tpu.dma_semaphore, #tpu.memory_space<semaphore_mem>>
        %dma_start3A = tpu.memref_slice %arg4[%mul3A_108] : memref<320000xi32, #tpu.memory_space<hbm>> -> memref<4000xi32, #tpu.memory_space<hbm>>
        %dma_start3A_129 = tpu.memref_slice %arg4[%mul3A_108] : memref<320000xi32, #tpu.memory_space<hbm>> -> memref<4000xi32, #tpu.memory_space<hbm>>
        tpu.enqueue_dma source(%dma_start3A_129 : memref<4000xi32, #tpu.memory_space<hbm>>) target(%arg8 : memref<4000xi32, #tpu.memory_space<vmem>>) target_semaphore(%run_scoped3A : memref<!tpu.dma_semaphore, #tpu.memory_space<semaphore_mem>>)
        %dma_wait3A = tpu.memref_slice %arg4[%mul3A_108] : memref<320000xi32, #tpu.memory_space<hbm>> -> memref<4000xi32, #tpu.memory_space<hbm>>
        %dma_wait3A_130 = tpu.memref_slice %arg4[%mul3A_108] : memref<320000xi32, #tpu.memory_space<hbm>> -> memref<4000xi32, #tpu.memory_space<hbm>>
        tpu.wait_dma2 semaphore(%run_scoped3A : memref<!tpu.dma_semaphore, #tpu.memory_space<semaphore_mem>>) src(%dma_wait3A_130 : memref<4000xi32, #tpu.memory_space<hbm>>) dst(%arg8 : memref<4000xi32, #tpu.memory_space<vmem>>)
        tpu.yield
      }) : () -> ()
      %scan3A_109 = arith.constant 0 : i32
      %scan3A_110 = arith.constant 250 : i32
      %scan3A_111 = arith.addi %scan3A_109, %scan3A_110 : i32
      %scan3A_112 = arith.constant 1 : i32
      %scan3A_113 = scf.for %scan3A_129 = %scan3A_109 to %scan3A_111 step %scan3A_112 iter_args(%scan3A_130 = %scan3A_106) -> (i32)  : i32 {
        %mul3A_131 = arith.constant 16 : i32
        %mul3A_132 = arith.muli %scan3A_129, %mul3A_131 : i32
        %get3A = arith.index_cast %mul3A_132 : i32 to index
        %get3A_133 = tpu.vector_load %arg8[%get3A] {strides = array<i32>} : memref<4000xi32, #tpu.memory_space<vmem>>, vector<16xi32>,
        %sub3A_134 = vector.broadcast %mul3A_2 : i32 to vector<16xi32>
        %sub3A_135 = arith.subi %get3A_133, %sub3A_134 : vector<16xi32>
        %ge3A = arith.constant 0 : i32
        %ge3A_136 = vector.broadcast %ge3A : i32 to vector<16xi32>
        %ge3A_137 = arith.cmpi sge, %sub3A_135, %ge3A_136 : vector<16xi32>
        %lt3A = arith.constant 320 : i32
        %lt3A_138 = vector.broadcast %lt3A : i32 to vector<16xi32>
        %lt3A_139 = arith.cmpi slt, %sub3A_135, %lt3A_138 : vector<16xi32>
        %and3A = arith.andi %ge3A_137, %lt3A_139 : vector<16xi1>
        %mul3A_140 = arith.constant 16 : i32
        %mul3A_141 = arith.muli %scan3A_129, %mul3A_140 : i32
        %add3A_142 = arith.addi %mul3A_108, %mul3A_141 : i32
        %add3A_143 = vector.broadcast %add3A_142 : i32 to vector<16xi32>
        %add3A_144 = arith.addi %iota3A, %add3A_143 : vector<16xi32>
        %swap3A_145 = arith.index_cast %scan3A_130 : i32 to index
        %swap3A_146 = tpu.vector_load %arg9[%swap3A_145] masked %and3A {strides = array<i32>} : memref<4144xi32, #tpu.memory_space<vmem>>, vector<16xi32>, vector<16xi1>
        tpu.vector_store %arg9[%swap3A_145], %add3A_144 masked %and3A {strides = array<i32>} : memref<4144xi32, #tpu.memory_space<vmem>>, vector<16xi32>, vector<16xi1>
        %swap3A_147 = arith.index_cast %scan3A_130 : i32 to index
        %swap3A_148 = tpu.vector_load %arg10[%swap3A_147] masked %and3A {strides = array<i32>} : memref<4144xi32, #tpu.memory_space<vmem>>, vector<16xi32>, vector<16xi1>
        tpu.vector_store %arg10[%swap3A_147], %sub3A_135 masked %and3A {strides = array<i32>} : memref<4144xi32, #tpu.memory_space<vmem>>, vector<16xi32>, vector<16xi1>
        %all_reduce_population_count3A = tpu.all_reduce %and3A {dim = 0 : i64, kind = #tpu.reduction_kind<sum>} : vector<16xi1> -> vector<16xi32>
        %slice3A = vector.extract_strided_slice %all_reduce_population_count3A {offsets = [0], sizes = [1], strides = [1]} : vector<16xi32> to vector<1xi32>
        %squeeze3A = vector.extract %slice3A[0] : i32 from vector<1xi32>
        %add3A_149 = arith.addi %scan3A_130, %squeeze3A : i32
        scf.yield %add3A_149 : i32
      }
      %scan3A_114 = arith.constant 250 : i32
      %scan3A_115 = arith.constant 0 : i32
      %scan3A_116 = arith.constant 0 : i32
      %scan3A_117 = arith.constant 32 : i32
      %scan3A_118 = arith.addi %scan3A_116, %scan3A_117 : i32
      %scan3A_119 = arith.constant 1 : i32
      %scan3A_120 = scf.for %scan3A_129 = %scan3A_116 to %scan3A_118 step %scan3A_119 iter_args(%scan3A_130 = %scan3A_115) -> (i32)  : i32 {
        %sub3A_131 = arith.subi %scan3A_113, %scan3A_130 : i32
        %ge3A = arith.constant 128 : i32
        %ge3A_132 = arith.cmpi sge, %sub3A_131, %ge3A : i32
        %convert_element_type3A_133 = arith.extui %ge3A_132 : i1 to i32
        %cond3A_134 = arith.constant 0 : i32
        %cond3A_135 = arith.cmpi ne, %convert_element_type3A_133, %cond3A_134 : i32
        scf.if %cond3A_135 {
          %multiple_of3A = tpu.assume_multiple %scan3A_130, 8 : i32
          %dma_start3A = tpu.memref_slice %arg9[%multiple_of3A] : memref<4144xi32, #tpu.memory_space<vmem>> -> memref<128xi32, #tpu.memory_space<vmem>>
          %dma_start3A_141 = arith.constant 0 : i32
          %dma_start3A_142 = tpu.memref_slice %arg3[%dma_start3A_141] : memref<320000xi32, #tpu.memory_space<hbm>> -> memref<320000xi32, #tpu.memory_space<hbm>>
          tpu.enqueue_indirect_dma source(%dma_start3A_142 : memref<320000xi32, #tpu.memory_space<hbm>>) target(%arg11 : memref<128xi32, #tpu.memory_space<vmem>>) offsets(%dma_start3A : memref<128xi32, #tpu.memory_space<vmem>>) semaphore(%arg15 : memref<!tpu.dma_semaphore, #tpu.memory_space<semaphore_mem>>)
          %dma_wait3A = tpu.memref_slice %arg9[%multiple_of3A] : memref<4144xi32, #tpu.memory_space<vmem>> -> memref<128xi32, #tpu.memory_space<vmem>>
          %dma_wait3A_143 = arith.constant 0 : i32
          %dma_wait3A_144 = tpu.memref_slice %arg3[%dma_wait3A_143] : memref<320000xi32, #tpu.memory_space<hbm>> -> memref<320000xi32, #tpu.memory_space<hbm>>
          tpu.wait_indirect_dma semaphore(%arg15 : memref<!tpu.dma_semaphore, #tpu.memory_space<semaphore_mem>>) src(%dma_wait3A_144 : memref<320000xi32, #tpu.memory_space<hbm>>) dst(%arg11 : memref<128xi32, #tpu.memory_space<vmem>>)
          %dma_start3A_145 = tpu.memref_slice %arg9[%multiple_of3A] : memref<4144xi32, #tpu.memory_space<vmem>> -> memref<128xi32, #tpu.memory_space<vmem>>
          %dma_start3A_146 = arith.constant 0 : i32
          %dma_start3A_147 = tpu.memref_slice %arg5[%dma_start3A_146] : memref<320000xf32, #tpu.memory_space<hbm>> -> memref<320000xf32, #tpu.memory_space<hbm>>
          tpu.enqueue_indirect_dma source(%dma_start3A_147 : memref<320000xf32, #tpu.memory_space<hbm>>) target(%arg12 : memref<128xf32, #tpu.memory_space<vmem>>) offsets(%dma_start3A_145 : memref<128xi32, #tpu.memory_space<vmem>>) semaphore(%arg15 : memref<!tpu.dma_semaphore, #tpu.memory_space<semaphore_mem>>)
          %dma_wait3A_148 = tpu.memref_slice %arg9[%multiple_of3A] : memref<4144xi32, #tpu.memory_space<vmem>> -> memref<128xi32, #tpu.memory_space<vmem>>
          %dma_wait3A_149 = arith.constant 0 : i32
          %dma_wait3A_150 = tpu.memref_slice %arg5[%dma_wait3A_149] : memref<320000xf32, #tpu.memory_space<hbm>> -> memref<320000xf32, #tpu.memory_space<hbm>>
          tpu.wait_indirect_dma semaphore(%arg15 : memref<!tpu.dma_semaphore, #tpu.memory_space<semaphore_mem>>) src(%dma_wait3A_150 : memref<320000xf32, #tpu.memory_space<hbm>>) dst(%arg12 : memref<128xf32, #tpu.memory_space<vmem>>)
          %dma_start3A_151 = arith.constant 0 : i32
          %dma_start3A_152 = arith.constant 0 : i32
          %dma_start3A_153 = tpu.memref_slice %arg2[%dma_start3A_151, %dma_start3A_152] : memref<10000x128xf32, #tpu.memory_space<hbm>> -> memref<10000x128xf32, #tpu.memory_space<hbm>>
          tpu.enqueue_indirect_dma source(%dma_start3A_153 : memref<10000x128xf32, #tpu.memory_space<hbm>>) target(%arg13 : memref<128x128xf32, #tpu.memory_space<vmem>>) offsets(%arg11 : memref<128xi32, #tpu.memory_space<vmem>>) semaphore(%arg15 : memref<!tpu.dma_semaphore, #tpu.memory_space<semaphore_mem>>)
          %dma_wait3A_154 = arith.constant 0 : i32
          %dma_wait3A_155 = arith.constant 0 : i32
          %dma_wait3A_156 = tpu.memref_slice %arg2[%dma_wait3A_154, %dma_wait3A_155] : memref<10000x128xf32, #tpu.memory_space<hbm>> -> memref<10000x128xf32, #tpu.memory_space<hbm>>
          tpu.wait_indirect_dma semaphore(%arg15 : memref<!tpu.dma_semaphore, #tpu.memory_space<semaphore_mem>>) src(%dma_wait3A_156 : memref<10000x128xf32, #tpu.memory_space<hbm>>) dst(%arg13 : memref<128x128xf32, #tpu.memory_space<vmem>>)
          %scan3A_157 = arith.constant 0 : i32
          %scan3A_158 = arith.constant 0 : i32
          %scan3A_159 = arith.constant 8 : i32
          %scan3A_160 = arith.addi %scan3A_158, %scan3A_159 : i32
          %scan3A_161 = arith.constant 1 : i32
          %scan3A_162 = scf.for %scan3A_164 = %scan3A_158 to %scan3A_160 step %scan3A_161 iter_args(%scan3A_165 = %scan3A_157) -> (i32)  : i32 {
            %mul3A_166 = arith.constant 16 : i32
            %mul3A_167 = arith.muli %scan3A_164, %mul3A_166 : i32
            %get3A = arith.index_cast %mul3A_167 : i32 to index
            %get3A_168 = tpu.vector_load %arg12[%get3A] {strides = array<i32>} : memref<128xf32, #tpu.memory_space<vmem>>, vector<16xf32>,
            %mul3A_169 = arith.constant 16 : i32
            %mul3A_170 = arith.muli %scan3A_164, %mul3A_169 : i32
            %add3A_171 = arith.addi %multiple_of3A, %mul3A_170 : i32
            %get3A_172 = arith.index_cast %add3A_171 : i32 to index
            %get3A_173 = tpu.vector_load %arg10[%get3A_172] {strides = array<i32>} : memref<4144xi32, #tpu.memory_space<vmem>>, vector<16xi32>,
            %slice3A = vector.extract_strided_slice %get3A_168 {offsets = [0], sizes = [1], strides = [1]} : vector<16xf32> to vector<1xf32>
            %squeeze3A = vector.extract %slice3A[0] : f32 from vector<1xf32>
            %slice3A_174 = vector.extract_strided_slice %get3A_173 {offsets = [0], sizes = [1], strides = [1]} : vector<16xi32> to vector<1xi32>
            %squeeze3A_175 = vector.extract %slice3A_174[0] : i32 from vector<1xi32>
            %mul3A_176 = arith.constant 16 : i32
            %mul3A_177 = arith.muli %scan3A_164, %mul3A_176 : i32
            %add3A_178 = arith.constant 0 : i32
            %add3A_179 = arith.addi %mul3A_177, %add3A_178 : i32
            %get3A_180 = arith.index_cast %add3A_179 : i32 to index
            %get3A_181 = arith.constant 0 : index
            %get3A_182 = tpu.vector_load %arg13[%get3A_180, %get3A_181] {strides = array<i32>} : memref<128x128xf32, #tpu.memory_space<vmem>>, vector<16xf32>,
            %mul3A_183 = vector.broadcast %squeeze3A : f32 to vector<16xf32>
            %mul3A_184 = arith.mulf %get3A_182, %mul3A_183 : vector<16xf32>
            %swap3A_185 = arith.index_cast %squeeze3A_175 : i32 to index
            %swap3A_186 = arith.constant 0 : index
            %swap3A_187 = tpu.vector_load %arg14[%swap3A_185, %swap3A_186] {strides = array<i32>} : memref<328x128xf32, #tpu.memory_space<vmem>>, vector<16xf32>,
            tpu.vector_store %arg14[%swap3A_185, %swap3A_186], %mul3A_184 {add = true, strides = array<i32>} : memref<328x128xf32, #tpu.memory_space<vmem>>, vector<16xf32>,
            %get3A_188 = arith.index_cast %add3A_179 : i32 to index
            %get3A_189 = arith.constant 16 : index
            %get3A_190 = tpu.vector_load %arg13[%get3A_188, %get3A_189] {strides = array<i32>} : memref<128x128xf32, #tpu.memory_space<vmem>>, vector<16xf32>,
            %mul3A_191 = vector.broadcast %squeeze3A : f32 to vector<16xf32>
            %mul3A_192 = arith.mulf %get3A_190, %mul3A_191 : vector<16xf32>
            %swap3A_193 = arith.index_cast %squeeze3A_175 : i32 to index
            %swap3A_194 = arith.constant 16 : index
            %swap3A_195 = tpu.vector_load %arg14[%swap3A_193, %swap3A_194] {strides = array<i32>} : memref<328x128xf32, #tpu.memory_space<vmem>>, vector<16xf32>,
            tpu.vector_store %arg14[%swap3A_193, %swap3A_194], %mul3A_192 {add = true, strides = array<i32>} : memref<328x128xf32, #tpu.memory_space<vmem>>, vector<16xf32>,
            %get3A_196 = arith.index_cast %add3A_179 : i32 to index
            %get3A_197 = arith.constant 32 : index
            %get3A_198 = tpu.vector_load %arg13[%get3A_196, %get3A_197] {strides = array<i32>} : memref<128x128xf32, #tpu.memory_space<vmem>>, vector<16xf32>,
            %mul3A_199 = vector.broadcast %squeeze3A : f32 to vector<16xf32>
            %mul3A_200 = arith.mulf %get3A_198, %mul3A_199 : vector<16xf32>
            %swap3A_201 = arith.index_cast %squeeze3A_175 : i32 to index
            %swap3A_202 = arith.constant 32 : index
            %swap3A_203 = tpu.vector_load %arg14[%swap3A_201, %swap3A_202] {strides = array<i32>} : memref<328x128xf32, #tpu.memory_space<vmem>>, vector<16xf32>,
            tpu.vector_store %arg14[%swap3A_201, %swap3A_202], %mul3A_200 {add = true, strides = array<i32>} : memref<328x128xf32, #tpu.memory_space<vmem>>, vector<16xf32>,
            %get3A_204 = arith.index_cast %add3A_179 : i32 to index
            %get3A_205 = arith.constant 48 : index
            %get3A_206 = tpu.vector_load %arg13[%get3A_204, %get3A_205] {strides = array<i32>} : memref<128x128xf32, #tpu.memory_space<vmem>>, vector<16xf32>,
            %mul3A_207 = vector.broadcast %squeeze3A : f32 to vector<16xf32>
            %mul3A_208 = arith.mulf %get3A_206, %mul3A_207 : vector<16xf32>
            %swap3A_209 = arith.index_cast %squeeze3A_175 : i32 to index
            %swap3A_210 = arith.constant 48 : index
            %swap3A_211 = tpu.vector_load %arg14[%swap3A_209, %swap3A_210] {strides = array<i32>} : memref<328x128xf32, #tpu.memory_space<vmem>>, vector<16xf32>,
            tpu.vector_store %arg14[%swap3A_209, %swap3A_210], %mul3A_208 {add = true, strides = array<i32>} : memref<328x128xf32, #tpu.memory_space<vmem>>, vector<16xf32>,
            %get3A_212 = arith.index_cast %add3A_179 : i32 to index
            %get3A_213 = arith.constant 64 : index
            %get3A_214 = tpu.vector_load %arg13[%get3A_212, %get3A_213] {strides = array<i32>} : memref<128x128xf32, #tpu.memory_space<vmem>>, vector<16xf32>,
            %mul3A_215 = vector.broadcast %squeeze3A : f32 to vector<16xf32>
            %mul3A_216 = arith.mulf %get3A_214, %mul3A_215 : vector<16xf32>
            %swap3A_217 = arith.index_cast %squeeze3A_175 : i32 to index
            %swap3A_218 = arith.constant 64 : index
            %swap3A_219 = tpu.vector_load %arg14[%swap3A_217, %swap3A_218] {strides = array<i32>} : memref<328x128xf32, #tpu.memory_space<vmem>>, vector<16xf32>,
            tpu.vector_store %arg14[%swap3A_217, %swap3A_218], %mul3A_216 {add = true, strides = array<i32>} : memref<328x128xf32, #tpu.memory_space<vmem>>, vector<16xf32>,
            %get3A_220 = arith.index_cast %add3A_179 : i32 to index
            %get3A_221 = arith.constant 80 : index
            %get3A_222 = tpu.vector_load %arg13[%get3A_220, %get3A_221] {strides = array<i32>} : memref<128x128xf32, #tpu.memory_space<vmem>>, vector<16xf32>,
            %mul3A_223 = vector.broadcast %squeeze3A : f32 to vector<16xf32>
            %mul3A_224 = arith.mulf %get3A_222, %mul3A_223 : vector<16xf32>
            %swap3A_225 = arith.index_cast %squeeze3A_175 : i32 to index
            %swap3A_226 = arith.constant 80 : index
            %swap3A_227 = tpu.vector_load %arg14[%swap3A_225, %swap3A_226] {strides = array<i32>} : memref<328x128xf32, #tpu.memory_space<vmem>>, vector<16xf32>,
            tpu.vector_store %arg14[%swap3A_225, %swap3A_226], %mul3A_224 {add = true, strides = array<i32>} : memref<328x128xf32, #tpu.memory_space<vmem>>, vector<16xf32>,
            %get3A_228 = arith.index_cast %add3A_179 : i32 to index
            %get3A_229 = arith.constant 96 : index
            %get3A_230 = tpu.vector_load %arg13[%get3A_228, %get3A_229] {strides = array<i32>} : memref<128x128xf32, #tpu.memory_space<vmem>>, vector<16xf32>,
            %mul3A_231 = vector.broadcast %squeeze3A : f32 to vector<16xf32>
            %mul3A_232 = arith.mulf %get3A_230, %mul3A_231 : vector<16xf32>
            %swap3A_233 = arith.index_cast %squeeze3A_175 : i32 to index
            %swap3A_234 = arith.constant 96 : index
            %swap3A_235 = tpu.vector_load %arg14[%swap3A_233, %swap3A_234] {strides = array<i32>} : memref<328x128xf32, #tpu.memory_space<vmem>>, vector<16xf32>,
            tpu.vector_store %arg14[%swap3A_233, %swap3A_234], %mul3A_232 {add = true, strides = array<i32>} : memref<328x128xf32, #tpu.memory_space<vmem>>, vector<16xf32>,
            %get3A_236 = arith.index_cast %add3A_179 : i32 to index
            %get3A_237 = arith.constant 112 : index
            %get3A_238 = tpu.vector_load %arg13[%get3A_236, %get3A_237] {strides = array<i32>} : memref<128x128xf32, #tpu.memory_space<vmem>>, vector<16xf32>,
            %mul3A_239 = vector.broadcast %squeeze3A : f32 to vector<16xf32>
            %mul3A_240 = arith.mulf %get3A_238, %mul3A_239 : vector<16xf32>
            %swap3A_241 = arith.index_cast %squeeze3A_175 : i32 to index
            %swap3A_242 = arith.constant 112 : index
            %swap3A_243 = tpu.vector_load %arg14[%swap3A_241, %swap3A_242] {strides = array<i32>} : memref<328x128xf32, #tpu.memory_space<vmem>>, vector<16xf32>,
            tpu.vector_store %arg14[%swap3A_241, %swap3A_242], %mul3A_240 {add = true, strides = array<i32>} : memref<328x128xf32, #tpu.memory_space<vmem>>, vector<16xf32>,
            %slice3A_244 = vector.extract_strided_slice %get3A_168 {offsets = [1], sizes = [1], strides = [1]} : vector<16xf32> to vector<1xf32>
            %squeeze3A_245 = vector.extract %slice3A_244[0] : f32 from vector<1xf32>
            %slice3A_246 = vector.extract_strided_slice %get3A_173 {offsets = [1], sizes = [1], strides = [1]} : vector<16xi32> to vector<1xi32>
            %squeeze3A_247 = vector.extract %slice3A_246[0] : i32 from vector<1xi32>
            %mul3A_248 = arith.constant 16 : i32
            %mul3A_249 = arith.muli %scan3A_164, %mul3A_248 : i32
            %add3A_250 = arith.constant 1 : i32
            %add3A_251 = arith.addi %mul3A_249, %add3A_250 : i32
            %get3A_252 = arith.index_cast %add3A_251 : i32 to index
            %get3A_253 = arith.constant 0 : index
            %get3A_254 = tpu.vector_load %arg13[%get3A_252, %get3A_253] {strides = array<i32>} : memref<128x128xf32, #tpu.memory_space<vmem>>, vector<16xf32>,
            %mul3A_255 = vector.broadcast %squeeze3A_245 : f32 to vector<16xf32>
            %mul3A_256 = arith.mulf %get3A_254, %mul3A_255 : vector<16xf32>
            %swap3A_257 = arith.index_cast %squeeze3A_247 : i32 to index
            %swap3A_258 = arith.constant 0 : index
            %swap3A_259 = tpu.vector_load %arg14[%swap3A_257, %swap3A_258] {strides = array<i32>} : memref<328x128xf32, #tpu.memory_space<vmem>>, vector<16xf32>,
            tpu.vector_store %arg14[%swap3A_257, %swap3A_258], %mul3A_256 {add = true, strides = array<i32>} : memref<328x128xf32, #tpu.memory_space<vmem>>, vector<16xf32>,
            %get3A_260 = arith.index_cast %add3A_251 : i32 to index
            %get3A_261 = arith.constant 16 : index
            %get3A_262 = tpu.vector_load %arg13[%get3A_260, %get3A_261] {strides = array<i32>} : memref<128x128xf32, #tpu.memory_space<vmem>>, vector<16xf32>,
            %mul3A_263 = vector.broadcast %squeeze3A_245 : f32 to vector<16xf32>
            %mul3A_264 = arith.mulf %get3A_262, %mul3A_263 : vector<16xf32>
            %swap3A_265 = arith.index_cast %squeeze3A_247 : i32 to index
            %swap3A_266 = arith.constant 16 : index
            %swap3A_267 = tpu.vector_load %arg14[%swap3A_265, %swap3A_266] {strides = array<i32>} : memref<328x128xf32, #tpu.memory_space<vmem>>, vector<16xf32>,
            tpu.vector_store %arg14[%swap3A_265, %swap3A_266], %mul3A_264 {add = true, strides = array<i32>} : memref<328x128xf32, #tpu.memory_space<vmem>>, vector<16xf32>,
            %get3A_268 = arith.index_cast %add3A_251 : i32 to index
            %get3A_269 = arith.constant 32 : index
            %get3A_270 = tpu.vector_load %arg13[%get3A_268, %get3A_269] {strides = array<i32>} : memref<128x128xf32, #tpu.memory_space<vmem>>, vector<16xf32>,
            %mul3A_271 = vector.broadcast %squeeze3A_245 : f32 to vector<16xf32>
            %mul3A_272 = arith.mulf %get3A_270, %mul3A_271 : vector<16xf32>
            %swap3A_273 = arith.index_cast %squeeze3A_247 : i32 to index
            %swap3A_274 = arith.constant 32 : index
            %swap3A_275 = tpu.vector_load %arg14[%swap3A_273, %swap3A_274] {strides = array<i32>} : memref<328x128xf32, #tpu.memory_space<vmem>>, vector<16xf32>,
            tpu.vector_store %arg14[%swap3A_273, %swap3A_274], %mul3A_272 {add = true, strides = array<i32>} : memref<328x128xf32, #tpu.memory_space<vmem>>, vector<16xf32>,
            %get3A_276 = arith.index_cast %add3A_251 : i32 to index
            %get3A_277 = arith.constant 48 : index
            %get3A_278 = tpu.vector_load %arg13[%get3A_276, %get3A_277] {strides = array<i32>} : memref<128x128xf32, #tpu.memory_space<vmem>>, vector<16xf32>,
            %mul3A_279 = vector.broadcast %squeeze3A_245 : f32 to vector<16xf32>
            %mul3A_280 = arith.mulf %get3A_278, %mul3A_279 : vector<16xf32>
            %swap3A_281 = arith.index_cast %squeeze3A_247 : i32 to index
            %swap3A_282 = arith.constant 48 : index
            %swap3A_283 = tpu.vector_load %arg14[%swap3A_281, %swap3A_282] {strides = array<i32>} : memref<328x128xf32, #tpu.memory_space<vmem>>, vector<16xf32>,
            tpu.vector_store %arg14[%swap3A_281, %swap3A_282], %mul3A_280 {add = true, strides = array<i32>} : memref<328x128xf32, #tpu.memory_space<vmem>>, vector<16xf32>,
            %get3A_284 = arith.index_cast %add3A_251 : i32 to index
            %get3A_285 = arith.constant 64 : index
            %get3A_286 = tpu.vector_load %arg13[%get3A_284, %get3A_285] {strides = array<i32>} : memref<128x128xf32, #tpu.memory_space<vmem>>, vector<16xf32>,
            %mul3A_287 = vector.broadcast %squeeze3A_245 : f32 to vector<16xf32>
            %mul3A_288 = arith.mulf %get3A_286, %mul3A_287 : vector<16xf32>
            %swap3A_289 = arith.index_cast %squeeze3A_247 : i32 to index
            %swap3A_290 = arith.constant 64 : index
            %swap3A_291 = tpu.vector_load %arg14[%swap3A_289, %swap3A_290] {strides = array<i32>} : memref<328x128xf32, #tpu.memory_space<vmem>>, vector<16xf32>,
            tpu.vector_store %arg14[%swap3A_289, %swap3A_290], %mul3A_288 {add = true, strides = array<i32>} : memref<328x128xf32, #tpu.memory_space<vmem>>, vector<16xf32>,
            %get3A_292 = arith.index_cast %add3A_251 : i32 to index
            %get3A_293 = arith.constant 80 : index
            %get3A_294 = tpu.vector_load %arg13[%get3A_292, %get3A_293] {strides = array<i32>} : memref<128x128xf32, #tpu.memory_space<vmem>>, vector<16xf32>,
            %mul3A_295 = vector.broadcast %squeeze3A_245 : f32 to vector<16xf32>
            %mul3A_296 = arith.mulf %get3A_294, %mul3A_295 : vector<16xf32>
            %swap3A_297 = arith.index_cast %squeeze3A_247 : i32 to index
            %swap3A_298 = arith.constant 80 : index
            %swap3A_299 = tpu.vector_load %arg14[%swap3A_297, %swap3A_298] {strides = array<i32>} : memref<328x128xf32, #tpu.memory_space<vmem>>, vector<16xf32>,
            tpu.vector_store %arg14[%swap3A_297, %swap3A_298], %mul3A_296 {add = true, strides = array<i32>} : memref<328x128xf32, #tpu.memory_space<vmem>>, vector<16xf32>,
            %get3A_300 = arith.index_cast %add3A_251 : i32 to index
            %get3A_301 = arith.constant 96 : index
            %get3A_302 = tpu.vector_load %arg13[%get3A_300, %get3A_301] {strides = array<i32>} : memref<128x128xf32, #tpu.memory_space<vmem>>, vector<16xf32>,
            %mul3A_303 = vector.broadcast %squeeze3A_245 : f32 to vector<16xf32>
            %mul3A_304 = arith.mulf %get3A_302, %mul3A_303 : vector<16xf32>
            %swap3A_305 = arith.index_cast %squeeze3A_247 : i32 to index
            %swap3A_306 = arith.constant 96 : index
            %swap3A_307 = tpu.vector_load %arg14[%swap3A_305, %swap3A_306] {strides = array<i32>} : memref<328x128xf32, #tpu.memory_space<vmem>>, vector<16xf32>,
            tpu.vector_store %arg14[%swap3A_305, %swap3A_306], %mul3A_304 {add = true, strides = array<i32>} : memref<328x128xf32, #tpu.memory_space<vmem>>, vector<16xf32>,
            %get3A_308 = arith.index_cast %add3A_251 : i32 to index
            %get3A_309 = arith.constant 112 : index
            %get3A_310 = tpu.vector_load %arg13[%get3A_308, %get3A_309] {strides = array<i32>} : memref<128x128xf32, #tpu.memory_space<vmem>>, vector<16xf32>,
            %mul3A_311 = vector.broadcast %squeeze3A_245 : f32 to vector<16xf32>
            %mul3A_312 = arith.mulf %get3A_310, %mul3A_311 : vector<16xf32>
            %swap3A_313 = arith.index_cast %squeeze3A_247 : i32 to index
            %swap3A_314 = arith.constant 112 : index
            %swap3A_315 = tpu.vector_load %arg14[%swap3A_313, %swap3A_314] {strides = array<i32>} : memref<328x128xf32, #tpu.memory_space<vmem>>, vector<16xf32>,
            tpu.vector_store %arg14[%swap3A_313, %swap3A_314], %mul3A_312 {add = true, strides = array<i32>} : memref<328x128xf32, #tpu.memory_space<vmem>>, vector<16xf32>,
            %slice3A_316 = vector.extract_strided_slice %get3A_168 {offsets = [2], sizes = [1], strides = [1]} : vector<16xf32> to vector<1xf32>
            %squeeze3A_317 = vector.extract %slice3A_316[0] : f32 from vector<1xf32>
            %slice3A_318 = vector.extract_strided_slice %get3A_173 {offsets = [2], sizes = [1], strides = [1]} : vector<16xi32> to vector<1xi32>
            %squeeze3A_319 = vector.extract %slice3A_318[0] : i32 from vector<1xi32>
            %mul3A_320 = arith.constant 16 : i32
            %mul3A_321 = arith.muli %scan3A_164, %mul3A_320 : i32
            %add3A_322 = arith.constant 2 : i32
            %add3A_323 = arith.addi %mul3A_321, %add3A_322 : i32
            %get3A_324 = arith.index_cast %add3A_323 : i32 to index
            %get3A_325 = arith.constant 0 : index
            %get3A_326 = tpu.vector_load %arg13[%get3A_324, %get3A_325] {strides = array<i32>} : memref<128x128xf32, #tpu.memory_space<vmem>>, vector<16xf32>,
            %mul3A_327 = vector.broadcast %squeeze3A_317 : f32 to vector<16xf32>
            %mul3A_328 = arith.mulf %get3A_326, %mul3A_327 : vector<16xf32>
            %swap3A_329 = arith.index_cast %squeeze3A_319 : i32 to index
            %swap3A_330 = arith.constant 0 : index
            %swap3A_331 = tpu.vector_load %arg14[%swap3A_329, %swap3A_330] {strides = array<i32>} : memref<328x128xf32, #tpu.memory_space<vmem>>, vector<16xf32>,
            tpu.vector_store %arg14[%swap3A_329, %swap3A_330], %mul3A_328 {add = true, strides = array<i32>} : memref<328x128xf32, #tpu.memory_space<vmem>>, vector<16xf32>,
            %get3A_332 = arith.index_cast %add3A_323 : i32 to index
            %get3A_333 = arith.constant 16 : index
            %get3A_334 = tpu.vector_load %arg13[%get3A_332, %get3A_333] {strides = array<i32>} : memref<128x128xf32, #tpu.memory_space<vmem>>, vector<16xf32>,
            %mul3A_335 = vector.broadcast %squeeze3A_317 : f32 to vector<16xf32>
            %mul3A_336 = arith.mulf %get3A_334, %mul3A_335 : vector<16xf32>
            %swap3A_337 = arith.index_cast %squeeze3A_319 : i32 to index
            %swap3A_338 = arith.constant 16 : index
            %swap3A_339 = tpu.vector_load %arg14[%swap3A_337, %swap3A_338] {strides = array<i32>} : memref<328x128xf32, #tpu.memory_space<vmem>>, vector<16xf32>,
            tpu.vector_store %arg14[%swap3A_337, %swap3A_338], %mul3A_336 {add = true, strides = array<i32>} : memref<328x128xf32, #tpu.memory_space<vmem>>, vector<16xf32>,
            %get3A_340 = arith.index_cast %add3A_323 : i32 to index
            %get3A_341 = arith.constant 32 : index
            %get3A_342 = tpu.vector_load %arg13[%get3A_340, %get3A_341] {strides = array<i32>} : memref<128x128xf32, #tpu.memory_space<vmem>>, vector<16xf32>,
            %mul3A_343 = vector.broadcast %squeeze3A_317 : f32 to vector<16xf32>
            %mul3A_344 = arith.mulf %get3A_342, %mul3A_343 : vector<16xf32>
            %swap3A_345 = arith.index_cast %squeeze3A_319 : i32 to index
            %swap3A_346 = arith.constant 32 : index
            %swap3A_347 = tpu.vector_load %arg14[%swap3A_345, %swap3A_346] {strides = array<i32>} : memref<328x128xf32, #tpu.memory_space<vmem>>, vector<16xf32>,
            tpu.vector_store %arg14[%swap3A_345, %swap3A_346], %mul3A_344 {add = true, strides = array<i32>} : memref<328x128xf32, #tpu.memory_space<vmem>>, vector<16xf32>,
            %get3A_348 = arith.index_cast %add3A_323 : i32 to index
            %get3A_349 = arith.constant 48 : index
            %get3A_350 = tpu.vector_load %arg13[%get3A_348, %get3A_349] {strides = array<i32>} : memref<128x128xf32, #tpu.memory_space<vmem>>, vector<16xf32>,
            %mul3A_351 = vector.broadcast %squeeze3A_317 : f32 to vector<16xf32>
            %mul3A_352 = arith.mulf %get3A_350, %mul3A_351 : vector<16xf32>
            %swap3A_353 = arith.index_cast %squeeze3A_319 : i32 to index
            %swap3A_354 = arith.constant 48 : index
            %swap3A_355 = tpu.vector_load %arg14[%swap3A_353, %swap3A_354] {strides = array<i32>} : memref<328x128xf32, #tpu.memory_space<vmem>>, vector<16xf32>,
            tpu.vector_store %arg14[%swap3A_353, %swap3A_354], %mul3A_352 {add = true, strides = array<i32>} : memref<328x128xf32, #tpu.memory_space<vmem>>, vector<16xf32>,
            %get3A_356 = arith.index_cast %add3A_323 : i32 to index
            %get3A_357 = arith.constant 64 : index
            %get3A_358 = tpu.vector_load %arg13[%get3A_356, %get3A_357] {strides = array<i32>} : memref<128x128xf32, #tpu.memory_space<vmem>>, vector<16xf32>,
            %mul3A_359 = vector.broadcast %squeeze3A_317 : f32 to vector<16xf32>
            %mul3A_360 = arith.mulf %get3A_358, %mul3A_359 : vector<16xf32>
            %swap3A_361 = arith.index_cast %squeeze3A_319 : i32 to index
            %swap3A_362 = arith.constant 64 : index
            %swap3A_363 = tpu.vector_load %arg14[%swap3A_361, %swap3A_362] {strides = array<i32>} : memref<328x128xf32, #tpu.memory_space<vmem>>, vector<16xf32>,
            tpu.vector_store %arg14[%swap3A_361, %swap3A_362], %mul3A_360 {add = true, strides = array<i32>} : memref<328x128xf32, #tpu.memory_space<vmem>>, vector<16xf32>,
            %get3A_364 = arith.index_cast %add3A_323 : i32 to index
            %get3A_365 = arith.constant 80 : index
            %get3A_366 = tpu.vector_load %arg13[%get3A_364, %get3A_365] {strides = array<i32>} : memref<128x128xf32, #tpu.memory_space<vmem>>, vector<16xf32>,
            %mul3A_367 = vector.broadcast %squeeze3A_317 : f32 to vector<16xf32>
            %mul3A_368 = arith.mulf %get3A_366, %mul3A_367 : vector<16xf32>
            %swap3A_369 = arith.index_cast %squeeze3A_319 : i32 to index
            %swap3A_370 = arith.constant 80 : index
            %swap3A_371 = tpu.vector_load %arg14[%swap3A_369, %swap3A_370] {strides = array<i32>} : memref<328x128xf32, #tpu.memory_space<vmem>>, vector<16xf32>,
            tpu.vector_store %arg14[%swap3A_369, %swap3A_370], %mul3A_368 {add = true, strides = array<i32>} : memref<328x128xf32, #tpu.memory_space<vmem>>, vector<16xf32>,
            %get3A_372 = arith.index_cast %add3A_323 : i32 to index
            %get3A_373 = arith.constant 96 : index
            %get3A_374 = tpu.vector_load %arg13[%get3A_372, %get3A_373] {strides = array<i32>} : memref<128x128xf32, #tpu.memory_space<vmem>>, vector<16xf32>,
            %mul3A_375 = vector.broadcast %squeeze3A_317 : f32 to vector<16xf32>
            %mul3A_376 = arith.mulf %get3A_374, %mul3A_375 : vector<16xf32>
            %swap3A_377 = arith.index_cast %squeeze3A_319 : i32 to index
            %swap3A_378 = arith.constant 96 : index
            %swap3A_379 = tpu.vector_load %arg14[%swap3A_377, %swap3A_378] {strides = array<i32>} : memref<328x128xf32, #tpu.memory_space<vmem>>, vector<16xf32>,
            tpu.vector_store %arg14[%swap3A_377, %swap3A_378], %mul3A_376 {add = true, strides = array<i32>} : memref<328x128xf32, #tpu.memory_space<vmem>>, vector<16xf32>,
            %get3A_380 = arith.index_cast %add3A_323 : i32 to index
            %get3A_381 = arith.constant 112 : index
            %get3A_382 = tpu.vector_load %arg13[%get3A_380, %get3A_381] {strides = array<i32>} : memref<128x128xf32, #tpu.memory_space<vmem>>, vector<16xf32>,
            %mul3A_383 = vector.broadcast %squeeze3A_317 : f32 to vector<16xf32>
            %mul3A_384 = arith.mulf %get3A_382, %mul3A_383 : vector<16xf32>
            %swap3A_385 = arith.index_cast %squeeze3A_319 : i32 to index
            %swap3A_386 = arith.constant 112 : index
            %swap3A_387 = tpu.vector_load %arg14[%swap3A_385, %swap3A_386] {strides = array<i32>} : memref<328x128xf32, #tpu.memory_space<vmem>>, vector<16xf32>,
            tpu.vector_store %arg14[%swap3A_385, %swap3A_386], %mul3A_384 {add = true, strides = array<i32>} : memref<328x128xf32, #tpu.memory_space<vmem>>, vector<16xf32>,
            %slice3A_388 = vector.extract_strided_slice %get3A_168 {offsets = [3], sizes = [1], strides = [1]} : vector<16xf32> to vector<1xf32>
            %squeeze3A_389 = vector.extract %slice3A_388[0] : f32 from vector<1xf32>
            %slice3A_390 = vector.extract_strided_slice %get3A_173 {offsets = [3], sizes = [1], strides = [1]} : vector<16xi32> to vector<1xi32>
            %squeeze3A_391 = vector.extract %slice3A_390[0] : i32 from vector<1xi32>
            %mul3A_392 = arith.constant 16 : i32
            %mul3A_393 = arith.muli %scan3A_164, %mul3A_392 : i32
            %add3A_394 = arith.constant 3 : i32
            %add3A_395 = arith.addi %mul3A_393, %add3A_394 : i32
            %get3A_396 = arith.index_cast %add3A_395 : i32 to index
            %get3A_397 = arith.constant 0 : index
            %get3A_398 = tpu.vector_load %arg13[%get3A_396, %get3A_397] {strides = array<i32>} : memref<128x128xf32, #tpu.memory_space<vmem>>, vector<16xf32>,
            %mul3A_399 = vector.broadcast %squeeze3A_389 : f32 to vector<16xf32>
            %mul3A_400 = arith.mulf %get3A_398, %mul3A_399 : vector<16xf32>
            %swap3A_401 = arith.index_cast %squeeze3A_391 : i32 to index
            %swap3A_402 = arith.constant 0 : index
            %swap3A_403 = tpu.vector_load %arg14[%swap3A_401, %swap3A_402] {strides = array<i32>} : memref<328x128xf32, #tpu.memory_space<vmem>>, vector<16xf32>,
            tpu.vector_store %arg14[%swap3A_401, %swap3A_402], %mul3A_400 {add = true, strides = array<i32>} : memref<328x128xf32, #tpu.memory_space<vmem>>, vector<16xf32>,
            %get3A_404 = arith.index_cast %add3A_395 : i32 to index
            %get3A_405 = arith.constant 16 : index
            %get3A_406 = tpu.vector_load %arg13[%get3A_404, %get3A_405] {strides = array<i32>} : memref<128x128xf32, #tpu.memory_space<vmem>>, vector<16xf32>,
            %mul3A_407 = vector.broadcast %squeeze3A_389 : f32 to vector<16xf32>
            %mul3A_408 = arith.mulf %get3A_406, %mul3A_407 : vector<16xf32>
            %swap3A_409 = arith.index_cast %squeeze3A_391 : i32 to index
            %swap3A_410 = arith.constant 16 : index
            %swap3A_411 = tpu.vector_load %arg14[%swap3A_409, %swap3A_410] {strides = array<i32>} : memref<328x128xf32, #tpu.memory_space<vmem>>, vector<16xf32>,
            tpu.vector_store %arg14[%swap3A_409, %swap3A_410], %mul3A_408 {add = true, strides = array<i32>} : memref<328x128xf32, #tpu.memory_space<vmem>>, vector<16xf32>,
            %get3A_412 = arith.index_cast %add3A_395 : i32 to index
            %get3A_413 = arith.constant 32 : index
            %get3A_414 = tpu.vector_load %arg13[%get3A_412, %get3A_413] {strides = array<i32>} : memref<128x128xf32, #tpu.memory_space<vmem>>, vector<16xf32>,
            %mul3A_415 = vector.broadcast %squeeze3A_389 : f32 to vector<16xf32>
            %mul3A_416 = arith.mulf %get3A_414, %mul3A_415 : vector<16xf32>
            %swap3A_417 = arith.index_cast %squeeze3A_391 : i32 to index
            %swap3A_418 = arith.constant 32 : index
            %swap3A_419 = tpu.vector_load %arg14[%swap3A_417, %swap3A_418] {strides = array<i32>} : memref<328x128xf32, #tpu.memory_space<vmem>>, vector<16xf32>,
            tpu.vector_store %arg14[%swap3A_417, %swap3A_418], %mul3A_416 {add = true, strides = array<i32>} : memref<328x128xf32, #tpu.memory_space<vmem>>, vector<16xf32>,
            %get3A_420 = arith.index_cast %add3A_395 : i32 to index
            %get3A_421 = arith.constant 48 : index
            %get3A_422 = tpu.vector_load %arg13[%get3A_420, %get3A_421] {strides = array<i32>} : memref<128x128xf32, #tpu.memory_space<vmem>>, vector<16xf32>,
            %mul3A_423 = vector.broadcast %squeeze3A_389 : f32 to vector<16xf32>
            %mul3A_424 = arith.mulf %get3A_422, %mul3A_423 : vector<16xf32>
            %swap3A_425 = arith.index_cast %squeeze3A_391 : i32 to index
            %swap3A_426 = arith.constant 48 : index
            %swap3A_427 = tpu.vector_load %arg14[%swap3A_425, %swap3A_426] {strides = array<i32>} : memref<328x128xf32, #tpu.memory_space<vmem>>, vector<16xf32>,
            tpu.vector_store %arg14[%swap3A_425, %swap3A_426], %mul3A_424 {add = true, strides = array<i32>} : memref<328x128xf32, #tpu.memory_space<vmem>>, vector<16xf32>,
            %get3A_428 = arith.index_cast %add3A_395 : i32 to index
            %get3A_429 = arith.constant 64 : index
            %get3A_430 = tpu.vector_load %arg13[%get3A_428, %get3A_429] {strides = array<i32>} : memref<128x128xf32, #tpu.memory_space<vmem>>, vector<16xf32>,
            %mul3A_431 = vector.broadcast %squeeze3A_389 : f32 to vector<16xf32>
            %mul3A_432 = arith.mulf %get3A_430, %mul3A_431 : vector<16xf32>
            %swap3A_433 = arith.index_cast %squeeze3A_391 : i32 to index
            %swap3A_434 = arith.constant 64 : index
            %swap3A_435 = tpu.vector_load %arg14[%swap3A_433, %swap3A_434] {strides = array<i32>} : memref<328x128xf32, #tpu.memory_space<vmem>>, vector<16xf32>,
            tpu.vector_store %arg14[%swap3A_433, %swap3A_434], %mul3A_432 {add = true, strides = array<i32>} : memref<328x128xf32, #tpu.memory_space<vmem>>, vector<16xf32>,
            %get3A_436 = arith.index_cast %add3A_395 : i32 to index
            %get3A_437 = arith.constant 80 : index
            %get3A_438 = tpu.vector_load %arg13[%get3A_436, %get3A_437] {strides = array<i32>} : memref<128x128xf32, #tpu.memory_space<vmem>>, vector<16xf32>,
            %mul3A_439 = vector.broadcast %squeeze3A_389 : f32 to vector<16xf32>
            %mul3A_440 = arith.mulf %get3A_438, %mul3A_439 : vector<16xf32>
            %swap3A_441 = arith.index_cast %squeeze3A_391 : i32 to index
            %swap3A_442 = arith.constant 80 : index
            %swap3A_443 = tpu.vector_load %arg14[%swap3A_441, %swap3A_442] {strides = array<i32>} : memref<328x128xf32, #tpu.memory_space<vmem>>, vector<16xf32>,
            tpu.vector_store %arg14[%swap3A_441, %swap3A_442], %mul3A_440 {add = true, strides = array<i32>} : memref<328x128xf32, #tpu.memory_space<vmem>>, vector<16xf32>,
            %get3A_444 = arith.index_cast %add3A_395 : i32 to index
            %get3A_445 = arith.constant 96 : index
            %get3A_446 = tpu.vector_load %arg13[%get3A_444, %get3A_445] {strides = array<i32>} : memref<128x128xf32, #tpu.memory_space<vmem>>, vector<16xf32>,
            %mul3A_447 = vector.broadcast %squeeze3A_389 : f32 to vector<16xf32>
            %mul3A_448 = arith.mulf %get3A_446, %mul3A_447 : vector<16xf32>
            %swap3A_449 = arith.index_cast %squeeze3A_391 : i32 to index
            %swap3A_450 = arith.constant 96 : index
            %swap3A_451 = tpu.vector_load %arg14[%swap3A_449, %swap3A_450] {strides = array<i32>} : memref<328x128xf32, #tpu.memory_space<vmem>>, vector<16xf32>,
            tpu.vector_store %arg14[%swap3A_449, %swap3A_450], %mul3A_448 {add = true, strides = array<i32>} : memref<328x128xf32, #tpu.memory_space<vmem>>, vector<16xf32>,
            %get3A_452 = arith.index_cast %add3A_395 : i32 to index
            %get3A_453 = arith.constant 112 : index
            %get3A_454 = tpu.vector_load %arg13[%get3A_452, %get3A_453] {strides = array<i32>} : memref<128x128xf32, #tpu.memory_space<vmem>>, vector<16xf32>,
            %mul3A_455 = vector.broadcast %squeeze3A_389 : f32 to vector<16xf32>
            %mul3A_456 = arith.mulf %get3A_454, %mul3A_455 : vector<16xf32>
            %swap3A_457 = arith.index_cast %squeeze3A_391 : i32 to index
            %swap3A_458 = arith.constant 112 : index
            %swap3A_459 = tpu.vector_load %arg14[%swap3A_457, %swap3A_458] {strides = array<i32>} : memref<328x128xf32, #tpu.memory_space<vmem>>, vector<16xf32>,
            tpu.vector_store %arg14[%swap3A_457, %swap3A_458], %mul3A_456 {add = true, strides = array<i32>} : memref<328x128xf32, #tpu.memory_space<vmem>>, vector<16xf32>,
            %slice3A_460 = vector.extract_strided_slice %get3A_168 {offsets = [4], sizes = [1], strides = [1]} : vector<16xf32> to vector<1xf32>
            %squeeze3A_461 = vector.extract %slice3A_460[0] : f32 from vector<1xf32>
            %slice3A_462 = vector.extract_strided_slice %get3A_173 {offsets = [4], sizes = [1], strides = [1]} : vector<16xi32> to vector<1xi32>
            %squeeze3A_463 = vector.extract %slice3A_462[0] : i32 from vector<1xi32>
            %mul3A_464 = arith.constant 16 : i32
            %mul3A_465 = arith.muli %scan3A_164, %mul3A_464 : i32
            %add3A_466 = arith.constant 4 : i32
            %add3A_467 = arith.addi %mul3A_465, %add3A_466 : i32
            %get3A_468 = arith.index_cast %add3A_467 : i32 to index
            %get3A_469 = arith.constant 0 : index
            %get3A_470 = tpu.vector_load %arg13[%get3A_468, %get3A_469] {strides = array<i32>} : memref<128x128xf32, #tpu.memory_space<vmem>>, vector<16xf32>,
            %mul3A_471 = vector.broadcast %squeeze3A_461 : f32 to vector<16xf32>
            %mul3A_472 = arith.mulf %get3A_470, %mul3A_471 : vector<16xf32>
            %swap3A_473 = arith.index_cast %squeeze3A_463 : i32 to index
            %swap3A_474 = arith.constant 0 : index
            %swap3A_475 = tpu.vector_load %arg14[%swap3A_473, %swap3A_474] {strides = array<i32>} : memref<328x128xf32, #tpu.memory_space<vmem>>, vector<16xf32>,
            tpu.vector_store %arg14[%swap3A_473, %swap3A_474], %mul3A_472 {add = true, strides = array<i32>} : memref<328x128xf32, #tpu.memory_space<vmem>>, vector<16xf32>,
            %get3A_476 = arith.index_cast %add3A_467 : i32 to index
            %get3A_477 = arith.constant 16 : index
            %get3A_478 = tpu.vector_load %arg13[%get3A_476, %get3A_477] {strides = array<i32>} : memref<128x128xf32, #tpu.memory_space<vmem>>, vector<16xf32>,
            %mul3A_479 = vector.broadcast %squeeze3A_461 : f32 to vector<16xf32>
            %mul3A_480 = arith.mulf %get3A_478, %mul3A_479 : vector<16xf32>
            %swap3A_481 = arith.index_cast %squeeze3A_463 : i32 to index
            %swap3A_482 = arith.constant 16 : index
            %swap3A_483 = tpu.vector_load %arg14[%swap3A_481, %swap3A_482] {strides = array<i32>} : memref<328x128xf32, #tpu.memory_space<vmem>>, vector<16xf32>,
            tpu.vector_store %arg14[%swap3A_481, %swap3A_482], %mul3A_480 {add = true, strides = array<i32>} : memref<328x128xf32, #tpu.memory_space<vmem>>, vector<16xf32>,
            %get3A_484 = arith.index_cast %add3A_467 : i32 to index
            %get3A_485 = arith.constant 32 : index
            %get3A_486 = tpu.vector_load %arg13[%get3A_484, %get3A_485] {strides = array<i32>} : memref<128x128xf32, #tpu.memory_space<vmem>>, vector<16xf32>,
            %mul3A_487 = vector.broadcast %squeeze3A_461 : f32 to vector<16xf32>
            %mul3A_488 = arith.mulf %get3A_486, %mul3A_487 : vector<16xf32>
            %swap3A_489 = arith.index_cast %squeeze3A_463 : i32 to index
            %swap3A_490 = arith.constant 32 : index
            %swap3A_491 = tpu.vector_load %arg14[%swap3A_489, %swap3A_490] {strides = array<i32>} : memref<328x128xf32, #tpu.memory_space<vmem>>, vector<16xf32>,
            tpu.vector_store %arg14[%swap3A_489, %swap3A_490], %mul3A_488 {add = true, strides = array<i32>} : memref<328x128xf32, #tpu.memory_space<vmem>>, vector<16xf32>,
            %get3A_492 = arith.index_cast %add3A_467 : i32 to index
            %get3A_493 = arith.constant 48 : index
            %get3A_494 = tpu.vector_load %arg13[%get3A_492, %get3A_493] {strides = array<i32>} : memref<128x128xf32, #tpu.memory_space<vmem>>, vector<16xf32>,
            %mul3A_495 = vector.broadcast %squeeze3A_461 : f32 to vector<16xf32>
            %mul3A_496 = arith.mulf %get3A_494, %mul3A_495 : vector<16xf32>
            %swap3A_497 = arith.index_cast %squeeze3A_463 : i32 to index
            %swap3A_498 = arith.constant 48 : index
            %swap3A_499 = tpu.vector_load %arg14[%swap3A_497, %swap3A_498] {strides = array<i32>} : memref<328x128xf32, #tpu.memory_space<vmem>>, vector<16xf32>,
            tpu.vector_store %arg14[%swap3A_497, %swap3A_498], %mul3A_496 {add = true, strides = array<i32>} : memref<328x128xf32, #tpu.memory_space<vmem>>, vector<16xf32>,
            %get3A_500 = arith.index_cast %add3A_467 : i32 to index
            %get3A_501 = arith.constant 64 : index
            %get3A_502 = tpu.vector_load %arg13[%get3A_500, %get3A_501] {strides = array<i32>} : memref<128x128xf32, #tpu.memory_space<vmem>>, vector<16xf32>,
            %mul3A_503 = vector.broadcast %squeeze3A_461 : f32 to vector<16xf32>
            %mul3A_504 = arith.mulf %get3A_502, %mul3A_503 : vector<16xf32>
            %swap3A_505 = arith.index_cast %squeeze3A_463 : i32 to index
            %swap3A_506 = arith.constant 64 : index
            %swap3A_507 = tpu.vector_load %arg14[%swap3A_505, %swap3A_506] {strides = array<i32>} : memref<328x128xf32, #tpu.memory_space<vmem>>, vector<16xf32>,
            tpu.vector_store %arg14[%swap3A_505, %swap3A_506], %mul3A_504 {add = true, strides = array<i32>} : memref<328x128xf32, #tpu.memory_space<vmem>>, vector<16xf32>,
            %get3A_508 = arith.index_cast %add3A_467 : i32 to index
            %get3A_509 = arith.constant 80 : index
            %get3A_510 = tpu.vector_load %arg13[%get3A_508, %get3A_509] {strides = array<i32>} : memref<128x128xf32, #tpu.memory_space<vmem>>, vector<16xf32>,
            %mul3A_511 = vector.broadcast %squeeze3A_461 : f32 to vector<16xf32>
            %mul3A_512 = arith.mulf %get3A_510, %mul3A_511 : vector<16xf32>
            %swap3A_513 = arith.index_cast %squeeze3A_463 : i32 to index
            %swap3A_514 = arith.constant 80 : index
            %swap3A_515 = tpu.vector_load %arg14[%swap3A_513, %swap3A_514] {strides = array<i32>} : memref<328x128xf32, #tpu.memory_space<vmem>>, vector<16xf32>,
            tpu.vector_store %arg14[%swap3A_513, %swap3A_514], %mul3A_512 {add = true, strides = array<i32>} : memref<328x128xf32, #tpu.memory_space<vmem>>, vector<16xf32>,
            %get3A_516 = arith.index_cast %add3A_467 : i32 to index
            %get3A_517 = arith.constant 96 : index
            %get3A_518 = tpu.vector_load %arg13[%get3A_516, %get3A_517] {strides = array<i32>} : memref<128x128xf32, #tpu.memory_space<vmem>>, vector<16xf32>,
            %mul3A_519 = vector.broadcast %squeeze3A_461 : f32 to vector<16xf32>
            %mul3A_520 = arith.mulf %get3A_518, %mul3A_519 : vector<16xf32>
            %swap3A_521 = arith.index_cast %squeeze3A_463 : i32 to index
            %swap3A_522 = arith.constant 96 : index
            %swap3A_523 = tpu.vector_load %arg14[%swap3A_521, %swap3A_522] {strides = array<i32>} : memref<328x128xf32, #tpu.memory_space<vmem>>, vector<16xf32>,
            tpu.vector_store %arg14[%swap3A_521, %swap3A_522], %mul3A_520 {add = true, strides = array<i32>} : memref<328x128xf32, #tpu.memory_space<vmem>>, vector<16xf32>,
            %get3A_524 = arith.index_cast %add3A_467 : i32 to index
            %get3A_525 = arith.constant 112 : index
            %get3A_526 = tpu.vector_load %arg13[%get3A_524, %get3A_525] {strides = array<i32>} : memref<128x128xf32, #tpu.memory_space<vmem>>, vector<16xf32>,
            %mul3A_527 = vector.broadcast %squeeze3A_461 : f32 to vector<16xf32>
            %mul3A_528 = arith.mulf %get3A_526, %mul3A_527 : vector<16xf32>
            %swap3A_529 = arith.index_cast %squeeze3A_463 : i32 to index
            %swap3A_530 = arith.constant 112 : index
            %swap3A_531 = tpu.vector_load %arg14[%swap3A_529, %swap3A_530] {strides = array<i32>} : memref<328x128xf32, #tpu.memory_space<vmem>>, vector<16xf32>,
            tpu.vector_store %arg14[%swap3A_529, %swap3A_530], %mul3A_528 {add = true, strides = array<i32>} : memref<328x128xf32, #tpu.memory_space<vmem>>, vector<16xf32>,
            %slice3A_532 = vector.extract_strided_slice %get3A_168 {offsets = [5], sizes = [1], strides = [1]} : vector<16xf32> to vector<1xf32>
            %squeeze3A_533 = vector.extract %slice3A_532[0] : f32 from vector<1xf32>
            %slice3A_534 = vector.extract_strided_slice %get3A_173 {offsets = [5], sizes = [1], strides = [1]} : vector<16xi32> to vector<1xi32>
            %squeeze3A_535 = vector.extract %slice3A_534[0] : i32 from vector<1xi32>
            %mul3A_536 = arith.constant 16 : i32
            %mul3A_537 = arith.muli %scan3A_164, %mul3A_536 : i32
            %add3A_538 = arith.constant 5 : i32
            %add3A_539 = arith.addi %mul3A_537, %add3A_538 : i32
            %get3A_540 = arith.index_cast %add3A_539 : i32 to index
            %get3A_541 = arith.constant 0 : index
            %get3A_542 = tpu.vector_load %arg13[%get3A_540, %get3A_541] {strides = array<i32>} : memref<128x128xf32, #tpu.memory_space<vmem>>, vector<16xf32>,
            %mul3A_543 = vector.broadcast %squeeze3A_533 : f32 to vector<16xf32>
            %mul3A_544 = arith.mulf %get3A_542, %mul3A_543 : vector<16xf32>
            %swap3A_545 = arith.index_cast %squeeze3A_535 : i32 to index
            %swap3A_546 = arith.constant 0 : index
            %swap3A_547 = tpu.vector_load %arg14[%swap3A_545, %swap3A_546] {strides = array<i32>} : memref<328x128xf32, #tpu.memory_space<vmem>>, vector<16xf32>,
            tpu.vector_store %arg14[%swap3A_545, %swap3A_546], %mul3A_544 {add = true, strides = array<i32>} : memref<328x128xf32, #tpu.memory_space<vmem>>, vector<16xf32>,
            %get3A_548 = arith.index_cast %add3A_539 : i32 to index
            %get3A_549 = arith.constant 16 : index
            %get3A_550 = tpu.vector_load %arg13[%get3A_548, %get3A_549] {strides = array<i32>} : memref<128x128xf32, #tpu.memory_space<vmem>>, vector<16xf32>,
            %mul3A_551 = vector.broadcast %squeeze3A_533 : f32 to vector<16xf32>
            %mul3A_552 = arith.mulf %get3A_550, %mul3A_551 : vector<16xf32>
            %swap3A_553 = arith.index_cast %squeeze3A_535 : i32 to index
            %swap3A_554 = arith.constant 16 : index
            %swap3A_555 = tpu.vector_load %arg14[%swap3A_553, %swap3A_554] {strides = array<i32>} : memref<328x128xf32, #tpu.memory_space<vmem>>, vector<16xf32>,
            tpu.vector_store %arg14[%swap3A_553, %swap3A_554], %mul3A_552 {add = true, strides = array<i32>} : memref<328x128xf32, #tpu.memory_space<vmem>>, vector<16xf32>,
            %get3A_556 = arith.index_cast %add3A_539 : i32 to index
            %get3A_557 = arith.constant 32 : index
            %get3A_558 = tpu.vector_load %arg13[%get3A_556, %get3A_557] {strides = array<i32>} : memref<128x128xf32, #tpu.memory_space<vmem>>, vector<16xf32>,
            %mul3A_559 = vector.broadcast %squeeze3A_533 : f32 to vector<16xf32>
            %mul3A_560 = arith.mulf %get3A_558, %mul3A_559 : vector<16xf32>
            %swap3A_561 = arith.index_cast %squeeze3A_535 : i32 to index
            %swap3A_562 = arith.constant 32 : index
            %swap3A_563 = tpu.vector_load %arg14[%swap3A_561, %swap3A_562] {strides = array<i32>} : memref<328x128xf32, #tpu.memory_space<vmem>>, vector<16xf32>,
            tpu.vector_store %arg14[%swap3A_561, %swap3A_562], %mul3A_560 {add = true, strides = array<i32>} : memref<328x128xf32, #tpu.memory_space<vmem>>, vector<16xf32>,
            %get3A_564 = arith.index_cast %add3A_539 : i32 to index
            %get3A_565 = arith.constant 48 : index
            %get3A_566 = tpu.vector_load %arg13[%get3A_564, %get3A_565] {strides = array<i32>} : memref<128x128xf32, #tpu.memory_space<vmem>>, vector<16xf32>,
            %mul3A_567 = vector.broadcast %squeeze3A_533 : f32 to vector<16xf32>
            %mul3A_568 = arith.mulf %get3A_566, %mul3A_567 : vector<16xf32>
            %swap3A_569 = arith.index_cast %squeeze3A_535 : i32 to index
            %swap3A_570 = arith.constant 48 : index
            %swap3A_571 = tpu.vector_load %arg14[%swap3A_569, %swap3A_570] {strides = array<i32>} : memref<328x128xf32, #tpu.memory_space<vmem>>, vector<16xf32>,
            tpu.vector_store %arg14[%swap3A_569, %swap3A_570], %mul3A_568 {add = true, strides = array<i32>} : memref<328x128xf32, #tpu.memory_space<vmem>>, vector<16xf32>,
            %get3A_572 = arith.index_cast %add3A_539 : i32 to index
            %get3A_573 = arith.constant 64 : index
            %get3A_574 = tpu.vector_load %arg13[%get3A_572, %get3A_573] {strides = array<i32>} : memref<128x128xf32, #tpu.memory_space<vmem>>, vector<16xf32>,
            %mul3A_575 = vector.broadcast %squeeze3A_533 : f32 to vector<16xf32>
            %mul3A_576 = arith.mulf %get3A_574, %mul3A_575 : vector<16xf32>
            %swap3A_577 = arith.index_cast %squeeze3A_535 : i32 to index
            %swap3A_578 = arith.constant 64 : index
            %swap3A_579 = tpu.vector_load %arg14[%swap3A_577, %swap3A_578] {strides = array<i32>} : memref<328x128xf32, #tpu.memory_space<vmem>>, vector<16xf32>,
            tpu.vector_store %arg14[%swap3A_577, %swap3A_578], %mul3A_576 {add = true, strides = array<i32>} : memref<328x128xf32, #tpu.memory_space<vmem>>, vector<16xf32>,
            %get3A_580 = arith.index_cast %add3A_539 : i32 to index
            %get3A_581 = arith.constant 80 : index
            %get3A_582 = tpu.vector_load %arg13[%get3A_580, %get3A_581] {strides = array<i32>} : memref<128x128xf32, #tpu.memory_space<vmem>>, vector<16xf32>,
            %mul3A_583 = vector.broadcast %squeeze3A_533 : f32 to vector<16xf32>
            %mul3A_584 = arith.mulf %get3A_582, %mul3A_583 : vector<16xf32>
            %swap3A_585 = arith.index_cast %squeeze3A_535 : i32 to index
            %swap3A_586 = arith.constant 80 : index
            %swap3A_587 = tpu.vector_load %arg14[%swap3A_585, %swap3A_586] {strides = array<i32>} : memref<328x128xf32, #tpu.memory_space<vmem>>, vector<16xf32>,
            tpu.vector_store %arg14[%swap3A_585, %swap3A_586], %mul3A_584 {add = true, strides = array<i32>} : memref<328x128xf32, #tpu.memory_space<vmem>>, vector<16xf32>,
            %get3A_588 = arith.index_cast %add3A_539 : i32 to index
            %get3A_589 = arith.constant 96 : index
            %get3A_590 = tpu.vector_load %arg13[%get3A_588, %get3A_589] {strides = array<i32>} : memref<128x128xf32, #tpu.memory_space<vmem>>, vector<16xf32>,
            %mul3A_591 = vector.broadcast %squeeze3A_533 : f32 to vector<16xf32>
            %mul3A_592 = arith.mulf %get3A_590, %mul3A_591 : vector<16xf32>
            %swap3A_593 = arith.index_cast %squeeze3A_535 : i32 to index
            %swap3A_594 = arith.constant 96 : index
            %swap3A_595 = tpu.vector_load %arg14[%swap3A_593, %swap3A_594] {strides = array<i32>} : memref<328x128xf32, #tpu.memory_space<vmem>>, vector<16xf32>,
            tpu.vector_store %arg14[%swap3A_593, %swap3A_594], %mul3A_592 {add = true, strides = array<i32>} : memref<328x128xf32, #tpu.memory_space<vmem>>, vector<16xf32>,
            %get3A_596 = arith.index_cast %add3A_539 : i32 to index
            %get3A_597 = arith.constant 112 : index
            %get3A_598 = tpu.vector_load %arg13[%get3A_596, %get3A_597] {strides = array<i32>} : memref<128x128xf32, #tpu.memory_space<vmem>>, vector<16xf32>,
            %mul3A_599 = vector.broadcast %squeeze3A_533 : f32 to vector<16xf32>
            %mul3A_600 = arith.mulf %get3A_598, %mul3A_599 : vector<16xf32>
            %swap3A_601 = arith.index_cast %squeeze3A_535 : i32 to index
            %swap3A_602 = arith.constant 112 : index
            %swap3A_603 = tpu.vector_load %arg14[%swap3A_601, %swap3A_602] {strides = array<i32>} : memref<328x128xf32, #tpu.memory_space<vmem>>, vector<16xf32>,
            tpu.vector_store %arg14[%swap3A_601, %swap3A_602], %mul3A_600 {add = true, strides = array<i32>} : memref<328x128xf32, #tpu.memory_space<vmem>>, vector<16xf32>,
            %slice3A_604 = vector.extract_strided_slice %get3A_168 {offsets = [6], sizes = [1], strides = [1]} : vector<16xf32> to vector<1xf32>
            %squeeze3A_605 = vector.extract %slice3A_604[0] : f32 from vector<1xf32>
            %slice3A_606 = vector.extract_strided_slice %get3A_173 {offsets = [6], sizes = [1], strides = [1]} : vector<16xi32> to vector<1xi32>
            %squeeze3A_607 = vector.extract %slice3A_606[0] : i32 from vector<1xi32>
            %mul3A_608 = arith.constant 16 : i32
            %mul3A_609 = arith.muli %scan3A_164, %mul3A_608 : i32
            %add3A_610 = arith.constant 6 : i32
            %add3A_611 = arith.addi %mul3A_609, %add3A_610 : i32
            %get3A_612 = arith.index_cast %add3A_611 : i32 to index
            %get3A_613 = arith.constant 0 : index
            %get3A_614 = tpu.vector_load %arg13[%get3A_612, %get3A_613] {strides = array<i32>} : memref<128x128xf32, #tpu.memory_space<vmem>>, vector<16xf32>,
            %mul3A_615 = vector.broadcast %squeeze3A_605 : f32 to vector<16xf32>
            %mul3A_616 = arith.mulf %get3A_614, %mul3A_615 : vector<16xf32>
            %swap3A_617 = arith.index_cast %squeeze3A_607 : i32 to index
            %swap3A_618 = arith.constant 0 : index
            %swap3A_619 = tpu.vector_load %arg14[%swap3A_617, %swap3A_618] {strides = array<i32>} : memref<328x128xf32, #tpu.memory_space<vmem>>, vector<16xf32>,
            tpu.vector_store %arg14[%swap3A_617, %swap3A_618], %mul3A_616 {add = true, strides = array<i32>} : memref<328x128xf32, #tpu.memory_space<vmem>>, vector<16xf32>,
            %get3A_620 = arith.index_cast %add3A_611 : i32 to index
            %get3A_621 = arith.constant 16 : index
            %get3A_622 = tpu.vector_load %arg13[%get3A_620, %get3A_621] {strides = array<i32>} : memref<128x128xf32, #tpu.memory_space<vmem>>, vector<16xf32>,
            %mul3A_623 = vector.broadcast %squeeze3A_605 : f32 to vector<16xf32>
            %mul3A_624 = arith.mulf %get3A_622, %mul3A_623 : vector<16xf32>
            %swap3A_625 = arith.index_cast %squeeze3A_607 : i32 to index
            %swap3A_626 = arith.constant 16 : index
            %swap3A_627 = tpu.vector_load %arg14[%swap3A_625, %swap3A_626] {strides = array<i32>} : memref<328x128xf32, #tpu.memory_space<vmem>>, vector<16xf32>,
            tpu.vector_store %arg14[%swap3A_625, %swap3A_626], %mul3A_624 {add = true, strides = array<i32>} : memref<328x128xf32, #tpu.memory_space<vmem>>, vector<16xf32>,
            %get3A_628 = arith.index_cast %add3A_611 : i32 to index
            %get3A_629 = arith.constant 32 : index
            %get3A_630 = tpu.vector_load %arg13[%get3A_628, %get3A_629] {strides = array<i32>} : memref<128x128xf32, #tpu.memory_space<vmem>>, vector<16xf32>,
            %mul3A_631 = vector.broadcast %squeeze3A_605 : f32 to vector<16xf32>
            %mul3A_632 = arith.mulf %get3A_630, %mul3A_631 : vector<16xf32>
            %swap3A_633 = arith.index_cast %squeeze3A_607 : i32 to index
            %swap3A_634 = arith.constant 32 : index
            %swap3A_635 = tpu.vector_load %arg14[%swap3A_633, %swap3A_634] {strides = array<i32>} : memref<328x128xf32, #tpu.memory_space<vmem>>, vector<16xf32>,
            tpu.vector_store %arg14[%swap3A_633, %swap3A_634], %mul3A_632 {add = true, strides = array<i32>} : memref<328x128xf32, #tpu.memory_space<vmem>>, vector<16xf32>,
            %get3A_636 = arith.index_cast %add3A_611 : i32 to index
            %get3A_637 = arith.constant 48 : index
            %get3A_638 = tpu.vector_load %arg13[%get3A_636, %get3A_637] {strides = array<i32>} : memref<128x128xf32, #tpu.memory_space<vmem>>, vector<16xf32>,
            %mul3A_639 = vector.broadcast %squeeze3A_605 : f32 to vector<16xf32>
            %mul3A_640 = arith.mulf %get3A_638, %mul3A_639 : vector<16xf32>
            %swap3A_641 = arith.index_cast %squeeze3A_607 : i32 to index
            %swap3A_642 = arith.constant 48 : index
            %swap3A_643 = tpu.vector_load %arg14[%swap3A_641, %swap3A_642] {strides = array<i32>} : memref<328x128xf32, #tpu.memory_space<vmem>>, vector<16xf32>,
            tpu.vector_store %arg14[%swap3A_641, %swap3A_642], %mul3A_640 {add = true, strides = array<i32>} : memref<328x128xf32, #tpu.memory_space<vmem>>, vector<16xf32>,
            %get3A_644 = arith.index_cast %add3A_611 : i32 to index
            %get3A_645 = arith.constant 64 : index
            %get3A_646 = tpu.vector_load %arg13[%get3A_644, %get3A_645] {strides = array<i32>} : memref<128x128xf32, #tpu.memory_space<vmem>>, vector<16xf32>,
            %mul3A_647 = vector.broadcast %squeeze3A_605 : f32 to vector<16xf32>
            %mul3A_648 = arith.mulf %get3A_646, %mul3A_647 : vector<16xf32>
            %swap3A_649 = arith.index_cast %squeeze3A_607 : i32 to index
            %swap3A_650 = arith.constant 64 : index
            %swap3A_651 = tpu.vector_load %arg14[%swap3A_649, %swap3A_650] {strides = array<i32>} : memref<328x128xf32, #tpu.memory_space<vmem>>, vector<16xf32>,
            tpu.vector_store %arg14[%swap3A_649, %swap3A_650], %mul3A_648 {add = true, strides = array<i32>} : memref<328x128xf32, #tpu.memory_space<vmem>>, vector<16xf32>,
            %get3A_652 = arith.index_cast %add3A_611 : i32 to index
            %get3A_653 = arith.constant 80 : index
            %get3A_654 = tpu.vector_load %arg13[%get3A_652, %get3A_653] {strides = array<i32>} : memref<128x128xf32, #tpu.memory_space<vmem>>, vector<16xf32>,
            %mul3A_655 = vector.broadcast %squeeze3A_605 : f32 to vector<16xf32>
            %mul3A_656 = arith.mulf %get3A_654, %mul3A_655 : vector<16xf32>
            %swap3A_657 = arith.index_cast %squeeze3A_607 : i32 to index
            %swap3A_658 = arith.constant 80 : index
            %swap3A_659 = tpu.vector_load %arg14[%swap3A_657, %swap3A_658] {strides = array<i32>} : memref<328x128xf32, #tpu.memory_space<vmem>>, vector<16xf32>,
            tpu.vector_store %arg14[%swap3A_657, %swap3A_658], %mul3A_656 {add = true, strides = array<i32>} : memref<328x128xf32, #tpu.memory_space<vmem>>, vector<16xf32>,
            %get3A_660 = arith.index_cast %add3A_611 : i32 to index
            %get3A_661 = arith.constant 96 : index
            %get3A_662 = tpu.vector_load %arg13[%get3A_660, %get3A_661] {strides = array<i32>} : memref<128x128xf32, #tpu.memory_space<vmem>>, vector<16xf32>,
            %mul3A_663 = vector.broadcast %squeeze3A_605 : f32 to vector<16xf32>
            %mul3A_664 = arith.mulf %get3A_662, %mul3A_663 : vector<16xf32>
            %swap3A_665 = arith.index_cast %squeeze3A_607 : i32 to index
            %swap3A_666 = arith.constant 96 : index
            %swap3A_667 = tpu.vector_load %arg14[%swap3A_665, %swap3A_666] {strides = array<i32>} : memref<328x128xf32, #tpu.memory_space<vmem>>, vector<16xf32>,
            tpu.vector_store %arg14[%swap3A_665, %swap3A_666], %mul3A_664 {add = true, strides = array<i32>} : memref<328x128xf32, #tpu.memory_space<vmem>>, vector<16xf32>,
            %get3A_668 = arith.index_cast %add3A_611 : i32 to index
            %get3A_669 = arith.constant 112 : index
            %get3A_670 = tpu.vector_load %arg13[%get3A_668, %get3A_669] {strides = array<i32>} : memref<128x128xf32, #tpu.memory_space<vmem>>, vector<16xf32>,
            %mul3A_671 = vector.broadcast %squeeze3A_605 : f32 to vector<16xf32>
            %mul3A_672 = arith.mulf %get3A_670, %mul3A_671 : vector<16xf32>
            %swap3A_673 = arith.index_cast %squeeze3A_607 : i32 to index
            %swap3A_674 = arith.constant 112 : index
            %swap3A_675 = tpu.vector_load %arg14[%swap3A_673, %swap3A_674] {strides = array<i32>} : memref<328x128xf32, #tpu.memory_space<vmem>>, vector<16xf32>,
            tpu.vector_store %arg14[%swap3A_673, %swap3A_674], %mul3A_672 {add = true, strides = array<i32>} : memref<328x128xf32, #tpu.memory_space<vmem>>, vector<16xf32>,
            %slice3A_676 = vector.extract_strided_slice %get3A_168 {offsets = [7], sizes = [1], strides = [1]} : vector<16xf32> to vector<1xf32>
            %squeeze3A_677 = vector.extract %slice3A_676[0] : f32 from vector<1xf32>
            %slice3A_678 = vector.extract_strided_slice %get3A_173 {offsets = [7], sizes = [1], strides = [1]} : vector<16xi32> to vector<1xi32>
            %squeeze3A_679 = vector.extract %slice3A_678[0] : i32 from vector<1xi32>
            %mul3A_680 = arith.constant 16 : i32
            %mul3A_681 = arith.muli %scan3A_164, %mul3A_680 : i32
            %add3A_682 = arith.constant 7 : i32
            %add3A_683 = arith.addi %mul3A_681, %add3A_682 : i32
            %get3A_684 = arith.index_cast %add3A_683 : i32 to index
            %get3A_685 = arith.constant 0 : index
            %get3A_686 = tpu.vector_load %arg13[%get3A_684, %get3A_685] {strides = array<i32>} : memref<128x128xf32, #tpu.memory_space<vmem>>, vector<16xf32>,
            %mul3A_687 = vector.broadcast %squeeze3A_677 : f32 to vector<16xf32>
            %mul3A_688 = arith.mulf %get3A_686, %mul3A_687 : vector<16xf32>
            %swap3A_689 = arith.index_cast %squeeze3A_679 : i32 to index
            %swap3A_690 = arith.constant 0 : index
            %swap3A_691 = tpu.vector_load %arg14[%swap3A_689, %swap3A_690] {strides = array<i32>} : memref<328x128xf32, #tpu.memory_space<vmem>>, vector<16xf32>,
            tpu.vector_store %arg14[%swap3A_689, %swap3A_690], %mul3A_688 {add = true, strides = array<i32>} : memref<328x128xf32, #tpu.memory_space<vmem>>, vector<16xf32>,
            %get3A_692 = arith.index_cast %add3A_683 : i32 to index
            %get3A_693 = arith.constant 16 : index
            %get3A_694 = tpu.vector_load %arg13[%get3A_692, %get3A_693] {strides = array<i32>} : memref<128x128xf32, #tpu.memory_space<vmem>>, vector<16xf32>,
            %mul3A_695 = vector.broadcast %squeeze3A_677 : f32 to vector<16xf32>
            %mul3A_696 = arith.mulf %get3A_694, %mul3A_695 : vector<16xf32>
            %swap3A_697 = arith.index_cast %squeeze3A_679 : i32 to index
            %swap3A_698 = arith.constant 16 : index
            %swap3A_699 = tpu.vector_load %arg14[%swap3A_697, %swap3A_698] {strides = array<i32>} : memref<328x128xf32, #tpu.memory_space<vmem>>, vector<16xf32>,
            tpu.vector_store %arg14[%swap3A_697, %swap3A_698], %mul3A_696 {add = true, strides = array<i32>} : memref<328x128xf32, #tpu.memory_space<vmem>>, vector<16xf32>,
            %get3A_700 = arith.index_cast %add3A_683 : i32 to index
            %get3A_701 = arith.constant 32 : index
            %get3A_702 = tpu.vector_load %arg13[%get3A_700, %get3A_701] {strides = array<i32>} : memref<128x128xf32, #tpu.memory_space<vmem>>, vector<16xf32>,
            %mul3A_703 = vector.broadcast %squeeze3A_677 : f32 to vector<16xf32>
            %mul3A_704 = arith.mulf %get3A_702, %mul3A_703 : vector<16xf32>
            %swap3A_705 = arith.index_cast %squeeze3A_679 : i32 to index
            %swap3A_706 = arith.constant 32 : index
            %swap3A_707 = tpu.vector_load %arg14[%swap3A_705, %swap3A_706] {strides = array<i32>} : memref<328x128xf32, #tpu.memory_space<vmem>>, vector<16xf32>,
            tpu.vector_store %arg14[%swap3A_705, %swap3A_706], %mul3A_704 {add = true, strides = array<i32>} : memref<328x128xf32, #tpu.memory_space<vmem>>, vector<16xf32>,
            %get3A_708 = arith.index_cast %add3A_683 : i32 to index
            %get3A_709 = arith.constant 48 : index
            %get3A_710 = tpu.vector_load %arg13[%get3A_708, %get3A_709] {strides = array<i32>} : memref<128x128xf32, #tpu.memory_space<vmem>>, vector<16xf32>,
            %mul3A_711 = vector.broadcast %squeeze3A_677 : f32 to vector<16xf32>
            %mul3A_712 = arith.mulf %get3A_710, %mul3A_711 : vector<16xf32>
            %swap3A_713 = arith.index_cast %squeeze3A_679 : i32 to index
            %swap3A_714 = arith.constant 48 : index
            %swap3A_715 = tpu.vector_load %arg14[%swap3A_713, %swap3A_714] {strides = array<i32>} : memref<328x128xf32, #tpu.memory_space<vmem>>, vector<16xf32>,
            tpu.vector_store %arg14[%swap3A_713, %swap3A_714], %mul3A_712 {add = true, strides = array<i32>} : memref<328x128xf32, #tpu.memory_space<vmem>>, vector<16xf32>,
            %get3A_716 = arith.index_cast %add3A_683 : i32 to index
            %get3A_717 = arith.constant 64 : index
            %get3A_718 = tpu.vector_load %arg13[%get3A_716, %get3A_717] {strides = array<i32>} : memref<128x128xf32, #tpu.memory_space<vmem>>, vector<16xf32>,
            %mul3A_719 = vector.broadcast %squeeze3A_677 : f32 to vector<16xf32>
            %mul3A_720 = arith.mulf %get3A_718, %mul3A_719 : vector<16xf32>
            %swap3A_721 = arith.index_cast %squeeze3A_679 : i32 to index
            %swap3A_722 = arith.constant 64 : index
            %swap3A_723 = tpu.vector_load %arg14[%swap3A_721, %swap3A_722] {strides = array<i32>} : memref<328x128xf32, #tpu.memory_space<vmem>>, vector<16xf32>,
            tpu.vector_store %arg14[%swap3A_721, %swap3A_722], %mul3A_720 {add = true, strides = array<i32>} : memref<328x128xf32, #tpu.memory_space<vmem>>, vector<16xf32>,
            %get3A_724 = arith.index_cast %add3A_683 : i32 to index
            %get3A_725 = arith.constant 80 : index
            %get3A_726 = tpu.vector_load %arg13[%get3A_724, %get3A_725] {strides = array<i32>} : memref<128x128xf32, #tpu.memory_space<vmem>>, vector<16xf32>,
            %mul3A_727 = vector.broadcast %squeeze3A_677 : f32 to vector<16xf32>
            %mul3A_728 = arith.mulf %get3A_726, %mul3A_727 : vector<16xf32>
            %swap3A_729 = arith.index_cast %squeeze3A_679 : i32 to index
            %swap3A_730 = arith.constant 80 : index
            %swap3A_731 = tpu.vector_load %arg14[%swap3A_729, %swap3A_730] {strides = array<i32>} : memref<328x128xf32, #tpu.memory_space<vmem>>, vector<16xf32>,
            tpu.vector_store %arg14[%swap3A_729, %swap3A_730], %mul3A_728 {add = true, strides = array<i32>} : memref<328x128xf32, #tpu.memory_space<vmem>>, vector<16xf32>,
            %get3A_732 = arith.index_cast %add3A_683 : i32 to index
            %get3A_733 = arith.constant 96 : index
            %get3A_734 = tpu.vector_load %arg13[%get3A_732, %get3A_733] {strides = array<i32>} : memref<128x128xf32, #tpu.memory_space<vmem>>, vector<16xf32>,
            %mul3A_735 = vector.broadcast %squeeze3A_677 : f32 to vector<16xf32>
            %mul3A_736 = arith.mulf %get3A_734, %mul3A_735 : vector<16xf32>
            %swap3A_737 = arith.index_cast %squeeze3A_679 : i32 to index
            %swap3A_738 = arith.constant 96 : index
            %swap3A_739 = tpu.vector_load %arg14[%swap3A_737, %swap3A_738] {strides = array<i32>} : memref<328x128xf32, #tpu.memory_space<vmem>>, vector<16xf32>,
            tpu.vector_store %arg14[%swap3A_737, %swap3A_738], %mul3A_736 {add = true, strides = array<i32>} : memref<328x128xf32, #tpu.memory_space<vmem>>, vector<16xf32>,
            %get3A_740 = arith.index_cast %add3A_683 : i32 to index
            %get3A_741 = arith.constant 112 : index
            %get3A_742 = tpu.vector_load %arg13[%get3A_740, %get3A_741] {strides = array<i32>} : memref<128x128xf32, #tpu.memory_space<vmem>>, vector<16xf32>,
            %mul3A_743 = vector.broadcast %squeeze3A_677 : f32 to vector<16xf32>
            %mul3A_744 = arith.mulf %get3A_742, %mul3A_743 : vector<16xf32>
            %swap3A_745 = arith.index_cast %squeeze3A_679 : i32 to index
            %swap3A_746 = arith.constant 112 : index
            %swap3A_747 = tpu.vector_load %arg14[%swap3A_745, %swap3A_746] {strides = array<i32>} : memref<328x128xf32, #tpu.memory_space<vmem>>, vector<16xf32>,
            tpu.vector_store %arg14[%swap3A_745, %swap3A_746], %mul3A_744 {add = true, strides = array<i32>} : memref<328x128xf32, #tpu.memory_space<vmem>>, vector<16xf32>,
            %slice3A_748 = vector.extract_strided_slice %get3A_168 {offsets = [8], sizes = [1], strides = [1]} : vector<16xf32> to vector<1xf32>
            %squeeze3A_749 = vector.extract %slice3A_748[0] : f32 from vector<1xf32>
            %slice3A_750 = vector.extract_strided_slice %get3A_173 {offsets = [8], sizes = [1], strides = [1]} : vector<16xi32> to vector<1xi32>
            %squeeze3A_751 = vector.extract %slice3A_750[0] : i32 from vector<1xi32>
            %mul3A_752 = arith.constant 16 : i32
            %mul3A_753 = arith.muli %scan3A_164, %mul3A_752 : i32
            %add3A_754 = arith.constant 8 : i32
            %add3A_755 = arith.addi %mul3A_753, %add3A_754 : i32
            %get3A_756 = arith.index_cast %add3A_755 : i32 to index
            %get3A_757 = arith.constant 0 : index
            %get3A_758 = tpu.vector_load %arg13[%get3A_756, %get3A_757] {strides = array<i32>} : memref<128x128xf32, #tpu.memory_space<vmem>>, vector<16xf32>,
            %mul3A_759 = vector.broadcast %squeeze3A_749 : f32 to vector<16xf32>
            %mul3A_760 = arith.mulf %get3A_758, %mul3A_759 : vector<16xf32>
            %swap3A_761 = arith.index_cast %squeeze3A_751 : i32 to index
            %swap3A_762 = arith.constant 0 : index
            %swap3A_763 = tpu.vector_load %arg14[%swap3A_761, %swap3A_762] {strides = array<i32>} : memref<328x128xf32, #tpu.memory_space<vmem>>, vector<16xf32>,
            tpu.vector_store %arg14[%swap3A_761, %swap3A_762], %mul3A_760 {add = true, strides = array<i32>} : memref<328x128xf32, #tpu.memory_space<vmem>>, vector<16xf32>,
            %get3A_764 = arith.index_cast %add3A_755 : i32 to index
            %get3A_765 = arith.constant 16 : index
            %get3A_766 = tpu.vector_load %arg13[%get3A_764, %get3A_765] {strides = array<i32>} : memref<128x128xf32, #tpu.memory_space<vmem>>, vector<16xf32>,
            %mul3A_767 = vector.broadcast %squeeze3A_749 : f32 to vector<16xf32>
            %mul3A_768 = arith.mulf %get3A_766, %mul3A_767 : vector<16xf32>
            %swap3A_769 = arith.index_cast %squeeze3A_751 : i32 to index
            %swap3A_770 = arith.constant 16 : index
            %swap3A_771 = tpu.vector_load %arg14[%swap3A_769, %swap3A_770] {strides = array<i32>} : memref<328x128xf32, #tpu.memory_space<vmem>>, vector<16xf32>,
            tpu.vector_store %arg14[%swap3A_769, %swap3A_770], %mul3A_768 {add = true, strides = array<i32>} : memref<328x128xf32, #tpu.memory_space<vmem>>, vector<16xf32>,
            %get3A_772 = arith.index_cast %add3A_755 : i32 to index
            %get3A_773 = arith.constant 32 : index
            %get3A_774 = tpu.vector_load %arg13[%get3A_772, %get3A_773] {strides = array<i32>} : memref<128x128xf32, #tpu.memory_space<vmem>>, vector<16xf32>,
            %mul3A_775 = vector.broadcast %squeeze3A_749 : f32 to vector<16xf32>
            %mul3A_776 = arith.mulf %get3A_774, %mul3A_775 : vector<16xf32>
            %swap3A_777 = arith.index_cast %squeeze3A_751 : i32 to index
            %swap3A_778 = arith.constant 32 : index
            %swap3A_779 = tpu.vector_load %arg14[%swap3A_777, %swap3A_778] {strides = array<i32>} : memref<328x128xf32, #tpu.memory_space<vmem>>, vector<16xf32>,
            tpu.vector_store %arg14[%swap3A_777, %swap3A_778], %mul3A_776 {add = true, strides = array<i32>} : memref<328x128xf32, #tpu.memory_space<vmem>>, vector<16xf32>,
            %get3A_780 = arith.index_cast %add3A_755 : i32 to index
            %get3A_781 = arith.constant 48 : index
            %get3A_782 = tpu.vector_load %arg13[%get3A_780, %get3A_781] {strides = array<i32>} : memref<128x128xf32, #tpu.memory_space<vmem>>, vector<16xf32>,
            %mul3A_783 = vector.broadcast %squeeze3A_749 : f32 to vector<16xf32>
            %mul3A_784 = arith.mulf %get3A_782, %mul3A_783 : vector<16xf32>
            %swap3A_785 = arith.index_cast %squeeze3A_751 : i32 to index
            %swap3A_786 = arith.constant 48 : index
            %swap3A_787 = tpu.vector_load %arg14[%swap3A_785, %swap3A_786] {strides = array<i32>} : memref<328x128xf32, #tpu.memory_space<vmem>>, vector<16xf32>,
            tpu.vector_store %arg14[%swap3A_785, %swap3A_786], %mul3A_784 {add = true, strides = array<i32>} : memref<328x128xf32, #tpu.memory_space<vmem>>, vector<16xf32>,
            %get3A_788 = arith.index_cast %add3A_755 : i32 to index
            %get3A_789 = arith.constant 64 : index
            %get3A_790 = tpu.vector_load %arg13[%get3A_788, %get3A_789] {strides = array<i32>} : memref<128x128xf32, #tpu.memory_space<vmem>>, vector<16xf32>,
            %mul3A_791 = vector.broadcast %squeeze3A_749 : f32 to vector<16xf32>
            %mul3A_792 = arith.mulf %get3A_790, %mul3A_791 : vector<16xf32>
            %swap3A_793 = arith.index_cast %squeeze3A_751 : i32 to index
            %swap3A_794 = arith.constant 64 : index
            %swap3A_795 = tpu.vector_load %arg14[%swap3A_793, %swap3A_794] {strides = array<i32>} : memref<328x128xf32, #tpu.memory_space<vmem>>, vector<16xf32>,
            tpu.vector_store %arg14[%swap3A_793, %swap3A_794], %mul3A_792 {add = true, strides = array<i32>} : memref<328x128xf32, #tpu.memory_space<vmem>>, vector<16xf32>,
            %get3A_796 = arith.index_cast %add3A_755 : i32 to index
            %get3A_797 = arith.constant 80 : index
            %get3A_798 = tpu.vector_load %arg13[%get3A_796, %get3A_797] {strides = array<i32>} : memref<128x128xf32, #tpu.memory_space<vmem>>, vector<16xf32>,
            %mul3A_799 = vector.broadcast %squeeze3A_749 : f32 to vector<16xf32>
            %mul3A_800 = arith.mulf %get3A_798, %mul3A_799 : vector<16xf32>
            %swap3A_801 = arith.index_cast %squeeze3A_751 : i32 to index
            %swap3A_802 = arith.constant 80 : index
            %swap3A_803 = tpu.vector_load %arg14[%swap3A_801, %swap3A_802] {strides = array<i32>} : memref<328x128xf32, #tpu.memory_space<vmem>>, vector<16xf32>,
            tpu.vector_store %arg14[%swap3A_801, %swap3A_802], %mul3A_800 {add = true, strides = array<i32>} : memref<328x128xf32, #tpu.memory_space<vmem>>, vector<16xf32>,
            %get3A_804 = arith.index_cast %add3A_755 : i32 to index
            %get3A_805 = arith.constant 96 : index
            %get3A_806 = tpu.vector_load %arg13[%get3A_804, %get3A_805] {strides = array<i32>} : memref<128x128xf32, #tpu.memory_space<vmem>>, vector<16xf32>,
            %mul3A_807 = vector.broadcast %squeeze3A_749 : f32 to vector<16xf32>
            %mul3A_808 = arith.mulf %get3A_806, %mul3A_807 : vector<16xf32>
            %swap3A_809 = arith.index_cast %squeeze3A_751 : i32 to index
            %swap3A_810 = arith.constant 96 : index
            %swap3A_811 = tpu.vector_load %arg14[%swap3A_809, %swap3A_810] {strides = array<i32>} : memref<328x128xf32, #tpu.memory_space<vmem>>, vector<16xf32>,
            tpu.vector_store %arg14[%swap3A_809, %swap3A_810], %mul3A_808 {add = true, strides = array<i32>} : memref<328x128xf32, #tpu.memory_space<vmem>>, vector<16xf32>,
            %get3A_812 = arith.index_cast %add3A_755 : i32 to index
            %get3A_813 = arith.constant 112 : index
            %get3A_814 = tpu.vector_load %arg13[%get3A_812, %get3A_813] {strides = array<i32>} : memref<128x128xf32, #tpu.memory_space<vmem>>, vector<16xf32>,
            %mul3A_815 = vector.broadcast %squeeze3A_749 : f32 to vector<16xf32>
            %mul3A_816 = arith.mulf %get3A_814, %mul3A_815 : vector<16xf32>
            %swap3A_817 = arith.index_cast %squeeze3A_751 : i32 to index
            %swap3A_818 = arith.constant 112 : index
            %swap3A_819 = tpu.vector_load %arg14[%swap3A_817, %swap3A_818] {strides = array<i32>} : memref<328x128xf32, #tpu.memory_space<vmem>>, vector<16xf32>,
            tpu.vector_store %arg14[%swap3A_817, %swap3A_818], %mul3A_816 {add = true, strides = array<i32>} : memref<328x128xf32, #tpu.memory_space<vmem>>, vector<16xf32>,
            %slice3A_820 = vector.extract_strided_slice %get3A_168 {offsets = [9], sizes = [1], strides = [1]} : vector<16xf32> to vector<1xf32>
            %squeeze3A_821 = vector.extract %slice3A_820[0] : f32 from vector<1xf32>
            %slice3A_822 = vector.extract_strided_slice %get3A_173 {offsets = [9], sizes = [1], strides = [1]} : vector<16xi32> to vector<1xi32>
            %squeeze3A_823 = vector.extract %slice3A_822[0] : i32 from vector<1xi32>
            %mul3A_824 = arith.constant 16 : i32
            %mul3A_825 = arith.muli %scan3A_164, %mul3A_824 : i32
            %add3A_826 = arith.constant 9 : i32
            %add3A_827 = arith.addi %mul3A_825, %add3A_826 : i32
            %get3A_828 = arith.index_cast %add3A_827 : i32 to index
            %get3A_829 = arith.constant 0 : index
            %get3A_830 = tpu.vector_load %arg13[%get3A_828, %get3A_829] {strides = array<i32>} : memref<128x128xf32, #tpu.memory_space<vmem>>, vector<16xf32>,
            %mul3A_831 = vector.broadcast %squeeze3A_821 : f32 to vector<16xf32>
            %mul3A_832 = arith.mulf %get3A_830, %mul3A_831 : vector<16xf32>
            %swap3A_833 = arith.index_cast %squeeze3A_823 : i32 to index
            %swap3A_834 = arith.constant 0 : index
            %swap3A_835 = tpu.vector_load %arg14[%swap3A_833, %swap3A_834] {strides = array<i32>} : memref<328x128xf32, #tpu.memory_space<vmem>>, vector<16xf32>,
            tpu.vector_store %arg14[%swap3A_833, %swap3A_834], %mul3A_832 {add = true, strides = array<i32>} : memref<328x128xf32, #tpu.memory_space<vmem>>, vector<16xf32>,
            %get3A_836 = arith.index_cast %add3A_827 : i32 to index
            %get3A_837 = arith.constant 16 : index
            %get3A_838 = tpu.vector_load %arg13[%get3A_836, %get3A_837] {strides = array<i32>} : memref<128x128xf32, #tpu.memory_space<vmem>>, vector<16xf32>,
            %mul3A_839 = vector.broadcast %squeeze3A_821 : f32 to vector<16xf32>
            %mul3A_840 = arith.mulf %get3A_838, %mul3A_839 : vector<16xf32>
            %swap3A_841 = arith.index_cast %squeeze3A_823 : i32 to index
            %swap3A_842 = arith.constant 16 : index
            %swap3A_843 = tpu.vector_load %arg14[%swap3A_841, %swap3A_842] {strides = array<i32>} : memref<328x128xf32, #tpu.memory_space<vmem>>, vector<16xf32>,
            tpu.vector_store %arg14[%swap3A_841, %swap3A_842], %mul3A_840 {add = true, strides = array<i32>} : memref<328x128xf32, #tpu.memory_space<vmem>>, vector<16xf32>,
            %get3A_844 = arith.index_cast %add3A_827 : i32 to index
            %get3A_845 = arith.constant 32 : index
            %get3A_846 = tpu.vector_load %arg13[%get3A_844, %get3A_845] {strides = array<i32>} : memref<128x128xf32, #tpu.memory_space<vmem>>, vector<16xf32>,
            %mul3A_847 = vector.broadcast %squeeze3A_821 : f32 to vector<16xf32>
            %mul3A_848 = arith.mulf %get3A_846, %mul3A_847 : vector<16xf32>
            %swap3A_849 = arith.index_cast %squeeze3A_823 : i32 to index
            %swap3A_850 = arith.constant 32 : index
            %swap3A_851 = tpu.vector_load %arg14[%swap3A_849, %swap3A_850] {strides = array<i32>} : memref<328x128xf32, #tpu.memory_space<vmem>>, vector<16xf32>,
            tpu.vector_store %arg14[%swap3A_849, %swap3A_850], %mul3A_848 {add = true, strides = array<i32>} : memref<328x128xf32, #tpu.memory_space<vmem>>, vector<16xf32>,
            %get3A_852 = arith.index_cast %add3A_827 : i32 to index
            %get3A_853 = arith.constant 48 : index
            %get3A_854 = tpu.vector_load %arg13[%get3A_852, %get3A_853] {strides = array<i32>} : memref<128x128xf32, #tpu.memory_space<vmem>>, vector<16xf32>,
            %mul3A_855 = vector.broadcast %squeeze3A_821 : f32 to vector<16xf32>
            %mul3A_856 = arith.mulf %get3A_854, %mul3A_855 : vector<16xf32>
            %swap3A_857 = arith.index_cast %squeeze3A_823 : i32 to index
            %swap3A_858 = arith.constant 48 : index
            %swap3A_859 = tpu.vector_load %arg14[%swap3A_857, %swap3A_858] {strides = array<i32>} : memref<328x128xf32, #tpu.memory_space<vmem>>, vector<16xf32>,
            tpu.vector_store %arg14[%swap3A_857, %swap3A_858], %mul3A_856 {add = true, strides = array<i32>} : memref<328x128xf32, #tpu.memory_space<vmem>>, vector<16xf32>,
            %get3A_860 = arith.index_cast %add3A_827 : i32 to index
            %get3A_861 = arith.constant 64 : index
            %get3A_862 = tpu.vector_load %arg13[%get3A_860, %get3A_861] {strides = array<i32>} : memref<128x128xf32, #tpu.memory_space<vmem>>, vector<16xf32>,
            %mul3A_863 = vector.broadcast %squeeze3A_821 : f32 to vector<16xf32>
            %mul3A_864 = arith.mulf %get3A_862, %mul3A_863 : vector<16xf32>
            %swap3A_865 = arith.index_cast %squeeze3A_823 : i32 to index
            %swap3A_866 = arith.constant 64 : index
            %swap3A_867 = tpu.vector_load %arg14[%swap3A_865, %swap3A_866] {strides = array<i32>} : memref<328x128xf32, #tpu.memory_space<vmem>>, vector<16xf32>,
            tpu.vector_store %arg14[%swap3A_865, %swap3A_866], %mul3A_864 {add = true, strides = array<i32>} : memref<328x128xf32, #tpu.memory_space<vmem>>, vector<16xf32>,
            %get3A_868 = arith.index_cast %add3A_827 : i32 to index
            %get3A_869 = arith.constant 80 : index
            %get3A_870 = tpu.vector_load %arg13[%get3A_868, %get3A_869] {strides = array<i32>} : memref<128x128xf32, #tpu.memory_space<vmem>>, vector<16xf32>,
            %mul3A_871 = vector.broadcast %squeeze3A_821 : f32 to vector<16xf32>
            %mul3A_872 = arith.mulf %get3A_870, %mul3A_871 : vector<16xf32>
            %swap3A_873 = arith.index_cast %squeeze3A_823 : i32 to index
            %swap3A_874 = arith.constant 80 : index
            %swap3A_875 = tpu.vector_load %arg14[%swap3A_873, %swap3A_874] {strides = array<i32>} : memref<328x128xf32, #tpu.memory_space<vmem>>, vector<16xf32>,
            tpu.vector_store %arg14[%swap3A_873, %swap3A_874], %mul3A_872 {add = true, strides = array<i32>} : memref<328x128xf32, #tpu.memory_space<vmem>>, vector<16xf32>,
            %get3A_876 = arith.index_cast %add3A_827 : i32 to index
            %get3A_877 = arith.constant 96 : index
            %get3A_878 = tpu.vector_load %arg13[%get3A_876, %get3A_877] {strides = array<i32>} : memref<128x128xf32, #tpu.memory_space<vmem>>, vector<16xf32>,
            %mul3A_879 = vector.broadcast %squeeze3A_821 : f32 to vector<16xf32>
            %mul3A_880 = arith.mulf %get3A_878, %mul3A_879 : vector<16xf32>
            %swap3A_881 = arith.index_cast %squeeze3A_823 : i32 to index
            %swap3A_882 = arith.constant 96 : index
            %swap3A_883 = tpu.vector_load %arg14[%swap3A_881, %swap3A_882] {strides = array<i32>} : memref<328x128xf32, #tpu.memory_space<vmem>>, vector<16xf32>,
            tpu.vector_store %arg14[%swap3A_881, %swap3A_882], %mul3A_880 {add = true, strides = array<i32>} : memref<328x128xf32, #tpu.memory_space<vmem>>, vector<16xf32>,
            %get3A_884 = arith.index_cast %add3A_827 : i32 to index
            %get3A_885 = arith.constant 112 : index
            %get3A_886 = tpu.vector_load %arg13[%get3A_884, %get3A_885] {strides = array<i32>} : memref<128x128xf32, #tpu.memory_space<vmem>>, vector<16xf32>,
            %mul3A_887 = vector.broadcast %squeeze3A_821 : f32 to vector<16xf32>
            %mul3A_888 = arith.mulf %get3A_886, %mul3A_887 : vector<16xf32>
            %swap3A_889 = arith.index_cast %squeeze3A_823 : i32 to index
            %swap3A_890 = arith.constant 112 : index
            %swap3A_891 = tpu.vector_load %arg14[%swap3A_889, %swap3A_890] {strides = array<i32>} : memref<328x128xf32, #tpu.memory_space<vmem>>, vector<16xf32>,
            tpu.vector_store %arg14[%swap3A_889, %swap3A_890], %mul3A_888 {add = true, strides = array<i32>} : memref<328x128xf32, #tpu.memory_space<vmem>>, vector<16xf32>,
            %slice3A_892 = vector.extract_strided_slice %get3A_168 {offsets = [10], sizes = [1], strides = [1]} : vector<16xf32> to vector<1xf32>
            %squeeze3A_893 = vector.extract %slice3A_892[0] : f32 from vector<1xf32>
            %slice3A_894 = vector.extract_strided_slice %get3A_173 {offsets = [10], sizes = [1], strides = [1]} : vector<16xi32> to vector<1xi32>
            %squeeze3A_895 = vector.extract %slice3A_894[0] : i32 from vector<1xi32>
            %mul3A_896 = arith.constant 16 : i32
            %mul3A_897 = arith.muli %scan3A_164, %mul3A_896 : i32
            %add3A_898 = arith.constant 10 : i32
            %add3A_899 = arith.addi %mul3A_897, %add3A_898 : i32
            %get3A_900 = arith.index_cast %add3A_899 : i32 to index
            %get3A_901 = arith.constant 0 : index
            %get3A_902 = tpu.vector_load %arg13[%get3A_900, %get3A_901] {strides = array<i32>} : memref<128x128xf32, #tpu.memory_space<vmem>>, vector<16xf32>,
            %mul3A_903 = vector.broadcast %squeeze3A_893 : f32 to vector<16xf32>
            %mul3A_904 = arith.mulf %get3A_902, %mul3A_903 : vector<16xf32>
            %swap3A_905 = arith.index_cast %squeeze3A_895 : i32 to index
            %swap3A_906 = arith.constant 0 : index
            %swap3A_907 = tpu.vector_load %arg14[%swap3A_905, %swap3A_906] {strides = array<i32>} : memref<328x128xf32, #tpu.memory_space<vmem>>, vector<16xf32>,
            tpu.vector_store %arg14[%swap3A_905, %swap3A_906], %mul3A_904 {add = true, strides = array<i32>} : memref<328x128xf32, #tpu.memory_space<vmem>>, vector<16xf32>,
            %get3A_908 = arith.index_cast %add3A_899 : i32 to index
            %get3A_909 = arith.constant 16 : index
            %get3A_910 = tpu.vector_load %arg13[%get3A_908, %get3A_909] {strides = array<i32>} : memref<128x128xf32, #tpu.memory_space<vmem>>, vector<16xf32>,
            %mul3A_911 = vector.broadcast %squeeze3A_893 : f32 to vector<16xf32>
            %mul3A_912 = arith.mulf %get3A_910, %mul3A_911 : vector<16xf32>
            %swap3A_913 = arith.index_cast %squeeze3A_895 : i32 to index
            %swap3A_914 = arith.constant 16 : index
            %swap3A_915 = tpu.vector_load %arg14[%swap3A_913, %swap3A_914] {strides = array<i32>} : memref<328x128xf32, #tpu.memory_space<vmem>>, vector<16xf32>,
            tpu.vector_store %arg14[%swap3A_913, %swap3A_914], %mul3A_912 {add = true, strides = array<i32>} : memref<328x128xf32, #tpu.memory_space<vmem>>, vector<16xf32>,
            %get3A_916 = arith.index_cast %add3A_899 : i32 to index
            %get3A_917 = arith.constant 32 : index
            %get3A_918 = tpu.vector_load %arg13[%get3A_916, %get3A_917] {strides = array<i32>} : memref<128x128xf32, #tpu.memory_space<vmem>>, vector<16xf32>,
            %mul3A_919 = vector.broadcast %squeeze3A_893 : f32 to vector<16xf32>
            %mul3A_920 = arith.mulf %get3A_918, %mul3A_919 : vector<16xf32>
            %swap3A_921 = arith.index_cast %squeeze3A_895 : i32 to index
            %swap3A_922 = arith.constant 32 : index
            %swap3A_923 = tpu.vector_load %arg14[%swap3A_921, %swap3A_922] {strides = array<i32>} : memref<328x128xf32, #tpu.memory_space<vmem>>, vector<16xf32>,
            tpu.vector_store %arg14[%swap3A_921, %swap3A_922], %mul3A_920 {add = true, strides = array<i32>} : memref<328x128xf32, #tpu.memory_space<vmem>>, vector<16xf32>,
            %get3A_924 = arith.index_cast %add3A_899 : i32 to index
            %get3A_925 = arith.constant 48 : index
            %get3A_926 = tpu.vector_load %arg13[%get3A_924, %get3A_925] {strides = array<i32>} : memref<128x128xf32, #tpu.memory_space<vmem>>, vector<16xf32>,
            %mul3A_927 = vector.broadcast %squeeze3A_893 : f32 to vector<16xf32>
            %mul3A_928 = arith.mulf %get3A_926, %mul3A_927 : vector<16xf32>
            %swap3A_929 = arith.index_cast %squeeze3A_895 : i32 to index
            %swap3A_930 = arith.constant 48 : index
            %swap3A_931 = tpu.vector_load %arg14[%swap3A_929, %swap3A_930] {strides = array<i32>} : memref<328x128xf32, #tpu.memory_space<vmem>>, vector<16xf32>,
            tpu.vector_store %arg14[%swap3A_929, %swap3A_930], %mul3A_928 {add = true, strides = array<i32>} : memref<328x128xf32, #tpu.memory_space<vmem>>, vector<16xf32>,
            %get3A_932 = arith.index_cast %add3A_899 : i32 to index
            %get3A_933 = arith.constant 64 : index
            %get3A_934 = tpu.vector_load %arg13[%get3A_932, %get3A_933] {strides = array<i32>} : memref<128x128xf32, #tpu.memory_space<vmem>>, vector<16xf32>,
            %mul3A_935 = vector.broadcast %squeeze3A_893 : f32 to vector<16xf32>
            %mul3A_936 = arith.mulf %get3A_934, %mul3A_935 : vector<16xf32>
            %swap3A_937 = arith.index_cast %squeeze3A_895 : i32 to index
            %swap3A_938 = arith.constant 64 : index
            %swap3A_939 = tpu.vector_load %arg14[%swap3A_937, %swap3A_938] {strides = array<i32>} : memref<328x128xf32, #tpu.memory_space<vmem>>, vector<16xf32>,
            tpu.vector_store %arg14[%swap3A_937, %swap3A_938], %mul3A_936 {add = true, strides = array<i32>} : memref<328x128xf32, #tpu.memory_space<vmem>>, vector<16xf32>,
            %get3A_940 = arith.index_cast %add3A_899 : i32 to index
            %get3A_941 = arith.constant 80 : index
            %get3A_942 = tpu.vector_load %arg13[%get3A_940, %get3A_941] {strides = array<i32>} : memref<128x128xf32, #tpu.memory_space<vmem>>, vector<16xf32>,
            %mul3A_943 = vector.broadcast %squeeze3A_893 : f32 to vector<16xf32>
            %mul3A_944 = arith.mulf %get3A_942, %mul3A_943 : vector<16xf32>
            %swap3A_945 = arith.index_cast %squeeze3A_895 : i32 to index
            %swap3A_946 = arith.constant 80 : index
            %swap3A_947 = tpu.vector_load %arg14[%swap3A_945, %swap3A_946] {strides = array<i32>} : memref<328x128xf32, #tpu.memory_space<vmem>>, vector<16xf32>,
            tpu.vector_store %arg14[%swap3A_945, %swap3A_946], %mul3A_944 {add = true, strides = array<i32>} : memref<328x128xf32, #tpu.memory_space<vmem>>, vector<16xf32>,
            %get3A_948 = arith.index_cast %add3A_899 : i32 to index
            %get3A_949 = arith.constant 96 : index
            %get3A_950 = tpu.vector_load %arg13[%get3A_948, %get3A_949] {strides = array<i32>} : memref<128x128xf32, #tpu.memory_space<vmem>>, vector<16xf32>,
            %mul3A_951 = vector.broadcast %squeeze3A_893 : f32 to vector<16xf32>
            %mul3A_952 = arith.mulf %get3A_950, %mul3A_951 : vector<16xf32>
            %swap3A_953 = arith.index_cast %squeeze3A_895 : i32 to index
            %swap3A_954 = arith.constant 96 : index
            %swap3A_955 = tpu.vector_load %arg14[%swap3A_953, %swap3A_954] {strides = array<i32>} : memref<328x128xf32, #tpu.memory_space<vmem>>, vector<16xf32>,
            tpu.vector_store %arg14[%swap3A_953, %swap3A_954], %mul3A_952 {add = true, strides = array<i32>} : memref<328x128xf32, #tpu.memory_space<vmem>>, vector<16xf32>,
            %get3A_956 = arith.index_cast %add3A_899 : i32 to index
            %get3A_957 = arith.constant 112 : index
            %get3A_958 = tpu.vector_load %arg13[%get3A_956, %get3A_957] {strides = array<i32>} : memref<128x128xf32, #tpu.memory_space<vmem>>, vector<16xf32>,
            %mul3A_959 = vector.broadcast %squeeze3A_893 : f32 to vector<16xf32>
            %mul3A_960 = arith.mulf %get3A_958, %mul3A_959 : vector<16xf32>
            %swap3A_961 = arith.index_cast %squeeze3A_895 : i32 to index
            %swap3A_962 = arith.constant 112 : index
            %swap3A_963 = tpu.vector_load %arg14[%swap3A_961, %swap3A_962] {strides = array<i32>} : memref<328x128xf32, #tpu.memory_space<vmem>>, vector<16xf32>,
            tpu.vector_store %arg14[%swap3A_961, %swap3A_962], %mul3A_960 {add = true, strides = array<i32>} : memref<328x128xf32, #tpu.memory_space<vmem>>, vector<16xf32>,
            %slice3A_964 = vector.extract_strided_slice %get3A_168 {offsets = [11], sizes = [1], strides = [1]} : vector<16xf32> to vector<1xf32>
            %squeeze3A_965 = vector.extract %slice3A_964[0] : f32 from vector<1xf32>
            %slice3A_966 = vector.extract_strided_slice %get3A_173 {offsets = [11], sizes = [1], strides = [1]} : vector<16xi32> to vector<1xi32>
            %squeeze3A_967 = vector.extract %slice3A_966[0] : i32 from vector<1xi32>
            %mul3A_968 = arith.constant 16 : i32
            %mul3A_969 = arith.muli %scan3A_164, %mul3A_968 : i32
            %add3A_970 = arith.constant 11 : i32
            %add3A_971 = arith.addi %mul3A_969, %add3A_970 : i32
            %get3A_972 = arith.index_cast %add3A_971 : i32 to index
            %get3A_973 = arith.constant 0 : index
            %get3A_974 = tpu.vector_load %arg13[%get3A_972, %get3A_973] {strides = array<i32>} : memref<128x128xf32, #tpu.memory_space<vmem>>, vector<16xf32>,
            %mul3A_975 = vector.broadcast %squeeze3A_965 : f32 to vector<16xf32>
            %mul3A_976 = arith.mulf %get3A_974, %mul3A_975 : vector<16xf32>
            %swap3A_977 = arith.index_cast %squeeze3A_967 : i32 to index
            %swap3A_978 = arith.constant 0 : index
            %swap3A_979 = tpu.vector_load %arg14[%swap3A_977, %swap3A_978] {strides = array<i32>} : memref<328x128xf32, #tpu.memory_space<vmem>>, vector<16xf32>,
            tpu.vector_store %arg14[%swap3A_977, %swap3A_978], %mul3A_976 {add = true, strides = array<i32>} : memref<328x128xf32, #tpu.memory_space<vmem>>, vector<16xf32>,
            %get3A_980 = arith.index_cast %add3A_971 : i32 to index
            %get3A_981 = arith.constant 16 : index
            %get3A_982 = tpu.vector_load %arg13[%get3A_980, %get3A_981] {strides = array<i32>} : memref<128x128xf32, #tpu.memory_space<vmem>>, vector<16xf32>,
            %mul3A_983 = vector.broadcast %squeeze3A_965 : f32 to vector<16xf32>
            %mul3A_984 = arith.mulf %get3A_982, %mul3A_983 : vector<16xf32>
            %swap3A_985 = arith.index_cast %squeeze3A_967 : i32 to index
            %swap3A_986 = arith.constant 16 : index
            %swap3A_987 = tpu.vector_load %arg14[%swap3A_985, %swap3A_986] {strides = array<i32>} : memref<328x128xf32, #tpu.memory_space<vmem>>, vector<16xf32>,
            tpu.vector_store %arg14[%swap3A_985, %swap3A_986], %mul3A_984 {add = true, strides = array<i32>} : memref<328x128xf32, #tpu.memory_space<vmem>>, vector<16xf32>,
            %get3A_988 = arith.index_cast %add3A_971 : i32 to index
            %get3A_989 = arith.constant 32 : index
            %get3A_990 = tpu.vector_load %arg13[%get3A_988, %get3A_989] {strides = array<i32>} : memref<128x128xf32, #tpu.memory_space<vmem>>, vector<16xf32>,
            %mul3A_991 = vector.broadcast %squeeze3A_965 : f32 to vector<16xf32>
            %mul3A_992 = arith.mulf %get3A_990, %mul3A_991 : vector<16xf32>
            %swap3A_993 = arith.index_cast %squeeze3A_967 : i32 to index
            %swap3A_994 = arith.constant 32 : index
            %swap3A_995 = tpu.vector_load %arg14[%swap3A_993, %swap3A_994] {strides = array<i32>} : memref<328x128xf32, #tpu.memory_space<vmem>>, vector<16xf32>,
            tpu.vector_store %arg14[%swap3A_993, %swap3A_994], %mul3A_992 {add = true, strides = array<i32>} : memref<328x128xf32, #tpu.memory_space<vmem>>, vector<16xf32>,
            %get3A_996 = arith.index_cast %add3A_971 : i32 to index
            %get3A_997 = arith.constant 48 : index
            %get3A_998 = tpu.vector_load %arg13[%get3A_996, %get3A_997] {strides = array<i32>} : memref<128x128xf32, #tpu.memory_space<vmem>>, vector<16xf32>,
            %mul3A_999 = vector.broadcast %squeeze3A_965 : f32 to vector<16xf32>
            %mul3A_1000 = arith.mulf %get3A_998, %mul3A_999 : vector<16xf32>
            %swap3A_1001 = arith.index_cast %squeeze3A_967 : i32 to index
            %swap3A_1002 = arith.constant 48 : index
            %swap3A_1003 = tpu.vector_load %arg14[%swap3A_1001, %swap3A_1002] {strides = array<i32>} : memref<328x128xf32, #tpu.memory_space<vmem>>, vector<16xf32>,
            tpu.vector_store %arg14[%swap3A_1001, %swap3A_1002], %mul3A_1000 {add = true, strides = array<i32>} : memref<328x128xf32, #tpu.memory_space<vmem>>, vector<16xf32>,
            %get3A_1004 = arith.index_cast %add3A_971 : i32 to index
            %get3A_1005 = arith.constant 64 : index
            %get3A_1006 = tpu.vector_load %arg13[%get3A_1004, %get3A_1005] {strides = array<i32>} : memref<128x128xf32, #tpu.memory_space<vmem>>, vector<16xf32>,
            %mul3A_1007 = vector.broadcast %squeeze3A_965 : f32 to vector<16xf32>
            %mul3A_1008 = arith.mulf %get3A_1006, %mul3A_1007 : vector<16xf32>
            %swap3A_1009 = arith.index_cast %squeeze3A_967 : i32 to index
            %swap3A_1010 = arith.constant 64 : index
            %swap3A_1011 = tpu.vector_load %arg14[%swap3A_1009, %swap3A_1010] {strides = array<i32>} : memref<328x128xf32, #tpu.memory_space<vmem>>, vector<16xf32>,
            tpu.vector_store %arg14[%swap3A_1009, %swap3A_1010], %mul3A_1008 {add = true, strides = array<i32>} : memref<328x128xf32, #tpu.memory_space<vmem>>, vector<16xf32>,
            %get3A_1012 = arith.index_cast %add3A_971 : i32 to index
            %get3A_1013 = arith.constant 80 : index
            %get3A_1014 = tpu.vector_load %arg13[%get3A_1012, %get3A_1013] {strides = array<i32>} : memref<128x128xf32, #tpu.memory_space<vmem>>, vector<16xf32>,
            %mul3A_1015 = vector.broadcast %squeeze3A_965 : f32 to vector<16xf32>
            %mul3A_1016 = arith.mulf %get3A_1014, %mul3A_1015 : vector<16xf32>
            %swap3A_1017 = arith.index_cast %squeeze3A_967 : i32 to index
            %swap3A_1018 = arith.constant 80 : index
            %swap3A_1019 = tpu.vector_load %arg14[%swap3A_1017, %swap3A_1018] {strides = array<i32>} : memref<328x128xf32, #tpu.memory_space<vmem>>, vector<16xf32>,
            tpu.vector_store %arg14[%swap3A_1017, %swap3A_1018], %mul3A_1016 {add = true, strides = array<i32>} : memref<328x128xf32, #tpu.memory_space<vmem>>, vector<16xf32>,
            %get3A_1020 = arith.index_cast %add3A_971 : i32 to index
            %get3A_1021 = arith.constant 96 : index
            %get3A_1022 = tpu.vector_load %arg13[%get3A_1020, %get3A_1021] {strides = array<i32>} : memref<128x128xf32, #tpu.memory_space<vmem>>, vector<16xf32>,
            %mul3A_1023 = vector.broadcast %squeeze3A_965 : f32 to vector<16xf32>
            %mul3A_1024 = arith.mulf %get3A_1022, %mul3A_1023 : vector<16xf32>
            %swap3A_1025 = arith.index_cast %squeeze3A_967 : i32 to index
            %swap3A_1026 = arith.constant 96 : index
            %swap3A_1027 = tpu.vector_load %arg14[%swap3A_1025, %swap3A_1026] {strides = array<i32>} : memref<328x128xf32, #tpu.memory_space<vmem>>, vector<16xf32>,
            tpu.vector_store %arg14[%swap3A_1025, %swap3A_1026], %mul3A_1024 {add = true, strides = array<i32>} : memref<328x128xf32, #tpu.memory_space<vmem>>, vector<16xf32>,
            %get3A_1028 = arith.index_cast %add3A_971 : i32 to index
            %get3A_1029 = arith.constant 112 : index
            %get3A_1030 = tpu.vector_load %arg13[%get3A_1028, %get3A_1029] {strides = array<i32>} : memref<128x128xf32, #tpu.memory_space<vmem>>, vector<16xf32>,
            %mul3A_1031 = vector.broadcast %squeeze3A_965 : f32 to vector<16xf32>
            %mul3A_1032 = arith.mulf %get3A_1030, %mul3A_1031 : vector<16xf32>
            %swap3A_1033 = arith.index_cast %squeeze3A_967 : i32 to index
            %swap3A_1034 = arith.constant 112 : index
            %swap3A_1035 = tpu.vector_load %arg14[%swap3A_1033, %swap3A_1034] {strides = array<i32>} : memref<328x128xf32, #tpu.memory_space<vmem>>, vector<16xf32>,
            tpu.vector_store %arg14[%swap3A_1033, %swap3A_1034], %mul3A_1032 {add = true, strides = array<i32>} : memref<328x128xf32, #tpu.memory_space<vmem>>, vector<16xf32>,
            %slice3A_1036 = vector.extract_strided_slice %get3A_168 {offsets = [12], sizes = [1], strides = [1]} : vector<16xf32> to vector<1xf32>
            %squeeze3A_1037 = vector.extract %slice3A_1036[0] : f32 from vector<1xf32>
            %slice3A_1038 = vector.extract_strided_slice %get3A_173 {offsets = [12], sizes = [1], strides = [1]} : vector<16xi32> to vector<1xi32>
            %squeeze3A_1039 = vector.extract %slice3A_1038[0] : i32 from vector<1xi32>
            %mul3A_1040 = arith.constant 16 : i32
            %mul3A_1041 = arith.muli %scan3A_164, %mul3A_1040 : i32
            %add3A_1042 = arith.constant 12 : i32
            %add3A_1043 = arith.addi %mul3A_1041, %add3A_1042 : i32
            %get3A_1044 = arith.index_cast %add3A_1043 : i32 to index
            %get3A_1045 = arith.constant 0 : index
            %get3A_1046 = tpu.vector_load %arg13[%get3A_1044, %get3A_1045] {strides = array<i32>} : memref<128x128xf32, #tpu.memory_space<vmem>>, vector<16xf32>,
            %mul3A_1047 = vector.broadcast %squeeze3A_1037 : f32 to vector<16xf32>
            %mul3A_1048 = arith.mulf %get3A_1046, %mul3A_1047 : vector<16xf32>
            %swap3A_1049 = arith.index_cast %squeeze3A_1039 : i32 to index
            %swap3A_1050 = arith.constant 0 : index
            %swap3A_1051 = tpu.vector_load %arg14[%swap3A_1049, %swap3A_1050] {strides = array<i32>} : memref<328x128xf32, #tpu.memory_space<vmem>>, vector<16xf32>,
            tpu.vector_store %arg14[%swap3A_1049, %swap3A_1050], %mul3A_1048 {add = true, strides = array<i32>} : memref<328x128xf32, #tpu.memory_space<vmem>>, vector<16xf32>,
            %get3A_1052 = arith.index_cast %add3A_1043 : i32 to index
            %get3A_1053 = arith.constant 16 : index
            %get3A_1054 = tpu.vector_load %arg13[%get3A_1052, %get3A_1053] {strides = array<i32>} : memref<128x128xf32, #tpu.memory_space<vmem>>, vector<16xf32>,
            %mul3A_1055 = vector.broadcast %squeeze3A_1037 : f32 to vector<16xf32>
            %mul3A_1056 = arith.mulf %get3A_1054, %mul3A_1055 : vector<16xf32>
            %swap3A_1057 = arith.index_cast %squeeze3A_1039 : i32 to index
            %swap3A_1058 = arith.constant 16 : index
            %swap3A_1059 = tpu.vector_load %arg14[%swap3A_1057, %swap3A_1058] {strides = array<i32>} : memref<328x128xf32, #tpu.memory_space<vmem>>, vector<16xf32>,
            tpu.vector_store %arg14[%swap3A_1057, %swap3A_1058], %mul3A_1056 {add = true, strides = array<i32>} : memref<328x128xf32, #tpu.memory_space<vmem>>, vector<16xf32>,
            %get3A_1060 = arith.index_cast %add3A_1043 : i32 to index
            %get3A_1061 = arith.constant 32 : index
            %get3A_1062 = tpu.vector_load %arg13[%get3A_1060, %get3A_1061] {strides = array<i32>} : memref<128x128xf32, #tpu.memory_space<vmem>>, vector<16xf32>,
            %mul3A_1063 = vector.broadcast %squeeze3A_1037 : f32 to vector<16xf32>
            %mul3A_1064 = arith.mulf %get3A_1062, %mul3A_1063 : vector<16xf32>
            %swap3A_1065 = arith.index_cast %squeeze3A_1039 : i32 to index
            %swap3A_1066 = arith.constant 32 : index
            %swap3A_1067 = tpu.vector_load %arg14[%swap3A_1065, %swap3A_1066] {strides = array<i32>} : memref<328x128xf32, #tpu.memory_space<vmem>>, vector<16xf32>,
            tpu.vector_store %arg14[%swap3A_1065, %swap3A_1066], %mul3A_1064 {add = true, strides = array<i32>} : memref<328x128xf32, #tpu.memory_space<vmem>>, vector<16xf32>,
            %get3A_1068 = arith.index_cast %add3A_1043 : i32 to index
            %get3A_1069 = arith.constant 48 : index
            %get3A_1070 = tpu.vector_load %arg13[%get3A_1068, %get3A_1069] {strides = array<i32>} : memref<128x128xf32, #tpu.memory_space<vmem>>, vector<16xf32>,
            %mul3A_1071 = vector.broadcast %squeeze3A_1037 : f32 to vector<16xf32>
            %mul3A_1072 = arith.mulf %get3A_1070, %mul3A_1071 : vector<16xf32>
            %swap3A_1073 = arith.index_cast %squeeze3A_1039 : i32 to index
            %swap3A_1074 = arith.constant 48 : index
            %swap3A_1075 = tpu.vector_load %arg14[%swap3A_1073, %swap3A_1074] {strides = array<i32>} : memref<328x128xf32, #tpu.memory_space<vmem>>, vector<16xf32>,
            tpu.vector_store %arg14[%swap3A_1073, %swap3A_1074], %mul3A_1072 {add = true, strides = array<i32>} : memref<328x128xf32, #tpu.memory_space<vmem>>, vector<16xf32>,
            %get3A_1076 = arith.index_cast %add3A_1043 : i32 to index
            %get3A_1077 = arith.constant 64 : index
            %get3A_1078 = tpu.vector_load %arg13[%get3A_1076, %get3A_1077] {strides = array<i32>} : memref<128x128xf32, #tpu.memory_space<vmem>>, vector<16xf32>,
            %mul3A_1079 = vector.broadcast %squeeze3A_1037 : f32 to vector<16xf32>
            %mul3A_1080 = arith.mulf %get3A_1078, %mul3A_1079 : vector<16xf32>
            %swap3A_1081 = arith.index_cast %squeeze3A_1039 : i32 to index
            %swap3A_1082 = arith.constant 64 : index
            %swap3A_1083 = tpu.vector_load %arg14[%swap3A_1081, %swap3A_1082] {strides = array<i32>} : memref<328x128xf32, #tpu.memory_space<vmem>>, vector<16xf32>,
            tpu.vector_store %arg14[%swap3A_1081, %swap3A_1082], %mul3A_1080 {add = true, strides = array<i32>} : memref<328x128xf32, #tpu.memory_space<vmem>>, vector<16xf32>,
            %get3A_1084 = arith.index_cast %add3A_1043 : i32 to index
            %get3A_1085 = arith.constant 80 : index
            %get3A_1086 = tpu.vector_load %arg13[%get3A_1084, %get3A_1085] {strides = array<i32>} : memref<128x128xf32, #tpu.memory_space<vmem>>, vector<16xf32>,
            %mul3A_1087 = vector.broadcast %squeeze3A_1037 : f32 to vector<16xf32>
            %mul3A_1088 = arith.mulf %get3A_1086, %mul3A_1087 : vector<16xf32>
            %swap3A_1089 = arith.index_cast %squeeze3A_1039 : i32 to index
            %swap3A_1090 = arith.constant 80 : index
            %swap3A_1091 = tpu.vector_load %arg14[%swap3A_1089, %swap3A_1090] {strides = array<i32>} : memref<328x128xf32, #tpu.memory_space<vmem>>, vector<16xf32>,
            tpu.vector_store %arg14[%swap3A_1089, %swap3A_1090], %mul3A_1088 {add = true, strides = array<i32>} : memref<328x128xf32, #tpu.memory_space<vmem>>, vector<16xf32>,
            %get3A_1092 = arith.index_cast %add3A_1043 : i32 to index
            %get3A_1093 = arith.constant 96 : index
            %get3A_1094 = tpu.vector_load %arg13[%get3A_1092, %get3A_1093] {strides = array<i32>} : memref<128x128xf32, #tpu.memory_space<vmem>>, vector<16xf32>,
            %mul3A_1095 = vector.broadcast %squeeze3A_1037 : f32 to vector<16xf32>
            %mul3A_1096 = arith.mulf %get3A_1094, %mul3A_1095 : vector<16xf32>
            %swap3A_1097 = arith.index_cast %squeeze3A_1039 : i32 to index
            %swap3A_1098 = arith.constant 96 : index
            %swap3A_1099 = tpu.vector_load %arg14[%swap3A_1097, %swap3A_1098] {strides = array<i32>} : memref<328x128xf32, #tpu.memory_space<vmem>>, vector<16xf32>,
            tpu.vector_store %arg14[%swap3A_1097, %swap3A_1098], %mul3A_1096 {add = true, strides = array<i32>} : memref<328x128xf32, #tpu.memory_space<vmem>>, vector<16xf32>,
            %get3A_1100 = arith.index_cast %add3A_1043 : i32 to index
            %get3A_1101 = arith.constant 112 : index
            %get3A_1102 = tpu.vector_load %arg13[%get3A_1100, %get3A_1101] {strides = array<i32>} : memref<128x128xf32, #tpu.memory_space<vmem>>, vector<16xf32>,
            %mul3A_1103 = vector.broadcast %squeeze3A_1037 : f32 to vector<16xf32>
            %mul3A_1104 = arith.mulf %get3A_1102, %mul3A_1103 : vector<16xf32>
            %swap3A_1105 = arith.index_cast %squeeze3A_1039 : i32 to index
            %swap3A_1106 = arith.constant 112 : index
            %swap3A_1107 = tpu.vector_load %arg14[%swap3A_1105, %swap3A_1106] {strides = array<i32>} : memref<328x128xf32, #tpu.memory_space<vmem>>, vector<16xf32>,
            tpu.vector_store %arg14[%swap3A_1105, %swap3A_1106], %mul3A_1104 {add = true, strides = array<i32>} : memref<328x128xf32, #tpu.memory_space<vmem>>, vector<16xf32>,
            %slice3A_1108 = vector.extract_strided_slice %get3A_168 {offsets = [13], sizes = [1], strides = [1]} : vector<16xf32> to vector<1xf32>
            %squeeze3A_1109 = vector.extract %slice3A_1108[0] : f32 from vector<1xf32>
            %slice3A_1110 = vector.extract_strided_slice %get3A_173 {offsets = [13], sizes = [1], strides = [1]} : vector<16xi32> to vector<1xi32>
            %squeeze3A_1111 = vector.extract %slice3A_1110[0] : i32 from vector<1xi32>
            %mul3A_1112 = arith.constant 16 : i32
            %mul3A_1113 = arith.muli %scan3A_164, %mul3A_1112 : i32
            %add3A_1114 = arith.constant 13 : i32
            %add3A_1115 = arith.addi %mul3A_1113, %add3A_1114 : i32
            %get3A_1116 = arith.index_cast %add3A_1115 : i32 to index
            %get3A_1117 = arith.constant 0 : index
            %get3A_1118 = tpu.vector_load %arg13[%get3A_1116, %get3A_1117] {strides = array<i32>} : memref<128x128xf32, #tpu.memory_space<vmem>>, vector<16xf32>,
            %mul3A_1119 = vector.broadcast %squeeze3A_1109 : f32 to vector<16xf32>
            %mul3A_1120 = arith.mulf %get3A_1118, %mul3A_1119 : vector<16xf32>
            %swap3A_1121 = arith.index_cast %squeeze3A_1111 : i32 to index
            %swap3A_1122 = arith.constant 0 : index
            %swap3A_1123 = tpu.vector_load %arg14[%swap3A_1121, %swap3A_1122] {strides = array<i32>} : memref<328x128xf32, #tpu.memory_space<vmem>>, vector<16xf32>,
            tpu.vector_store %arg14[%swap3A_1121, %swap3A_1122], %mul3A_1120 {add = true, strides = array<i32>} : memref<328x128xf32, #tpu.memory_space<vmem>>, vector<16xf32>,
            %get3A_1124 = arith.index_cast %add3A_1115 : i32 to index
            %get3A_1125 = arith.constant 16 : index
            %get3A_1126 = tpu.vector_load %arg13[%get3A_1124, %get3A_1125] {strides = array<i32>} : memref<128x128xf32, #tpu.memory_space<vmem>>, vector<16xf32>,
            %mul3A_1127 = vector.broadcast %squeeze3A_1109 : f32 to vector<16xf32>
            %mul3A_1128 = arith.mulf %get3A_1126, %mul3A_1127 : vector<16xf32>
            %swap3A_1129 = arith.index_cast %squeeze3A_1111 : i32 to index
            %swap3A_1130 = arith.constant 16 : index
            %swap3A_1131 = tpu.vector_load %arg14[%swap3A_1129, %swap3A_1130] {strides = array<i32>} : memref<328x128xf32, #tpu.memory_space<vmem>>, vector<16xf32>,
            tpu.vector_store %arg14[%swap3A_1129, %swap3A_1130], %mul3A_1128 {add = true, strides = array<i32>} : memref<328x128xf32, #tpu.memory_space<vmem>>, vector<16xf32>,
            %get3A_1132 = arith.index_cast %add3A_1115 : i32 to index
            %get3A_1133 = arith.constant 32 : index
            %get3A_1134 = tpu.vector_load %arg13[%get3A_1132, %get3A_1133] {strides = array<i32>} : memref<128x128xf32, #tpu.memory_space<vmem>>, vector<16xf32>,
            %mul3A_1135 = vector.broadcast %squeeze3A_1109 : f32 to vector<16xf32>
            %mul3A_1136 = arith.mulf %get3A_1134, %mul3A_1135 : vector<16xf32>
            %swap3A_1137 = arith.index_cast %squeeze3A_1111 : i32 to index
            %swap3A_1138 = arith.constant 32 : index
            %swap3A_1139 = tpu.vector_load %arg14[%swap3A_1137, %swap3A_1138] {strides = array<i32>} : memref<328x128xf32, #tpu.memory_space<vmem>>, vector<16xf32>,
            tpu.vector_store %arg14[%swap3A_1137, %swap3A_1138], %mul3A_1136 {add = true, strides = array<i32>} : memref<328x128xf32, #tpu.memory_space<vmem>>, vector<16xf32>,
            %get3A_1140 = arith.index_cast %add3A_1115 : i32 to index
            %get3A_1141 = arith.constant 48 : index
            %get3A_1142 = tpu.vector_load %arg13[%get3A_1140, %get3A_1141] {strides = array<i32>} : memref<128x128xf32, #tpu.memory_space<vmem>>, vector<16xf32>,
            %mul3A_1143 = vector.broadcast %squeeze3A_1109 : f32 to vector<16xf32>
            %mul3A_1144 = arith.mulf %get3A_1142, %mul3A_1143 : vector<16xf32>
            %swap3A_1145 = arith.index_cast %squeeze3A_1111 : i32 to index
            %swap3A_1146 = arith.constant 48 : index
            %swap3A_1147 = tpu.vector_load %arg14[%swap3A_1145, %swap3A_1146] {strides = array<i32>} : memref<328x128xf32, #tpu.memory_space<vmem>>, vector<16xf32>,
            tpu.vector_store %arg14[%swap3A_1145, %swap3A_1146], %mul3A_1144 {add = true, strides = array<i32>} : memref<328x128xf32, #tpu.memory_space<vmem>>, vector<16xf32>,
            %get3A_1148 = arith.index_cast %add3A_1115 : i32 to index
            %get3A_1149 = arith.constant 64 : index
            %get3A_1150 = tpu.vector_load %arg13[%get3A_1148, %get3A_1149] {strides = array<i32>} : memref<128x128xf32, #tpu.memory_space<vmem>>, vector<16xf32>,
            %mul3A_1151 = vector.broadcast %squeeze3A_1109 : f32 to vector<16xf32>
            %mul3A_1152 = arith.mulf %get3A_1150, %mul3A_1151 : vector<16xf32>
            %swap3A_1153 = arith.index_cast %squeeze3A_1111 : i32 to index
            %swap3A_1154 = arith.constant 64 : index
            %swap3A_1155 = tpu.vector_load %arg14[%swap3A_1153, %swap3A_1154] {strides = array<i32>} : memref<328x128xf32, #tpu.memory_space<vmem>>, vector<16xf32>,
            tpu.vector_store %arg14[%swap3A_1153, %swap3A_1154], %mul3A_1152 {add = true, strides = array<i32>} : memref<328x128xf32, #tpu.memory_space<vmem>>, vector<16xf32>,
            %get3A_1156 = arith.index_cast %add3A_1115 : i32 to index
            %get3A_1157 = arith.constant 80 : index
            %get3A_1158 = tpu.vector_load %arg13[%get3A_1156, %get3A_1157] {strides = array<i32>} : memref<128x128xf32, #tpu.memory_space<vmem>>, vector<16xf32>,
            %mul3A_1159 = vector.broadcast %squeeze3A_1109 : f32 to vector<16xf32>
            %mul3A_1160 = arith.mulf %get3A_1158, %mul3A_1159 : vector<16xf32>
            %swap3A_1161 = arith.index_cast %squeeze3A_1111 : i32 to index
            %swap3A_1162 = arith.constant 80 : index
            %swap3A_1163 = tpu.vector_load %arg14[%swap3A_1161, %swap3A_1162] {strides = array<i32>} : memref<328x128xf32, #tpu.memory_space<vmem>>, vector<16xf32>,
            tpu.vector_store %arg14[%swap3A_1161, %swap3A_1162], %mul3A_1160 {add = true, strides = array<i32>} : memref<328x128xf32, #tpu.memory_space<vmem>>, vector<16xf32>,
            %get3A_1164 = arith.index_cast %add3A_1115 : i32 to index
            %get3A_1165 = arith.constant 96 : index
            %get3A_1166 = tpu.vector_load %arg13[%get3A_1164, %get3A_1165] {strides = array<i32>} : memref<128x128xf32, #tpu.memory_space<vmem>>, vector<16xf32>,
            %mul3A_1167 = vector.broadcast %squeeze3A_1109 : f32 to vector<16xf32>
            %mul3A_1168 = arith.mulf %get3A_1166, %mul3A_1167 : vector<16xf32>
            %swap3A_1169 = arith.index_cast %squeeze3A_1111 : i32 to index
            %swap3A_1170 = arith.constant 96 : index
            %swap3A_1171 = tpu.vector_load %arg14[%swap3A_1169, %swap3A_1170] {strides = array<i32>} : memref<328x128xf32, #tpu.memory_space<vmem>>, vector<16xf32>,
            tpu.vector_store %arg14[%swap3A_1169, %swap3A_1170], %mul3A_1168 {add = true, strides = array<i32>} : memref<328x128xf32, #tpu.memory_space<vmem>>, vector<16xf32>,
            %get3A_1172 = arith.index_cast %add3A_1115 : i32 to index
            %get3A_1173 = arith.constant 112 : index
            %get3A_1174 = tpu.vector_load %arg13[%get3A_1172, %get3A_1173] {strides = array<i32>} : memref<128x128xf32, #tpu.memory_space<vmem>>, vector<16xf32>,
            %mul3A_1175 = vector.broadcast %squeeze3A_1109 : f32 to vector<16xf32>
            %mul3A_1176 = arith.mulf %get3A_1174, %mul3A_1175 : vector<16xf32>
            %swap3A_1177 = arith.index_cast %squeeze3A_1111 : i32 to index
            %swap3A_1178 = arith.constant 112 : index
            %swap3A_1179 = tpu.vector_load %arg14[%swap3A_1177, %swap3A_1178] {strides = array<i32>} : memref<328x128xf32, #tpu.memory_space<vmem>>, vector<16xf32>,
            tpu.vector_store %arg14[%swap3A_1177, %swap3A_1178], %mul3A_1176 {add = true, strides = array<i32>} : memref<328x128xf32, #tpu.memory_space<vmem>>, vector<16xf32>,
            %slice3A_1180 = vector.extract_strided_slice %get3A_168 {offsets = [14], sizes = [1], strides = [1]} : vector<16xf32> to vector<1xf32>
            %squeeze3A_1181 = vector.extract %slice3A_1180[0] : f32 from vector<1xf32>
            %slice3A_1182 = vector.extract_strided_slice %get3A_173 {offsets = [14], sizes = [1], strides = [1]} : vector<16xi32> to vector<1xi32>
            %squeeze3A_1183 = vector.extract %slice3A_1182[0] : i32 from vector<1xi32>
            %mul3A_1184 = arith.constant 16 : i32
            %mul3A_1185 = arith.muli %scan3A_164, %mul3A_1184 : i32
            %add3A_1186 = arith.constant 14 : i32
            %add3A_1187 = arith.addi %mul3A_1185, %add3A_1186 : i32
            %get3A_1188 = arith.index_cast %add3A_1187 : i32 to index
            %get3A_1189 = arith.constant 0 : index
            %get3A_1190 = tpu.vector_load %arg13[%get3A_1188, %get3A_1189] {strides = array<i32>} : memref<128x128xf32, #tpu.memory_space<vmem>>, vector<16xf32>,
            %mul3A_1191 = vector.broadcast %squeeze3A_1181 : f32 to vector<16xf32>
            %mul3A_1192 = arith.mulf %get3A_1190, %mul3A_1191 : vector<16xf32>
            %swap3A_1193 = arith.index_cast %squeeze3A_1183 : i32 to index
            %swap3A_1194 = arith.constant 0 : index
            %swap3A_1195 = tpu.vector_load %arg14[%swap3A_1193, %swap3A_1194] {strides = array<i32>} : memref<328x128xf32, #tpu.memory_space<vmem>>, vector<16xf32>,
            tpu.vector_store %arg14[%swap3A_1193, %swap3A_1194], %mul3A_1192 {add = true, strides = array<i32>} : memref<328x128xf32, #tpu.memory_space<vmem>>, vector<16xf32>,
            %get3A_1196 = arith.index_cast %add3A_1187 : i32 to index
            %get3A_1197 = arith.constant 16 : index
            %get3A_1198 = tpu.vector_load %arg13[%get3A_1196, %get3A_1197] {strides = array<i32>} : memref<128x128xf32, #tpu.memory_space<vmem>>, vector<16xf32>,
            %mul3A_1199 = vector.broadcast %squeeze3A_1181 : f32 to vector<16xf32>
            %mul3A_1200 = arith.mulf %get3A_1198, %mul3A_1199 : vector<16xf32>
            %swap3A_1201 = arith.index_cast %squeeze3A_1183 : i32 to index
            %swap3A_1202 = arith.constant 16 : index
            %swap3A_1203 = tpu.vector_load %arg14[%swap3A_1201, %swap3A_1202] {strides = array<i32>} : memref<328x128xf32, #tpu.memory_space<vmem>>, vector<16xf32>,
            tpu.vector_store %arg14[%swap3A_1201, %swap3A_1202], %mul3A_1200 {add = true, strides = array<i32>} : memref<328x128xf32, #tpu.memory_space<vmem>>, vector<16xf32>,
            %get3A_1204 = arith.index_cast %add3A_1187 : i32 to index
            %get3A_1205 = arith.constant 32 : index
            %get3A_1206 = tpu.vector_load %arg13[%get3A_1204, %get3A_1205] {strides = array<i32>} : memref<128x128xf32, #tpu.memory_space<vmem>>, vector<16xf32>,
            %mul3A_1207 = vector.broadcast %squeeze3A_1181 : f32 to vector<16xf32>
            %mul3A_1208 = arith.mulf %get3A_1206, %mul3A_1207 : vector<16xf32>
            %swap3A_1209 = arith.index_cast %squeeze3A_1183 : i32 to index
            %swap3A_1210 = arith.constant 32 : index
            %swap3A_1211 = tpu.vector_load %arg14[%swap3A_1209, %swap3A_1210] {strides = array<i32>} : memref<328x128xf32, #tpu.memory_space<vmem>>, vector<16xf32>,
            tpu.vector_store %arg14[%swap3A_1209, %swap3A_1210], %mul3A_1208 {add = true, strides = array<i32>} : memref<328x128xf32, #tpu.memory_space<vmem>>, vector<16xf32>,
            %get3A_1212 = arith.index_cast %add3A_1187 : i32 to index
            %get3A_1213 = arith.constant 48 : index
            %get3A_1214 = tpu.vector_load %arg13[%get3A_1212, %get3A_1213] {strides = array<i32>} : memref<128x128xf32, #tpu.memory_space<vmem>>, vector<16xf32>,
            %mul3A_1215 = vector.broadcast %squeeze3A_1181 : f32 to vector<16xf32>
            %mul3A_1216 = arith.mulf %get3A_1214, %mul3A_1215 : vector<16xf32>
            %swap3A_1217 = arith.index_cast %squeeze3A_1183 : i32 to index
            %swap3A_1218 = arith.constant 48 : index
            %swap3A_1219 = tpu.vector_load %arg14[%swap3A_1217, %swap3A_1218] {strides = array<i32>} : memref<328x128xf32, #tpu.memory_space<vmem>>, vector<16xf32>,
            tpu.vector_store %arg14[%swap3A_1217, %swap3A_1218], %mul3A_1216 {add = true, strides = array<i32>} : memref<328x128xf32, #tpu.memory_space<vmem>>, vector<16xf32>,
            %get3A_1220 = arith.index_cast %add3A_1187 : i32 to index
            %get3A_1221 = arith.constant 64 : index
            %get3A_1222 = tpu.vector_load %arg13[%get3A_1220, %get3A_1221] {strides = array<i32>} : memref<128x128xf32, #tpu.memory_space<vmem>>, vector<16xf32>,
            %mul3A_1223 = vector.broadcast %squeeze3A_1181 : f32 to vector<16xf32>
            %mul3A_1224 = arith.mulf %get3A_1222, %mul3A_1223 : vector<16xf32>
            %swap3A_1225 = arith.index_cast %squeeze3A_1183 : i32 to index
            %swap3A_1226 = arith.constant 64 : index
            %swap3A_1227 = tpu.vector_load %arg14[%swap3A_1225, %swap3A_1226] {strides = array<i32>} : memref<328x128xf32, #tpu.memory_space<vmem>>, vector<16xf32>,
            tpu.vector_store %arg14[%swap3A_1225, %swap3A_1226], %mul3A_1224 {add = true, strides = array<i32>} : memref<328x128xf32, #tpu.memory_space<vmem>>, vector<16xf32>,
            %get3A_1228 = arith.index_cast %add3A_1187 : i32 to index
            %get3A_1229 = arith.constant 80 : index
            %get3A_1230 = tpu.vector_load %arg13[%get3A_1228, %get3A_1229] {strides = array<i32>} : memref<128x128xf32, #tpu.memory_space<vmem>>, vector<16xf32>,
            %mul3A_1231 = vector.broadcast %squeeze3A_1181 : f32 to vector<16xf32>
            %mul3A_1232 = arith.mulf %get3A_1230, %mul3A_1231 : vector<16xf32>
            %swap3A_1233 = arith.index_cast %squeeze3A_1183 : i32 to index
            %swap3A_1234 = arith.constant 80 : index
            %swap3A_1235 = tpu.vector_load %arg14[%swap3A_1233, %swap3A_1234] {strides = array<i32>} : memref<328x128xf32, #tpu.memory_space<vmem>>, vector<16xf32>,
            tpu.vector_store %arg14[%swap3A_1233, %swap3A_1234], %mul3A_1232 {add = true, strides = array<i32>} : memref<328x128xf32, #tpu.memory_space<vmem>>, vector<16xf32>,
            %get3A_1236 = arith.index_cast %add3A_1187 : i32 to index
            %get3A_1237 = arith.constant 96 : index
            %get3A_1238 = tpu.vector_load %arg13[%get3A_1236, %get3A_1237] {strides = array<i32>} : memref<128x128xf32, #tpu.memory_space<vmem>>, vector<16xf32>,
            %mul3A_1239 = vector.broadcast %squeeze3A_1181 : f32 to vector<16xf32>
            %mul3A_1240 = arith.mulf %get3A_1238, %mul3A_1239 : vector<16xf32>
            %swap3A_1241 = arith.index_cast %squeeze3A_1183 : i32 to index
            %swap3A_1242 = arith.constant 96 : index
            %swap3A_1243 = tpu.vector_load %arg14[%swap3A_1241, %swap3A_1242] {strides = array<i32>} : memref<328x128xf32, #tpu.memory_space<vmem>>, vector<16xf32>,
            tpu.vector_store %arg14[%swap3A_1241, %swap3A_1242], %mul3A_1240 {add = true, strides = array<i32>} : memref<328x128xf32, #tpu.memory_space<vmem>>, vector<16xf32>,
            %get3A_1244 = arith.index_cast %add3A_1187 : i32 to index
            %get3A_1245 = arith.constant 112 : index
            %get3A_1246 = tpu.vector_load %arg13[%get3A_1244, %get3A_1245] {strides = array<i32>} : memref<128x128xf32, #tpu.memory_space<vmem>>, vector<16xf32>,
            %mul3A_1247 = vector.broadcast %squeeze3A_1181 : f32 to vector<16xf32>
            %mul3A_1248 = arith.mulf %get3A_1246, %mul3A_1247 : vector<16xf32>
            %swap3A_1249 = arith.index_cast %squeeze3A_1183 : i32 to index
            %swap3A_1250 = arith.constant 112 : index
            %swap3A_1251 = tpu.vector_load %arg14[%swap3A_1249, %swap3A_1250] {strides = array<i32>} : memref<328x128xf32, #tpu.memory_space<vmem>>, vector<16xf32>,
            tpu.vector_store %arg14[%swap3A_1249, %swap3A_1250], %mul3A_1248 {add = true, strides = array<i32>} : memref<328x128xf32, #tpu.memory_space<vmem>>, vector<16xf32>,
            %slice3A_1252 = vector.extract_strided_slice %get3A_168 {offsets = [15], sizes = [1], strides = [1]} : vector<16xf32> to vector<1xf32>
            %squeeze3A_1253 = vector.extract %slice3A_1252[0] : f32 from vector<1xf32>
            %slice3A_1254 = vector.extract_strided_slice %get3A_173 {offsets = [15], sizes = [1], strides = [1]} : vector<16xi32> to vector<1xi32>
            %squeeze3A_1255 = vector.extract %slice3A_1254[0] : i32 from vector<1xi32>
            %mul3A_1256 = arith.constant 16 : i32
            %mul3A_1257 = arith.muli %scan3A_164, %mul3A_1256 : i32
            %add3A_1258 = arith.constant 15 : i32
            %add3A_1259 = arith.addi %mul3A_1257, %add3A_1258 : i32
            %get3A_1260 = arith.index_cast %add3A_1259 : i32 to index
            %get3A_1261 = arith.constant 0 : index
            %get3A_1262 = tpu.vector_load %arg13[%get3A_1260, %get3A_1261] {strides = array<i32>} : memref<128x128xf32, #tpu.memory_space<vmem>>, vector<16xf32>,
            %mul3A_1263 = vector.broadcast %squeeze3A_1253 : f32 to vector<16xf32>
            %mul3A_1264 = arith.mulf %get3A_1262, %mul3A_1263 : vector<16xf32>
            %swap3A_1265 = arith.index_cast %squeeze3A_1255 : i32 to index
            %swap3A_1266 = arith.constant 0 : index
            %swap3A_1267 = tpu.vector_load %arg14[%swap3A_1265, %swap3A_1266] {strides = array<i32>} : memref<328x128xf32, #tpu.memory_space<vmem>>, vector<16xf32>,
            tpu.vector_store %arg14[%swap3A_1265, %swap3A_1266], %mul3A_1264 {add = true, strides = array<i32>} : memref<328x128xf32, #tpu.memory_space<vmem>>, vector<16xf32>,
            %get3A_1268 = arith.index_cast %add3A_1259 : i32 to index
            %get3A_1269 = arith.constant 16 : index
            %get3A_1270 = tpu.vector_load %arg13[%get3A_1268, %get3A_1269] {strides = array<i32>} : memref<128x128xf32, #tpu.memory_space<vmem>>, vector<16xf32>,
            %mul3A_1271 = vector.broadcast %squeeze3A_1253 : f32 to vector<16xf32>
            %mul3A_1272 = arith.mulf %get3A_1270, %mul3A_1271 : vector<16xf32>
            %swap3A_1273 = arith.index_cast %squeeze3A_1255 : i32 to index
            %swap3A_1274 = arith.constant 16 : index
            %swap3A_1275 = tpu.vector_load %arg14[%swap3A_1273, %swap3A_1274] {strides = array<i32>} : memref<328x128xf32, #tpu.memory_space<vmem>>, vector<16xf32>,
            tpu.vector_store %arg14[%swap3A_1273, %swap3A_1274], %mul3A_1272 {add = true, strides = array<i32>} : memref<328x128xf32, #tpu.memory_space<vmem>>, vector<16xf32>,
            %get3A_1276 = arith.index_cast %add3A_1259 : i32 to index
            %get3A_1277 = arith.constant 32 : index
            %get3A_1278 = tpu.vector_load %arg13[%get3A_1276, %get3A_1277] {strides = array<i32>} : memref<128x128xf32, #tpu.memory_space<vmem>>, vector<16xf32>,
            %mul3A_1279 = vector.broadcast %squeeze3A_1253 : f32 to vector<16xf32>
            %mul3A_1280 = arith.mulf %get3A_1278, %mul3A_1279 : vector<16xf32>
            %swap3A_1281 = arith.index_cast %squeeze3A_1255 : i32 to index
            %swap3A_1282 = arith.constant 32 : index
            %swap3A_1283 = tpu.vector_load %arg14[%swap3A_1281, %swap3A_1282] {strides = array<i32>} : memref<328x128xf32, #tpu.memory_space<vmem>>, vector<16xf32>,
            tpu.vector_store %arg14[%swap3A_1281, %swap3A_1282], %mul3A_1280 {add = true, strides = array<i32>} : memref<328x128xf32, #tpu.memory_space<vmem>>, vector<16xf32>,
            %get3A_1284 = arith.index_cast %add3A_1259 : i32 to index
            %get3A_1285 = arith.constant 48 : index
            %get3A_1286 = tpu.vector_load %arg13[%get3A_1284, %get3A_1285] {strides = array<i32>} : memref<128x128xf32, #tpu.memory_space<vmem>>, vector<16xf32>,
            %mul3A_1287 = vector.broadcast %squeeze3A_1253 : f32 to vector<16xf32>
            %mul3A_1288 = arith.mulf %get3A_1286, %mul3A_1287 : vector<16xf32>
            %swap3A_1289 = arith.index_cast %squeeze3A_1255 : i32 to index
            %swap3A_1290 = arith.constant 48 : index
            %swap3A_1291 = tpu.vector_load %arg14[%swap3A_1289, %swap3A_1290] {strides = array<i32>} : memref<328x128xf32, #tpu.memory_space<vmem>>, vector<16xf32>,
            tpu.vector_store %arg14[%swap3A_1289, %swap3A_1290], %mul3A_1288 {add = true, strides = array<i32>} : memref<328x128xf32, #tpu.memory_space<vmem>>, vector<16xf32>,
            %get3A_1292 = arith.index_cast %add3A_1259 : i32 to index
            %get3A_1293 = arith.constant 64 : index
            %get3A_1294 = tpu.vector_load %arg13[%get3A_1292, %get3A_1293] {strides = array<i32>} : memref<128x128xf32, #tpu.memory_space<vmem>>, vector<16xf32>,
            %mul3A_1295 = vector.broadcast %squeeze3A_1253 : f32 to vector<16xf32>
            %mul3A_1296 = arith.mulf %get3A_1294, %mul3A_1295 : vector<16xf32>
            %swap3A_1297 = arith.index_cast %squeeze3A_1255 : i32 to index
            %swap3A_1298 = arith.constant 64 : index
            %swap3A_1299 = tpu.vector_load %arg14[%swap3A_1297, %swap3A_1298] {strides = array<i32>} : memref<328x128xf32, #tpu.memory_space<vmem>>, vector<16xf32>,
            tpu.vector_store %arg14[%swap3A_1297, %swap3A_1298], %mul3A_1296 {add = true, strides = array<i32>} : memref<328x128xf32, #tpu.memory_space<vmem>>, vector<16xf32>,
            %get3A_1300 = arith.index_cast %add3A_1259 : i32 to index
            %get3A_1301 = arith.constant 80 : index
            %get3A_1302 = tpu.vector_load %arg13[%get3A_1300, %get3A_1301] {strides = array<i32>} : memref<128x128xf32, #tpu.memory_space<vmem>>, vector<16xf32>,
            %mul3A_1303 = vector.broadcast %squeeze3A_1253 : f32 to vector<16xf32>
            %mul3A_1304 = arith.mulf %get3A_1302, %mul3A_1303 : vector<16xf32>
            %swap3A_1305 = arith.index_cast %squeeze3A_1255 : i32 to index
            %swap3A_1306 = arith.constant 80 : index
            %swap3A_1307 = tpu.vector_load %arg14[%swap3A_1305, %swap3A_1306] {strides = array<i32>} : memref<328x128xf32, #tpu.memory_space<vmem>>, vector<16xf32>,
            tpu.vector_store %arg14[%swap3A_1305, %swap3A_1306], %mul3A_1304 {add = true, strides = array<i32>} : memref<328x128xf32, #tpu.memory_space<vmem>>, vector<16xf32>,
            %get3A_1308 = arith.index_cast %add3A_1259 : i32 to index
            %get3A_1309 = arith.constant 96 : index
            %get3A_1310 = tpu.vector_load %arg13[%get3A_1308, %get3A_1309] {strides = array<i32>} : memref<128x128xf32, #tpu.memory_space<vmem>>, vector<16xf32>,
            %mul3A_1311 = vector.broadcast %squeeze3A_1253 : f32 to vector<16xf32>
            %mul3A_1312 = arith.mulf %get3A_1310, %mul3A_1311 : vector<16xf32>
            %swap3A_1313 = arith.index_cast %squeeze3A_1255 : i32 to index
            %swap3A_1314 = arith.constant 96 : index
            %swap3A_1315 = tpu.vector_load %arg14[%swap3A_1313, %swap3A_1314] {strides = array<i32>} : memref<328x128xf32, #tpu.memory_space<vmem>>, vector<16xf32>,
            tpu.vector_store %arg14[%swap3A_1313, %swap3A_1314], %mul3A_1312 {add = true, strides = array<i32>} : memref<328x128xf32, #tpu.memory_space<vmem>>, vector<16xf32>,
            %get3A_1316 = arith.index_cast %add3A_1259 : i32 to index
            %get3A_1317 = arith.constant 112 : index
            %get3A_1318 = tpu.vector_load %arg13[%get3A_1316, %get3A_1317] {strides = array<i32>} : memref<128x128xf32, #tpu.memory_space<vmem>>, vector<16xf32>,
            %mul3A_1319 = vector.broadcast %squeeze3A_1253 : f32 to vector<16xf32>
            %mul3A_1320 = arith.mulf %get3A_1318, %mul3A_1319 : vector<16xf32>
            %swap3A_1321 = arith.index_cast %squeeze3A_1255 : i32 to index
            %swap3A_1322 = arith.constant 112 : index
            %swap3A_1323 = tpu.vector_load %arg14[%swap3A_1321, %swap3A_1322] {strides = array<i32>} : memref<328x128xf32, #tpu.memory_space<vmem>>, vector<16xf32>,
            tpu.vector_store %arg14[%swap3A_1321, %swap3A_1322], %mul3A_1320 {add = true, strides = array<i32>} : memref<328x128xf32, #tpu.memory_space<vmem>>, vector<16xf32>,
            %scan3A_1324 = arith.constant 0 : i32
            scf.yield %scan3A_1324 : i32
          }
          %scan3A_163 = arith.constant 8 : i32
        } else {
        }
        %sub3A_136 = arith.subi %scan3A_113, %scan3A_130 : i32
        %ge3A_137 = arith.constant 128 : i32
        %ge3A_138 = arith.cmpi sge, %sub3A_136, %ge3A_137 : i32
        %add3A_139 = arith.constant 128 : i32
        %add3A_140 = arith.addi %scan3A_130, %add3A_139 : i32
        %select_n3A = arith.select %ge3A_138, %add3A_140, %scan3A_130 : i32
        scf.yield %select_n3A : i32
      }
      %scan3A_121 = arith.constant 32 : i32
      %sub3A = arith.subi %scan3A_113, %scan3A_120 : i32
      %scan3A_122 = arith.constant 0 : i32
      %scan3A_123 = arith.constant 0 : i32
      %scan3A_124 = arith.constant 8 : i32
      %scan3A_125 = arith.addi %scan3A_123, %scan3A_124 : i32
      %scan3A_126 = arith.constant 1 : i32
      %scan3A_127 = scf.for %scan3A_129 = %scan3A_123 to %scan3A_125 step %scan3A_126 iter_args(%scan3A_130 = %scan3A_122) -> (i32)  : i32 {
        %mul3A_131 = arith.constant 16 : i32
        %mul3A_132 = arith.muli %scan3A_129, %mul3A_131 : i32
        %lt3A = arith.cmpi slt, %mul3A_132, %sub3A : i32
        %convert_element_type3A_133 = arith.extui %lt3A : i1 to i32
        %cond3A_134 = arith.constant 0 : i32
        %cond3A_135 = arith.cmpi ne, %convert_element_type3A_133, %cond3A_134 : i32
        scf.if %cond3A_135 {
          %mul3A_137 = arith.constant 16 : i32
          %mul3A_138 = arith.muli %scan3A_129, %mul3A_137 : i32
          %add3A_139 = arith.addi %scan3A_120, %mul3A_138 : i32
          %mul3A_140 = arith.constant 16 : i32
          %mul3A_141 = arith.muli %scan3A_129, %mul3A_140 : i32
          %get3A = arith.index_cast %add3A_139 : i32 to index
          %get3A_142 = tpu.vector_load %arg9[%get3A] {strides = array<i32>} : memref<4144xi32, #tpu.memory_space<vmem>>, vector<16xi32>,
          %swap3A_143 = arith.index_cast %mul3A_141 : i32 to index
          %swap3A_144 = tpu.vector_load %arg9[%swap3A_143] {strides = array<i32>} : memref<4144xi32, #tpu.memory_space<vmem>>, vector<16xi32>,
          tpu.vector_store %arg9[%swap3A_143], %get3A_142 {strides = array<i32>} : memref<4144xi32, #tpu.memory_space<vmem>>, vector<16xi32>,
          %get3A_145 = arith.index_cast %add3A_139 : i32 to index
          %get3A_146 = tpu.vector_load %arg10[%get3A_145] {strides = array<i32>} : memref<4144xi32, #tpu.memory_space<vmem>>, vector<16xi32>,
          %swap3A_147 = arith.index_cast %mul3A_141 : i32 to index
          %swap3A_148 = tpu.vector_load %arg10[%swap3A_147] {strides = array<i32>} : memref<4144xi32, #tpu.memory_space<vmem>>, vector<16xi32>,
          tpu.vector_store %arg10[%swap3A_147], %get3A_146 {strides = array<i32>} : memref<4144xi32, #tpu.memory_space<vmem>>, vector<16xi32>,
        } else {
        }
        %scan3A_136 = arith.constant 0 : i32
        scf.yield %scan3A_136 : i32
      }
      %scan3A_128 = arith.constant 8 : i32
      scf.yield %sub3A : i32
    }
    %scan3A_8 = arith.constant 80 : i32
    %broadcast_in_dim3A = arith.constant 0 : i32
    %broadcast_in_dim3A_9 = vector.broadcast %broadcast_in_dim3A : i32 to vector<16xi32>
    %add3A_10 = arith.constant 0 : i32
    %add3A_11 = arith.addi %scan3A_7, %add3A_10 : i32
    %swap3A = arith.index_cast %add3A_11 : i32 to index
    %swap3A_12 = tpu.vector_load %arg9[%swap3A] {strides = array<i32>} : memref<4144xi32, #tpu.memory_space<vmem>>, vector<16xi32>,
    tpu.vector_store %arg9[%swap3A], %broadcast_in_dim3A_9 {strides = array<i32>} : memref<4144xi32, #tpu.memory_space<vmem>>, vector<16xi32>,
    %broadcast_in_dim3A_13 = arith.constant 320 : i32
    %broadcast_in_dim3A_14 = vector.broadcast %broadcast_in_dim3A_13 : i32 to vector<16xi32>
    %add3A_15 = arith.constant 0 : i32
    %add3A_16 = arith.addi %scan3A_7, %add3A_15 : i32
    %swap3A_17 = arith.index_cast %add3A_16 : i32 to index
    %swap3A_18 = tpu.vector_load %arg10[%swap3A_17] {strides = array<i32>} : memref<4144xi32, #tpu.memory_space<vmem>>, vector<16xi32>,
    tpu.vector_store %arg10[%swap3A_17], %broadcast_in_dim3A_14 {strides = array<i32>} : memref<4144xi32, #tpu.memory_space<vmem>>, vector<16xi32>,
    %broadcast_in_dim3A_19 = arith.constant 0 : i32
    %broadcast_in_dim3A_20 = vector.broadcast %broadcast_in_dim3A_19 : i32 to vector<16xi32>
    %add3A_21 = arith.constant 16 : i32
    %add3A_22 = arith.addi %scan3A_7, %add3A_21 : i32
    %swap3A_23 = arith.index_cast %add3A_22 : i32 to index
    %swap3A_24 = tpu.vector_load %arg9[%swap3A_23] {strides = array<i32>} : memref<4144xi32, #tpu.memory_space<vmem>>, vector<16xi32>,
    tpu.vector_store %arg9[%swap3A_23], %broadcast_in_dim3A_20 {strides = array<i32>} : memref<4144xi32, #tpu.memory_space<vmem>>, vector<16xi32>,
    %broadcast_in_dim3A_25 = arith.constant 320 : i32
    %broadcast_in_dim3A_26 = vector.broadcast %broadcast_in_dim3A_25 : i32 to vector<16xi32>
    %add3A_27 = arith.constant 16 : i32
    %add3A_28 = arith.addi %scan3A_7, %add3A_27 : i32
    %swap3A_29 = arith.index_cast %add3A_28 : i32 to index
    %swap3A_30 = tpu.vector_load %arg10[%swap3A_29] {strides = array<i32>} : memref<4144xi32, #tpu.memory_space<vmem>>, vector<16xi32>,
    tpu.vector_store %arg10[%swap3A_29], %broadcast_in_dim3A_26 {strides = array<i32>} : memref<4144xi32, #tpu.memory_space<vmem>>, vector<16xi32>,
    %broadcast_in_dim3A_31 = arith.constant 0 : i32
    %broadcast_in_dim3A_32 = vector.broadcast %broadcast_in_dim3A_31 : i32 to vector<16xi32>
    %add3A_33 = arith.constant 32 : i32
    %add3A_34 = arith.addi %scan3A_7, %add3A_33 : i32
    %swap3A_35 = arith.index_cast %add3A_34 : i32 to index
    %swap3A_36 = tpu.vector_load %arg9[%swap3A_35] {strides = array<i32>} : memref<4144xi32, #tpu.memory_space<vmem>>, vector<16xi32>,
    tpu.vector_store %arg9[%swap3A_35], %broadcast_in_dim3A_32 {strides = array<i32>} : memref<4144xi32, #tpu.memory_space<vmem>>, vector<16xi32>,
    %broadcast_in_dim3A_37 = arith.constant 320 : i32
    %broadcast_in_dim3A_38 = vector.broadcast %broadcast_in_dim3A_37 : i32 to vector<16xi32>
    %add3A_39 = arith.constant 32 : i32
    %add3A_40 = arith.addi %scan3A_7, %add3A_39 : i32
    %swap3A_41 = arith.index_cast %add3A_40 : i32 to index
    %swap3A_42 = tpu.vector_load %arg10[%swap3A_41] {strides = array<i32>} : memref<4144xi32, #tpu.memory_space<vmem>>, vector<16xi32>,
    tpu.vector_store %arg10[%swap3A_41], %broadcast_in_dim3A_38 {strides = array<i32>} : memref<4144xi32, #tpu.memory_space<vmem>>, vector<16xi32>,
    %broadcast_in_dim3A_43 = arith.constant 0 : i32
    %broadcast_in_dim3A_44 = vector.broadcast %broadcast_in_dim3A_43 : i32 to vector<16xi32>
    %add3A_45 = arith.constant 48 : i32
    %add3A_46 = arith.addi %scan3A_7, %add3A_45 : i32
    %swap3A_47 = arith.index_cast %add3A_46 : i32 to index
    %swap3A_48 = tpu.vector_load %arg9[%swap3A_47] {strides = array<i32>} : memref<4144xi32, #tpu.memory_space<vmem>>, vector<16xi32>,
    tpu.vector_store %arg9[%swap3A_47], %broadcast_in_dim3A_44 {strides = array<i32>} : memref<4144xi32, #tpu.memory_space<vmem>>, vector<16xi32>,
    %broadcast_in_dim3A_49 = arith.constant 320 : i32
    %broadcast_in_dim3A_50 = vector.broadcast %broadcast_in_dim3A_49 : i32 to vector<16xi32>
    %add3A_51 = arith.constant 48 : i32
    %add3A_52 = arith.addi %scan3A_7, %add3A_51 : i32
    %swap3A_53 = arith.index_cast %add3A_52 : i32 to index
    %swap3A_54 = tpu.vector_load %arg10[%swap3A_53] {strides = array<i32>} : memref<4144xi32, #tpu.memory_space<vmem>>, vector<16xi32>,
    tpu.vector_store %arg10[%swap3A_53], %broadcast_in_dim3A_50 {strides = array<i32>} : memref<4144xi32, #tpu.memory_space<vmem>>, vector<16xi32>,
    %broadcast_in_dim3A_55 = arith.constant 0 : i32
    %broadcast_in_dim3A_56 = vector.broadcast %broadcast_in_dim3A_55 : i32 to vector<16xi32>
    %add3A_57 = arith.constant 64 : i32
    %add3A_58 = arith.addi %scan3A_7, %add3A_57 : i32
    %swap3A_59 = arith.index_cast %add3A_58 : i32 to index
    %swap3A_60 = tpu.vector_load %arg9[%swap3A_59] {strides = array<i32>} : memref<4144xi32, #tpu.memory_space<vmem>>, vector<16xi32>,
    tpu.vector_store %arg9[%swap3A_59], %broadcast_in_dim3A_56 {strides = array<i32>} : memref<4144xi32, #tpu.memory_space<vmem>>, vector<16xi32>,
    %broadcast_in_dim3A_61 = arith.constant 320 : i32
    %broadcast_in_dim3A_62 = vector.broadcast %broadcast_in_dim3A_61 : i32 to vector<16xi32>
    %add3A_63 = arith.constant 64 : i32
    %add3A_64 = arith.addi %scan3A_7, %add3A_63 : i32
    %swap3A_65 = arith.index_cast %add3A_64 : i32 to index
    %swap3A_66 = tpu.vector_load %arg10[%swap3A_65] {strides = array<i32>} : memref<4144xi32, #tpu.memory_space<vmem>>, vector<16xi32>,
    tpu.vector_store %arg10[%swap3A_65], %broadcast_in_dim3A_62 {strides = array<i32>} : memref<4144xi32, #tpu.memory_space<vmem>>, vector<16xi32>,
    %broadcast_in_dim3A_67 = arith.constant 0 : i32
    %broadcast_in_dim3A_68 = vector.broadcast %broadcast_in_dim3A_67 : i32 to vector<16xi32>
    %add3A_69 = arith.constant 80 : i32
    %add3A_70 = arith.addi %scan3A_7, %add3A_69 : i32
    %swap3A_71 = arith.index_cast %add3A_70 : i32 to index
    %swap3A_72 = tpu.vector_load %arg9[%swap3A_71] {strides = array<i32>} : memref<4144xi32, #tpu.memory_space<vmem>>, vector<16xi32>,
    tpu.vector_store %arg9[%swap3A_71], %broadcast_in_dim3A_68 {strides = array<i32>} : memref<4144xi32, #tpu.memory_space<vmem>>, vector<16xi32>,
    %broadcast_in_dim3A_73 = arith.constant 320 : i32
    %broadcast_in_dim3A_74 = vector.broadcast %broadcast_in_dim3A_73 : i32 to vector<16xi32>
    %add3A_75 = arith.constant 80 : i32
    %add3A_76 = arith.addi %scan3A_7, %add3A_75 : i32
    %swap3A_77 = arith.index_cast %add3A_76 : i32 to index
    %swap3A_78 = tpu.vector_load %arg10[%swap3A_77] {strides = array<i32>} : memref<4144xi32, #tpu.memory_space<vmem>>, vector<16xi32>,
    tpu.vector_store %arg10[%swap3A_77], %broadcast_in_dim3A_74 {strides = array<i32>} : memref<4144xi32, #tpu.memory_space<vmem>>, vector<16xi32>,
    %broadcast_in_dim3A_79 = arith.constant 0 : i32
    %broadcast_in_dim3A_80 = vector.broadcast %broadcast_in_dim3A_79 : i32 to vector<16xi32>
    %add3A_81 = arith.constant 96 : i32
    %add3A_82 = arith.addi %scan3A_7, %add3A_81 : i32
    %swap3A_83 = arith.index_cast %add3A_82 : i32 to index
    %swap3A_84 = tpu.vector_load %arg9[%swap3A_83] {strides = array<i32>} : memref<4144xi32, #tpu.memory_space<vmem>>, vector<16xi32>,
    tpu.vector_store %arg9[%swap3A_83], %broadcast_in_dim3A_80 {strides = array<i32>} : memref<4144xi32, #tpu.memory_space<vmem>>, vector<16xi32>,
    %broadcast_in_dim3A_85 = arith.constant 320 : i32
    %broadcast_in_dim3A_86 = vector.broadcast %broadcast_in_dim3A_85 : i32 to vector<16xi32>
    %add3A_87 = arith.constant 96 : i32
    %add3A_88 = arith.addi %scan3A_7, %add3A_87 : i32
    %swap3A_89 = arith.index_cast %add3A_88 : i32 to index
    %swap3A_90 = tpu.vector_load %arg10[%swap3A_89] {strides = array<i32>} : memref<4144xi32, #tpu.memory_space<vmem>>, vector<16xi32>,
    tpu.vector_store %arg10[%swap3A_89], %broadcast_in_dim3A_86 {strides = array<i32>} : memref<4144xi32, #tpu.memory_space<vmem>>, vector<16xi32>,
    %broadcast_in_dim3A_91 = arith.constant 0 : i32
    %broadcast_in_dim3A_92 = vector.broadcast %broadcast_in_dim3A_91 : i32 to vector<16xi32>
    %add3A_93 = arith.constant 112 : i32
    %add3A_94 = arith.addi %scan3A_7, %add3A_93 : i32
    %swap3A_95 = arith.index_cast %add3A_94 : i32 to index
    %swap3A_96 = tpu.vector_load %arg9[%swap3A_95] {strides = array<i32>} : memref<4144xi32, #tpu.memory_space<vmem>>, vector<16xi32>,
    tpu.vector_store %arg9[%swap3A_95], %broadcast_in_dim3A_92 {strides = array<i32>} : memref<4144xi32, #tpu.memory_space<vmem>>, vector<16xi32>,
    %broadcast_in_dim3A_97 = arith.constant 320 : i32
    %broadcast_in_dim3A_98 = vector.broadcast %broadcast_in_dim3A_97 : i32 to vector<16xi32>
    %add3A_99 = arith.constant 112 : i32
    %add3A_100 = arith.addi %scan3A_7, %add3A_99 : i32
    %swap3A_101 = arith.index_cast %add3A_100 : i32 to index
    %swap3A_102 = tpu.vector_load %arg10[%swap3A_101] {strides = array<i32>} : memref<4144xi32, #tpu.memory_space<vmem>>, vector<16xi32>,
    tpu.vector_store %arg10[%swap3A_101], %broadcast_in_dim3A_98 {strides = array<i32>} : memref<4144xi32, #tpu.memory_space<vmem>>, vector<16xi32>,
    %gt3A = arith.constant 0 : i32
    %gt3A_103 = arith.cmpi sgt, %scan3A_7, %gt3A : i32
    %convert_element_type3A = arith.extui %gt3A_103 : i1 to i32
    %cond3A = arith.constant 0 : i32
    %cond3A_104 = arith.cmpi ne, %convert_element_type3A, %cond3A : i32
    scf.if %cond3A_104 {
      %multiple_of3A = arith.constant 0 : i32
      %multiple_of3A_105 = tpu.assume_multiple %multiple_of3A, 8 : i32
      %dma_start3A = tpu.memref_slice %arg9[%multiple_of3A_105] : memref<4144xi32, #tpu.memory_space<vmem>> -> memref<128xi32, #tpu.memory_space<vmem>>
      %dma_start3A_106 = arith.constant 0 : i32
      %dma_start3A_107 = tpu.memref_slice %arg3[%dma_start3A_106] : memref<320000xi32, #tpu.memory_space<hbm>> -> memref<320000xi32, #tpu.memory_space<hbm>>
      tpu.enqueue_indirect_dma source(%dma_start3A_107 : memref<320000xi32, #tpu.memory_space<hbm>>) target(%arg11 : memref<128xi32, #tpu.memory_space<vmem>>) offsets(%dma_start3A : memref<128xi32, #tpu.memory_space<vmem>>) semaphore(%arg15 : memref<!tpu.dma_semaphore, #tpu.memory_space<semaphore_mem>>)
      %dma_wait3A = tpu.memref_slice %arg9[%multiple_of3A_105] : memref<4144xi32, #tpu.memory_space<vmem>> -> memref<128xi32, #tpu.memory_space<vmem>>
      %dma_wait3A_108 = arith.constant 0 : i32
      %dma_wait3A_109 = tpu.memref_slice %arg3[%dma_wait3A_108] : memref<320000xi32, #tpu.memory_space<hbm>> -> memref<320000xi32, #tpu.memory_space<hbm>>
      tpu.wait_indirect_dma semaphore(%arg15 : memref<!tpu.dma_semaphore, #tpu.memory_space<semaphore_mem>>) src(%dma_wait3A_109 : memref<320000xi32, #tpu.memory_space<hbm>>) dst(%arg11 : memref<128xi32, #tpu.memory_space<vmem>>)
      %dma_start3A_110 = tpu.memref_slice %arg9[%multiple_of3A_105] : memref<4144xi32, #tpu.memory_space<vmem>> -> memref<128xi32, #tpu.memory_space<vmem>>
      %dma_start3A_111 = arith.constant 0 : i32
      %dma_start3A_112 = tpu.memref_slice %arg5[%dma_start3A_111] : memref<320000xf32, #tpu.memory_space<hbm>> -> memref<320000xf32, #tpu.memory_space<hbm>>
      tpu.enqueue_indirect_dma source(%dma_start3A_112 : memref<320000xf32, #tpu.memory_space<hbm>>) target(%arg12 : memref<128xf32, #tpu.memory_space<vmem>>) offsets(%dma_start3A_110 : memref<128xi32, #tpu.memory_space<vmem>>) semaphore(%arg15 : memref<!tpu.dma_semaphore, #tpu.memory_space<semaphore_mem>>)
      %dma_wait3A_113 = tpu.memref_slice %arg9[%multiple_of3A_105] : memref<4144xi32, #tpu.memory_space<vmem>> -> memref<128xi32, #tpu.memory_space<vmem>>
      %dma_wait3A_114 = arith.constant 0 : i32
      %dma_wait3A_115 = tpu.memref_slice %arg5[%dma_wait3A_114] : memref<320000xf32, #tpu.memory_space<hbm>> -> memref<320000xf32, #tpu.memory_space<hbm>>
      tpu.wait_indirect_dma semaphore(%arg15 : memref<!tpu.dma_semaphore, #tpu.memory_space<semaphore_mem>>) src(%dma_wait3A_115 : memref<320000xf32, #tpu.memory_space<hbm>>) dst(%arg12 : memref<128xf32, #tpu.memory_space<vmem>>)
      %dma_start3A_116 = arith.constant 0 : i32
      %dma_start3A_117 = arith.constant 0 : i32
      %dma_start3A_118 = tpu.memref_slice %arg2[%dma_start3A_116, %dma_start3A_117] : memref<10000x128xf32, #tpu.memory_space<hbm>> -> memref<10000x128xf32, #tpu.memory_space<hbm>>
      tpu.enqueue_indirect_dma source(%dma_start3A_118 : memref<10000x128xf32, #tpu.memory_space<hbm>>) target(%arg13 : memref<128x128xf32, #tpu.memory_space<vmem>>) offsets(%arg11 : memref<128xi32, #tpu.memory_space<vmem>>) semaphore(%arg15 : memref<!tpu.dma_semaphore, #tpu.memory_space<semaphore_mem>>)
      %dma_wait3A_119 = arith.constant 0 : i32
      %dma_wait3A_120 = arith.constant 0 : i32
      %dma_wait3A_121 = tpu.memref_slice %arg2[%dma_wait3A_119, %dma_wait3A_120] : memref<10000x128xf32, #tpu.memory_space<hbm>> -> memref<10000x128xf32, #tpu.memory_space<hbm>>
      tpu.wait_indirect_dma semaphore(%arg15 : memref<!tpu.dma_semaphore, #tpu.memory_space<semaphore_mem>>) src(%dma_wait3A_121 : memref<10000x128xf32, #tpu.memory_space<hbm>>) dst(%arg13 : memref<128x128xf32, #tpu.memory_space<vmem>>)
      %scan3A_122 = arith.constant 0 : i32
      %scan3A_123 = arith.constant 0 : i32
      %scan3A_124 = arith.constant 8 : i32
      %scan3A_125 = arith.addi %scan3A_123, %scan3A_124 : i32
      %scan3A_126 = arith.constant 1 : i32
      %scan3A_127 = scf.for %scan3A_129 = %scan3A_123 to %scan3A_125 step %scan3A_126 iter_args(%scan3A_130 = %scan3A_122) -> (i32)  : i32 {
        %mul3A_131 = arith.constant 16 : i32
        %mul3A_132 = arith.muli %scan3A_129, %mul3A_131 : i32
        %get3A = arith.index_cast %mul3A_132 : i32 to index
        %get3A_133 = tpu.vector_load %arg12[%get3A] {strides = array<i32>} : memref<128xf32, #tpu.memory_space<vmem>>, vector<16xf32>,
        %mul3A_134 = arith.constant 16 : i32
        %mul3A_135 = arith.muli %scan3A_129, %mul3A_134 : i32
        %add3A_136 = arith.addi %multiple_of3A_105, %mul3A_135 : i32
        %get3A_137 = arith.index_cast %add3A_136 : i32 to index
        %get3A_138 = tpu.vector_load %arg10[%get3A_137] {strides = array<i32>} : memref<4144xi32, #tpu.memory_space<vmem>>, vector<16xi32>,
        %slice3A = vector.extract_strided_slice %get3A_133 {offsets = [0], sizes = [1], strides = [1]} : vector<16xf32> to vector<1xf32>
        %squeeze3A = vector.extract %slice3A[0] : f32 from vector<1xf32>
        %slice3A_139 = vector.extract_strided_slice %get3A_138 {offsets = [0], sizes = [1], strides = [1]} : vector<16xi32> to vector<1xi32>
        %squeeze3A_140 = vector.extract %slice3A_139[0] : i32 from vector<1xi32>
        %mul3A_141 = arith.constant 16 : i32
        %mul3A_142 = arith.muli %scan3A_129, %mul3A_141 : i32
        %add3A_143 = arith.constant 0 : i32
        %add3A_144 = arith.addi %mul3A_142, %add3A_143 : i32
        %get3A_145 = arith.index_cast %add3A_144 : i32 to index
        %get3A_146 = arith.constant 0 : index
        %get3A_147 = tpu.vector_load %arg13[%get3A_145, %get3A_146] {strides = array<i32>} : memref<128x128xf32, #tpu.memory_space<vmem>>, vector<16xf32>,
        %mul3A_148 = vector.broadcast %squeeze3A : f32 to vector<16xf32>
        %mul3A_149 = arith.mulf %get3A_147, %mul3A_148 : vector<16xf32>
        %swap3A_150 = arith.index_cast %squeeze3A_140 : i32 to index
        %swap3A_151 = arith.constant 0 : index
        %swap3A_152 = tpu.vector_load %arg14[%swap3A_150, %swap3A_151] {strides = array<i32>} : memref<328x128xf32, #tpu.memory_space<vmem>>, vector<16xf32>,
        tpu.vector_store %arg14[%swap3A_150, %swap3A_151], %mul3A_149 {add = true, strides = array<i32>} : memref<328x128xf32, #tpu.memory_space<vmem>>, vector<16xf32>,
        %get3A_153 = arith.index_cast %add3A_144 : i32 to index
        %get3A_154 = arith.constant 16 : index
        %get3A_155 = tpu.vector_load %arg13[%get3A_153, %get3A_154] {strides = array<i32>} : memref<128x128xf32, #tpu.memory_space<vmem>>, vector<16xf32>,
        %mul3A_156 = vector.broadcast %squeeze3A : f32 to vector<16xf32>
        %mul3A_157 = arith.mulf %get3A_155, %mul3A_156 : vector<16xf32>
        %swap3A_158 = arith.index_cast %squeeze3A_140 : i32 to index
        %swap3A_159 = arith.constant 16 : index
        %swap3A_160 = tpu.vector_load %arg14[%swap3A_158, %swap3A_159] {strides = array<i32>} : memref<328x128xf32, #tpu.memory_space<vmem>>, vector<16xf32>,
        tpu.vector_store %arg14[%swap3A_158, %swap3A_159], %mul3A_157 {add = true, strides = array<i32>} : memref<328x128xf32, #tpu.memory_space<vmem>>, vector<16xf32>,
        %get3A_161 = arith.index_cast %add3A_144 : i32 to index
        %get3A_162 = arith.constant 32 : index
        %get3A_163 = tpu.vector_load %arg13[%get3A_161, %get3A_162] {strides = array<i32>} : memref<128x128xf32, #tpu.memory_space<vmem>>, vector<16xf32>,
        %mul3A_164 = vector.broadcast %squeeze3A : f32 to vector<16xf32>
        %mul3A_165 = arith.mulf %get3A_163, %mul3A_164 : vector<16xf32>
        %swap3A_166 = arith.index_cast %squeeze3A_140 : i32 to index
        %swap3A_167 = arith.constant 32 : index
        %swap3A_168 = tpu.vector_load %arg14[%swap3A_166, %swap3A_167] {strides = array<i32>} : memref<328x128xf32, #tpu.memory_space<vmem>>, vector<16xf32>,
        tpu.vector_store %arg14[%swap3A_166, %swap3A_167], %mul3A_165 {add = true, strides = array<i32>} : memref<328x128xf32, #tpu.memory_space<vmem>>, vector<16xf32>,
        %get3A_169 = arith.index_cast %add3A_144 : i32 to index
        %get3A_170 = arith.constant 48 : index
        %get3A_171 = tpu.vector_load %arg13[%get3A_169, %get3A_170] {strides = array<i32>} : memref<128x128xf32, #tpu.memory_space<vmem>>, vector<16xf32>,
        %mul3A_172 = vector.broadcast %squeeze3A : f32 to vector<16xf32>
        %mul3A_173 = arith.mulf %get3A_171, %mul3A_172 : vector<16xf32>
        %swap3A_174 = arith.index_cast %squeeze3A_140 : i32 to index
        %swap3A_175 = arith.constant 48 : index
        %swap3A_176 = tpu.vector_load %arg14[%swap3A_174, %swap3A_175] {strides = array<i32>} : memref<328x128xf32, #tpu.memory_space<vmem>>, vector<16xf32>,
        tpu.vector_store %arg14[%swap3A_174, %swap3A_175], %mul3A_173 {add = true, strides = array<i32>} : memref<328x128xf32, #tpu.memory_space<vmem>>, vector<16xf32>,
        %get3A_177 = arith.index_cast %add3A_144 : i32 to index
        %get3A_178 = arith.constant 64 : index
        %get3A_179 = tpu.vector_load %arg13[%get3A_177, %get3A_178] {strides = array<i32>} : memref<128x128xf32, #tpu.memory_space<vmem>>, vector<16xf32>,
        %mul3A_180 = vector.broadcast %squeeze3A : f32 to vector<16xf32>
        %mul3A_181 = arith.mulf %get3A_179, %mul3A_180 : vector<16xf32>
        %swap3A_182 = arith.index_cast %squeeze3A_140 : i32 to index
        %swap3A_183 = arith.constant 64 : index
        %swap3A_184 = tpu.vector_load %arg14[%swap3A_182, %swap3A_183] {strides = array<i32>} : memref<328x128xf32, #tpu.memory_space<vmem>>, vector<16xf32>,
        tpu.vector_store %arg14[%swap3A_182, %swap3A_183], %mul3A_181 {add = true, strides = array<i32>} : memref<328x128xf32, #tpu.memory_space<vmem>>, vector<16xf32>,
        %get3A_185 = arith.index_cast %add3A_144 : i32 to index
        %get3A_186 = arith.constant 80 : index
        %get3A_187 = tpu.vector_load %arg13[%get3A_185, %get3A_186] {strides = array<i32>} : memref<128x128xf32, #tpu.memory_space<vmem>>, vector<16xf32>,
        %mul3A_188 = vector.broadcast %squeeze3A : f32 to vector<16xf32>
        %mul3A_189 = arith.mulf %get3A_187, %mul3A_188 : vector<16xf32>
        %swap3A_190 = arith.index_cast %squeeze3A_140 : i32 to index
        %swap3A_191 = arith.constant 80 : index
        %swap3A_192 = tpu.vector_load %arg14[%swap3A_190, %swap3A_191] {strides = array<i32>} : memref<328x128xf32, #tpu.memory_space<vmem>>, vector<16xf32>,
        tpu.vector_store %arg14[%swap3A_190, %swap3A_191], %mul3A_189 {add = true, strides = array<i32>} : memref<328x128xf32, #tpu.memory_space<vmem>>, vector<16xf32>,
        %get3A_193 = arith.index_cast %add3A_144 : i32 to index
        %get3A_194 = arith.constant 96 : index
        %get3A_195 = tpu.vector_load %arg13[%get3A_193, %get3A_194] {strides = array<i32>} : memref<128x128xf32, #tpu.memory_space<vmem>>, vector<16xf32>,
        %mul3A_196 = vector.broadcast %squeeze3A : f32 to vector<16xf32>
        %mul3A_197 = arith.mulf %get3A_195, %mul3A_196 : vector<16xf32>
        %swap3A_198 = arith.index_cast %squeeze3A_140 : i32 to index
        %swap3A_199 = arith.constant 96 : index
        %swap3A_200 = tpu.vector_load %arg14[%swap3A_198, %swap3A_199] {strides = array<i32>} : memref<328x128xf32, #tpu.memory_space<vmem>>, vector<16xf32>,
        tpu.vector_store %arg14[%swap3A_198, %swap3A_199], %mul3A_197 {add = true, strides = array<i32>} : memref<328x128xf32, #tpu.memory_space<vmem>>, vector<16xf32>,
        %get3A_201 = arith.index_cast %add3A_144 : i32 to index
        %get3A_202 = arith.constant 112 : index
        %get3A_203 = tpu.vector_load %arg13[%get3A_201, %get3A_202] {strides = array<i32>} : memref<128x128xf32, #tpu.memory_space<vmem>>, vector<16xf32>,
        %mul3A_204 = vector.broadcast %squeeze3A : f32 to vector<16xf32>
        %mul3A_205 = arith.mulf %get3A_203, %mul3A_204 : vector<16xf32>
        %swap3A_206 = arith.index_cast %squeeze3A_140 : i32 to index
        %swap3A_207 = arith.constant 112 : index
        %swap3A_208 = tpu.vector_load %arg14[%swap3A_206, %swap3A_207] {strides = array<i32>} : memref<328x128xf32, #tpu.memory_space<vmem>>, vector<16xf32>,
        tpu.vector_store %arg14[%swap3A_206, %swap3A_207], %mul3A_205 {add = true, strides = array<i32>} : memref<328x128xf32, #tpu.memory_space<vmem>>, vector<16xf32>,
        %slice3A_209 = vector.extract_strided_slice %get3A_133 {offsets = [1], sizes = [1], strides = [1]} : vector<16xf32> to vector<1xf32>
        %squeeze3A_210 = vector.extract %slice3A_209[0] : f32 from vector<1xf32>
        %slice3A_211 = vector.extract_strided_slice %get3A_138 {offsets = [1], sizes = [1], strides = [1]} : vector<16xi32> to vector<1xi32>
        %squeeze3A_212 = vector.extract %slice3A_211[0] : i32 from vector<1xi32>
        %mul3A_213 = arith.constant 16 : i32
        %mul3A_214 = arith.muli %scan3A_129, %mul3A_213 : i32
        %add3A_215 = arith.constant 1 : i32
        %add3A_216 = arith.addi %mul3A_214, %add3A_215 : i32
        %get3A_217 = arith.index_cast %add3A_216 : i32 to index
        %get3A_218 = arith.constant 0 : index
        %get3A_219 = tpu.vector_load %arg13[%get3A_217, %get3A_218] {strides = array<i32>} : memref<128x128xf32, #tpu.memory_space<vmem>>, vector<16xf32>,
        %mul3A_220 = vector.broadcast %squeeze3A_210 : f32 to vector<16xf32>
        %mul3A_221 = arith.mulf %get3A_219, %mul3A_220 : vector<16xf32>
        %swap3A_222 = arith.index_cast %squeeze3A_212 : i32 to index
        %swap3A_223 = arith.constant 0 : index
        %swap3A_224 = tpu.vector_load %arg14[%swap3A_222, %swap3A_223] {strides = array<i32>} : memref<328x128xf32, #tpu.memory_space<vmem>>, vector<16xf32>,
        tpu.vector_store %arg14[%swap3A_222, %swap3A_223], %mul3A_221 {add = true, strides = array<i32>} : memref<328x128xf32, #tpu.memory_space<vmem>>, vector<16xf32>,
        %get3A_225 = arith.index_cast %add3A_216 : i32 to index
        %get3A_226 = arith.constant 16 : index
        %get3A_227 = tpu.vector_load %arg13[%get3A_225, %get3A_226] {strides = array<i32>} : memref<128x128xf32, #tpu.memory_space<vmem>>, vector<16xf32>,
        %mul3A_228 = vector.broadcast %squeeze3A_210 : f32 to vector<16xf32>
        %mul3A_229 = arith.mulf %get3A_227, %mul3A_228 : vector<16xf32>
        %swap3A_230 = arith.index_cast %squeeze3A_212 : i32 to index
        %swap3A_231 = arith.constant 16 : index
        %swap3A_232 = tpu.vector_load %arg14[%swap3A_230, %swap3A_231] {strides = array<i32>} : memref<328x128xf32, #tpu.memory_space<vmem>>, vector<16xf32>,
        tpu.vector_store %arg14[%swap3A_230, %swap3A_231], %mul3A_229 {add = true, strides = array<i32>} : memref<328x128xf32, #tpu.memory_space<vmem>>, vector<16xf32>,
        %get3A_233 = arith.index_cast %add3A_216 : i32 to index
        %get3A_234 = arith.constant 32 : index
        %get3A_235 = tpu.vector_load %arg13[%get3A_233, %get3A_234] {strides = array<i32>} : memref<128x128xf32, #tpu.memory_space<vmem>>, vector<16xf32>,
        %mul3A_236 = vector.broadcast %squeeze3A_210 : f32 to vector<16xf32>
        %mul3A_237 = arith.mulf %get3A_235, %mul3A_236 : vector<16xf32>
        %swap3A_238 = arith.index_cast %squeeze3A_212 : i32 to index
        %swap3A_239 = arith.constant 32 : index
        %swap3A_240 = tpu.vector_load %arg14[%swap3A_238, %swap3A_239] {strides = array<i32>} : memref<328x128xf32, #tpu.memory_space<vmem>>, vector<16xf32>,
        tpu.vector_store %arg14[%swap3A_238, %swap3A_239], %mul3A_237 {add = true, strides = array<i32>} : memref<328x128xf32, #tpu.memory_space<vmem>>, vector<16xf32>,
        %get3A_241 = arith.index_cast %add3A_216 : i32 to index
        %get3A_242 = arith.constant 48 : index
        %get3A_243 = tpu.vector_load %arg13[%get3A_241, %get3A_242] {strides = array<i32>} : memref<128x128xf32, #tpu.memory_space<vmem>>, vector<16xf32>,
        %mul3A_244 = vector.broadcast %squeeze3A_210 : f32 to vector<16xf32>
        %mul3A_245 = arith.mulf %get3A_243, %mul3A_244 : vector<16xf32>
        %swap3A_246 = arith.index_cast %squeeze3A_212 : i32 to index
        %swap3A_247 = arith.constant 48 : index
        %swap3A_248 = tpu.vector_load %arg14[%swap3A_246, %swap3A_247] {strides = array<i32>} : memref<328x128xf32, #tpu.memory_space<vmem>>, vector<16xf32>,
        tpu.vector_store %arg14[%swap3A_246, %swap3A_247], %mul3A_245 {add = true, strides = array<i32>} : memref<328x128xf32, #tpu.memory_space<vmem>>, vector<16xf32>,
        %get3A_249 = arith.index_cast %add3A_216 : i32 to index
        %get3A_250 = arith.constant 64 : index
        %get3A_251 = tpu.vector_load %arg13[%get3A_249, %get3A_250] {strides = array<i32>} : memref<128x128xf32, #tpu.memory_space<vmem>>, vector<16xf32>,
        %mul3A_252 = vector.broadcast %squeeze3A_210 : f32 to vector<16xf32>
        %mul3A_253 = arith.mulf %get3A_251, %mul3A_252 : vector<16xf32>
        %swap3A_254 = arith.index_cast %squeeze3A_212 : i32 to index
        %swap3A_255 = arith.constant 64 : index
        %swap3A_256 = tpu.vector_load %arg14[%swap3A_254, %swap3A_255] {strides = array<i32>} : memref<328x128xf32, #tpu.memory_space<vmem>>, vector<16xf32>,
        tpu.vector_store %arg14[%swap3A_254, %swap3A_255], %mul3A_253 {add = true, strides = array<i32>} : memref<328x128xf32, #tpu.memory_space<vmem>>, vector<16xf32>,
        %get3A_257 = arith.index_cast %add3A_216 : i32 to index
        %get3A_258 = arith.constant 80 : index
        %get3A_259 = tpu.vector_load %arg13[%get3A_257, %get3A_258] {strides = array<i32>} : memref<128x128xf32, #tpu.memory_space<vmem>>, vector<16xf32>,
        %mul3A_260 = vector.broadcast %squeeze3A_210 : f32 to vector<16xf32>
        %mul3A_261 = arith.mulf %get3A_259, %mul3A_260 : vector<16xf32>
        %swap3A_262 = arith.index_cast %squeeze3A_212 : i32 to index
        %swap3A_263 = arith.constant 80 : index
        %swap3A_264 = tpu.vector_load %arg14[%swap3A_262, %swap3A_263] {strides = array<i32>} : memref<328x128xf32, #tpu.memory_space<vmem>>, vector<16xf32>,
        tpu.vector_store %arg14[%swap3A_262, %swap3A_263], %mul3A_261 {add = true, strides = array<i32>} : memref<328x128xf32, #tpu.memory_space<vmem>>, vector<16xf32>,
        %get3A_265 = arith.index_cast %add3A_216 : i32 to index
        %get3A_266 = arith.constant 96 : index
        %get3A_267 = tpu.vector_load %arg13[%get3A_265, %get3A_266] {strides = array<i32>} : memref<128x128xf32, #tpu.memory_space<vmem>>, vector<16xf32>,
        %mul3A_268 = vector.broadcast %squeeze3A_210 : f32 to vector<16xf32>
        %mul3A_269 = arith.mulf %get3A_267, %mul3A_268 : vector<16xf32>
        %swap3A_270 = arith.index_cast %squeeze3A_212 : i32 to index
        %swap3A_271 = arith.constant 96 : index
        %swap3A_272 = tpu.vector_load %arg14[%swap3A_270, %swap3A_271] {strides = array<i32>} : memref<328x128xf32, #tpu.memory_space<vmem>>, vector<16xf32>,
        tpu.vector_store %arg14[%swap3A_270, %swap3A_271], %mul3A_269 {add = true, strides = array<i32>} : memref<328x128xf32, #tpu.memory_space<vmem>>, vector<16xf32>,
        %get3A_273 = arith.index_cast %add3A_216 : i32 to index
        %get3A_274 = arith.constant 112 : index
        %get3A_275 = tpu.vector_load %arg13[%get3A_273, %get3A_274] {strides = array<i32>} : memref<128x128xf32, #tpu.memory_space<vmem>>, vector<16xf32>,
        %mul3A_276 = vector.broadcast %squeeze3A_210 : f32 to vector<16xf32>
        %mul3A_277 = arith.mulf %get3A_275, %mul3A_276 : vector<16xf32>
        %swap3A_278 = arith.index_cast %squeeze3A_212 : i32 to index
        %swap3A_279 = arith.constant 112 : index
        %swap3A_280 = tpu.vector_load %arg14[%swap3A_278, %swap3A_279] {strides = array<i32>} : memref<328x128xf32, #tpu.memory_space<vmem>>, vector<16xf32>,
        tpu.vector_store %arg14[%swap3A_278, %swap3A_279], %mul3A_277 {add = true, strides = array<i32>} : memref<328x128xf32, #tpu.memory_space<vmem>>, vector<16xf32>,
        %slice3A_281 = vector.extract_strided_slice %get3A_133 {offsets = [2], sizes = [1], strides = [1]} : vector<16xf32> to vector<1xf32>
        %squeeze3A_282 = vector.extract %slice3A_281[0] : f32 from vector<1xf32>
        %slice3A_283 = vector.extract_strided_slice %get3A_138 {offsets = [2], sizes = [1], strides = [1]} : vector<16xi32> to vector<1xi32>
        %squeeze3A_284 = vector.extract %slice3A_283[0] : i32 from vector<1xi32>
        %mul3A_285 = arith.constant 16 : i32
        %mul3A_286 = arith.muli %scan3A_129, %mul3A_285 : i32
        %add3A_287 = arith.constant 2 : i32
        %add3A_288 = arith.addi %mul3A_286, %add3A_287 : i32
        %get3A_289 = arith.index_cast %add3A_288 : i32 to index
        %get3A_290 = arith.constant 0 : index
        %get3A_291 = tpu.vector_load %arg13[%get3A_289, %get3A_290] {strides = array<i32>} : memref<128x128xf32, #tpu.memory_space<vmem>>, vector<16xf32>,
        %mul3A_292 = vector.broadcast %squeeze3A_282 : f32 to vector<16xf32>
        %mul3A_293 = arith.mulf %get3A_291, %mul3A_292 : vector<16xf32>
        %swap3A_294 = arith.index_cast %squeeze3A_284 : i32 to index
        %swap3A_295 = arith.constant 0 : index
        %swap3A_296 = tpu.vector_load %arg14[%swap3A_294, %swap3A_295] {strides = array<i32>} : memref<328x128xf32, #tpu.memory_space<vmem>>, vector<16xf32>,
        tpu.vector_store %arg14[%swap3A_294, %swap3A_295], %mul3A_293 {add = true, strides = array<i32>} : memref<328x128xf32, #tpu.memory_space<vmem>>, vector<16xf32>,
        %get3A_297 = arith.index_cast %add3A_288 : i32 to index
        %get3A_298 = arith.constant 16 : index
        %get3A_299 = tpu.vector_load %arg13[%get3A_297, %get3A_298] {strides = array<i32>} : memref<128x128xf32, #tpu.memory_space<vmem>>, vector<16xf32>,
        %mul3A_300 = vector.broadcast %squeeze3A_282 : f32 to vector<16xf32>
        %mul3A_301 = arith.mulf %get3A_299, %mul3A_300 : vector<16xf32>
        %swap3A_302 = arith.index_cast %squeeze3A_284 : i32 to index
        %swap3A_303 = arith.constant 16 : index
        %swap3A_304 = tpu.vector_load %arg14[%swap3A_302, %swap3A_303] {strides = array<i32>} : memref<328x128xf32, #tpu.memory_space<vmem>>, vector<16xf32>,
        tpu.vector_store %arg14[%swap3A_302, %swap3A_303], %mul3A_301 {add = true, strides = array<i32>} : memref<328x128xf32, #tpu.memory_space<vmem>>, vector<16xf32>,
        %get3A_305 = arith.index_cast %add3A_288 : i32 to index
        %get3A_306 = arith.constant 32 : index
        %get3A_307 = tpu.vector_load %arg13[%get3A_305, %get3A_306] {strides = array<i32>} : memref<128x128xf32, #tpu.memory_space<vmem>>, vector<16xf32>,
        %mul3A_308 = vector.broadcast %squeeze3A_282 : f32 to vector<16xf32>
        %mul3A_309 = arith.mulf %get3A_307, %mul3A_308 : vector<16xf32>
        %swap3A_310 = arith.index_cast %squeeze3A_284 : i32 to index
        %swap3A_311 = arith.constant 32 : index
        %swap3A_312 = tpu.vector_load %arg14[%swap3A_310, %swap3A_311] {strides = array<i32>} : memref<328x128xf32, #tpu.memory_space<vmem>>, vector<16xf32>,
        tpu.vector_store %arg14[%swap3A_310, %swap3A_311], %mul3A_309 {add = true, strides = array<i32>} : memref<328x128xf32, #tpu.memory_space<vmem>>, vector<16xf32>,
        %get3A_313 = arith.index_cast %add3A_288 : i32 to index
        %get3A_314 = arith.constant 48 : index
        %get3A_315 = tpu.vector_load %arg13[%get3A_313, %get3A_314] {strides = array<i32>} : memref<128x128xf32, #tpu.memory_space<vmem>>, vector<16xf32>,
        %mul3A_316 = vector.broadcast %squeeze3A_282 : f32 to vector<16xf32>
        %mul3A_317 = arith.mulf %get3A_315, %mul3A_316 : vector<16xf32>
        %swap3A_318 = arith.index_cast %squeeze3A_284 : i32 to index
        %swap3A_319 = arith.constant 48 : index
        %swap3A_320 = tpu.vector_load %arg14[%swap3A_318, %swap3A_319] {strides = array<i32>} : memref<328x128xf32, #tpu.memory_space<vmem>>, vector<16xf32>,
        tpu.vector_store %arg14[%swap3A_318, %swap3A_319], %mul3A_317 {add = true, strides = array<i32>} : memref<328x128xf32, #tpu.memory_space<vmem>>, vector<16xf32>,
        %get3A_321 = arith.index_cast %add3A_288 : i32 to index
        %get3A_322 = arith.constant 64 : index
        %get3A_323 = tpu.vector_load %arg13[%get3A_321, %get3A_322] {strides = array<i32>} : memref<128x128xf32, #tpu.memory_space<vmem>>, vector<16xf32>,
        %mul3A_324 = vector.broadcast %squeeze3A_282 : f32 to vector<16xf32>
        %mul3A_325 = arith.mulf %get3A_323, %mul3A_324 : vector<16xf32>
        %swap3A_326 = arith.index_cast %squeeze3A_284 : i32 to index
        %swap3A_327 = arith.constant 64 : index
        %swap3A_328 = tpu.vector_load %arg14[%swap3A_326, %swap3A_327] {strides = array<i32>} : memref<328x128xf32, #tpu.memory_space<vmem>>, vector<16xf32>,
        tpu.vector_store %arg14[%swap3A_326, %swap3A_327], %mul3A_325 {add = true, strides = array<i32>} : memref<328x128xf32, #tpu.memory_space<vmem>>, vector<16xf32>,
        %get3A_329 = arith.index_cast %add3A_288 : i32 to index
        %get3A_330 = arith.constant 80 : index
        %get3A_331 = tpu.vector_load %arg13[%get3A_329, %get3A_330] {strides = array<i32>} : memref<128x128xf32, #tpu.memory_space<vmem>>, vector<16xf32>,
        %mul3A_332 = vector.broadcast %squeeze3A_282 : f32 to vector<16xf32>
        %mul3A_333 = arith.mulf %get3A_331, %mul3A_332 : vector<16xf32>
        %swap3A_334 = arith.index_cast %squeeze3A_284 : i32 to index
        %swap3A_335 = arith.constant 80 : index
        %swap3A_336 = tpu.vector_load %arg14[%swap3A_334, %swap3A_335] {strides = array<i32>} : memref<328x128xf32, #tpu.memory_space<vmem>>, vector<16xf32>,
        tpu.vector_store %arg14[%swap3A_334, %swap3A_335], %mul3A_333 {add = true, strides = array<i32>} : memref<328x128xf32, #tpu.memory_space<vmem>>, vector<16xf32>,
        %get3A_337 = arith.index_cast %add3A_288 : i32 to index
        %get3A_338 = arith.constant 96 : index
        %get3A_339 = tpu.vector_load %arg13[%get3A_337, %get3A_338] {strides = array<i32>} : memref<128x128xf32, #tpu.memory_space<vmem>>, vector<16xf32>,
        %mul3A_340 = vector.broadcast %squeeze3A_282 : f32 to vector<16xf32>
        %mul3A_341 = arith.mulf %get3A_339, %mul3A_340 : vector<16xf32>
        %swap3A_342 = arith.index_cast %squeeze3A_284 : i32 to index
        %swap3A_343 = arith.constant 96 : index
        %swap3A_344 = tpu.vector_load %arg14[%swap3A_342, %swap3A_343] {strides = array<i32>} : memref<328x128xf32, #tpu.memory_space<vmem>>, vector<16xf32>,
        tpu.vector_store %arg14[%swap3A_342, %swap3A_343], %mul3A_341 {add = true, strides = array<i32>} : memref<328x128xf32, #tpu.memory_space<vmem>>, vector<16xf32>,
        %get3A_345 = arith.index_cast %add3A_288 : i32 to index
        %get3A_346 = arith.constant 112 : index
        %get3A_347 = tpu.vector_load %arg13[%get3A_345, %get3A_346] {strides = array<i32>} : memref<128x128xf32, #tpu.memory_space<vmem>>, vector<16xf32>,
        %mul3A_348 = vector.broadcast %squeeze3A_282 : f32 to vector<16xf32>
        %mul3A_349 = arith.mulf %get3A_347, %mul3A_348 : vector<16xf32>
        %swap3A_350 = arith.index_cast %squeeze3A_284 : i32 to index
        %swap3A_351 = arith.constant 112 : index
        %swap3A_352 = tpu.vector_load %arg14[%swap3A_350, %swap3A_351] {strides = array<i32>} : memref<328x128xf32, #tpu.memory_space<vmem>>, vector<16xf32>,
        tpu.vector_store %arg14[%swap3A_350, %swap3A_351], %mul3A_349 {add = true, strides = array<i32>} : memref<328x128xf32, #tpu.memory_space<vmem>>, vector<16xf32>,
        %slice3A_353 = vector.extract_strided_slice %get3A_133 {offsets = [3], sizes = [1], strides = [1]} : vector<16xf32> to vector<1xf32>
        %squeeze3A_354 = vector.extract %slice3A_353[0] : f32 from vector<1xf32>
        %slice3A_355 = vector.extract_strided_slice %get3A_138 {offsets = [3], sizes = [1], strides = [1]} : vector<16xi32> to vector<1xi32>
        %squeeze3A_356 = vector.extract %slice3A_355[0] : i32 from vector<1xi32>
        %mul3A_357 = arith.constant 16 : i32
        %mul3A_358 = arith.muli %scan3A_129, %mul3A_357 : i32
        %add3A_359 = arith.constant 3 : i32
        %add3A_360 = arith.addi %mul3A_358, %add3A_359 : i32
        %get3A_361 = arith.index_cast %add3A_360 : i32 to index
        %get3A_362 = arith.constant 0 : index
        %get3A_363 = tpu.vector_load %arg13[%get3A_361, %get3A_362] {strides = array<i32>} : memref<128x128xf32, #tpu.memory_space<vmem>>, vector<16xf32>,
        %mul3A_364 = vector.broadcast %squeeze3A_354 : f32 to vector<16xf32>
        %mul3A_365 = arith.mulf %get3A_363, %mul3A_364 : vector<16xf32>
        %swap3A_366 = arith.index_cast %squeeze3A_356 : i32 to index
        %swap3A_367 = arith.constant 0 : index
        %swap3A_368 = tpu.vector_load %arg14[%swap3A_366, %swap3A_367] {strides = array<i32>} : memref<328x128xf32, #tpu.memory_space<vmem>>, vector<16xf32>,
        tpu.vector_store %arg14[%swap3A_366, %swap3A_367], %mul3A_365 {add = true, strides = array<i32>} : memref<328x128xf32, #tpu.memory_space<vmem>>, vector<16xf32>,
        %get3A_369 = arith.index_cast %add3A_360 : i32 to index
        %get3A_370 = arith.constant 16 : index
        %get3A_371 = tpu.vector_load %arg13[%get3A_369, %get3A_370] {strides = array<i32>} : memref<128x128xf32, #tpu.memory_space<vmem>>, vector<16xf32>,
        %mul3A_372 = vector.broadcast %squeeze3A_354 : f32 to vector<16xf32>
        %mul3A_373 = arith.mulf %get3A_371, %mul3A_372 : vector<16xf32>
        %swap3A_374 = arith.index_cast %squeeze3A_356 : i32 to index
        %swap3A_375 = arith.constant 16 : index
        %swap3A_376 = tpu.vector_load %arg14[%swap3A_374, %swap3A_375] {strides = array<i32>} : memref<328x128xf32, #tpu.memory_space<vmem>>, vector<16xf32>,
        tpu.vector_store %arg14[%swap3A_374, %swap3A_375], %mul3A_373 {add = true, strides = array<i32>} : memref<328x128xf32, #tpu.memory_space<vmem>>, vector<16xf32>,
        %get3A_377 = arith.index_cast %add3A_360 : i32 to index
        %get3A_378 = arith.constant 32 : index
        %get3A_379 = tpu.vector_load %arg13[%get3A_377, %get3A_378] {strides = array<i32>} : memref<128x128xf32, #tpu.memory_space<vmem>>, vector<16xf32>,
        %mul3A_380 = vector.broadcast %squeeze3A_354 : f32 to vector<16xf32>
        %mul3A_381 = arith.mulf %get3A_379, %mul3A_380 : vector<16xf32>
        %swap3A_382 = arith.index_cast %squeeze3A_356 : i32 to index
        %swap3A_383 = arith.constant 32 : index
        %swap3A_384 = tpu.vector_load %arg14[%swap3A_382, %swap3A_383] {strides = array<i32>} : memref<328x128xf32, #tpu.memory_space<vmem>>, vector<16xf32>,
        tpu.vector_store %arg14[%swap3A_382, %swap3A_383], %mul3A_381 {add = true, strides = array<i32>} : memref<328x128xf32, #tpu.memory_space<vmem>>, vector<16xf32>,
        %get3A_385 = arith.index_cast %add3A_360 : i32 to index
        %get3A_386 = arith.constant 48 : index
        %get3A_387 = tpu.vector_load %arg13[%get3A_385, %get3A_386] {strides = array<i32>} : memref<128x128xf32, #tpu.memory_space<vmem>>, vector<16xf32>,
        %mul3A_388 = vector.broadcast %squeeze3A_354 : f32 to vector<16xf32>
        %mul3A_389 = arith.mulf %get3A_387, %mul3A_388 : vector<16xf32>
        %swap3A_390 = arith.index_cast %squeeze3A_356 : i32 to index
        %swap3A_391 = arith.constant 48 : index
        %swap3A_392 = tpu.vector_load %arg14[%swap3A_390, %swap3A_391] {strides = array<i32>} : memref<328x128xf32, #tpu.memory_space<vmem>>, vector<16xf32>,
        tpu.vector_store %arg14[%swap3A_390, %swap3A_391], %mul3A_389 {add = true, strides = array<i32>} : memref<328x128xf32, #tpu.memory_space<vmem>>, vector<16xf32>,
        %get3A_393 = arith.index_cast %add3A_360 : i32 to index
        %get3A_394 = arith.constant 64 : index
        %get3A_395 = tpu.vector_load %arg13[%get3A_393, %get3A_394] {strides = array<i32>} : memref<128x128xf32, #tpu.memory_space<vmem>>, vector<16xf32>,
        %mul3A_396 = vector.broadcast %squeeze3A_354 : f32 to vector<16xf32>
        %mul3A_397 = arith.mulf %get3A_395, %mul3A_396 : vector<16xf32>
        %swap3A_398 = arith.index_cast %squeeze3A_356 : i32 to index
        %swap3A_399 = arith.constant 64 : index
        %swap3A_400 = tpu.vector_load %arg14[%swap3A_398, %swap3A_399] {strides = array<i32>} : memref<328x128xf32, #tpu.memory_space<vmem>>, vector<16xf32>,
        tpu.vector_store %arg14[%swap3A_398, %swap3A_399], %mul3A_397 {add = true, strides = array<i32>} : memref<328x128xf32, #tpu.memory_space<vmem>>, vector<16xf32>,
        %get3A_401 = arith.index_cast %add3A_360 : i32 to index
        %get3A_402 = arith.constant 80 : index
        %get3A_403 = tpu.vector_load %arg13[%get3A_401, %get3A_402] {strides = array<i32>} : memref<128x128xf32, #tpu.memory_space<vmem>>, vector<16xf32>,
        %mul3A_404 = vector.broadcast %squeeze3A_354 : f32 to vector<16xf32>
        %mul3A_405 = arith.mulf %get3A_403, %mul3A_404 : vector<16xf32>
        %swap3A_406 = arith.index_cast %squeeze3A_356 : i32 to index
        %swap3A_407 = arith.constant 80 : index
        %swap3A_408 = tpu.vector_load %arg14[%swap3A_406, %swap3A_407] {strides = array<i32>} : memref<328x128xf32, #tpu.memory_space<vmem>>, vector<16xf32>,
        tpu.vector_store %arg14[%swap3A_406, %swap3A_407], %mul3A_405 {add = true, strides = array<i32>} : memref<328x128xf32, #tpu.memory_space<vmem>>, vector<16xf32>,
        %get3A_409 = arith.index_cast %add3A_360 : i32 to index
        %get3A_410 = arith.constant 96 : index
        %get3A_411 = tpu.vector_load %arg13[%get3A_409, %get3A_410] {strides = array<i32>} : memref<128x128xf32, #tpu.memory_space<vmem>>, vector<16xf32>,
        %mul3A_412 = vector.broadcast %squeeze3A_354 : f32 to vector<16xf32>
        %mul3A_413 = arith.mulf %get3A_411, %mul3A_412 : vector<16xf32>
        %swap3A_414 = arith.index_cast %squeeze3A_356 : i32 to index
        %swap3A_415 = arith.constant 96 : index
        %swap3A_416 = tpu.vector_load %arg14[%swap3A_414, %swap3A_415] {strides = array<i32>} : memref<328x128xf32, #tpu.memory_space<vmem>>, vector<16xf32>,
        tpu.vector_store %arg14[%swap3A_414, %swap3A_415], %mul3A_413 {add = true, strides = array<i32>} : memref<328x128xf32, #tpu.memory_space<vmem>>, vector<16xf32>,
        %get3A_417 = arith.index_cast %add3A_360 : i32 to index
        %get3A_418 = arith.constant 112 : index
        %get3A_419 = tpu.vector_load %arg13[%get3A_417, %get3A_418] {strides = array<i32>} : memref<128x128xf32, #tpu.memory_space<vmem>>, vector<16xf32>,
        %mul3A_420 = vector.broadcast %squeeze3A_354 : f32 to vector<16xf32>
        %mul3A_421 = arith.mulf %get3A_419, %mul3A_420 : vector<16xf32>
        %swap3A_422 = arith.index_cast %squeeze3A_356 : i32 to index
        %swap3A_423 = arith.constant 112 : index
        %swap3A_424 = tpu.vector_load %arg14[%swap3A_422, %swap3A_423] {strides = array<i32>} : memref<328x128xf32, #tpu.memory_space<vmem>>, vector<16xf32>,
        tpu.vector_store %arg14[%swap3A_422, %swap3A_423], %mul3A_421 {add = true, strides = array<i32>} : memref<328x128xf32, #tpu.memory_space<vmem>>, vector<16xf32>,
        %slice3A_425 = vector.extract_strided_slice %get3A_133 {offsets = [4], sizes = [1], strides = [1]} : vector<16xf32> to vector<1xf32>
        %squeeze3A_426 = vector.extract %slice3A_425[0] : f32 from vector<1xf32>
        %slice3A_427 = vector.extract_strided_slice %get3A_138 {offsets = [4], sizes = [1], strides = [1]} : vector<16xi32> to vector<1xi32>
        %squeeze3A_428 = vector.extract %slice3A_427[0] : i32 from vector<1xi32>
        %mul3A_429 = arith.constant 16 : i32
        %mul3A_430 = arith.muli %scan3A_129, %mul3A_429 : i32
        %add3A_431 = arith.constant 4 : i32
        %add3A_432 = arith.addi %mul3A_430, %add3A_431 : i32
        %get3A_433 = arith.index_cast %add3A_432 : i32 to index
        %get3A_434 = arith.constant 0 : index
        %get3A_435 = tpu.vector_load %arg13[%get3A_433, %get3A_434] {strides = array<i32>} : memref<128x128xf32, #tpu.memory_space<vmem>>, vector<16xf32>,
        %mul3A_436 = vector.broadcast %squeeze3A_426 : f32 to vector<16xf32>
        %mul3A_437 = arith.mulf %get3A_435, %mul3A_436 : vector<16xf32>
        %swap3A_438 = arith.index_cast %squeeze3A_428 : i32 to index
        %swap3A_439 = arith.constant 0 : index
        %swap3A_440 = tpu.vector_load %arg14[%swap3A_438, %swap3A_439] {strides = array<i32>} : memref<328x128xf32, #tpu.memory_space<vmem>>, vector<16xf32>,
        tpu.vector_store %arg14[%swap3A_438, %swap3A_439], %mul3A_437 {add = true, strides = array<i32>} : memref<328x128xf32, #tpu.memory_space<vmem>>, vector<16xf32>,
        %get3A_441 = arith.index_cast %add3A_432 : i32 to index
        %get3A_442 = arith.constant 16 : index
        %get3A_443 = tpu.vector_load %arg13[%get3A_441, %get3A_442] {strides = array<i32>} : memref<128x128xf32, #tpu.memory_space<vmem>>, vector<16xf32>,
        %mul3A_444 = vector.broadcast %squeeze3A_426 : f32 to vector<16xf32>
        %mul3A_445 = arith.mulf %get3A_443, %mul3A_444 : vector<16xf32>
        %swap3A_446 = arith.index_cast %squeeze3A_428 : i32 to index
        %swap3A_447 = arith.constant 16 : index
        %swap3A_448 = tpu.vector_load %arg14[%swap3A_446, %swap3A_447] {strides = array<i32>} : memref<328x128xf32, #tpu.memory_space<vmem>>, vector<16xf32>,
        tpu.vector_store %arg14[%swap3A_446, %swap3A_447], %mul3A_445 {add = true, strides = array<i32>} : memref<328x128xf32, #tpu.memory_space<vmem>>, vector<16xf32>,
        %get3A_449 = arith.index_cast %add3A_432 : i32 to index
        %get3A_450 = arith.constant 32 : index
        %get3A_451 = tpu.vector_load %arg13[%get3A_449, %get3A_450] {strides = array<i32>} : memref<128x128xf32, #tpu.memory_space<vmem>>, vector<16xf32>,
        %mul3A_452 = vector.broadcast %squeeze3A_426 : f32 to vector<16xf32>
        %mul3A_453 = arith.mulf %get3A_451, %mul3A_452 : vector<16xf32>
        %swap3A_454 = arith.index_cast %squeeze3A_428 : i32 to index
        %swap3A_455 = arith.constant 32 : index
        %swap3A_456 = tpu.vector_load %arg14[%swap3A_454, %swap3A_455] {strides = array<i32>} : memref<328x128xf32, #tpu.memory_space<vmem>>, vector<16xf32>,
        tpu.vector_store %arg14[%swap3A_454, %swap3A_455], %mul3A_453 {add = true, strides = array<i32>} : memref<328x128xf32, #tpu.memory_space<vmem>>, vector<16xf32>,
        %get3A_457 = arith.index_cast %add3A_432 : i32 to index
        %get3A_458 = arith.constant 48 : index
        %get3A_459 = tpu.vector_load %arg13[%get3A_457, %get3A_458] {strides = array<i32>} : memref<128x128xf32, #tpu.memory_space<vmem>>, vector<16xf32>,
        %mul3A_460 = vector.broadcast %squeeze3A_426 : f32 to vector<16xf32>
        %mul3A_461 = arith.mulf %get3A_459, %mul3A_460 : vector<16xf32>
        %swap3A_462 = arith.index_cast %squeeze3A_428 : i32 to index
        %swap3A_463 = arith.constant 48 : index
        %swap3A_464 = tpu.vector_load %arg14[%swap3A_462, %swap3A_463] {strides = array<i32>} : memref<328x128xf32, #tpu.memory_space<vmem>>, vector<16xf32>,
        tpu.vector_store %arg14[%swap3A_462, %swap3A_463], %mul3A_461 {add = true, strides = array<i32>} : memref<328x128xf32, #tpu.memory_space<vmem>>, vector<16xf32>,
        %get3A_465 = arith.index_cast %add3A_432 : i32 to index
        %get3A_466 = arith.constant 64 : index
        %get3A_467 = tpu.vector_load %arg13[%get3A_465, %get3A_466] {strides = array<i32>} : memref<128x128xf32, #tpu.memory_space<vmem>>, vector<16xf32>,
        %mul3A_468 = vector.broadcast %squeeze3A_426 : f32 to vector<16xf32>
        %mul3A_469 = arith.mulf %get3A_467, %mul3A_468 : vector<16xf32>
        %swap3A_470 = arith.index_cast %squeeze3A_428 : i32 to index
        %swap3A_471 = arith.constant 64 : index
        %swap3A_472 = tpu.vector_load %arg14[%swap3A_470, %swap3A_471] {strides = array<i32>} : memref<328x128xf32, #tpu.memory_space<vmem>>, vector<16xf32>,
        tpu.vector_store %arg14[%swap3A_470, %swap3A_471], %mul3A_469 {add = true, strides = array<i32>} : memref<328x128xf32, #tpu.memory_space<vmem>>, vector<16xf32>,
        %get3A_473 = arith.index_cast %add3A_432 : i32 to index
        %get3A_474 = arith.constant 80 : index
        %get3A_475 = tpu.vector_load %arg13[%get3A_473, %get3A_474] {strides = array<i32>} : memref<128x128xf32, #tpu.memory_space<vmem>>, vector<16xf32>,
        %mul3A_476 = vector.broadcast %squeeze3A_426 : f32 to vector<16xf32>
        %mul3A_477 = arith.mulf %get3A_475, %mul3A_476 : vector<16xf32>
        %swap3A_478 = arith.index_cast %squeeze3A_428 : i32 to index
        %swap3A_479 = arith.constant 80 : index
        %swap3A_480 = tpu.vector_load %arg14[%swap3A_478, %swap3A_479] {strides = array<i32>} : memref<328x128xf32, #tpu.memory_space<vmem>>, vector<16xf32>,
        tpu.vector_store %arg14[%swap3A_478, %swap3A_479], %mul3A_477 {add = true, strides = array<i32>} : memref<328x128xf32, #tpu.memory_space<vmem>>, vector<16xf32>,
        %get3A_481 = arith.index_cast %add3A_432 : i32 to index
        %get3A_482 = arith.constant 96 : index
        %get3A_483 = tpu.vector_load %arg13[%get3A_481, %get3A_482] {strides = array<i32>} : memref<128x128xf32, #tpu.memory_space<vmem>>, vector<16xf32>,
        %mul3A_484 = vector.broadcast %squeeze3A_426 : f32 to vector<16xf32>
        %mul3A_485 = arith.mulf %get3A_483, %mul3A_484 : vector<16xf32>
        %swap3A_486 = arith.index_cast %squeeze3A_428 : i32 to index
        %swap3A_487 = arith.constant 96 : index
        %swap3A_488 = tpu.vector_load %arg14[%swap3A_486, %swap3A_487] {strides = array<i32>} : memref<328x128xf32, #tpu.memory_space<vmem>>, vector<16xf32>,
        tpu.vector_store %arg14[%swap3A_486, %swap3A_487], %mul3A_485 {add = true, strides = array<i32>} : memref<328x128xf32, #tpu.memory_space<vmem>>, vector<16xf32>,
        %get3A_489 = arith.index_cast %add3A_432 : i32 to index
        %get3A_490 = arith.constant 112 : index
        %get3A_491 = tpu.vector_load %arg13[%get3A_489, %get3A_490] {strides = array<i32>} : memref<128x128xf32, #tpu.memory_space<vmem>>, vector<16xf32>,
        %mul3A_492 = vector.broadcast %squeeze3A_426 : f32 to vector<16xf32>
        %mul3A_493 = arith.mulf %get3A_491, %mul3A_492 : vector<16xf32>
        %swap3A_494 = arith.index_cast %squeeze3A_428 : i32 to index
        %swap3A_495 = arith.constant 112 : index
        %swap3A_496 = tpu.vector_load %arg14[%swap3A_494, %swap3A_495] {strides = array<i32>} : memref<328x128xf32, #tpu.memory_space<vmem>>, vector<16xf32>,
        tpu.vector_store %arg14[%swap3A_494, %swap3A_495], %mul3A_493 {add = true, strides = array<i32>} : memref<328x128xf32, #tpu.memory_space<vmem>>, vector<16xf32>,
        %slice3A_497 = vector.extract_strided_slice %get3A_133 {offsets = [5], sizes = [1], strides = [1]} : vector<16xf32> to vector<1xf32>
        %squeeze3A_498 = vector.extract %slice3A_497[0] : f32 from vector<1xf32>
        %slice3A_499 = vector.extract_strided_slice %get3A_138 {offsets = [5], sizes = [1], strides = [1]} : vector<16xi32> to vector<1xi32>
        %squeeze3A_500 = vector.extract %slice3A_499[0] : i32 from vector<1xi32>
        %mul3A_501 = arith.constant 16 : i32
        %mul3A_502 = arith.muli %scan3A_129, %mul3A_501 : i32
        %add3A_503 = arith.constant 5 : i32
        %add3A_504 = arith.addi %mul3A_502, %add3A_503 : i32
        %get3A_505 = arith.index_cast %add3A_504 : i32 to index
        %get3A_506 = arith.constant 0 : index
        %get3A_507 = tpu.vector_load %arg13[%get3A_505, %get3A_506] {strides = array<i32>} : memref<128x128xf32, #tpu.memory_space<vmem>>, vector<16xf32>,
        %mul3A_508 = vector.broadcast %squeeze3A_498 : f32 to vector<16xf32>
        %mul3A_509 = arith.mulf %get3A_507, %mul3A_508 : vector<16xf32>
        %swap3A_510 = arith.index_cast %squeeze3A_500 : i32 to index
        %swap3A_511 = arith.constant 0 : index
        %swap3A_512 = tpu.vector_load %arg14[%swap3A_510, %swap3A_511] {strides = array<i32>} : memref<328x128xf32, #tpu.memory_space<vmem>>, vector<16xf32>,
        tpu.vector_store %arg14[%swap3A_510, %swap3A_511], %mul3A_509 {add = true, strides = array<i32>} : memref<328x128xf32, #tpu.memory_space<vmem>>, vector<16xf32>,
        %get3A_513 = arith.index_cast %add3A_504 : i32 to index
        %get3A_514 = arith.constant 16 : index
        %get3A_515 = tpu.vector_load %arg13[%get3A_513, %get3A_514] {strides = array<i32>} : memref<128x128xf32, #tpu.memory_space<vmem>>, vector<16xf32>,
        %mul3A_516 = vector.broadcast %squeeze3A_498 : f32 to vector<16xf32>
        %mul3A_517 = arith.mulf %get3A_515, %mul3A_516 : vector<16xf32>
        %swap3A_518 = arith.index_cast %squeeze3A_500 : i32 to index
        %swap3A_519 = arith.constant 16 : index
        %swap3A_520 = tpu.vector_load %arg14[%swap3A_518, %swap3A_519] {strides = array<i32>} : memref<328x128xf32, #tpu.memory_space<vmem>>, vector<16xf32>,
        tpu.vector_store %arg14[%swap3A_518, %swap3A_519], %mul3A_517 {add = true, strides = array<i32>} : memref<328x128xf32, #tpu.memory_space<vmem>>, vector<16xf32>,
        %get3A_521 = arith.index_cast %add3A_504 : i32 to index
        %get3A_522 = arith.constant 32 : index
        %get3A_523 = tpu.vector_load %arg13[%get3A_521, %get3A_522] {strides = array<i32>} : memref<128x128xf32, #tpu.memory_space<vmem>>, vector<16xf32>,
        %mul3A_524 = vector.broadcast %squeeze3A_498 : f32 to vector<16xf32>
        %mul3A_525 = arith.mulf %get3A_523, %mul3A_524 : vector<16xf32>
        %swap3A_526 = arith.index_cast %squeeze3A_500 : i32 to index
        %swap3A_527 = arith.constant 32 : index
        %swap3A_528 = tpu.vector_load %arg14[%swap3A_526, %swap3A_527] {strides = array<i32>} : memref<328x128xf32, #tpu.memory_space<vmem>>, vector<16xf32>,
        tpu.vector_store %arg14[%swap3A_526, %swap3A_527], %mul3A_525 {add = true, strides = array<i32>} : memref<328x128xf32, #tpu.memory_space<vmem>>, vector<16xf32>,
        %get3A_529 = arith.index_cast %add3A_504 : i32 to index
        %get3A_530 = arith.constant 48 : index
        %get3A_531 = tpu.vector_load %arg13[%get3A_529, %get3A_530] {strides = array<i32>} : memref<128x128xf32, #tpu.memory_space<vmem>>, vector<16xf32>,
        %mul3A_532 = vector.broadcast %squeeze3A_498 : f32 to vector<16xf32>
        %mul3A_533 = arith.mulf %get3A_531, %mul3A_532 : vector<16xf32>
        %swap3A_534 = arith.index_cast %squeeze3A_500 : i32 to index
        %swap3A_535 = arith.constant 48 : index
        %swap3A_536 = tpu.vector_load %arg14[%swap3A_534, %swap3A_535] {strides = array<i32>} : memref<328x128xf32, #tpu.memory_space<vmem>>, vector<16xf32>,
        tpu.vector_store %arg14[%swap3A_534, %swap3A_535], %mul3A_533 {add = true, strides = array<i32>} : memref<328x128xf32, #tpu.memory_space<vmem>>, vector<16xf32>,
        %get3A_537 = arith.index_cast %add3A_504 : i32 to index
        %get3A_538 = arith.constant 64 : index
        %get3A_539 = tpu.vector_load %arg13[%get3A_537, %get3A_538] {strides = array<i32>} : memref<128x128xf32, #tpu.memory_space<vmem>>, vector<16xf32>,
        %mul3A_540 = vector.broadcast %squeeze3A_498 : f32 to vector<16xf32>
        %mul3A_541 = arith.mulf %get3A_539, %mul3A_540 : vector<16xf32>
        %swap3A_542 = arith.index_cast %squeeze3A_500 : i32 to index
        %swap3A_543 = arith.constant 64 : index
        %swap3A_544 = tpu.vector_load %arg14[%swap3A_542, %swap3A_543] {strides = array<i32>} : memref<328x128xf32, #tpu.memory_space<vmem>>, vector<16xf32>,
        tpu.vector_store %arg14[%swap3A_542, %swap3A_543], %mul3A_541 {add = true, strides = array<i32>} : memref<328x128xf32, #tpu.memory_space<vmem>>, vector<16xf32>,
        %get3A_545 = arith.index_cast %add3A_504 : i32 to index
        %get3A_546 = arith.constant 80 : index
        %get3A_547 = tpu.vector_load %arg13[%get3A_545, %get3A_546] {strides = array<i32>} : memref<128x128xf32, #tpu.memory_space<vmem>>, vector<16xf32>,
        %mul3A_548 = vector.broadcast %squeeze3A_498 : f32 to vector<16xf32>
        %mul3A_549 = arith.mulf %get3A_547, %mul3A_548 : vector<16xf32>
        %swap3A_550 = arith.index_cast %squeeze3A_500 : i32 to index
        %swap3A_551 = arith.constant 80 : index
        %swap3A_552 = tpu.vector_load %arg14[%swap3A_550, %swap3A_551] {strides = array<i32>} : memref<328x128xf32, #tpu.memory_space<vmem>>, vector<16xf32>,
        tpu.vector_store %arg14[%swap3A_550, %swap3A_551], %mul3A_549 {add = true, strides = array<i32>} : memref<328x128xf32, #tpu.memory_space<vmem>>, vector<16xf32>,
        %get3A_553 = arith.index_cast %add3A_504 : i32 to index
        %get3A_554 = arith.constant 96 : index
        %get3A_555 = tpu.vector_load %arg13[%get3A_553, %get3A_554] {strides = array<i32>} : memref<128x128xf32, #tpu.memory_space<vmem>>, vector<16xf32>,
        %mul3A_556 = vector.broadcast %squeeze3A_498 : f32 to vector<16xf32>
        %mul3A_557 = arith.mulf %get3A_555, %mul3A_556 : vector<16xf32>
        %swap3A_558 = arith.index_cast %squeeze3A_500 : i32 to index
        %swap3A_559 = arith.constant 96 : index
        %swap3A_560 = tpu.vector_load %arg14[%swap3A_558, %swap3A_559] {strides = array<i32>} : memref<328x128xf32, #tpu.memory_space<vmem>>, vector<16xf32>,
        tpu.vector_store %arg14[%swap3A_558, %swap3A_559], %mul3A_557 {add = true, strides = array<i32>} : memref<328x128xf32, #tpu.memory_space<vmem>>, vector<16xf32>,
        %get3A_561 = arith.index_cast %add3A_504 : i32 to index
        %get3A_562 = arith.constant 112 : index
        %get3A_563 = tpu.vector_load %arg13[%get3A_561, %get3A_562] {strides = array<i32>} : memref<128x128xf32, #tpu.memory_space<vmem>>, vector<16xf32>,
        %mul3A_564 = vector.broadcast %squeeze3A_498 : f32 to vector<16xf32>
        %mul3A_565 = arith.mulf %get3A_563, %mul3A_564 : vector<16xf32>
        %swap3A_566 = arith.index_cast %squeeze3A_500 : i32 to index
        %swap3A_567 = arith.constant 112 : index
        %swap3A_568 = tpu.vector_load %arg14[%swap3A_566, %swap3A_567] {strides = array<i32>} : memref<328x128xf32, #tpu.memory_space<vmem>>, vector<16xf32>,
        tpu.vector_store %arg14[%swap3A_566, %swap3A_567], %mul3A_565 {add = true, strides = array<i32>} : memref<328x128xf32, #tpu.memory_space<vmem>>, vector<16xf32>,
        %slice3A_569 = vector.extract_strided_slice %get3A_133 {offsets = [6], sizes = [1], strides = [1]} : vector<16xf32> to vector<1xf32>
        %squeeze3A_570 = vector.extract %slice3A_569[0] : f32 from vector<1xf32>
        %slice3A_571 = vector.extract_strided_slice %get3A_138 {offsets = [6], sizes = [1], strides = [1]} : vector<16xi32> to vector<1xi32>
        %squeeze3A_572 = vector.extract %slice3A_571[0] : i32 from vector<1xi32>
        %mul3A_573 = arith.constant 16 : i32
        %mul3A_574 = arith.muli %scan3A_129, %mul3A_573 : i32
        %add3A_575 = arith.constant 6 : i32
        %add3A_576 = arith.addi %mul3A_574, %add3A_575 : i32
        %get3A_577 = arith.index_cast %add3A_576 : i32 to index
        %get3A_578 = arith.constant 0 : index
        %get3A_579 = tpu.vector_load %arg13[%get3A_577, %get3A_578] {strides = array<i32>} : memref<128x128xf32, #tpu.memory_space<vmem>>, vector<16xf32>,
        %mul3A_580 = vector.broadcast %squeeze3A_570 : f32 to vector<16xf32>
        %mul3A_581 = arith.mulf %get3A_579, %mul3A_580 : vector<16xf32>
        %swap3A_582 = arith.index_cast %squeeze3A_572 : i32 to index
        %swap3A_583 = arith.constant 0 : index
        %swap3A_584 = tpu.vector_load %arg14[%swap3A_582, %swap3A_583] {strides = array<i32>} : memref<328x128xf32, #tpu.memory_space<vmem>>, vector<16xf32>,
        tpu.vector_store %arg14[%swap3A_582, %swap3A_583], %mul3A_581 {add = true, strides = array<i32>} : memref<328x128xf32, #tpu.memory_space<vmem>>, vector<16xf32>,
        %get3A_585 = arith.index_cast %add3A_576 : i32 to index
        %get3A_586 = arith.constant 16 : index
        %get3A_587 = tpu.vector_load %arg13[%get3A_585, %get3A_586] {strides = array<i32>} : memref<128x128xf32, #tpu.memory_space<vmem>>, vector<16xf32>,
        %mul3A_588 = vector.broadcast %squeeze3A_570 : f32 to vector<16xf32>
        %mul3A_589 = arith.mulf %get3A_587, %mul3A_588 : vector<16xf32>
        %swap3A_590 = arith.index_cast %squeeze3A_572 : i32 to index
        %swap3A_591 = arith.constant 16 : index
        %swap3A_592 = tpu.vector_load %arg14[%swap3A_590, %swap3A_591] {strides = array<i32>} : memref<328x128xf32, #tpu.memory_space<vmem>>, vector<16xf32>,
        tpu.vector_store %arg14[%swap3A_590, %swap3A_591], %mul3A_589 {add = true, strides = array<i32>} : memref<328x128xf32, #tpu.memory_space<vmem>>, vector<16xf32>,
        %get3A_593 = arith.index_cast %add3A_576 : i32 to index
        %get3A_594 = arith.constant 32 : index
        %get3A_595 = tpu.vector_load %arg13[%get3A_593, %get3A_594] {strides = array<i32>} : memref<128x128xf32, #tpu.memory_space<vmem>>, vector<16xf32>,
        %mul3A_596 = vector.broadcast %squeeze3A_570 : f32 to vector<16xf32>
        %mul3A_597 = arith.mulf %get3A_595, %mul3A_596 : vector<16xf32>
        %swap3A_598 = arith.index_cast %squeeze3A_572 : i32 to index
        %swap3A_599 = arith.constant 32 : index
        %swap3A_600 = tpu.vector_load %arg14[%swap3A_598, %swap3A_599] {strides = array<i32>} : memref<328x128xf32, #tpu.memory_space<vmem>>, vector<16xf32>,
        tpu.vector_store %arg14[%swap3A_598, %swap3A_599], %mul3A_597 {add = true, strides = array<i32>} : memref<328x128xf32, #tpu.memory_space<vmem>>, vector<16xf32>,
        %get3A_601 = arith.index_cast %add3A_576 : i32 to index
        %get3A_602 = arith.constant 48 : index
        %get3A_603 = tpu.vector_load %arg13[%get3A_601, %get3A_602] {strides = array<i32>} : memref<128x128xf32, #tpu.memory_space<vmem>>, vector<16xf32>,
        %mul3A_604 = vector.broadcast %squeeze3A_570 : f32 to vector<16xf32>
        %mul3A_605 = arith.mulf %get3A_603, %mul3A_604 : vector<16xf32>
        %swap3A_606 = arith.index_cast %squeeze3A_572 : i32 to index
        %swap3A_607 = arith.constant 48 : index
        %swap3A_608 = tpu.vector_load %arg14[%swap3A_606, %swap3A_607] {strides = array<i32>} : memref<328x128xf32, #tpu.memory_space<vmem>>, vector<16xf32>,
        tpu.vector_store %arg14[%swap3A_606, %swap3A_607], %mul3A_605 {add = true, strides = array<i32>} : memref<328x128xf32, #tpu.memory_space<vmem>>, vector<16xf32>,
        %get3A_609 = arith.index_cast %add3A_576 : i32 to index
        %get3A_610 = arith.constant 64 : index
        %get3A_611 = tpu.vector_load %arg13[%get3A_609, %get3A_610] {strides = array<i32>} : memref<128x128xf32, #tpu.memory_space<vmem>>, vector<16xf32>,
        %mul3A_612 = vector.broadcast %squeeze3A_570 : f32 to vector<16xf32>
        %mul3A_613 = arith.mulf %get3A_611, %mul3A_612 : vector<16xf32>
        %swap3A_614 = arith.index_cast %squeeze3A_572 : i32 to index
        %swap3A_615 = arith.constant 64 : index
        %swap3A_616 = tpu.vector_load %arg14[%swap3A_614, %swap3A_615] {strides = array<i32>} : memref<328x128xf32, #tpu.memory_space<vmem>>, vector<16xf32>,
        tpu.vector_store %arg14[%swap3A_614, %swap3A_615], %mul3A_613 {add = true, strides = array<i32>} : memref<328x128xf32, #tpu.memory_space<vmem>>, vector<16xf32>,
        %get3A_617 = arith.index_cast %add3A_576 : i32 to index
        %get3A_618 = arith.constant 80 : index
        %get3A_619 = tpu.vector_load %arg13[%get3A_617, %get3A_618] {strides = array<i32>} : memref<128x128xf32, #tpu.memory_space<vmem>>, vector<16xf32>,
        %mul3A_620 = vector.broadcast %squeeze3A_570 : f32 to vector<16xf32>
        %mul3A_621 = arith.mulf %get3A_619, %mul3A_620 : vector<16xf32>
        %swap3A_622 = arith.index_cast %squeeze3A_572 : i32 to index
        %swap3A_623 = arith.constant 80 : index
        %swap3A_624 = tpu.vector_load %arg14[%swap3A_622, %swap3A_623] {strides = array<i32>} : memref<328x128xf32, #tpu.memory_space<vmem>>, vector<16xf32>,
        tpu.vector_store %arg14[%swap3A_622, %swap3A_623], %mul3A_621 {add = true, strides = array<i32>} : memref<328x128xf32, #tpu.memory_space<vmem>>, vector<16xf32>,
        %get3A_625 = arith.index_cast %add3A_576 : i32 to index
        %get3A_626 = arith.constant 96 : index
        %get3A_627 = tpu.vector_load %arg13[%get3A_625, %get3A_626] {strides = array<i32>} : memref<128x128xf32, #tpu.memory_space<vmem>>, vector<16xf32>,
        %mul3A_628 = vector.broadcast %squeeze3A_570 : f32 to vector<16xf32>
        %mul3A_629 = arith.mulf %get3A_627, %mul3A_628 : vector<16xf32>
        %swap3A_630 = arith.index_cast %squeeze3A_572 : i32 to index
        %swap3A_631 = arith.constant 96 : index
        %swap3A_632 = tpu.vector_load %arg14[%swap3A_630, %swap3A_631] {strides = array<i32>} : memref<328x128xf32, #tpu.memory_space<vmem>>, vector<16xf32>,
        tpu.vector_store %arg14[%swap3A_630, %swap3A_631], %mul3A_629 {add = true, strides = array<i32>} : memref<328x128xf32, #tpu.memory_space<vmem>>, vector<16xf32>,
        %get3A_633 = arith.index_cast %add3A_576 : i32 to index
        %get3A_634 = arith.constant 112 : index
        %get3A_635 = tpu.vector_load %arg13[%get3A_633, %get3A_634] {strides = array<i32>} : memref<128x128xf32, #tpu.memory_space<vmem>>, vector<16xf32>,
        %mul3A_636 = vector.broadcast %squeeze3A_570 : f32 to vector<16xf32>
        %mul3A_637 = arith.mulf %get3A_635, %mul3A_636 : vector<16xf32>
        %swap3A_638 = arith.index_cast %squeeze3A_572 : i32 to index
        %swap3A_639 = arith.constant 112 : index
        %swap3A_640 = tpu.vector_load %arg14[%swap3A_638, %swap3A_639] {strides = array<i32>} : memref<328x128xf32, #tpu.memory_space<vmem>>, vector<16xf32>,
        tpu.vector_store %arg14[%swap3A_638, %swap3A_639], %mul3A_637 {add = true, strides = array<i32>} : memref<328x128xf32, #tpu.memory_space<vmem>>, vector<16xf32>,
        %slice3A_641 = vector.extract_strided_slice %get3A_133 {offsets = [7], sizes = [1], strides = [1]} : vector<16xf32> to vector<1xf32>
        %squeeze3A_642 = vector.extract %slice3A_641[0] : f32 from vector<1xf32>
        %slice3A_643 = vector.extract_strided_slice %get3A_138 {offsets = [7], sizes = [1], strides = [1]} : vector<16xi32> to vector<1xi32>
        %squeeze3A_644 = vector.extract %slice3A_643[0] : i32 from vector<1xi32>
        %mul3A_645 = arith.constant 16 : i32
        %mul3A_646 = arith.muli %scan3A_129, %mul3A_645 : i32
        %add3A_647 = arith.constant 7 : i32
        %add3A_648 = arith.addi %mul3A_646, %add3A_647 : i32
        %get3A_649 = arith.index_cast %add3A_648 : i32 to index
        %get3A_650 = arith.constant 0 : index
        %get3A_651 = tpu.vector_load %arg13[%get3A_649, %get3A_650] {strides = array<i32>} : memref<128x128xf32, #tpu.memory_space<vmem>>, vector<16xf32>,
        %mul3A_652 = vector.broadcast %squeeze3A_642 : f32 to vector<16xf32>
        %mul3A_653 = arith.mulf %get3A_651, %mul3A_652 : vector<16xf32>
        %swap3A_654 = arith.index_cast %squeeze3A_644 : i32 to index
        %swap3A_655 = arith.constant 0 : index
        %swap3A_656 = tpu.vector_load %arg14[%swap3A_654, %swap3A_655] {strides = array<i32>} : memref<328x128xf32, #tpu.memory_space<vmem>>, vector<16xf32>,
        tpu.vector_store %arg14[%swap3A_654, %swap3A_655], %mul3A_653 {add = true, strides = array<i32>} : memref<328x128xf32, #tpu.memory_space<vmem>>, vector<16xf32>,
        %get3A_657 = arith.index_cast %add3A_648 : i32 to index
        %get3A_658 = arith.constant 16 : index
        %get3A_659 = tpu.vector_load %arg13[%get3A_657, %get3A_658] {strides = array<i32>} : memref<128x128xf32, #tpu.memory_space<vmem>>, vector<16xf32>,
        %mul3A_660 = vector.broadcast %squeeze3A_642 : f32 to vector<16xf32>
        %mul3A_661 = arith.mulf %get3A_659, %mul3A_660 : vector<16xf32>
        %swap3A_662 = arith.index_cast %squeeze3A_644 : i32 to index
        %swap3A_663 = arith.constant 16 : index
        %swap3A_664 = tpu.vector_load %arg14[%swap3A_662, %swap3A_663] {strides = array<i32>} : memref<328x128xf32, #tpu.memory_space<vmem>>, vector<16xf32>,
        tpu.vector_store %arg14[%swap3A_662, %swap3A_663], %mul3A_661 {add = true, strides = array<i32>} : memref<328x128xf32, #tpu.memory_space<vmem>>, vector<16xf32>,
        %get3A_665 = arith.index_cast %add3A_648 : i32 to index
        %get3A_666 = arith.constant 32 : index
        %get3A_667 = tpu.vector_load %arg13[%get3A_665, %get3A_666] {strides = array<i32>} : memref<128x128xf32, #tpu.memory_space<vmem>>, vector<16xf32>,
        %mul3A_668 = vector.broadcast %squeeze3A_642 : f32 to vector<16xf32>
        %mul3A_669 = arith.mulf %get3A_667, %mul3A_668 : vector<16xf32>
        %swap3A_670 = arith.index_cast %squeeze3A_644 : i32 to index
        %swap3A_671 = arith.constant 32 : index
        %swap3A_672 = tpu.vector_load %arg14[%swap3A_670, %swap3A_671] {strides = array<i32>} : memref<328x128xf32, #tpu.memory_space<vmem>>, vector<16xf32>,
        tpu.vector_store %arg14[%swap3A_670, %swap3A_671], %mul3A_669 {add = true, strides = array<i32>} : memref<328x128xf32, #tpu.memory_space<vmem>>, vector<16xf32>,
        %get3A_673 = arith.index_cast %add3A_648 : i32 to index
        %get3A_674 = arith.constant 48 : index
        %get3A_675 = tpu.vector_load %arg13[%get3A_673, %get3A_674] {strides = array<i32>} : memref<128x128xf32, #tpu.memory_space<vmem>>, vector<16xf32>,
        %mul3A_676 = vector.broadcast %squeeze3A_642 : f32 to vector<16xf32>
        %mul3A_677 = arith.mulf %get3A_675, %mul3A_676 : vector<16xf32>
        %swap3A_678 = arith.index_cast %squeeze3A_644 : i32 to index
        %swap3A_679 = arith.constant 48 : index
        %swap3A_680 = tpu.vector_load %arg14[%swap3A_678, %swap3A_679] {strides = array<i32>} : memref<328x128xf32, #tpu.memory_space<vmem>>, vector<16xf32>,
        tpu.vector_store %arg14[%swap3A_678, %swap3A_679], %mul3A_677 {add = true, strides = array<i32>} : memref<328x128xf32, #tpu.memory_space<vmem>>, vector<16xf32>,
        %get3A_681 = arith.index_cast %add3A_648 : i32 to index
        %get3A_682 = arith.constant 64 : index
        %get3A_683 = tpu.vector_load %arg13[%get3A_681, %get3A_682] {strides = array<i32>} : memref<128x128xf32, #tpu.memory_space<vmem>>, vector<16xf32>,
        %mul3A_684 = vector.broadcast %squeeze3A_642 : f32 to vector<16xf32>
        %mul3A_685 = arith.mulf %get3A_683, %mul3A_684 : vector<16xf32>
        %swap3A_686 = arith.index_cast %squeeze3A_644 : i32 to index
        %swap3A_687 = arith.constant 64 : index
        %swap3A_688 = tpu.vector_load %arg14[%swap3A_686, %swap3A_687] {strides = array<i32>} : memref<328x128xf32, #tpu.memory_space<vmem>>, vector<16xf32>,
        tpu.vector_store %arg14[%swap3A_686, %swap3A_687], %mul3A_685 {add = true, strides = array<i32>} : memref<328x128xf32, #tpu.memory_space<vmem>>, vector<16xf32>,
        %get3A_689 = arith.index_cast %add3A_648 : i32 to index
        %get3A_690 = arith.constant 80 : index
        %get3A_691 = tpu.vector_load %arg13[%get3A_689, %get3A_690] {strides = array<i32>} : memref<128x128xf32, #tpu.memory_space<vmem>>, vector<16xf32>,
        %mul3A_692 = vector.broadcast %squeeze3A_642 : f32 to vector<16xf32>
        %mul3A_693 = arith.mulf %get3A_691, %mul3A_692 : vector<16xf32>
        %swap3A_694 = arith.index_cast %squeeze3A_644 : i32 to index
        %swap3A_695 = arith.constant 80 : index
        %swap3A_696 = tpu.vector_load %arg14[%swap3A_694, %swap3A_695] {strides = array<i32>} : memref<328x128xf32, #tpu.memory_space<vmem>>, vector<16xf32>,
        tpu.vector_store %arg14[%swap3A_694, %swap3A_695], %mul3A_693 {add = true, strides = array<i32>} : memref<328x128xf32, #tpu.memory_space<vmem>>, vector<16xf32>,
        %get3A_697 = arith.index_cast %add3A_648 : i32 to index
        %get3A_698 = arith.constant 96 : index
        %get3A_699 = tpu.vector_load %arg13[%get3A_697, %get3A_698] {strides = array<i32>} : memref<128x128xf32, #tpu.memory_space<vmem>>, vector<16xf32>,
        %mul3A_700 = vector.broadcast %squeeze3A_642 : f32 to vector<16xf32>
        %mul3A_701 = arith.mulf %get3A_699, %mul3A_700 : vector<16xf32>
        %swap3A_702 = arith.index_cast %squeeze3A_644 : i32 to index
        %swap3A_703 = arith.constant 96 : index
        %swap3A_704 = tpu.vector_load %arg14[%swap3A_702, %swap3A_703] {strides = array<i32>} : memref<328x128xf32, #tpu.memory_space<vmem>>, vector<16xf32>,
        tpu.vector_store %arg14[%swap3A_702, %swap3A_703], %mul3A_701 {add = true, strides = array<i32>} : memref<328x128xf32, #tpu.memory_space<vmem>>, vector<16xf32>,
        %get3A_705 = arith.index_cast %add3A_648 : i32 to index
        %get3A_706 = arith.constant 112 : index
        %get3A_707 = tpu.vector_load %arg13[%get3A_705, %get3A_706] {strides = array<i32>} : memref<128x128xf32, #tpu.memory_space<vmem>>, vector<16xf32>,
        %mul3A_708 = vector.broadcast %squeeze3A_642 : f32 to vector<16xf32>
        %mul3A_709 = arith.mulf %get3A_707, %mul3A_708 : vector<16xf32>
        %swap3A_710 = arith.index_cast %squeeze3A_644 : i32 to index
        %swap3A_711 = arith.constant 112 : index
        %swap3A_712 = tpu.vector_load %arg14[%swap3A_710, %swap3A_711] {strides = array<i32>} : memref<328x128xf32, #tpu.memory_space<vmem>>, vector<16xf32>,
        tpu.vector_store %arg14[%swap3A_710, %swap3A_711], %mul3A_709 {add = true, strides = array<i32>} : memref<328x128xf32, #tpu.memory_space<vmem>>, vector<16xf32>,
        %slice3A_713 = vector.extract_strided_slice %get3A_133 {offsets = [8], sizes = [1], strides = [1]} : vector<16xf32> to vector<1xf32>
        %squeeze3A_714 = vector.extract %slice3A_713[0] : f32 from vector<1xf32>
        %slice3A_715 = vector.extract_strided_slice %get3A_138 {offsets = [8], sizes = [1], strides = [1]} : vector<16xi32> to vector<1xi32>
        %squeeze3A_716 = vector.extract %slice3A_715[0] : i32 from vector<1xi32>
        %mul3A_717 = arith.constant 16 : i32
        %mul3A_718 = arith.muli %scan3A_129, %mul3A_717 : i32
        %add3A_719 = arith.constant 8 : i32
        %add3A_720 = arith.addi %mul3A_718, %add3A_719 : i32
        %get3A_721 = arith.index_cast %add3A_720 : i32 to index
        %get3A_722 = arith.constant 0 : index
        %get3A_723 = tpu.vector_load %arg13[%get3A_721, %get3A_722] {strides = array<i32>} : memref<128x128xf32, #tpu.memory_space<vmem>>, vector<16xf32>,
        %mul3A_724 = vector.broadcast %squeeze3A_714 : f32 to vector<16xf32>
        %mul3A_725 = arith.mulf %get3A_723, %mul3A_724 : vector<16xf32>
        %swap3A_726 = arith.index_cast %squeeze3A_716 : i32 to index
        %swap3A_727 = arith.constant 0 : index
        %swap3A_728 = tpu.vector_load %arg14[%swap3A_726, %swap3A_727] {strides = array<i32>} : memref<328x128xf32, #tpu.memory_space<vmem>>, vector<16xf32>,
        tpu.vector_store %arg14[%swap3A_726, %swap3A_727], %mul3A_725 {add = true, strides = array<i32>} : memref<328x128xf32, #tpu.memory_space<vmem>>, vector<16xf32>,
        %get3A_729 = arith.index_cast %add3A_720 : i32 to index
        %get3A_730 = arith.constant 16 : index
        %get3A_731 = tpu.vector_load %arg13[%get3A_729, %get3A_730] {strides = array<i32>} : memref<128x128xf32, #tpu.memory_space<vmem>>, vector<16xf32>,
        %mul3A_732 = vector.broadcast %squeeze3A_714 : f32 to vector<16xf32>
        %mul3A_733 = arith.mulf %get3A_731, %mul3A_732 : vector<16xf32>
        %swap3A_734 = arith.index_cast %squeeze3A_716 : i32 to index
        %swap3A_735 = arith.constant 16 : index
        %swap3A_736 = tpu.vector_load %arg14[%swap3A_734, %swap3A_735] {strides = array<i32>} : memref<328x128xf32, #tpu.memory_space<vmem>>, vector<16xf32>,
        tpu.vector_store %arg14[%swap3A_734, %swap3A_735], %mul3A_733 {add = true, strides = array<i32>} : memref<328x128xf32, #tpu.memory_space<vmem>>, vector<16xf32>,
        %get3A_737 = arith.index_cast %add3A_720 : i32 to index
        %get3A_738 = arith.constant 32 : index
        %get3A_739 = tpu.vector_load %arg13[%get3A_737, %get3A_738] {strides = array<i32>} : memref<128x128xf32, #tpu.memory_space<vmem>>, vector<16xf32>,
        %mul3A_740 = vector.broadcast %squeeze3A_714 : f32 to vector<16xf32>
        %mul3A_741 = arith.mulf %get3A_739, %mul3A_740 : vector<16xf32>
        %swap3A_742 = arith.index_cast %squeeze3A_716 : i32 to index
        %swap3A_743 = arith.constant 32 : index
        %swap3A_744 = tpu.vector_load %arg14[%swap3A_742, %swap3A_743] {strides = array<i32>} : memref<328x128xf32, #tpu.memory_space<vmem>>, vector<16xf32>,
        tpu.vector_store %arg14[%swap3A_742, %swap3A_743], %mul3A_741 {add = true, strides = array<i32>} : memref<328x128xf32, #tpu.memory_space<vmem>>, vector<16xf32>,
        %get3A_745 = arith.index_cast %add3A_720 : i32 to index
        %get3A_746 = arith.constant 48 : index
        %get3A_747 = tpu.vector_load %arg13[%get3A_745, %get3A_746] {strides = array<i32>} : memref<128x128xf32, #tpu.memory_space<vmem>>, vector<16xf32>,
        %mul3A_748 = vector.broadcast %squeeze3A_714 : f32 to vector<16xf32>
        %mul3A_749 = arith.mulf %get3A_747, %mul3A_748 : vector<16xf32>
        %swap3A_750 = arith.index_cast %squeeze3A_716 : i32 to index
        %swap3A_751 = arith.constant 48 : index
        %swap3A_752 = tpu.vector_load %arg14[%swap3A_750, %swap3A_751] {strides = array<i32>} : memref<328x128xf32, #tpu.memory_space<vmem>>, vector<16xf32>,
        tpu.vector_store %arg14[%swap3A_750, %swap3A_751], %mul3A_749 {add = true, strides = array<i32>} : memref<328x128xf32, #tpu.memory_space<vmem>>, vector<16xf32>,
        %get3A_753 = arith.index_cast %add3A_720 : i32 to index
        %get3A_754 = arith.constant 64 : index
        %get3A_755 = tpu.vector_load %arg13[%get3A_753, %get3A_754] {strides = array<i32>} : memref<128x128xf32, #tpu.memory_space<vmem>>, vector<16xf32>,
        %mul3A_756 = vector.broadcast %squeeze3A_714 : f32 to vector<16xf32>
        %mul3A_757 = arith.mulf %get3A_755, %mul3A_756 : vector<16xf32>
        %swap3A_758 = arith.index_cast %squeeze3A_716 : i32 to index
        %swap3A_759 = arith.constant 64 : index
        %swap3A_760 = tpu.vector_load %arg14[%swap3A_758, %swap3A_759] {strides = array<i32>} : memref<328x128xf32, #tpu.memory_space<vmem>>, vector<16xf32>,
        tpu.vector_store %arg14[%swap3A_758, %swap3A_759], %mul3A_757 {add = true, strides = array<i32>} : memref<328x128xf32, #tpu.memory_space<vmem>>, vector<16xf32>,
        %get3A_761 = arith.index_cast %add3A_720 : i32 to index
        %get3A_762 = arith.constant 80 : index
        %get3A_763 = tpu.vector_load %arg13[%get3A_761, %get3A_762] {strides = array<i32>} : memref<128x128xf32, #tpu.memory_space<vmem>>, vector<16xf32>,
        %mul3A_764 = vector.broadcast %squeeze3A_714 : f32 to vector<16xf32>
        %mul3A_765 = arith.mulf %get3A_763, %mul3A_764 : vector<16xf32>
        %swap3A_766 = arith.index_cast %squeeze3A_716 : i32 to index
        %swap3A_767 = arith.constant 80 : index
        %swap3A_768 = tpu.vector_load %arg14[%swap3A_766, %swap3A_767] {strides = array<i32>} : memref<328x128xf32, #tpu.memory_space<vmem>>, vector<16xf32>,
        tpu.vector_store %arg14[%swap3A_766, %swap3A_767], %mul3A_765 {add = true, strides = array<i32>} : memref<328x128xf32, #tpu.memory_space<vmem>>, vector<16xf32>,
        %get3A_769 = arith.index_cast %add3A_720 : i32 to index
        %get3A_770 = arith.constant 96 : index
        %get3A_771 = tpu.vector_load %arg13[%get3A_769, %get3A_770] {strides = array<i32>} : memref<128x128xf32, #tpu.memory_space<vmem>>, vector<16xf32>,
        %mul3A_772 = vector.broadcast %squeeze3A_714 : f32 to vector<16xf32>
        %mul3A_773 = arith.mulf %get3A_771, %mul3A_772 : vector<16xf32>
        %swap3A_774 = arith.index_cast %squeeze3A_716 : i32 to index
        %swap3A_775 = arith.constant 96 : index
        %swap3A_776 = tpu.vector_load %arg14[%swap3A_774, %swap3A_775] {strides = array<i32>} : memref<328x128xf32, #tpu.memory_space<vmem>>, vector<16xf32>,
        tpu.vector_store %arg14[%swap3A_774, %swap3A_775], %mul3A_773 {add = true, strides = array<i32>} : memref<328x128xf32, #tpu.memory_space<vmem>>, vector<16xf32>,
        %get3A_777 = arith.index_cast %add3A_720 : i32 to index
        %get3A_778 = arith.constant 112 : index
        %get3A_779 = tpu.vector_load %arg13[%get3A_777, %get3A_778] {strides = array<i32>} : memref<128x128xf32, #tpu.memory_space<vmem>>, vector<16xf32>,
        %mul3A_780 = vector.broadcast %squeeze3A_714 : f32 to vector<16xf32>
        %mul3A_781 = arith.mulf %get3A_779, %mul3A_780 : vector<16xf32>
        %swap3A_782 = arith.index_cast %squeeze3A_716 : i32 to index
        %swap3A_783 = arith.constant 112 : index
        %swap3A_784 = tpu.vector_load %arg14[%swap3A_782, %swap3A_783] {strides = array<i32>} : memref<328x128xf32, #tpu.memory_space<vmem>>, vector<16xf32>,
        tpu.vector_store %arg14[%swap3A_782, %swap3A_783], %mul3A_781 {add = true, strides = array<i32>} : memref<328x128xf32, #tpu.memory_space<vmem>>, vector<16xf32>,
        %slice3A_785 = vector.extract_strided_slice %get3A_133 {offsets = [9], sizes = [1], strides = [1]} : vector<16xf32> to vector<1xf32>
        %squeeze3A_786 = vector.extract %slice3A_785[0] : f32 from vector<1xf32>
        %slice3A_787 = vector.extract_strided_slice %get3A_138 {offsets = [9], sizes = [1], strides = [1]} : vector<16xi32> to vector<1xi32>
        %squeeze3A_788 = vector.extract %slice3A_787[0] : i32 from vector<1xi32>
        %mul3A_789 = arith.constant 16 : i32
        %mul3A_790 = arith.muli %scan3A_129, %mul3A_789 : i32
        %add3A_791 = arith.constant 9 : i32
        %add3A_792 = arith.addi %mul3A_790, %add3A_791 : i32
        %get3A_793 = arith.index_cast %add3A_792 : i32 to index
        %get3A_794 = arith.constant 0 : index
        %get3A_795 = tpu.vector_load %arg13[%get3A_793, %get3A_794] {strides = array<i32>} : memref<128x128xf32, #tpu.memory_space<vmem>>, vector<16xf32>,
        %mul3A_796 = vector.broadcast %squeeze3A_786 : f32 to vector<16xf32>
        %mul3A_797 = arith.mulf %get3A_795, %mul3A_796 : vector<16xf32>
        %swap3A_798 = arith.index_cast %squeeze3A_788 : i32 to index
        %swap3A_799 = arith.constant 0 : index
        %swap3A_800 = tpu.vector_load %arg14[%swap3A_798, %swap3A_799] {strides = array<i32>} : memref<328x128xf32, #tpu.memory_space<vmem>>, vector<16xf32>,
        tpu.vector_store %arg14[%swap3A_798, %swap3A_799], %mul3A_797 {add = true, strides = array<i32>} : memref<328x128xf32, #tpu.memory_space<vmem>>, vector<16xf32>,
        %get3A_801 = arith.index_cast %add3A_792 : i32 to index
        %get3A_802 = arith.constant 16 : index
        %get3A_803 = tpu.vector_load %arg13[%get3A_801, %get3A_802] {strides = array<i32>} : memref<128x128xf32, #tpu.memory_space<vmem>>, vector<16xf32>,
        %mul3A_804 = vector.broadcast %squeeze3A_786 : f32 to vector<16xf32>
        %mul3A_805 = arith.mulf %get3A_803, %mul3A_804 : vector<16xf32>
        %swap3A_806 = arith.index_cast %squeeze3A_788 : i32 to index
        %swap3A_807 = arith.constant 16 : index
        %swap3A_808 = tpu.vector_load %arg14[%swap3A_806, %swap3A_807] {strides = array<i32>} : memref<328x128xf32, #tpu.memory_space<vmem>>, vector<16xf32>,
        tpu.vector_store %arg14[%swap3A_806, %swap3A_807], %mul3A_805 {add = true, strides = array<i32>} : memref<328x128xf32, #tpu.memory_space<vmem>>, vector<16xf32>,
        %get3A_809 = arith.index_cast %add3A_792 : i32 to index
        %get3A_810 = arith.constant 32 : index
        %get3A_811 = tpu.vector_load %arg13[%get3A_809, %get3A_810] {strides = array<i32>} : memref<128x128xf32, #tpu.memory_space<vmem>>, vector<16xf32>,
        %mul3A_812 = vector.broadcast %squeeze3A_786 : f32 to vector<16xf32>
        %mul3A_813 = arith.mulf %get3A_811, %mul3A_812 : vector<16xf32>
        %swap3A_814 = arith.index_cast %squeeze3A_788 : i32 to index
        %swap3A_815 = arith.constant 32 : index
        %swap3A_816 = tpu.vector_load %arg14[%swap3A_814, %swap3A_815] {strides = array<i32>} : memref<328x128xf32, #tpu.memory_space<vmem>>, vector<16xf32>,
        tpu.vector_store %arg14[%swap3A_814, %swap3A_815], %mul3A_813 {add = true, strides = array<i32>} : memref<328x128xf32, #tpu.memory_space<vmem>>, vector<16xf32>,
        %get3A_817 = arith.index_cast %add3A_792 : i32 to index
        %get3A_818 = arith.constant 48 : index
        %get3A_819 = tpu.vector_load %arg13[%get3A_817, %get3A_818] {strides = array<i32>} : memref<128x128xf32, #tpu.memory_space<vmem>>, vector<16xf32>,
        %mul3A_820 = vector.broadcast %squeeze3A_786 : f32 to vector<16xf32>
        %mul3A_821 = arith.mulf %get3A_819, %mul3A_820 : vector<16xf32>
        %swap3A_822 = arith.index_cast %squeeze3A_788 : i32 to index
        %swap3A_823 = arith.constant 48 : index
        %swap3A_824 = tpu.vector_load %arg14[%swap3A_822, %swap3A_823] {strides = array<i32>} : memref<328x128xf32, #tpu.memory_space<vmem>>, vector<16xf32>,
        tpu.vector_store %arg14[%swap3A_822, %swap3A_823], %mul3A_821 {add = true, strides = array<i32>} : memref<328x128xf32, #tpu.memory_space<vmem>>, vector<16xf32>,
        %get3A_825 = arith.index_cast %add3A_792 : i32 to index
        %get3A_826 = arith.constant 64 : index
        %get3A_827 = tpu.vector_load %arg13[%get3A_825, %get3A_826] {strides = array<i32>} : memref<128x128xf32, #tpu.memory_space<vmem>>, vector<16xf32>,
        %mul3A_828 = vector.broadcast %squeeze3A_786 : f32 to vector<16xf32>
        %mul3A_829 = arith.mulf %get3A_827, %mul3A_828 : vector<16xf32>
        %swap3A_830 = arith.index_cast %squeeze3A_788 : i32 to index
        %swap3A_831 = arith.constant 64 : index
        %swap3A_832 = tpu.vector_load %arg14[%swap3A_830, %swap3A_831] {strides = array<i32>} : memref<328x128xf32, #tpu.memory_space<vmem>>, vector<16xf32>,
        tpu.vector_store %arg14[%swap3A_830, %swap3A_831], %mul3A_829 {add = true, strides = array<i32>} : memref<328x128xf32, #tpu.memory_space<vmem>>, vector<16xf32>,
        %get3A_833 = arith.index_cast %add3A_792 : i32 to index
        %get3A_834 = arith.constant 80 : index
        %get3A_835 = tpu.vector_load %arg13[%get3A_833, %get3A_834] {strides = array<i32>} : memref<128x128xf32, #tpu.memory_space<vmem>>, vector<16xf32>,
        %mul3A_836 = vector.broadcast %squeeze3A_786 : f32 to vector<16xf32>
        %mul3A_837 = arith.mulf %get3A_835, %mul3A_836 : vector<16xf32>
        %swap3A_838 = arith.index_cast %squeeze3A_788 : i32 to index
        %swap3A_839 = arith.constant 80 : index
        %swap3A_840 = tpu.vector_load %arg14[%swap3A_838, %swap3A_839] {strides = array<i32>} : memref<328x128xf32, #tpu.memory_space<vmem>>, vector<16xf32>,
        tpu.vector_store %arg14[%swap3A_838, %swap3A_839], %mul3A_837 {add = true, strides = array<i32>} : memref<328x128xf32, #tpu.memory_space<vmem>>, vector<16xf32>,
        %get3A_841 = arith.index_cast %add3A_792 : i32 to index
        %get3A_842 = arith.constant 96 : index
        %get3A_843 = tpu.vector_load %arg13[%get3A_841, %get3A_842] {strides = array<i32>} : memref<128x128xf32, #tpu.memory_space<vmem>>, vector<16xf32>,
        %mul3A_844 = vector.broadcast %squeeze3A_786 : f32 to vector<16xf32>
        %mul3A_845 = arith.mulf %get3A_843, %mul3A_844 : vector<16xf32>
        %swap3A_846 = arith.index_cast %squeeze3A_788 : i32 to index
        %swap3A_847 = arith.constant 96 : index
        %swap3A_848 = tpu.vector_load %arg14[%swap3A_846, %swap3A_847] {strides = array<i32>} : memref<328x128xf32, #tpu.memory_space<vmem>>, vector<16xf32>,
        tpu.vector_store %arg14[%swap3A_846, %swap3A_847], %mul3A_845 {add = true, strides = array<i32>} : memref<328x128xf32, #tpu.memory_space<vmem>>, vector<16xf32>,
        %get3A_849 = arith.index_cast %add3A_792 : i32 to index
        %get3A_850 = arith.constant 112 : index
        %get3A_851 = tpu.vector_load %arg13[%get3A_849, %get3A_850] {strides = array<i32>} : memref<128x128xf32, #tpu.memory_space<vmem>>, vector<16xf32>,
        %mul3A_852 = vector.broadcast %squeeze3A_786 : f32 to vector<16xf32>
        %mul3A_853 = arith.mulf %get3A_851, %mul3A_852 : vector<16xf32>
        %swap3A_854 = arith.index_cast %squeeze3A_788 : i32 to index
        %swap3A_855 = arith.constant 112 : index
        %swap3A_856 = tpu.vector_load %arg14[%swap3A_854, %swap3A_855] {strides = array<i32>} : memref<328x128xf32, #tpu.memory_space<vmem>>, vector<16xf32>,
        tpu.vector_store %arg14[%swap3A_854, %swap3A_855], %mul3A_853 {add = true, strides = array<i32>} : memref<328x128xf32, #tpu.memory_space<vmem>>, vector<16xf32>,
        %slice3A_857 = vector.extract_strided_slice %get3A_133 {offsets = [10], sizes = [1], strides = [1]} : vector<16xf32> to vector<1xf32>
        %squeeze3A_858 = vector.extract %slice3A_857[0] : f32 from vector<1xf32>
        %slice3A_859 = vector.extract_strided_slice %get3A_138 {offsets = [10], sizes = [1], strides = [1]} : vector<16xi32> to vector<1xi32>
        %squeeze3A_860 = vector.extract %slice3A_859[0] : i32 from vector<1xi32>
        %mul3A_861 = arith.constant 16 : i32
        %mul3A_862 = arith.muli %scan3A_129, %mul3A_861 : i32
        %add3A_863 = arith.constant 10 : i32
        %add3A_864 = arith.addi %mul3A_862, %add3A_863 : i32
        %get3A_865 = arith.index_cast %add3A_864 : i32 to index
        %get3A_866 = arith.constant 0 : index
        %get3A_867 = tpu.vector_load %arg13[%get3A_865, %get3A_866] {strides = array<i32>} : memref<128x128xf32, #tpu.memory_space<vmem>>, vector<16xf32>,
        %mul3A_868 = vector.broadcast %squeeze3A_858 : f32 to vector<16xf32>
        %mul3A_869 = arith.mulf %get3A_867, %mul3A_868 : vector<16xf32>
        %swap3A_870 = arith.index_cast %squeeze3A_860 : i32 to index
        %swap3A_871 = arith.constant 0 : index
        %swap3A_872 = tpu.vector_load %arg14[%swap3A_870, %swap3A_871] {strides = array<i32>} : memref<328x128xf32, #tpu.memory_space<vmem>>, vector<16xf32>,
        tpu.vector_store %arg14[%swap3A_870, %swap3A_871], %mul3A_869 {add = true, strides = array<i32>} : memref<328x128xf32, #tpu.memory_space<vmem>>, vector<16xf32>,
        %get3A_873 = arith.index_cast %add3A_864 : i32 to index
        %get3A_874 = arith.constant 16 : index
        %get3A_875 = tpu.vector_load %arg13[%get3A_873, %get3A_874] {strides = array<i32>} : memref<128x128xf32, #tpu.memory_space<vmem>>, vector<16xf32>,
        %mul3A_876 = vector.broadcast %squeeze3A_858 : f32 to vector<16xf32>
        %mul3A_877 = arith.mulf %get3A_875, %mul3A_876 : vector<16xf32>
        %swap3A_878 = arith.index_cast %squeeze3A_860 : i32 to index
        %swap3A_879 = arith.constant 16 : index
        %swap3A_880 = tpu.vector_load %arg14[%swap3A_878, %swap3A_879] {strides = array<i32>} : memref<328x128xf32, #tpu.memory_space<vmem>>, vector<16xf32>,
        tpu.vector_store %arg14[%swap3A_878, %swap3A_879], %mul3A_877 {add = true, strides = array<i32>} : memref<328x128xf32, #tpu.memory_space<vmem>>, vector<16xf32>,
        %get3A_881 = arith.index_cast %add3A_864 : i32 to index
        %get3A_882 = arith.constant 32 : index
        %get3A_883 = tpu.vector_load %arg13[%get3A_881, %get3A_882] {strides = array<i32>} : memref<128x128xf32, #tpu.memory_space<vmem>>, vector<16xf32>,
        %mul3A_884 = vector.broadcast %squeeze3A_858 : f32 to vector<16xf32>
        %mul3A_885 = arith.mulf %get3A_883, %mul3A_884 : vector<16xf32>
        %swap3A_886 = arith.index_cast %squeeze3A_860 : i32 to index
        %swap3A_887 = arith.constant 32 : index
        %swap3A_888 = tpu.vector_load %arg14[%swap3A_886, %swap3A_887] {strides = array<i32>} : memref<328x128xf32, #tpu.memory_space<vmem>>, vector<16xf32>,
        tpu.vector_store %arg14[%swap3A_886, %swap3A_887], %mul3A_885 {add = true, strides = array<i32>} : memref<328x128xf32, #tpu.memory_space<vmem>>, vector<16xf32>,
        %get3A_889 = arith.index_cast %add3A_864 : i32 to index
        %get3A_890 = arith.constant 48 : index
        %get3A_891 = tpu.vector_load %arg13[%get3A_889, %get3A_890] {strides = array<i32>} : memref<128x128xf32, #tpu.memory_space<vmem>>, vector<16xf32>,
        %mul3A_892 = vector.broadcast %squeeze3A_858 : f32 to vector<16xf32>
        %mul3A_893 = arith.mulf %get3A_891, %mul3A_892 : vector<16xf32>
        %swap3A_894 = arith.index_cast %squeeze3A_860 : i32 to index
        %swap3A_895 = arith.constant 48 : index
        %swap3A_896 = tpu.vector_load %arg14[%swap3A_894, %swap3A_895] {strides = array<i32>} : memref<328x128xf32, #tpu.memory_space<vmem>>, vector<16xf32>,
        tpu.vector_store %arg14[%swap3A_894, %swap3A_895], %mul3A_893 {add = true, strides = array<i32>} : memref<328x128xf32, #tpu.memory_space<vmem>>, vector<16xf32>,
        %get3A_897 = arith.index_cast %add3A_864 : i32 to index
        %get3A_898 = arith.constant 64 : index
        %get3A_899 = tpu.vector_load %arg13[%get3A_897, %get3A_898] {strides = array<i32>} : memref<128x128xf32, #tpu.memory_space<vmem>>, vector<16xf32>,
        %mul3A_900 = vector.broadcast %squeeze3A_858 : f32 to vector<16xf32>
        %mul3A_901 = arith.mulf %get3A_899, %mul3A_900 : vector<16xf32>
        %swap3A_902 = arith.index_cast %squeeze3A_860 : i32 to index
        %swap3A_903 = arith.constant 64 : index
        %swap3A_904 = tpu.vector_load %arg14[%swap3A_902, %swap3A_903] {strides = array<i32>} : memref<328x128xf32, #tpu.memory_space<vmem>>, vector<16xf32>,
        tpu.vector_store %arg14[%swap3A_902, %swap3A_903], %mul3A_901 {add = true, strides = array<i32>} : memref<328x128xf32, #tpu.memory_space<vmem>>, vector<16xf32>,
        %get3A_905 = arith.index_cast %add3A_864 : i32 to index
        %get3A_906 = arith.constant 80 : index
        %get3A_907 = tpu.vector_load %arg13[%get3A_905, %get3A_906] {strides = array<i32>} : memref<128x128xf32, #tpu.memory_space<vmem>>, vector<16xf32>,
        %mul3A_908 = vector.broadcast %squeeze3A_858 : f32 to vector<16xf32>
        %mul3A_909 = arith.mulf %get3A_907, %mul3A_908 : vector<16xf32>
        %swap3A_910 = arith.index_cast %squeeze3A_860 : i32 to index
        %swap3A_911 = arith.constant 80 : index
        %swap3A_912 = tpu.vector_load %arg14[%swap3A_910, %swap3A_911] {strides = array<i32>} : memref<328x128xf32, #tpu.memory_space<vmem>>, vector<16xf32>,
        tpu.vector_store %arg14[%swap3A_910, %swap3A_911], %mul3A_909 {add = true, strides = array<i32>} : memref<328x128xf32, #tpu.memory_space<vmem>>, vector<16xf32>,
        %get3A_913 = arith.index_cast %add3A_864 : i32 to index
        %get3A_914 = arith.constant 96 : index
        %get3A_915 = tpu.vector_load %arg13[%get3A_913, %get3A_914] {strides = array<i32>} : memref<128x128xf32, #tpu.memory_space<vmem>>, vector<16xf32>,
        %mul3A_916 = vector.broadcast %squeeze3A_858 : f32 to vector<16xf32>
        %mul3A_917 = arith.mulf %get3A_915, %mul3A_916 : vector<16xf32>
        %swap3A_918 = arith.index_cast %squeeze3A_860 : i32 to index
        %swap3A_919 = arith.constant 96 : index
        %swap3A_920 = tpu.vector_load %arg14[%swap3A_918, %swap3A_919] {strides = array<i32>} : memref<328x128xf32, #tpu.memory_space<vmem>>, vector<16xf32>,
        tpu.vector_store %arg14[%swap3A_918, %swap3A_919], %mul3A_917 {add = true, strides = array<i32>} : memref<328x128xf32, #tpu.memory_space<vmem>>, vector<16xf32>,
        %get3A_921 = arith.index_cast %add3A_864 : i32 to index
        %get3A_922 = arith.constant 112 : index
        %get3A_923 = tpu.vector_load %arg13[%get3A_921, %get3A_922] {strides = array<i32>} : memref<128x128xf32, #tpu.memory_space<vmem>>, vector<16xf32>,
        %mul3A_924 = vector.broadcast %squeeze3A_858 : f32 to vector<16xf32>
        %mul3A_925 = arith.mulf %get3A_923, %mul3A_924 : vector<16xf32>
        %swap3A_926 = arith.index_cast %squeeze3A_860 : i32 to index
        %swap3A_927 = arith.constant 112 : index
        %swap3A_928 = tpu.vector_load %arg14[%swap3A_926, %swap3A_927] {strides = array<i32>} : memref<328x128xf32, #tpu.memory_space<vmem>>, vector<16xf32>,
        tpu.vector_store %arg14[%swap3A_926, %swap3A_927], %mul3A_925 {add = true, strides = array<i32>} : memref<328x128xf32, #tpu.memory_space<vmem>>, vector<16xf32>,
        %slice3A_929 = vector.extract_strided_slice %get3A_133 {offsets = [11], sizes = [1], strides = [1]} : vector<16xf32> to vector<1xf32>
        %squeeze3A_930 = vector.extract %slice3A_929[0] : f32 from vector<1xf32>
        %slice3A_931 = vector.extract_strided_slice %get3A_138 {offsets = [11], sizes = [1], strides = [1]} : vector<16xi32> to vector<1xi32>
        %squeeze3A_932 = vector.extract %slice3A_931[0] : i32 from vector<1xi32>
        %mul3A_933 = arith.constant 16 : i32
        %mul3A_934 = arith.muli %scan3A_129, %mul3A_933 : i32
        %add3A_935 = arith.constant 11 : i32
        %add3A_936 = arith.addi %mul3A_934, %add3A_935 : i32
        %get3A_937 = arith.index_cast %add3A_936 : i32 to index
        %get3A_938 = arith.constant 0 : index
        %get3A_939 = tpu.vector_load %arg13[%get3A_937, %get3A_938] {strides = array<i32>} : memref<128x128xf32, #tpu.memory_space<vmem>>, vector<16xf32>,
        %mul3A_940 = vector.broadcast %squeeze3A_930 : f32 to vector<16xf32>
        %mul3A_941 = arith.mulf %get3A_939, %mul3A_940 : vector<16xf32>
        %swap3A_942 = arith.index_cast %squeeze3A_932 : i32 to index
        %swap3A_943 = arith.constant 0 : index
        %swap3A_944 = tpu.vector_load %arg14[%swap3A_942, %swap3A_943] {strides = array<i32>} : memref<328x128xf32, #tpu.memory_space<vmem>>, vector<16xf32>,
        tpu.vector_store %arg14[%swap3A_942, %swap3A_943], %mul3A_941 {add = true, strides = array<i32>} : memref<328x128xf32, #tpu.memory_space<vmem>>, vector<16xf32>,
        %get3A_945 = arith.index_cast %add3A_936 : i32 to index
        %get3A_946 = arith.constant 16 : index
        %get3A_947 = tpu.vector_load %arg13[%get3A_945, %get3A_946] {strides = array<i32>} : memref<128x128xf32, #tpu.memory_space<vmem>>, vector<16xf32>,
        %mul3A_948 = vector.broadcast %squeeze3A_930 : f32 to vector<16xf32>
        %mul3A_949 = arith.mulf %get3A_947, %mul3A_948 : vector<16xf32>
        %swap3A_950 = arith.index_cast %squeeze3A_932 : i32 to index
        %swap3A_951 = arith.constant 16 : index
        %swap3A_952 = tpu.vector_load %arg14[%swap3A_950, %swap3A_951] {strides = array<i32>} : memref<328x128xf32, #tpu.memory_space<vmem>>, vector<16xf32>,
        tpu.vector_store %arg14[%swap3A_950, %swap3A_951], %mul3A_949 {add = true, strides = array<i32>} : memref<328x128xf32, #tpu.memory_space<vmem>>, vector<16xf32>,
        %get3A_953 = arith.index_cast %add3A_936 : i32 to index
        %get3A_954 = arith.constant 32 : index
        %get3A_955 = tpu.vector_load %arg13[%get3A_953, %get3A_954] {strides = array<i32>} : memref<128x128xf32, #tpu.memory_space<vmem>>, vector<16xf32>,
        %mul3A_956 = vector.broadcast %squeeze3A_930 : f32 to vector<16xf32>
        %mul3A_957 = arith.mulf %get3A_955, %mul3A_956 : vector<16xf32>
        %swap3A_958 = arith.index_cast %squeeze3A_932 : i32 to index
        %swap3A_959 = arith.constant 32 : index
        %swap3A_960 = tpu.vector_load %arg14[%swap3A_958, %swap3A_959] {strides = array<i32>} : memref<328x128xf32, #tpu.memory_space<vmem>>, vector<16xf32>,
        tpu.vector_store %arg14[%swap3A_958, %swap3A_959], %mul3A_957 {add = true, strides = array<i32>} : memref<328x128xf32, #tpu.memory_space<vmem>>, vector<16xf32>,
        %get3A_961 = arith.index_cast %add3A_936 : i32 to index
        %get3A_962 = arith.constant 48 : index
        %get3A_963 = tpu.vector_load %arg13[%get3A_961, %get3A_962] {strides = array<i32>} : memref<128x128xf32, #tpu.memory_space<vmem>>, vector<16xf32>,
        %mul3A_964 = vector.broadcast %squeeze3A_930 : f32 to vector<16xf32>
        %mul3A_965 = arith.mulf %get3A_963, %mul3A_964 : vector<16xf32>
        %swap3A_966 = arith.index_cast %squeeze3A_932 : i32 to index
        %swap3A_967 = arith.constant 48 : index
        %swap3A_968 = tpu.vector_load %arg14[%swap3A_966, %swap3A_967] {strides = array<i32>} : memref<328x128xf32, #tpu.memory_space<vmem>>, vector<16xf32>,
        tpu.vector_store %arg14[%swap3A_966, %swap3A_967], %mul3A_965 {add = true, strides = array<i32>} : memref<328x128xf32, #tpu.memory_space<vmem>>, vector<16xf32>,
        %get3A_969 = arith.index_cast %add3A_936 : i32 to index
        %get3A_970 = arith.constant 64 : index
        %get3A_971 = tpu.vector_load %arg13[%get3A_969, %get3A_970] {strides = array<i32>} : memref<128x128xf32, #tpu.memory_space<vmem>>, vector<16xf32>,
        %mul3A_972 = vector.broadcast %squeeze3A_930 : f32 to vector<16xf32>
        %mul3A_973 = arith.mulf %get3A_971, %mul3A_972 : vector<16xf32>
        %swap3A_974 = arith.index_cast %squeeze3A_932 : i32 to index
        %swap3A_975 = arith.constant 64 : index
        %swap3A_976 = tpu.vector_load %arg14[%swap3A_974, %swap3A_975] {strides = array<i32>} : memref<328x128xf32, #tpu.memory_space<vmem>>, vector<16xf32>,
        tpu.vector_store %arg14[%swap3A_974, %swap3A_975], %mul3A_973 {add = true, strides = array<i32>} : memref<328x128xf32, #tpu.memory_space<vmem>>, vector<16xf32>,
        %get3A_977 = arith.index_cast %add3A_936 : i32 to index
        %get3A_978 = arith.constant 80 : index
        %get3A_979 = tpu.vector_load %arg13[%get3A_977, %get3A_978] {strides = array<i32>} : memref<128x128xf32, #tpu.memory_space<vmem>>, vector<16xf32>,
        %mul3A_980 = vector.broadcast %squeeze3A_930 : f32 to vector<16xf32>
        %mul3A_981 = arith.mulf %get3A_979, %mul3A_980 : vector<16xf32>
        %swap3A_982 = arith.index_cast %squeeze3A_932 : i32 to index
        %swap3A_983 = arith.constant 80 : index
        %swap3A_984 = tpu.vector_load %arg14[%swap3A_982, %swap3A_983] {strides = array<i32>} : memref<328x128xf32, #tpu.memory_space<vmem>>, vector<16xf32>,
        tpu.vector_store %arg14[%swap3A_982, %swap3A_983], %mul3A_981 {add = true, strides = array<i32>} : memref<328x128xf32, #tpu.memory_space<vmem>>, vector<16xf32>,
        %get3A_985 = arith.index_cast %add3A_936 : i32 to index
        %get3A_986 = arith.constant 96 : index
        %get3A_987 = tpu.vector_load %arg13[%get3A_985, %get3A_986] {strides = array<i32>} : memref<128x128xf32, #tpu.memory_space<vmem>>, vector<16xf32>,
        %mul3A_988 = vector.broadcast %squeeze3A_930 : f32 to vector<16xf32>
        %mul3A_989 = arith.mulf %get3A_987, %mul3A_988 : vector<16xf32>
        %swap3A_990 = arith.index_cast %squeeze3A_932 : i32 to index
        %swap3A_991 = arith.constant 96 : index
        %swap3A_992 = tpu.vector_load %arg14[%swap3A_990, %swap3A_991] {strides = array<i32>} : memref<328x128xf32, #tpu.memory_space<vmem>>, vector<16xf32>,
        tpu.vector_store %arg14[%swap3A_990, %swap3A_991], %mul3A_989 {add = true, strides = array<i32>} : memref<328x128xf32, #tpu.memory_space<vmem>>, vector<16xf32>,
        %get3A_993 = arith.index_cast %add3A_936 : i32 to index
        %get3A_994 = arith.constant 112 : index
        %get3A_995 = tpu.vector_load %arg13[%get3A_993, %get3A_994] {strides = array<i32>} : memref<128x128xf32, #tpu.memory_space<vmem>>, vector<16xf32>,
        %mul3A_996 = vector.broadcast %squeeze3A_930 : f32 to vector<16xf32>
        %mul3A_997 = arith.mulf %get3A_995, %mul3A_996 : vector<16xf32>
        %swap3A_998 = arith.index_cast %squeeze3A_932 : i32 to index
        %swap3A_999 = arith.constant 112 : index
        %swap3A_1000 = tpu.vector_load %arg14[%swap3A_998, %swap3A_999] {strides = array<i32>} : memref<328x128xf32, #tpu.memory_space<vmem>>, vector<16xf32>,
        tpu.vector_store %arg14[%swap3A_998, %swap3A_999], %mul3A_997 {add = true, strides = array<i32>} : memref<328x128xf32, #tpu.memory_space<vmem>>, vector<16xf32>,
        %slice3A_1001 = vector.extract_strided_slice %get3A_133 {offsets = [12], sizes = [1], strides = [1]} : vector<16xf32> to vector<1xf32>
        %squeeze3A_1002 = vector.extract %slice3A_1001[0] : f32 from vector<1xf32>
        %slice3A_1003 = vector.extract_strided_slice %get3A_138 {offsets = [12], sizes = [1], strides = [1]} : vector<16xi32> to vector<1xi32>
        %squeeze3A_1004 = vector.extract %slice3A_1003[0] : i32 from vector<1xi32>
        %mul3A_1005 = arith.constant 16 : i32
        %mul3A_1006 = arith.muli %scan3A_129, %mul3A_1005 : i32
        %add3A_1007 = arith.constant 12 : i32
        %add3A_1008 = arith.addi %mul3A_1006, %add3A_1007 : i32
        %get3A_1009 = arith.index_cast %add3A_1008 : i32 to index
        %get3A_1010 = arith.constant 0 : index
        %get3A_1011 = tpu.vector_load %arg13[%get3A_1009, %get3A_1010] {strides = array<i32>} : memref<128x128xf32, #tpu.memory_space<vmem>>, vector<16xf32>,
        %mul3A_1012 = vector.broadcast %squeeze3A_1002 : f32 to vector<16xf32>
        %mul3A_1013 = arith.mulf %get3A_1011, %mul3A_1012 : vector<16xf32>
        %swap3A_1014 = arith.index_cast %squeeze3A_1004 : i32 to index
        %swap3A_1015 = arith.constant 0 : index
        %swap3A_1016 = tpu.vector_load %arg14[%swap3A_1014, %swap3A_1015] {strides = array<i32>} : memref<328x128xf32, #tpu.memory_space<vmem>>, vector<16xf32>,
        tpu.vector_store %arg14[%swap3A_1014, %swap3A_1015], %mul3A_1013 {add = true, strides = array<i32>} : memref<328x128xf32, #tpu.memory_space<vmem>>, vector<16xf32>,
        %get3A_1017 = arith.index_cast %add3A_1008 : i32 to index
        %get3A_1018 = arith.constant 16 : index
        %get3A_1019 = tpu.vector_load %arg13[%get3A_1017, %get3A_1018] {strides = array<i32>} : memref<128x128xf32, #tpu.memory_space<vmem>>, vector<16xf32>,
        %mul3A_1020 = vector.broadcast %squeeze3A_1002 : f32 to vector<16xf32>
        %mul3A_1021 = arith.mulf %get3A_1019, %mul3A_1020 : vector<16xf32>
        %swap3A_1022 = arith.index_cast %squeeze3A_1004 : i32 to index
        %swap3A_1023 = arith.constant 16 : index
        %swap3A_1024 = tpu.vector_load %arg14[%swap3A_1022, %swap3A_1023] {strides = array<i32>} : memref<328x128xf32, #tpu.memory_space<vmem>>, vector<16xf32>,
        tpu.vector_store %arg14[%swap3A_1022, %swap3A_1023], %mul3A_1021 {add = true, strides = array<i32>} : memref<328x128xf32, #tpu.memory_space<vmem>>, vector<16xf32>,
        %get3A_1025 = arith.index_cast %add3A_1008 : i32 to index
        %get3A_1026 = arith.constant 32 : index
        %get3A_1027 = tpu.vector_load %arg13[%get3A_1025, %get3A_1026] {strides = array<i32>} : memref<128x128xf32, #tpu.memory_space<vmem>>, vector<16xf32>,
        %mul3A_1028 = vector.broadcast %squeeze3A_1002 : f32 to vector<16xf32>
        %mul3A_1029 = arith.mulf %get3A_1027, %mul3A_1028 : vector<16xf32>
        %swap3A_1030 = arith.index_cast %squeeze3A_1004 : i32 to index
        %swap3A_1031 = arith.constant 32 : index
        %swap3A_1032 = tpu.vector_load %arg14[%swap3A_1030, %swap3A_1031] {strides = array<i32>} : memref<328x128xf32, #tpu.memory_space<vmem>>, vector<16xf32>,
        tpu.vector_store %arg14[%swap3A_1030, %swap3A_1031], %mul3A_1029 {add = true, strides = array<i32>} : memref<328x128xf32, #tpu.memory_space<vmem>>, vector<16xf32>,
        %get3A_1033 = arith.index_cast %add3A_1008 : i32 to index
        %get3A_1034 = arith.constant 48 : index
        %get3A_1035 = tpu.vector_load %arg13[%get3A_1033, %get3A_1034] {strides = array<i32>} : memref<128x128xf32, #tpu.memory_space<vmem>>, vector<16xf32>,
        %mul3A_1036 = vector.broadcast %squeeze3A_1002 : f32 to vector<16xf32>
        %mul3A_1037 = arith.mulf %get3A_1035, %mul3A_1036 : vector<16xf32>
        %swap3A_1038 = arith.index_cast %squeeze3A_1004 : i32 to index
        %swap3A_1039 = arith.constant 48 : index
        %swap3A_1040 = tpu.vector_load %arg14[%swap3A_1038, %swap3A_1039] {strides = array<i32>} : memref<328x128xf32, #tpu.memory_space<vmem>>, vector<16xf32>,
        tpu.vector_store %arg14[%swap3A_1038, %swap3A_1039], %mul3A_1037 {add = true, strides = array<i32>} : memref<328x128xf32, #tpu.memory_space<vmem>>, vector<16xf32>,
        %get3A_1041 = arith.index_cast %add3A_1008 : i32 to index
        %get3A_1042 = arith.constant 64 : index
        %get3A_1043 = tpu.vector_load %arg13[%get3A_1041, %get3A_1042] {strides = array<i32>} : memref<128x128xf32, #tpu.memory_space<vmem>>, vector<16xf32>,
        %mul3A_1044 = vector.broadcast %squeeze3A_1002 : f32 to vector<16xf32>
        %mul3A_1045 = arith.mulf %get3A_1043, %mul3A_1044 : vector<16xf32>
        %swap3A_1046 = arith.index_cast %squeeze3A_1004 : i32 to index
        %swap3A_1047 = arith.constant 64 : index
        %swap3A_1048 = tpu.vector_load %arg14[%swap3A_1046, %swap3A_1047] {strides = array<i32>} : memref<328x128xf32, #tpu.memory_space<vmem>>, vector<16xf32>,
        tpu.vector_store %arg14[%swap3A_1046, %swap3A_1047], %mul3A_1045 {add = true, strides = array<i32>} : memref<328x128xf32, #tpu.memory_space<vmem>>, vector<16xf32>,
        %get3A_1049 = arith.index_cast %add3A_1008 : i32 to index
        %get3A_1050 = arith.constant 80 : index
        %get3A_1051 = tpu.vector_load %arg13[%get3A_1049, %get3A_1050] {strides = array<i32>} : memref<128x128xf32, #tpu.memory_space<vmem>>, vector<16xf32>,
        %mul3A_1052 = vector.broadcast %squeeze3A_1002 : f32 to vector<16xf32>
        %mul3A_1053 = arith.mulf %get3A_1051, %mul3A_1052 : vector<16xf32>
        %swap3A_1054 = arith.index_cast %squeeze3A_1004 : i32 to index
        %swap3A_1055 = arith.constant 80 : index
        %swap3A_1056 = tpu.vector_load %arg14[%swap3A_1054, %swap3A_1055] {strides = array<i32>} : memref<328x128xf32, #tpu.memory_space<vmem>>, vector<16xf32>,
        tpu.vector_store %arg14[%swap3A_1054, %swap3A_1055], %mul3A_1053 {add = true, strides = array<i32>} : memref<328x128xf32, #tpu.memory_space<vmem>>, vector<16xf32>,
        %get3A_1057 = arith.index_cast %add3A_1008 : i32 to index
        %get3A_1058 = arith.constant 96 : index
        %get3A_1059 = tpu.vector_load %arg13[%get3A_1057, %get3A_1058] {strides = array<i32>} : memref<128x128xf32, #tpu.memory_space<vmem>>, vector<16xf32>,
        %mul3A_1060 = vector.broadcast %squeeze3A_1002 : f32 to vector<16xf32>
        %mul3A_1061 = arith.mulf %get3A_1059, %mul3A_1060 : vector<16xf32>
        %swap3A_1062 = arith.index_cast %squeeze3A_1004 : i32 to index
        %swap3A_1063 = arith.constant 96 : index
        %swap3A_1064 = tpu.vector_load %arg14[%swap3A_1062, %swap3A_1063] {strides = array<i32>} : memref<328x128xf32, #tpu.memory_space<vmem>>, vector<16xf32>,
        tpu.vector_store %arg14[%swap3A_1062, %swap3A_1063], %mul3A_1061 {add = true, strides = array<i32>} : memref<328x128xf32, #tpu.memory_space<vmem>>, vector<16xf32>,
        %get3A_1065 = arith.index_cast %add3A_1008 : i32 to index
        %get3A_1066 = arith.constant 112 : index
        %get3A_1067 = tpu.vector_load %arg13[%get3A_1065, %get3A_1066] {strides = array<i32>} : memref<128x128xf32, #tpu.memory_space<vmem>>, vector<16xf32>,
        %mul3A_1068 = vector.broadcast %squeeze3A_1002 : f32 to vector<16xf32>
        %mul3A_1069 = arith.mulf %get3A_1067, %mul3A_1068 : vector<16xf32>
        %swap3A_1070 = arith.index_cast %squeeze3A_1004 : i32 to index
        %swap3A_1071 = arith.constant 112 : index
        %swap3A_1072 = tpu.vector_load %arg14[%swap3A_1070, %swap3A_1071] {strides = array<i32>} : memref<328x128xf32, #tpu.memory_space<vmem>>, vector<16xf32>,
        tpu.vector_store %arg14[%swap3A_1070, %swap3A_1071], %mul3A_1069 {add = true, strides = array<i32>} : memref<328x128xf32, #tpu.memory_space<vmem>>, vector<16xf32>,
        %slice3A_1073 = vector.extract_strided_slice %get3A_133 {offsets = [13], sizes = [1], strides = [1]} : vector<16xf32> to vector<1xf32>
        %squeeze3A_1074 = vector.extract %slice3A_1073[0] : f32 from vector<1xf32>
        %slice3A_1075 = vector.extract_strided_slice %get3A_138 {offsets = [13], sizes = [1], strides = [1]} : vector<16xi32> to vector<1xi32>
        %squeeze3A_1076 = vector.extract %slice3A_1075[0] : i32 from vector<1xi32>
        %mul3A_1077 = arith.constant 16 : i32
        %mul3A_1078 = arith.muli %scan3A_129, %mul3A_1077 : i32
        %add3A_1079 = arith.constant 13 : i32
        %add3A_1080 = arith.addi %mul3A_1078, %add3A_1079 : i32
        %get3A_1081 = arith.index_cast %add3A_1080 : i32 to index
        %get3A_1082 = arith.constant 0 : index
        %get3A_1083 = tpu.vector_load %arg13[%get3A_1081, %get3A_1082] {strides = array<i32>} : memref<128x128xf32, #tpu.memory_space<vmem>>, vector<16xf32>,
        %mul3A_1084 = vector.broadcast %squeeze3A_1074 : f32 to vector<16xf32>
        %mul3A_1085 = arith.mulf %get3A_1083, %mul3A_1084 : vector<16xf32>
        %swap3A_1086 = arith.index_cast %squeeze3A_1076 : i32 to index
        %swap3A_1087 = arith.constant 0 : index
        %swap3A_1088 = tpu.vector_load %arg14[%swap3A_1086, %swap3A_1087] {strides = array<i32>} : memref<328x128xf32, #tpu.memory_space<vmem>>, vector<16xf32>,
        tpu.vector_store %arg14[%swap3A_1086, %swap3A_1087], %mul3A_1085 {add = true, strides = array<i32>} : memref<328x128xf32, #tpu.memory_space<vmem>>, vector<16xf32>,
        %get3A_1089 = arith.index_cast %add3A_1080 : i32 to index
        %get3A_1090 = arith.constant 16 : index
        %get3A_1091 = tpu.vector_load %arg13[%get3A_1089, %get3A_1090] {strides = array<i32>} : memref<128x128xf32, #tpu.memory_space<vmem>>, vector<16xf32>,
        %mul3A_1092 = vector.broadcast %squeeze3A_1074 : f32 to vector<16xf32>
        %mul3A_1093 = arith.mulf %get3A_1091, %mul3A_1092 : vector<16xf32>
        %swap3A_1094 = arith.index_cast %squeeze3A_1076 : i32 to index
        %swap3A_1095 = arith.constant 16 : index
        %swap3A_1096 = tpu.vector_load %arg14[%swap3A_1094, %swap3A_1095] {strides = array<i32>} : memref<328x128xf32, #tpu.memory_space<vmem>>, vector<16xf32>,
        tpu.vector_store %arg14[%swap3A_1094, %swap3A_1095], %mul3A_1093 {add = true, strides = array<i32>} : memref<328x128xf32, #tpu.memory_space<vmem>>, vector<16xf32>,
        %get3A_1097 = arith.index_cast %add3A_1080 : i32 to index
        %get3A_1098 = arith.constant 32 : index
        %get3A_1099 = tpu.vector_load %arg13[%get3A_1097, %get3A_1098] {strides = array<i32>} : memref<128x128xf32, #tpu.memory_space<vmem>>, vector<16xf32>,
        %mul3A_1100 = vector.broadcast %squeeze3A_1074 : f32 to vector<16xf32>
        %mul3A_1101 = arith.mulf %get3A_1099, %mul3A_1100 : vector<16xf32>
        %swap3A_1102 = arith.index_cast %squeeze3A_1076 : i32 to index
        %swap3A_1103 = arith.constant 32 : index
        %swap3A_1104 = tpu.vector_load %arg14[%swap3A_1102, %swap3A_1103] {strides = array<i32>} : memref<328x128xf32, #tpu.memory_space<vmem>>, vector<16xf32>,
        tpu.vector_store %arg14[%swap3A_1102, %swap3A_1103], %mul3A_1101 {add = true, strides = array<i32>} : memref<328x128xf32, #tpu.memory_space<vmem>>, vector<16xf32>,
        %get3A_1105 = arith.index_cast %add3A_1080 : i32 to index
        %get3A_1106 = arith.constant 48 : index
        %get3A_1107 = tpu.vector_load %arg13[%get3A_1105, %get3A_1106] {strides = array<i32>} : memref<128x128xf32, #tpu.memory_space<vmem>>, vector<16xf32>,
        %mul3A_1108 = vector.broadcast %squeeze3A_1074 : f32 to vector<16xf32>
        %mul3A_1109 = arith.mulf %get3A_1107, %mul3A_1108 : vector<16xf32>
        %swap3A_1110 = arith.index_cast %squeeze3A_1076 : i32 to index
        %swap3A_1111 = arith.constant 48 : index
        %swap3A_1112 = tpu.vector_load %arg14[%swap3A_1110, %swap3A_1111] {strides = array<i32>} : memref<328x128xf32, #tpu.memory_space<vmem>>, vector<16xf32>,
        tpu.vector_store %arg14[%swap3A_1110, %swap3A_1111], %mul3A_1109 {add = true, strides = array<i32>} : memref<328x128xf32, #tpu.memory_space<vmem>>, vector<16xf32>,
        %get3A_1113 = arith.index_cast %add3A_1080 : i32 to index
        %get3A_1114 = arith.constant 64 : index
        %get3A_1115 = tpu.vector_load %arg13[%get3A_1113, %get3A_1114] {strides = array<i32>} : memref<128x128xf32, #tpu.memory_space<vmem>>, vector<16xf32>,
        %mul3A_1116 = vector.broadcast %squeeze3A_1074 : f32 to vector<16xf32>
        %mul3A_1117 = arith.mulf %get3A_1115, %mul3A_1116 : vector<16xf32>
        %swap3A_1118 = arith.index_cast %squeeze3A_1076 : i32 to index
        %swap3A_1119 = arith.constant 64 : index
        %swap3A_1120 = tpu.vector_load %arg14[%swap3A_1118, %swap3A_1119] {strides = array<i32>} : memref<328x128xf32, #tpu.memory_space<vmem>>, vector<16xf32>,
        tpu.vector_store %arg14[%swap3A_1118, %swap3A_1119], %mul3A_1117 {add = true, strides = array<i32>} : memref<328x128xf32, #tpu.memory_space<vmem>>, vector<16xf32>,
        %get3A_1121 = arith.index_cast %add3A_1080 : i32 to index
        %get3A_1122 = arith.constant 80 : index
        %get3A_1123 = tpu.vector_load %arg13[%get3A_1121, %get3A_1122] {strides = array<i32>} : memref<128x128xf32, #tpu.memory_space<vmem>>, vector<16xf32>,
        %mul3A_1124 = vector.broadcast %squeeze3A_1074 : f32 to vector<16xf32>
        %mul3A_1125 = arith.mulf %get3A_1123, %mul3A_1124 : vector<16xf32>
        %swap3A_1126 = arith.index_cast %squeeze3A_1076 : i32 to index
        %swap3A_1127 = arith.constant 80 : index
        %swap3A_1128 = tpu.vector_load %arg14[%swap3A_1126, %swap3A_1127] {strides = array<i32>} : memref<328x128xf32, #tpu.memory_space<vmem>>, vector<16xf32>,
        tpu.vector_store %arg14[%swap3A_1126, %swap3A_1127], %mul3A_1125 {add = true, strides = array<i32>} : memref<328x128xf32, #tpu.memory_space<vmem>>, vector<16xf32>,
        %get3A_1129 = arith.index_cast %add3A_1080 : i32 to index
        %get3A_1130 = arith.constant 96 : index
        %get3A_1131 = tpu.vector_load %arg13[%get3A_1129, %get3A_1130] {strides = array<i32>} : memref<128x128xf32, #tpu.memory_space<vmem>>, vector<16xf32>,
        %mul3A_1132 = vector.broadcast %squeeze3A_1074 : f32 to vector<16xf32>
        %mul3A_1133 = arith.mulf %get3A_1131, %mul3A_1132 : vector<16xf32>
        %swap3A_1134 = arith.index_cast %squeeze3A_1076 : i32 to index
        %swap3A_1135 = arith.constant 96 : index
        %swap3A_1136 = tpu.vector_load %arg14[%swap3A_1134, %swap3A_1135] {strides = array<i32>} : memref<328x128xf32, #tpu.memory_space<vmem>>, vector<16xf32>,
        tpu.vector_store %arg14[%swap3A_1134, %swap3A_1135], %mul3A_1133 {add = true, strides = array<i32>} : memref<328x128xf32, #tpu.memory_space<vmem>>, vector<16xf32>,
        %get3A_1137 = arith.index_cast %add3A_1080 : i32 to index
        %get3A_1138 = arith.constant 112 : index
        %get3A_1139 = tpu.vector_load %arg13[%get3A_1137, %get3A_1138] {strides = array<i32>} : memref<128x128xf32, #tpu.memory_space<vmem>>, vector<16xf32>,
        %mul3A_1140 = vector.broadcast %squeeze3A_1074 : f32 to vector<16xf32>
        %mul3A_1141 = arith.mulf %get3A_1139, %mul3A_1140 : vector<16xf32>
        %swap3A_1142 = arith.index_cast %squeeze3A_1076 : i32 to index
        %swap3A_1143 = arith.constant 112 : index
        %swap3A_1144 = tpu.vector_load %arg14[%swap3A_1142, %swap3A_1143] {strides = array<i32>} : memref<328x128xf32, #tpu.memory_space<vmem>>, vector<16xf32>,
        tpu.vector_store %arg14[%swap3A_1142, %swap3A_1143], %mul3A_1141 {add = true, strides = array<i32>} : memref<328x128xf32, #tpu.memory_space<vmem>>, vector<16xf32>,
        %slice3A_1145 = vector.extract_strided_slice %get3A_133 {offsets = [14], sizes = [1], strides = [1]} : vector<16xf32> to vector<1xf32>
        %squeeze3A_1146 = vector.extract %slice3A_1145[0] : f32 from vector<1xf32>
        %slice3A_1147 = vector.extract_strided_slice %get3A_138 {offsets = [14], sizes = [1], strides = [1]} : vector<16xi32> to vector<1xi32>
        %squeeze3A_1148 = vector.extract %slice3A_1147[0] : i32 from vector<1xi32>
        %mul3A_1149 = arith.constant 16 : i32
        %mul3A_1150 = arith.muli %scan3A_129, %mul3A_1149 : i32
        %add3A_1151 = arith.constant 14 : i32
        %add3A_1152 = arith.addi %mul3A_1150, %add3A_1151 : i32
        %get3A_1153 = arith.index_cast %add3A_1152 : i32 to index
        %get3A_1154 = arith.constant 0 : index
        %get3A_1155 = tpu.vector_load %arg13[%get3A_1153, %get3A_1154] {strides = array<i32>} : memref<128x128xf32, #tpu.memory_space<vmem>>, vector<16xf32>,
        %mul3A_1156 = vector.broadcast %squeeze3A_1146 : f32 to vector<16xf32>
        %mul3A_1157 = arith.mulf %get3A_1155, %mul3A_1156 : vector<16xf32>
        %swap3A_1158 = arith.index_cast %squeeze3A_1148 : i32 to index
        %swap3A_1159 = arith.constant 0 : index
        %swap3A_1160 = tpu.vector_load %arg14[%swap3A_1158, %swap3A_1159] {strides = array<i32>} : memref<328x128xf32, #tpu.memory_space<vmem>>, vector<16xf32>,
        tpu.vector_store %arg14[%swap3A_1158, %swap3A_1159], %mul3A_1157 {add = true, strides = array<i32>} : memref<328x128xf32, #tpu.memory_space<vmem>>, vector<16xf32>,
        %get3A_1161 = arith.index_cast %add3A_1152 : i32 to index
        %get3A_1162 = arith.constant 16 : index
        %get3A_1163 = tpu.vector_load %arg13[%get3A_1161, %get3A_1162] {strides = array<i32>} : memref<128x128xf32, #tpu.memory_space<vmem>>, vector<16xf32>,
        %mul3A_1164 = vector.broadcast %squeeze3A_1146 : f32 to vector<16xf32>
        %mul3A_1165 = arith.mulf %get3A_1163, %mul3A_1164 : vector<16xf32>
        %swap3A_1166 = arith.index_cast %squeeze3A_1148 : i32 to index
        %swap3A_1167 = arith.constant 16 : index
        %swap3A_1168 = tpu.vector_load %arg14[%swap3A_1166, %swap3A_1167] {strides = array<i32>} : memref<328x128xf32, #tpu.memory_space<vmem>>, vector<16xf32>,
        tpu.vector_store %arg14[%swap3A_1166, %swap3A_1167], %mul3A_1165 {add = true, strides = array<i32>} : memref<328x128xf32, #tpu.memory_space<vmem>>, vector<16xf32>,
        %get3A_1169 = arith.index_cast %add3A_1152 : i32 to index
        %get3A_1170 = arith.constant 32 : index
        %get3A_1171 = tpu.vector_load %arg13[%get3A_1169, %get3A_1170] {strides = array<i32>} : memref<128x128xf32, #tpu.memory_space<vmem>>, vector<16xf32>,
        %mul3A_1172 = vector.broadcast %squeeze3A_1146 : f32 to vector<16xf32>
        %mul3A_1173 = arith.mulf %get3A_1171, %mul3A_1172 : vector<16xf32>
        %swap3A_1174 = arith.index_cast %squeeze3A_1148 : i32 to index
        %swap3A_1175 = arith.constant 32 : index
        %swap3A_1176 = tpu.vector_load %arg14[%swap3A_1174, %swap3A_1175] {strides = array<i32>} : memref<328x128xf32, #tpu.memory_space<vmem>>, vector<16xf32>,
        tpu.vector_store %arg14[%swap3A_1174, %swap3A_1175], %mul3A_1173 {add = true, strides = array<i32>} : memref<328x128xf32, #tpu.memory_space<vmem>>, vector<16xf32>,
        %get3A_1177 = arith.index_cast %add3A_1152 : i32 to index
        %get3A_1178 = arith.constant 48 : index
        %get3A_1179 = tpu.vector_load %arg13[%get3A_1177, %get3A_1178] {strides = array<i32>} : memref<128x128xf32, #tpu.memory_space<vmem>>, vector<16xf32>,
        %mul3A_1180 = vector.broadcast %squeeze3A_1146 : f32 to vector<16xf32>
        %mul3A_1181 = arith.mulf %get3A_1179, %mul3A_1180 : vector<16xf32>
        %swap3A_1182 = arith.index_cast %squeeze3A_1148 : i32 to index
        %swap3A_1183 = arith.constant 48 : index
        %swap3A_1184 = tpu.vector_load %arg14[%swap3A_1182, %swap3A_1183] {strides = array<i32>} : memref<328x128xf32, #tpu.memory_space<vmem>>, vector<16xf32>,
        tpu.vector_store %arg14[%swap3A_1182, %swap3A_1183], %mul3A_1181 {add = true, strides = array<i32>} : memref<328x128xf32, #tpu.memory_space<vmem>>, vector<16xf32>,
        %get3A_1185 = arith.index_cast %add3A_1152 : i32 to index
        %get3A_1186 = arith.constant 64 : index
        %get3A_1187 = tpu.vector_load %arg13[%get3A_1185, %get3A_1186] {strides = array<i32>} : memref<128x128xf32, #tpu.memory_space<vmem>>, vector<16xf32>,
        %mul3A_1188 = vector.broadcast %squeeze3A_1146 : f32 to vector<16xf32>
        %mul3A_1189 = arith.mulf %get3A_1187, %mul3A_1188 : vector<16xf32>
        %swap3A_1190 = arith.index_cast %squeeze3A_1148 : i32 to index
        %swap3A_1191 = arith.constant 64 : index
        %swap3A_1192 = tpu.vector_load %arg14[%swap3A_1190, %swap3A_1191] {strides = array<i32>} : memref<328x128xf32, #tpu.memory_space<vmem>>, vector<16xf32>,
        tpu.vector_store %arg14[%swap3A_1190, %swap3A_1191], %mul3A_1189 {add = true, strides = array<i32>} : memref<328x128xf32, #tpu.memory_space<vmem>>, vector<16xf32>,
        %get3A_1193 = arith.index_cast %add3A_1152 : i32 to index
        %get3A_1194 = arith.constant 80 : index
        %get3A_1195 = tpu.vector_load %arg13[%get3A_1193, %get3A_1194] {strides = array<i32>} : memref<128x128xf32, #tpu.memory_space<vmem>>, vector<16xf32>,
        %mul3A_1196 = vector.broadcast %squeeze3A_1146 : f32 to vector<16xf32>
        %mul3A_1197 = arith.mulf %get3A_1195, %mul3A_1196 : vector<16xf32>
        %swap3A_1198 = arith.index_cast %squeeze3A_1148 : i32 to index
        %swap3A_1199 = arith.constant 80 : index
        %swap3A_1200 = tpu.vector_load %arg14[%swap3A_1198, %swap3A_1199] {strides = array<i32>} : memref<328x128xf32, #tpu.memory_space<vmem>>, vector<16xf32>,
        tpu.vector_store %arg14[%swap3A_1198, %swap3A_1199], %mul3A_1197 {add = true, strides = array<i32>} : memref<328x128xf32, #tpu.memory_space<vmem>>, vector<16xf32>,
        %get3A_1201 = arith.index_cast %add3A_1152 : i32 to index
        %get3A_1202 = arith.constant 96 : index
        %get3A_1203 = tpu.vector_load %arg13[%get3A_1201, %get3A_1202] {strides = array<i32>} : memref<128x128xf32, #tpu.memory_space<vmem>>, vector<16xf32>,
        %mul3A_1204 = vector.broadcast %squeeze3A_1146 : f32 to vector<16xf32>
        %mul3A_1205 = arith.mulf %get3A_1203, %mul3A_1204 : vector<16xf32>
        %swap3A_1206 = arith.index_cast %squeeze3A_1148 : i32 to index
        %swap3A_1207 = arith.constant 96 : index
        %swap3A_1208 = tpu.vector_load %arg14[%swap3A_1206, %swap3A_1207] {strides = array<i32>} : memref<328x128xf32, #tpu.memory_space<vmem>>, vector<16xf32>,
        tpu.vector_store %arg14[%swap3A_1206, %swap3A_1207], %mul3A_1205 {add = true, strides = array<i32>} : memref<328x128xf32, #tpu.memory_space<vmem>>, vector<16xf32>,
        %get3A_1209 = arith.index_cast %add3A_1152 : i32 to index
        %get3A_1210 = arith.constant 112 : index
        %get3A_1211 = tpu.vector_load %arg13[%get3A_1209, %get3A_1210] {strides = array<i32>} : memref<128x128xf32, #tpu.memory_space<vmem>>, vector<16xf32>,
        %mul3A_1212 = vector.broadcast %squeeze3A_1146 : f32 to vector<16xf32>
        %mul3A_1213 = arith.mulf %get3A_1211, %mul3A_1212 : vector<16xf32>
        %swap3A_1214 = arith.index_cast %squeeze3A_1148 : i32 to index
        %swap3A_1215 = arith.constant 112 : index
        %swap3A_1216 = tpu.vector_load %arg14[%swap3A_1214, %swap3A_1215] {strides = array<i32>} : memref<328x128xf32, #tpu.memory_space<vmem>>, vector<16xf32>,
        tpu.vector_store %arg14[%swap3A_1214, %swap3A_1215], %mul3A_1213 {add = true, strides = array<i32>} : memref<328x128xf32, #tpu.memory_space<vmem>>, vector<16xf32>,
        %slice3A_1217 = vector.extract_strided_slice %get3A_133 {offsets = [15], sizes = [1], strides = [1]} : vector<16xf32> to vector<1xf32>
        %squeeze3A_1218 = vector.extract %slice3A_1217[0] : f32 from vector<1xf32>
        %slice3A_1219 = vector.extract_strided_slice %get3A_138 {offsets = [15], sizes = [1], strides = [1]} : vector<16xi32> to vector<1xi32>
        %squeeze3A_1220 = vector.extract %slice3A_1219[0] : i32 from vector<1xi32>
        %mul3A_1221 = arith.constant 16 : i32
        %mul3A_1222 = arith.muli %scan3A_129, %mul3A_1221 : i32
        %add3A_1223 = arith.constant 15 : i32
        %add3A_1224 = arith.addi %mul3A_1222, %add3A_1223 : i32
        %get3A_1225 = arith.index_cast %add3A_1224 : i32 to index
        %get3A_1226 = arith.constant 0 : index
        %get3A_1227 = tpu.vector_load %arg13[%get3A_1225, %get3A_1226] {strides = array<i32>} : memref<128x128xf32, #tpu.memory_space<vmem>>, vector<16xf32>,
        %mul3A_1228 = vector.broadcast %squeeze3A_1218 : f32 to vector<16xf32>
        %mul3A_1229 = arith.mulf %get3A_1227, %mul3A_1228 : vector<16xf32>
        %swap3A_1230 = arith.index_cast %squeeze3A_1220 : i32 to index
        %swap3A_1231 = arith.constant 0 : index
        %swap3A_1232 = tpu.vector_load %arg14[%swap3A_1230, %swap3A_1231] {strides = array<i32>} : memref<328x128xf32, #tpu.memory_space<vmem>>, vector<16xf32>,
        tpu.vector_store %arg14[%swap3A_1230, %swap3A_1231], %mul3A_1229 {add = true, strides = array<i32>} : memref<328x128xf32, #tpu.memory_space<vmem>>, vector<16xf32>,
        %get3A_1233 = arith.index_cast %add3A_1224 : i32 to index
        %get3A_1234 = arith.constant 16 : index
        %get3A_1235 = tpu.vector_load %arg13[%get3A_1233, %get3A_1234] {strides = array<i32>} : memref<128x128xf32, #tpu.memory_space<vmem>>, vector<16xf32>,
        %mul3A_1236 = vector.broadcast %squeeze3A_1218 : f32 to vector<16xf32>
        %mul3A_1237 = arith.mulf %get3A_1235, %mul3A_1236 : vector<16xf32>
        %swap3A_1238 = arith.index_cast %squeeze3A_1220 : i32 to index
        %swap3A_1239 = arith.constant 16 : index
        %swap3A_1240 = tpu.vector_load %arg14[%swap3A_1238, %swap3A_1239] {strides = array<i32>} : memref<328x128xf32, #tpu.memory_space<vmem>>, vector<16xf32>,
        tpu.vector_store %arg14[%swap3A_1238, %swap3A_1239], %mul3A_1237 {add = true, strides = array<i32>} : memref<328x128xf32, #tpu.memory_space<vmem>>, vector<16xf32>,
        %get3A_1241 = arith.index_cast %add3A_1224 : i32 to index
        %get3A_1242 = arith.constant 32 : index
        %get3A_1243 = tpu.vector_load %arg13[%get3A_1241, %get3A_1242] {strides = array<i32>} : memref<128x128xf32, #tpu.memory_space<vmem>>, vector<16xf32>,
        %mul3A_1244 = vector.broadcast %squeeze3A_1218 : f32 to vector<16xf32>
        %mul3A_1245 = arith.mulf %get3A_1243, %mul3A_1244 : vector<16xf32>
        %swap3A_1246 = arith.index_cast %squeeze3A_1220 : i32 to index
        %swap3A_1247 = arith.constant 32 : index
        %swap3A_1248 = tpu.vector_load %arg14[%swap3A_1246, %swap3A_1247] {strides = array<i32>} : memref<328x128xf32, #tpu.memory_space<vmem>>, vector<16xf32>,
        tpu.vector_store %arg14[%swap3A_1246, %swap3A_1247], %mul3A_1245 {add = true, strides = array<i32>} : memref<328x128xf32, #tpu.memory_space<vmem>>, vector<16xf32>,
        %get3A_1249 = arith.index_cast %add3A_1224 : i32 to index
        %get3A_1250 = arith.constant 48 : index
        %get3A_1251 = tpu.vector_load %arg13[%get3A_1249, %get3A_1250] {strides = array<i32>} : memref<128x128xf32, #tpu.memory_space<vmem>>, vector<16xf32>,
        %mul3A_1252 = vector.broadcast %squeeze3A_1218 : f32 to vector<16xf32>
        %mul3A_1253 = arith.mulf %get3A_1251, %mul3A_1252 : vector<16xf32>
        %swap3A_1254 = arith.index_cast %squeeze3A_1220 : i32 to index
        %swap3A_1255 = arith.constant 48 : index
        %swap3A_1256 = tpu.vector_load %arg14[%swap3A_1254, %swap3A_1255] {strides = array<i32>} : memref<328x128xf32, #tpu.memory_space<vmem>>, vector<16xf32>,
        tpu.vector_store %arg14[%swap3A_1254, %swap3A_1255], %mul3A_1253 {add = true, strides = array<i32>} : memref<328x128xf32, #tpu.memory_space<vmem>>, vector<16xf32>,
        %get3A_1257 = arith.index_cast %add3A_1224 : i32 to index
        %get3A_1258 = arith.constant 64 : index
        %get3A_1259 = tpu.vector_load %arg13[%get3A_1257, %get3A_1258] {strides = array<i32>} : memref<128x128xf32, #tpu.memory_space<vmem>>, vector<16xf32>,
        %mul3A_1260 = vector.broadcast %squeeze3A_1218 : f32 to vector<16xf32>
        %mul3A_1261 = arith.mulf %get3A_1259, %mul3A_1260 : vector<16xf32>
        %swap3A_1262 = arith.index_cast %squeeze3A_1220 : i32 to index
        %swap3A_1263 = arith.constant 64 : index
        %swap3A_1264 = tpu.vector_load %arg14[%swap3A_1262, %swap3A_1263] {strides = array<i32>} : memref<328x128xf32, #tpu.memory_space<vmem>>, vector<16xf32>,
        tpu.vector_store %arg14[%swap3A_1262, %swap3A_1263], %mul3A_1261 {add = true, strides = array<i32>} : memref<328x128xf32, #tpu.memory_space<vmem>>, vector<16xf32>,
        %get3A_1265 = arith.index_cast %add3A_1224 : i32 to index
        %get3A_1266 = arith.constant 80 : index
        %get3A_1267 = tpu.vector_load %arg13[%get3A_1265, %get3A_1266] {strides = array<i32>} : memref<128x128xf32, #tpu.memory_space<vmem>>, vector<16xf32>,
        %mul3A_1268 = vector.broadcast %squeeze3A_1218 : f32 to vector<16xf32>
        %mul3A_1269 = arith.mulf %get3A_1267, %mul3A_1268 : vector<16xf32>
        %swap3A_1270 = arith.index_cast %squeeze3A_1220 : i32 to index
        %swap3A_1271 = arith.constant 80 : index
        %swap3A_1272 = tpu.vector_load %arg14[%swap3A_1270, %swap3A_1271] {strides = array<i32>} : memref<328x128xf32, #tpu.memory_space<vmem>>, vector<16xf32>,
        tpu.vector_store %arg14[%swap3A_1270, %swap3A_1271], %mul3A_1269 {add = true, strides = array<i32>} : memref<328x128xf32, #tpu.memory_space<vmem>>, vector<16xf32>,
        %get3A_1273 = arith.index_cast %add3A_1224 : i32 to index
        %get3A_1274 = arith.constant 96 : index
        %get3A_1275 = tpu.vector_load %arg13[%get3A_1273, %get3A_1274] {strides = array<i32>} : memref<128x128xf32, #tpu.memory_space<vmem>>, vector<16xf32>,
        %mul3A_1276 = vector.broadcast %squeeze3A_1218 : f32 to vector<16xf32>
        %mul3A_1277 = arith.mulf %get3A_1275, %mul3A_1276 : vector<16xf32>
        %swap3A_1278 = arith.index_cast %squeeze3A_1220 : i32 to index
        %swap3A_1279 = arith.constant 96 : index
        %swap3A_1280 = tpu.vector_load %arg14[%swap3A_1278, %swap3A_1279] {strides = array<i32>} : memref<328x128xf32, #tpu.memory_space<vmem>>, vector<16xf32>,
        tpu.vector_store %arg14[%swap3A_1278, %swap3A_1279], %mul3A_1277 {add = true, strides = array<i32>} : memref<328x128xf32, #tpu.memory_space<vmem>>, vector<16xf32>,
        %get3A_1281 = arith.index_cast %add3A_1224 : i32 to index
        %get3A_1282 = arith.constant 112 : index
        %get3A_1283 = tpu.vector_load %arg13[%get3A_1281, %get3A_1282] {strides = array<i32>} : memref<128x128xf32, #tpu.memory_space<vmem>>, vector<16xf32>,
        %mul3A_1284 = vector.broadcast %squeeze3A_1218 : f32 to vector<16xf32>
        %mul3A_1285 = arith.mulf %get3A_1283, %mul3A_1284 : vector<16xf32>
        %swap3A_1286 = arith.index_cast %squeeze3A_1220 : i32 to index
        %swap3A_1287 = arith.constant 112 : index
        %swap3A_1288 = tpu.vector_load %arg14[%swap3A_1286, %swap3A_1287] {strides = array<i32>} : memref<328x128xf32, #tpu.memory_space<vmem>>, vector<16xf32>,
        tpu.vector_store %arg14[%swap3A_1286, %swap3A_1287], %mul3A_1285 {add = true, strides = array<i32>} : memref<328x128xf32, #tpu.memory_space<vmem>>, vector<16xf32>,
        %scan3A_1289 = arith.constant 0 : i32
        scf.yield %scan3A_1289 : i32
      }
      %scan3A_128 = arith.constant 8 : i32
    } else {
    }
    "tpu.region"() ({
      %run_scoped3A = tpu.sem_alloc : memref<!tpu.dma_semaphore, #tpu.memory_space<semaphore_mem>>
      %dma_start3A = arith.constant 0 : i32
      %dma_start3A_105 = arith.constant 0 : i32
      %dma_start3A_106 = tpu.memref_slice %arg14[%dma_start3A, %dma_start3A_105] : memref<328x128xf32, #tpu.memory_space<vmem>> -> memref<320x128xf32, #tpu.memory_space<vmem>>
      %dma_start3A_107 = arith.constant 0 : i32
      %dma_start3A_108 = tpu.memref_slice %arg7[%mul3A_2, %dma_start3A_107] : memref<10240x128xf32, #tpu.memory_space<hbm>> -> memref<320x128xf32, #tpu.memory_space<hbm>>
      %dma_start3A_109 = arith.constant 0 : i32
      %dma_start3A_110 = tpu.memref_slice %arg7[%mul3A_2, %dma_start3A_109] : memref<10240x128xf32, #tpu.memory_space<hbm>> -> memref<320x128xf32, #tpu.memory_space<hbm>>
      %dma_start3A_111 = arith.constant 0 : i32
      %dma_start3A_112 = arith.constant 0 : i32
      %dma_start3A_113 = tpu.memref_slice %arg14[%dma_start3A_111, %dma_start3A_112] : memref<328x128xf32, #tpu.memory_space<vmem>> -> memref<320x128xf32, #tpu.memory_space<vmem>>
      tpu.enqueue_dma source(%dma_start3A_113 : memref<320x128xf32, #tpu.memory_space<vmem>>) target(%dma_start3A_110 : memref<320x128xf32, #tpu.memory_space<hbm>>) target_semaphore(%run_scoped3A : memref<!tpu.dma_semaphore, #tpu.memory_space<semaphore_mem>>)
      %dma_wait3A = arith.constant 0 : i32
      %dma_wait3A_114 = arith.constant 0 : i32
      %dma_wait3A_115 = tpu.memref_slice %arg14[%dma_wait3A, %dma_wait3A_114] : memref<328x128xf32, #tpu.memory_space<vmem>> -> memref<320x128xf32, #tpu.memory_space<vmem>>
      %dma_wait3A_116 = arith.constant 0 : i32
      %dma_wait3A_117 = tpu.memref_slice %arg7[%mul3A_2, %dma_wait3A_116] : memref<10240x128xf32, #tpu.memory_space<hbm>> -> memref<320x128xf32, #tpu.memory_space<hbm>>
      %dma_wait3A_118 = arith.constant 0 : i32
      %dma_wait3A_119 = tpu.memref_slice %arg7[%mul3A_2, %dma_wait3A_118] : memref<10240x128xf32, #tpu.memory_space<hbm>> -> memref<320x128xf32, #tpu.memory_space<hbm>>
      %dma_wait3A_120 = arith.constant 0 : i32
      %dma_wait3A_121 = arith.constant 0 : i32
      %dma_wait3A_122 = tpu.memref_slice %arg14[%dma_wait3A_120, %dma_wait3A_121] : memref<328x128xf32, #tpu.memory_space<vmem>> -> memref<320x128xf32, #tpu.memory_space<vmem>>
      tpu.wait_dma2 semaphore(%run_scoped3A : memref<!tpu.dma_semaphore, #tpu.memory_space<semaphore_mem>>) src(%dma_wait3A_122 : memref<320x128xf32, #tpu.memory_space<vmem>>) dst(%dma_wait3A_119 : memref<320x128xf32, #tpu.memory_space<hbm>>)
      tpu.yield
    }) : () -> ()
    return
  }
}

module attributes {stable_mosaic.version = 14 : i64} {
  func.func @_mm_body(%arg0: i32, %arg1: memref<1024x128xf32, #tpu.memory_space<vmem>>, %arg2: memref<128x128xf32, #tpu.memory_space<vmem>>, %arg3: memref<1024x128xf32, #tpu.memory_space<vmem>>) attributes {dimension_semantics = [#tpu.dimension_semantics<arbitrary>], iteration_bounds = array<i64: 10>, scalar_prefetch = 0 : i64, scratch_operands = 0 : i64, tpu.core_type = #tpu.core_type<tc>, window_params = [{transform_indices = @transform_0, window_bounds = array<i64: 1024, 128>}, {pipeline_mode = #tpu.pipeline_mode<synchronous>, transform_indices = @transform_1, window_bounds = array<i64: 128, 128>}, {transform_indices = @transform_2, window_bounds = array<i64: 1024, 128>}]} {
    %get3A = arith.constant 0 : index
    %get3A_0 = arith.constant 0 : index
    %get3A_1 = vector.load %arg1[%get3A, %get3A_0] : memref<1024x128xf32, #tpu.memory_space<vmem>>, vector<1024x128xf32>
    %get3A_2 = arith.constant 0 : index
    %get3A_3 = arith.constant 0 : index
    %get3A_4 = vector.load %arg2[%get3A_2, %get3A_3] : memref<128x128xf32, #tpu.memory_space<vmem>>, vector<128x128xf32>
    %dot_general3A = arith.constant dense<0.000000e+00> : vector<1024x128xf32>
    %dot_general3A_5 = tpu.matmul %get3A_1, %get3A_4, %dot_general3A {dimension_numbers = #tpu.dot_dimension_numbers<[1], [0], [0], [1], [0, 0, 1, 1], [], []>, transpose_lhs_hint = false} : vector<1024x128xf32>, vector<128x128xf32>, vector<1024x128xf32> -> vector<1024x128xf32>
    %swap3A = arith.constant 0 : index
    %swap3A_6 = arith.constant 0 : index
    %swap3A_7 = vector.load %arg3[%swap3A, %swap3A_6] : memref<1024x128xf32, #tpu.memory_space<vmem>>, vector<1024x128xf32>
    tpu.vector_store %arg3[%swap3A, %swap3A_6], %dot_general3A_5 {strides = array<i32>} : memref<1024x128xf32, #tpu.memory_space<vmem>>, vector<1024x128xf32>,
    return
  }
  func.func @transform_0(%arg0: i32) -> (i32, i32) {
    %c0_i32 = arith.constant 0 : i32
    %c0_i32_0 = arith.constant 0 : i32
    return %arg0, %c0_i32 : i32, i32
  }
  func.func @transform_1(%arg0: i32) -> (i32, i32) {
    %c0_i32 = arith.constant 0 : i32
    %c0_i32_0 = arith.constant 0 : i32
    %c0_i32_1 = arith.constant 0 : i32
    return %c0_i32, %c0_i32_0 : i32, i32
  }
  func.func @transform_2(%arg0: i32) -> (i32, i32) {
    %c0_i32 = arith.constant 0 : i32
    %c0_i32_0 = arith.constant 0 : i32
    return %arg0, %c0_i32 : i32, i32
  }
}

</mosaic_0001>

<sc_bundles>
// kernel: kernel.4.cloned.1.call-start
scs
__scs_entry_jumppad:
0x0: {  	(pc) =	sbr.rel $0x88, $3  }
0x1: {  	(tag) =	ssettag $0x0;
	lr =	simm.s32 $0x1  }
0x2: {  	[smem:$0x3F9D] =	sst lr;
	_ =	strace $0xD0000000  }
0x3: {  	_ = 	snop  }
0x4: {  	_ = 	snop  }
0x5: {  	_ = 	snop  }
0x6: {  	_ = 	snop  }
0x7: {  	_ = 	snop  }
__scs_overlays_trampoline_lowered:
0x8: {  	[smem:$0x3FAC] =	sst s0  }
0x9: {  	[smem:$0x3FAD] =	sst s1  }
0xa: {  	[smem:$0x3FAE] =	sst s2  }
0xb: {  	[smem:$0x3FAF] =	sst s3  }
0xc: {  	[smem:$0x3FB0] =	sst s4  }
0xd: {  	[smem:$0x3FB1] =	sst s5  }
0xe: {  	[smem:$0x3FB2] =	sst s6  }
0xf: {  	[smem:$0x3FB3] =	sst s7  }
0x10: {  	[smem:$0x3FB4] =	sst s8  }
0x11: {  	[smem:$0x3FB5] =	sst s9;
	s0 =	simm.s32 @!p0 $0x0  }
0x12: {  	s1 =	sld [smem:$0x3F9B];
	s0 =	simm.s32 @p0 $0x1  }
0x13: {  	[smem:$0x3FB6] =	sst s0;
	s0 =	simm.s32 @!p1 $0x0  }
0x14: {  	s2 =	sld [smem:$0x3F9A];
	s0 =	simm.s32 @p1 $0x1  }
0x15: {  	[smem:$0x3FB7] =	sst s0;
	s0 =	simm.s32 @!p2 $0x0  }
0x16: {  	s3 =	sld [smem:$0x3FDB];
	s0 =	simm.s32 @p2 $0x1  }
0x17: {  	s4 =	simm.s32 $0x1BF5;
	[smem:$0x3FB9] =	sst s0  }
0x18: {  	s0 =	sld [smem:$0x3F9C];
	_ =	swait.ge [sflag:s4], $0x0  }
0x19: {  	s7 =	sld [smem:$0x3F9D]  }
0x1a: {  	s8 =	sadd.s32 $0xFFFFE003, lr  }
0x1b: {  	s9 =	sadd.s32 $0xFFFFFEF7, lr;
	s5 =	simm.s32 $0xFFFFFFFF;
	p2 =	slt.u32 s8, $0xFFFFF086  }
0x1c: {  	p1 =	slt.u32 s9, $0xF7A;
	s5 =	simm.s32 @!p2 $0x0  }
0x1d: {  	s5 =	simm.s32 @p1 $0x1;
	p0 =	seq.s32 s7, s2  }
0x1e: {  	s7 =	smul.u32 @!p0 $0xF7A, s2;
	p2 =	seq.s32 @!p0 s5, $0x0  }
0x1f: {  	s9 =	smul.u32 $0xF7A, s1;
	s8 =	simm.s32 @!p0 $0x1BF5;
	p2 =	por !p2, p0  }
0x20: {  	[sflag:s8] =	ssyncset.s32 @!p0 $0xFFFFF086;
	s6 =	sadd.s32 @!p0 s3, s7;
	s7 =	simm.s32 @!p0 $0x108  }
0x21: {  	s3 =	sadd.s32 s3, s9;
	s6 =	sadd.s32 @!p0 $0x88, s6;
	s7 =	simm.s32 @p2 $0x1082  }
0x22: {  	[simem:s7], [sflag:s8] =	dma.local @!p0 [hbm:s6], $0xF7A  }
0x23: {  	s9 =	sor.u32 $0xD0000000, s2;
	s6 =	simm.s32 $0x108;
	_ =	swait.ge @!p0 [sflag:s8], $0x0  }
0x24: {  	s3 =	sadd.s32 $0x88, s3;
	s6 =	simm.s32 @!p1 $0x1082;
	[sflag:s4] =	ssyncset.s32 $0xFFFFF086  }
0x25: {  	[simem:s6], [sflag:s4] =	dma.local [hbm:s3], $0xF7A  }
0x26: {  	[smem:$0x3F9D] =	sst s1;
	(tag) =	ssettag s2;
	_ =	strace s9  }
0x27: {  	s1 =	sld [smem:$0x3FAD]  }
0x28: {  	s2 =	sld [smem:$0x3FAE]  }
0x29: {  	s4 =	sld [smem:$0x3FB0]  }
0x2a: {  	p0 =	seq.s32 s5, $0x0;
	s5 =	sld [smem:$0x3FB1]  }
0x2b: {  	s6 =	sld [smem:$0x3FB2]  }
0x2c: {  	s7 =	sld [smem:$0x3FB3]  }
0x2d: {  	s3 =	simm.s32 $0x108;
	s8 =	sld [smem:$0x3FB4]  }
0x2e: {  	s3 =	simm.s32 @!p0 $0x1082;
	s9 =	sld [smem:$0x3FB5]  }
0x2f: {  	lr =	sadd.s32 s0, s3;
	s0 =	sld [smem:$0x3FAC]  }
0x30: {  	s3 =	sld [smem:$0x3FAF]  }
0x31: {  	[smem:$0x3FB8] =	sst s10  }
0x32: {  	s10 =	sld [smem:$0x3FB6];
	_ =	sdelay $0x3  }
0x33: {  	p0 =	seq.s32 s10, $0x1;
	s10 =	sld [smem:$0x3FB8];
	_ =	sdelay $0x3  }
0x34: {  	[smem:$0x3FB8] =	sst s10  }
0x35: {  	s10 =	sld [smem:$0x3FB7];
	_ =	sdelay $0x3  }
0x36: {  	p1 =	seq.s32 s10, $0x1;
	s10 =	sld [smem:$0x3FB8];
	_ =	sdelay $0x3  }
0x37: {  	[smem:$0x3FB8] =	sst s10  }
0x38: {  	s10 =	sld [smem:$0x3FB9]  }
0x39: {  	_ = 	snop;
	(pc) =	sbr.ind lr, $3  }
0x3a: {  	_ = 	snop  }
0x3b: {  	_ = 	snop  }
0x3c: {  	p2 =	seq.s32 s10, $0x1;
	s10 =	sld [smem:$0x3FB8]  }
0x3d: {  	_ =	shalt  }
0x3e: {  	_ =	shalt  }
0x3f: {  	_ =	shalt  }
0x40: {  	_ =	shalt  }
0x41: {  	_ =	shalt  }
0x42: {  	_ =	shalt  }
0x43: {  	_ =	shalt  }
0x44: {  	_ =	shalt  }
0x45: {  	_ =	shalt  }
0x46: {  	_ =	shalt  }
0x47: {  	_ =	shalt  }
0x48: {  	_ =	shalt  }
0x49: {  	_ =	shalt  }
0x4a: {  	_ =	shalt  }
0x4b: {  	_ =	shalt  }
0x4c: {  	_ =	shalt  }
0x4d: {  	_ =	shalt  }
0x4e: {  	_ =	shalt  }
0x4f: {  	_ =	shalt  }
0x50: {  	_ =	shalt  }
0x51: {  	_ =	shalt  }
0x52: {  	_ =	shalt  }
0x53: {  	_ =	shalt  }
0x54: {  	_ =	shalt  }
0x55: {  	_ =	shalt  }
0x56: {  	_ =	shalt  }
0x57: {  	_ =	shalt  }
0x58: {  	_ =	shalt  }
0x59: {  	_ =	shalt  }
0x5a: {  	_ =	shalt  }
0x5b: {  	_ =	shalt  }
0x5c: {  	_ =	shalt  }
0x5d: {  	_ =	shalt  }
0x5e: {  	_ =	shalt  }
0x5f: {  	_ =	shalt  }
0x60: {  	_ =	shalt  }
0x61: {  	_ =	shalt  }
0x62: {  	_ =	shalt  }
0x63: {  	_ =	shalt  }
0x64: {  	_ =	shalt  }
0x65: {  	_ =	shalt  }
0x66: {  	_ =	shalt  }
0x67: {  	_ =	shalt  }
0x68: {  	_ =	shalt  }
0x69: {  	_ =	shalt  }
0x6a: {  	_ =	shalt  }
0x6b: {  	_ =	shalt  }
0x6c: {  	_ =	shalt  }
0x6d: {  	_ =	shalt  }
0x6e: {  	_ =	shalt  }
0x6f: {  	_ =	shalt  }
0x70: {  	_ =	shalt  }
0x71: {  	_ =	shalt  }
0x72: {  	_ =	shalt  }
0x73: {  	_ =	shalt  }
0x74: {  	_ =	shalt  }
0x75: {  	_ =	shalt  }
0x76: {  	_ =	shalt  }
0x77: {  	_ =	shalt  }
0x78: {  	_ =	shalt  }
0x79: {  	_ =	shalt  }
0x7a: {  	_ =	shalt  }
0x7b: {  	_ =	shalt  }
0x7c: {  	_ =	shalt  }
0x7d: {  	_ =	shalt  }
0x7e: {  	_ =	shalt  }
0x7f: {  	_ =	shalt  }
0x80: {  	_ =	shalt  }
0x81: {  	_ =	shalt  }
0x82: {  	_ =	shalt  }
0x83: {  	_ =	shalt  }
0x84: {  	_ =	shalt  }
0x85: {  	_ =	shalt  }
0x86: {  	_ =	shalt  }
0x87: {  	_ =	shalt  }
.Lfunc_end0:
.L_simem_size_0:
called_computation_lowered:
.L_overlay_start_0:
0x88: {  	s2 =	sld [smem:$0x3FD9]  }
0x89: {  	s3 =	sld [smem:$0x3FFE];
	_ =	sdelay $0x1  }
0x8a: {  	s1 =	srdreg.scid  }
0x8b: {  	s0 =	sand.u32 $0x1, s1  }
0x8c: {  	s17 =	sshll.u32 s0, $0xA;
	s2 =	sadd.s32 s3, s2  }
0x8d: {  	s2 =	sadd.s32 s2, s17  }
0x8e: {  	[smem:$0x3FC4] =	sst s2  }
0x8f: {  	_ = 	snop  }
0x90: {  	s2 =	sld [smem:$0x3FC9]  }
0x91: {  	s18 =	sld [smem:$0x3FC7]  }
0x92: {  	s4 =	sld [smem:$0x3FD0];
	(tm) =	ssettm $0x1  }
0x93: {  	s5 =	sld [smem:$0x3FFB];
	_ =	sdelay $0x3  }
0x94: {  	_ =	strace s5  }
0x95: {  	s5 =	sld [smem:$0x3FFC];
	_ =	sdelay $0x3  }
0x96: {  	_ =	strace s5  }
0x97: {  	s5 =	sld [smem:$0x3FFD];
	_ =	sdelay $0x3  }
0x98: {  	_ =	strace s5  }
0x99: {  	_ =	strace $0x8FFFFFFF  }
0x9a: {  	s19 =	sld [smem:$0x3FDB];
	_ =	sdelay $0x1  }
0x9b: {  	s6 =	simm.s32 $_scs_section_size  }
0x9c: {  	s7 =	simm.s32 $_size__tile_overlayer_lowered;
	s8 =	simm.s32 $_tile_overlayer_lowered  }
0x9d: {  	s22 =	simm.s32 $0x1BFF;
	s21 =	sshll.u32 s8, $0x1;
	s5 =	sadd.s32 s6, s19  }
0x9e: {  	s9 =	simm.s32 $0x0;
	s20 =	sshll.u32 s7, $0x1;
	s7 =	sadd.s32 s21, s5  }
0x9f: {  	[timem:s9], [sflag:s22] =	dma.local [hbm:s7], s20  }
0xa0: {  	_ =	swait.ge [sflag:s22], s20  }
0xa1: {  	s6 =	ssub.s32 $0x0, s20;
	[sflag:s22] =	ssyncset.done $0x0  }
0xa2: {  	[sflag:s22] =	ssyncadd.s32 s6;
	_ =	sdelay $0x1  }
0xa3: {  	s23 =	simm.s32 $0x1B8B  }
0xa4: {  	_ =	swait.ge [sflag:s23], $0x1  }
0xa5: {  	[sflag:s23] =	ssyncset.done $0x0  }
0xa6: {  	s25 =	simm.s32 $0x1B8E;
	s24 =	sld [smem:$0x3FFE];
	[sflag:s23] =	ssyncadd.s32 $0xFFFFFFFF  }
0xa7: {  	s26 =	simm.s32 $execute0_lowered;
	[smem:$0x3FD2] =	sst s25  }
0xa8: {  	s7 =	sshll.u32 s26, $0x1;
	_ =	strace $0x80000046;
	[dreg:$0x1] =	wrdreg $0xFFFFFFFF  }
0xa9: {  	s28 =	simm.s32 $_size_execute0_lowered;
	s5 =	sadd.s32 s5, s7;
	[dreg:$0x0] =	wrdreg $0x0  }
0xaa: {  	s7 =	sshll.u32 s28, $0x1;
	[dreg:$0x2] =	wrdreg s5  }
0xab: {  	[dreg:$0x3] =	wrdreg s7  }
0xac: {  	[dreg:$0x4] =	wrdreg $0xC0  }
0xad: {  	_ =	task [dreg:s9], $0x5FFFF  }
0xae: {  	[dreg:$0x1] =	wrdreg $0xFFFFFFFF  }
0xaf: {  	[dreg:$0x0] =	wrdreg $0x60  }
0xb0: {  	[dreg:$0x2] =	wrdreg s2  }
0xb1: {  	[dreg:$0x3] =	wrdreg s24  }
0xb2: {  	[dreg:$0x4] =	wrdreg s4  }
0xb3: {  	[dreg:$0x5] =	wrdreg s18  }
0xb4: {  	[dreg:$0x6] =	wrdreg $0x9  }
0xb5: {  	_ =	task.clear_ibuf [dreg:s9], $0x7FFFF;
	_ =	strace $0x90000046  }
0xb6: {  	s29 =	simm.s32 $0x9;
	_ =	strace $0x80000048  }
0xb7: {  	_ =	swait.ge [sflag:s29], $0x1  }
0xb8: {  	[sflag:s29] =	ssyncadd.s32 $0xFFFFFFFF  }
0xb9: {  	_ =	strace $0x90000048  }
0xba: {  	_ =	sfence  }
0xbb: {  	s30 =	sld [smem:$0x0];
	_ =	sdelay $0x2  }
0xbc: {  	s31 =	sshll.u32 s1, $0xD;
	s1 =	sshrl.u32 s1, $0x2  }
0xbd: {  	s3 =	sand.u32 $0x4000, s31;
	s1 =	sadd.s32 s1, s30  }
0xbe: {  	s0 =	sor.u32 s3, s0;
	s1 =	sshll.u32 s1, $0x11  }
0xbf: {  	s0 =	sor.u32 s1, s0  }
0xc0: {  	s0 =	sadd.s32 $0x8F2B, s0  }
0xc1: {  	[sflag:s0] =	ssyncadd.remote.s32 $0x1  }
0xc2: {  	_ =	sfence.sel $0xFFFF  }
0xc3: {  	[dreg:$0x0] =	wrdreg $0xFFFFFFFF;
	(pc) =	sbr.abs _section_cstart, $3  }
0xc4: {  	[dreg:$0x1] =	wrdreg $0xFFFFFFFF  }
0xc5: {  	_ =	task.clear_ibuf [dreg:s9], $0x2FFFF;
	_ =	strace $0x9FFFFFFF  }
0xc6: {  	(tm) =	ssettm $0x7FFFFFFF  }
0xc7: {  	_ =	shalt  }
tec
execute0_lowered:
.L_overlay_start_1:
0x0: {  	(tag) =	ssettag $0x1  }
0x1: {  	s0 =	rddreg [dreg:$0x0]  }
0x2: {  	s1 =	rddreg [dreg:$0x1]  }
0x3: {  	s4 =	rddreg [dreg:$0x2]  }
0x4: {  	s2 =	srdreg.scid;
	s5 =	rddreg [dreg:$0x3]  }
0x5: {  	s3 =	stileid.u32;
	s6 =	simm.s32 $0x0;
	s7 =	sand.u32 $0x1, s2  }
0x6: {  	s12 =	simm.s32 $0x80;
	s14 =	simm.s32 $0x1;
	s8 =	sshll.u32 s7, $0x4  }
0x7: {  	s15 =	simm.s32 $0x3180;
	s16 =	simm.s32 $0x3200;
	s8 =	sor.u32 s3, s8  }
0x8: {  	s17 =	simm.s32 $0x1000;
	s18 =	simm.s32 $0x0;
	s9 =	smul.u32 $0x1400, s8  }
.Ltmp0:
0x9: {  	s2 =	rddreg [dreg:$0x4];
	s10 =	ssub.s32 $0x2, s7;
	(pc) =	sbr.rel .LBB2_1-.Ltmp0, $4  }
0xa: {  	[smem:$0x7FF] =	sst s6;
	s11 =	sshrl.u32 s10, $0x1;
	s13 =	smul.u32 $0xFFFFFEC0, s8  }
0xb: {  	_ =	strace $0x80000047;
	s7 =	sadd.s32 $0x9E00, s1;
	s10 =	ssub.s32 s10, s11  }
0xc: {  	s11 =	simm.s32 $0x2;
	s9 =	sadd.s32 s9, s1;
	v0 =	vmov s13;
	s13 =	simm.s32 $0x3100  }
0xd: {  	v1 =	vlaneseq.u32;
	v2 =	vimm.s32 $0x0;
	v3 =	vimm.s32 $0x140;
	s8 =	sadd.s32 $0xB400, s9;
	s9 =	smax.u32 s10, $0x1;
	s10 =	simm.s32 $0x7200  }
.LBB2_15:
0xe: {  	s18 =	sadd.s32 $0x1, s18  }
0xf: {  	p0 =	sne.s32 s18, s9  }
.Ltmp1:
0x10: {  	_ = 	snop;
	(pc) =	sbr.rel @!p0 .LBB2_16-.Ltmp1, $4  }
0x11: {  	[hbm4b:s8+s6] =	stream.linear.scatter [tilespmem:s10], [sflag:$0x2], $0xA000, $0x38;
	[tilespmem:$0x11600] =	vst v63  }
0x12: {  	_ =	swait.ge [sflag:s11], $0xA000  }
0x13: {  	[sflag:s11] =	ssyncset.done $0x0  }
0x14: {  	[sflag:s11] =	ssyncadd.s32 $0xFFFF6000  }
.LBB2_1:
.Ltmp2:
0x15: {  	(pc) =	sbr.rel .LBB2_2-.Ltmp2, $4  }
0x16: {  	[tilespmem:s10], [sflag:$0x2] =	stream.linear.gather [hbm4b:s7+s6], $0xA400, $0x38;
	[tilespmem:$0x11600] =	vst v63  }
0x17: {  	_ =	swait.ge [sflag:s11], $0xA400  }
0x18: {  	s19 =	simm.s32 $0x0;
	[sflag:s11] =	ssyncset.done $0x0  }
0x19: {  	s22 =	simm.s32 $0x0;
	s20 =	simm.s32 $0x0;
	[sflag:s11] =	ssyncadd.s32 $0xFFFF5C00  }
.LBB2_11:
0x1a: {  	s20 =	sadd.s32 $0x1, s20  }
0x1b: {  	p1 =	sne.s32 s20, $0x50  }
.Ltmp3:
0x1c: {  	_ = 	snop;
	(pc) =	sbr.rel @!p1 .LBB2_12-.Ltmp3, $2  }
0x1d: {  	_ =	sdelay $0x2  }
0x1e: {  	s19 =	sadd.s32 $0xFA0, s19  }
.LBB2_2:
0x1f: {  	s21 =	smul.u32 $0xFA0, s20;
	_ =	sdelay $0x1  }
0x20: {  	s21 =	sshrl.u32 s21, $0x3  }
0x21: {  	s23 =	sadd.s32 s4, s21;
	s21 =	simm.s32 $0x0  }
0x22: {  	[tilespmem:s21], [sflag:$0x2] =	stream.linear.gather [hbm4b:s23+s21], $0xFA0, $0x38;
	[tilespmem:$0x11600] =	vst v63  }
0x23: {  	_ =	swait.ge [sflag:s11], $0xFA0  }
0x24: {  	[sflag:s11] =	ssyncset.done $0x0  }
0x25: {  	s31 =	simm.s32 $0x0;
	[sflag:s11] =	ssyncadd.s32 $0xFFFFF060  }
0x26: {  	v4 =	vld [tilespmem:s31+$0x0];
	_ =	sdelay $0x4  }
0x27: {  	v4 =	vadd.s32 v0, v4  }
0x28: {  	vm0 =	vlt.u32 v4, $0x140  }
0x29: {  	v5 =	vmpcnt.ones.xlane vm0;
	_ =	sdelay $0x1  }
0x2a: {  	(v2sf) =	vpush v5, $0x0;
	_ =	sdelay $0x3  }
0x2b: {  	v6 =	vor.u32 s19, v1  }
0x2c: {  	[tilespmem:s22+$0x1000] =	vst.msk vm0, v6  }
0x2d: {  	s25 =	simm.s32 $0x10;
	s24 =	simm.s32 $0x80;
	s23 =	smov.u32 s19;
	[tilespmem:s22+$0x2080] =	vst.msk vm0, v4  }
.LBB2_3:
0x2e: {  	p0 =	sne.s32 s24, $0x3E40;
	v4 =	vld [tilespmem:s25+$0x0];
	_ =	sdelay $0x4  }
0x2f: {  	v4 =	vadd.s32 v0, v4  }
0x30: {  	vm0 =	vlt.u32 v4, $0x140  }
0x31: {  	v5 =	vmpcnt.ones.xlane vm0  }
0x32: {  	s23 =	sadd.s32 $0x10, s23;
	s25 =	spop (v2sf)  }
0x33: {  	v6 =	vor.u32 s23, v1;
	(v2sf) =	vpush v5, $0x0;
	s22 =	sadd.s32 s22, s25  }
0x34: {  	[tilespmem:s22+$0x1000] =	vst.msk vm0, v6  }
.Ltmp4:
0x35: {  	[tilespmem:s22+$0x2080] =	vst.msk vm0, v4;
	(pc) =	sbr.rel @p0 .LBB2_3-.Ltmp4, $2  }
0x36: {  	_ =	sdelay $0x2  }
0x37: {  	s25 =	sshra.s32 s24, $0x2;
	s24 =	sadd.s32 $0x40, s24  }
0x38: {  	v4 =	vld [tilespmem:s25+$0x0];
	_ =	sdelay $0x4  }
0x39: {  	v4 =	vadd.s32 v0, v4  }
0x3a: {  	vm0 =	vlt.u32 v4, $0x140  }
0x3b: {  	v5 =	vmpcnt.ones.xlane vm0;
	_ =	sdelay $0x1  }
0x3c: {  	(v2sf) =	vpush v5, $0x0;
	_ =	sdelay $0xb  }
.Ltmp5:
0x3d: {  	_ = 	snop;
	(pc) =	sbr.rel .LBB2_5-.Ltmp5, $4  }
0x3e: {  	s23 =	sadd.s32 $0x10, s23;
	s24 =	spop (v2sf)  }
0x3f: {  	v5 =	vor.u32 s23, v1;
	s22 =	sadd.s32 s22, s24  }
0x40: {  	[tilespmem:s22+$0x1000] =	vst.msk vm0, v5;
	s31 =	spop (v2sf)  }
0x41: {  	s23 =	simm.s32 $0x0;
	[tilespmem:s22+$0x2080] =	vst.msk vm0, v4;
	s22 =	sadd.s32 s22, s31  }
.LBB2_8:
0x42: {  	s23 =	sadd.s32 $0x1, s23  }
0x43: {  	p1 =	sne.s32 s23, $0x20  }
.Ltmp6:
0x44: {  	_ = 	snop;
	(pc) =	sbr.rel @!p1 .LBB2_9-.Ltmp6, $3  }
0x45: {  	_ =	sdelay $0x1  }
0x46: {  	p0 =	sgt.s32 s24, $0x7F;
	s24 =	sadd.s32 $0x80, s21  }
0x47: {  	s21 =	smov.u32 @p0 s24  }
.LBB2_5:
0x48: {  	s24 =	ssub.s32 s22, s21  }
0x49: {  	p0 =	slt.s32 s24, $0x80  }
.Ltmp7:
0x4a: {  	_ = 	snop;
	(pc) =	sbr.rel @p0 .LBB2_8-.Ltmp7, $1  }
0x4b: {  	_ =	sdelay $0x3  }
0x4c: {  	s25 =	sadd.s32 $0x1000, s21  }
0x4d: {  	[tilespmem:s13], [sflag:$0x1] =	stream.indirect.gather [hbm4b:s1+s12], $0x1, s25, s12, $0xb8;
	[tilespmem:$0x11600] =	vst v63  }
0x4e: {  	_ =	swait.ge [sflag:s14], $0x80  }
0x4f: {  	[sflag:s14] =	ssyncset.done $0x0  }
0x50: {  	[sflag:s14] =	ssyncadd.s32 $0xFFFFFF80  }
0x51: {  	[tilespmem:s15], [sflag:$0x1] =	stream.indirect.gather [hbm4b:s5+s12], $0x1, s25, s12, $0xb8;
	[tilespmem:$0x11600] =	vst v63  }
0x52: {  	_ =	swait.ge [sflag:s14], $0x80  }
0x53: {  	[sflag:s14] =	ssyncset.done $0x0  }
0x54: {  	s28 =	sadd.s32 $0x2080, s21;
	[sflag:s14] =	ssyncadd.s32 $0xFFFFFF80  }
0x55: {  	v4 =	vmov s28;
	[tilespmem:s16], [sflag:$0x1] =	stream.indirect.gather [hbm4b:s0+s12], $0x80, s13, s12, $0xb8;
	[tilespmem:$0x11600] =	vst v63  }
0x56: {  	_ =	swait.ge [sflag:s14], $0x4000  }
0x57: {  	[sflag:s14] =	ssyncset.done $0x0  }
0x58: {  	s26 =	simm.s32 $0x3600;
	s25 =	simm.s32 $0x0;
	[sflag:s14] =	ssyncadd.s32 $0xFFFFC000  }
.LBB2_7:
0x59: {  	s28 =	sshra.s32 s25, $0x2  }
0x5a: {  	v5 =	vld.idx.msk [tilespmem:v4+s28+$0x0 ss:$0x1], $0xffff;
	_ =	sdelay $0x4  }
0x5b: {  	v5 =	vshll.u32 v5, $0x9  }
0x5c: {  	v6 =	vshra.s32 v5, $0x2  }
0x5d: {  	(v2sf) =	vpush v6, $0x0;
	_ =	sdelay $0x6  }
0x5e: {  	v5 =	vld [tilespmem:s28+$0x3180];
	_ =	sdelay $0x1  }
0x5f: {  	v7 =	vld [tilespmem:s26+$0xFFFFFC00];
	_ =	sdelay $0x2  }
0x60: {  	v8 =	vbroadcast v5, $0x0;
	_ =	sdelay $0x1  }
0x61: {  	v7 =	vmul.f32 v7, v8  }
0x62: {  	s31 =	spop (v2sf)  }
0x63: {  	[tilespmem:s31+$0x7200] =	vst.add.f32.msk $0xffff, v7  }
0x64: {  	v7 =	vld [tilespmem:s26+$0xFFFFFC10];
	_ =	sdelay $0x4  }
0x65: {  	v7 =	vmul.f32 v7, v8;
	_ =	sdelay $0x1  }
0x66: {  	[tilespmem:s31+$0x7210] =	vst.add.f32.msk $0xffff, v7  }
0x67: {  	v7 =	vld [tilespmem:s26+$0xFFFFFC20];
	_ =	sdelay $0x4  }
0x68: {  	v7 =	vmul.f32 v7, v8;
	_ =	sdelay $0x1  }
0x69: {  	[tilespmem:s31+$0x7220] =	vst.add.f32.msk $0xffff, v7  }
0x6a: {  	v7 =	vld [tilespmem:s26+$0xFFFFFC30];
	_ =	sdelay $0x4  }
0x6b: {  	v7 =	vmul.f32 v7, v8;
	_ =	sdelay $0x1  }
0x6c: {  	[tilespmem:s31+$0x7230] =	vst.add.f32.msk $0xffff, v7  }
0x6d: {  	v7 =	vld [tilespmem:s26+$0xFFFFFC40];
	_ =	sdelay $0x4  }
0x6e: {  	v7 =	vmul.f32 v7, v8;
	_ =	sdelay $0x1  }
0x6f: {  	[tilespmem:s31+$0x7240] =	vst.add.f32.msk $0xffff, v7  }
0x70: {  	v7 =	vld [tilespmem:s26+$0xFFFFFC50];
	_ =	sdelay $0x4  }
0x71: {  	v7 =	vmul.f32 v7, v8;
	_ =	sdelay $0x1  }
0x72: {  	[tilespmem:s31+$0x7250] =	vst.add.f32.msk $0xffff, v7  }
0x73: {  	v7 =	vld [tilespmem:s26+$0xFFFFFC60];
	_ =	sdelay $0x4  }
0x74: {  	v7 =	vmul.f32 v7, v8;
	_ =	sdelay $0x1  }
0x75: {  	(v2sf) =	vpush v6, $0x1;
	[tilespmem:s31+$0x7260] =	vst.add.f32.msk $0xffff, v7  }
0x76: {  	v7 =	vld [tilespmem:s26+$0xFFFFFC70];
	_ =	sdelay $0x4  }
0x77: {  	v7 =	vmul.f32 v7, v8;
	_ =	sdelay $0x1  }
0x78: {  	[tilespmem:s31+$0x7270] =	vst.add.f32.msk $0xffff, v7  }
0x79: {  	v7 =	vld [tilespmem:s26+$0xFFFFFC80];
	_ =	sdelay $0x2  }
0x7a: {  	v50 =	vbroadcast v5, $0x1;
	_ =	sdelay $0x1  }
0x7b: {  	v7 =	vmul.f32 v7, v50  }
0x7c: {  	s29 =	spop (v2sf)  }
0x7d: {  	[tilespmem:s29+$0x7200] =	vst.add.f32.msk $0xffff, v7  }
0x7e: {  	v7 =	vld [tilespmem:s26+$0xFFFFFC90];
	_ =	sdelay $0x4  }
0x7f: {  	v7 =	vmul.f32 v7, v50;
	_ =	sdelay $0x1  }
0x80: {  	[tilespmem:s29+$0x7210] =	vst.add.f32.msk $0xffff, v7  }
0x81: {  	v7 =	vld [tilespmem:s26+$0xFFFFFCA0];
	_ =	sdelay $0x4  }
0x82: {  	v7 =	vmul.f32 v7, v50;
	_ =	sdelay $0x1  }
0x83: {  	[tilespmem:s29+$0x7220] =	vst.add.f32.msk $0xffff, v7  }
0x84: {  	v7 =	vld [tilespmem:s26+$0xFFFFFCB0];
	_ =	sdelay $0x4  }
0x85: {  	v7 =	vmul.f32 v7, v50;
	_ =	sdelay $0x1  }
0x86: {  	[tilespmem:s29+$0x7230] =	vst.add.f32.msk $0xffff, v7  }
0x87: {  	v7 =	vld [tilespmem:s26+$0xFFFFFCC0];
	_ =	sdelay $0x4  }
0x88: {  	v7 =	vmul.f32 v7, v50;
	_ =	sdelay $0x1  }
0x89: {  	[tilespmem:s29+$0x7240] =	vst.add.f32.msk $0xffff, v7  }
0x8a: {  	v7 =	vld [tilespmem:s26+$0xFFFFFCD0];
	_ =	sdelay $0x4  }
0x8b: {  	v7 =	vmul.f32 v7, v50;
	_ =	sdelay $0x1  }
0x8c: {  	[tilespmem:s29+$0x7250] =	vst.add.f32.msk $0xffff, v7  }
0x8d: {  	v7 =	vld [tilespmem:s26+$0xFFFFFCE0];
	_ =	sdelay $0x4  }
0x8e: {  	v7 =	vmul.f32 v7, v50;
	_ =	sdelay $0x1  }
0x8f: {  	(v2sf) =	vpush v6, $0x2;
	[tilespmem:s29+$0x7260] =	vst.add.f32.msk $0xffff, v7  }
0x90: {  	v7 =	vld [tilespmem:s26+$0xFFFFFCF0];
	_ =	sdelay $0x4  }
0x91: {  	v7 =	vmul.f32 v7, v50;
	_ =	sdelay $0x1  }
0x92: {  	[tilespmem:s29+$0x7270] =	vst.add.f32.msk $0xffff, v7  }
0x93: {  	v7 =	vld [tilespmem:s26+$0xFFFFFD00];
	_ =	sdelay $0x2  }
0x94: {  	v51 =	vbroadcast v5, $0x2;
	_ =	sdelay $0x1  }
0x95: {  	v7 =	vmul.f32 v7, v51  }
0x96: {  	s30 =	spop (v2sf)  }
0x97: {  	[tilespmem:s30+$0x7200] =	vst.add.f32.msk $0xffff, v7  }
0x98: {  	v7 =	vld [tilespmem:s26+$0xFFFFFD10];
	_ =	sdelay $0x4  }
0x99: {  	v7 =	vmul.f32 v7, v51;
	_ =	sdelay $0x1  }
0x9a: {  	[tilespmem:s30+$0x7210] =	vst.add.f32.msk $0xffff, v7  }
0x9b: {  	v7 =	vld [tilespmem:s26+$0xFFFFFD20];
	_ =	sdelay $0x4  }
0x9c: {  	v7 =	vmul.f32 v7, v51;
	_ =	sdelay $0x1  }
0x9d: {  	[tilespmem:s30+$0x7220] =	vst.add.f32.msk $0xffff, v7  }
0x9e: {  	v7 =	vld [tilespmem:s26+$0xFFFFFD30];
	_ =	sdelay $0x4  }
0x9f: {  	v7 =	vmul.f32 v7, v51;
	_ =	sdelay $0x1  }
0xa0: {  	[tilespmem:s30+$0x7230] =	vst.add.f32.msk $0xffff, v7  }
0xa1: {  	v7 =	vld [tilespmem:s26+$0xFFFFFD40];
	_ =	sdelay $0x4  }
0xa2: {  	v7 =	vmul.f32 v7, v51;
	_ =	sdelay $0x1  }
0xa3: {  	[tilespmem:s30+$0x7240] =	vst.add.f32.msk $0xffff, v7  }
0xa4: {  	v7 =	vld [tilespmem:s26+$0xFFFFFD50];
	_ =	sdelay $0x4  }
0xa5: {  	v7 =	vmul.f32 v7, v51;
	_ =	sdelay $0x1  }
0xa6: {  	[tilespmem:s30+$0x7250] =	vst.add.f32.msk $0xffff, v7  }
0xa7: {  	v7 =	vld [tilespmem:s26+$0xFFFFFD60];
	_ =	sdelay $0x4  }
0xa8: {  	v7 =	vmul.f32 v7, v51;
	_ =	sdelay $0x1  }
0xa9: {  	(v2sf) =	vpush v6, $0x3;
	[tilespmem:s30+$0x7260] =	vst.add.f32.msk $0xffff, v7  }
0xaa: {  	v7 =	vld [tilespmem:s26+$0xFFFFFD70];
	_ =	sdelay $0x4  }
0xab: {  	v7 =	vmul.f32 v7, v51;
	_ =	sdelay $0x1  }
0xac: {  	[tilespmem:s30+$0x7270] =	vst.add.f32.msk $0xffff, v7  }
0xad: {  	v7 =	vld [tilespmem:s26+$0xFFFFFD80];
	_ =	sdelay $0x2  }
0xae: {  	v52 =	vbroadcast v5, $0x3;
	_ =	sdelay $0x1  }
0xaf: {  	v7 =	vmul.f32 v7, v52  }
0xb0: {  	s31 =	spop (v2sf)  }
0xb1: {  	[tilespmem:s31+$0x7200] =	vst.add.f32.msk $0xffff, v7  }
0xb2: {  	v7 =	vld [tilespmem:s26+$0xFFFFFD90];
	_ =	sdelay $0x4  }
0xb3: {  	v7 =	vmul.f32 v7, v52;
	_ =	sdelay $0x1  }
0xb4: {  	[tilespmem:s31+$0x7210] =	vst.add.f32.msk $0xffff, v7  }
0xb5: {  	v7 =	vld [tilespmem:s26+$0xFFFFFDA0];
	_ =	sdelay $0x4  }
0xb6: {  	v7 =	vmul.f32 v7, v52;
	_ =	sdelay $0x1  }
0xb7: {  	[tilespmem:s31+$0x7220] =	vst.add.f32.msk $0xffff, v7  }
0xb8: {  	v7 =	vld [tilespmem:s26+$0xFFFFFDB0];
	_ =	sdelay $0x4  }
0xb9: {  	v7 =	vmul.f32 v7, v52;
	_ =	sdelay $0x1  }
0xba: {  	[tilespmem:s31+$0x7230] =	vst.add.f32.msk $0xffff, v7  }
0xbb: {  	v7 =	vld [tilespmem:s26+$0xFFFFFDC0];
	_ =	sdelay $0x4  }
0xbc: {  	v7 =	vmul.f32 v7, v52;
	_ =	sdelay $0x1  }
0xbd: {  	[tilespmem:s31+$0x7240] =	vst.add.f32.msk $0xffff, v7  }
0xbe: {  	v7 =	vld [tilespmem:s26+$0xFFFFFDD0];
	_ =	sdelay $0x4  }
0xbf: {  	v7 =	vmul.f32 v7, v52;
	_ =	sdelay $0x1  }
0xc0: {  	[tilespmem:s31+$0x7250] =	vst.add.f32.msk $0xffff, v7  }
0xc1: {  	v7 =	vld [tilespmem:s26+$0xFFFFFDE0];
	_ =	sdelay $0x4  }
0xc2: {  	v7 =	vmul.f32 v7, v52;
	_ =	sdelay $0x1  }
0xc3: {  	(v2sf) =	vpush v6, $0x4;
	[tilespmem:s31+$0x7260] =	vst.add.f32.msk $0xffff, v7  }
0xc4: {  	v7 =	vld [tilespmem:s26+$0xFFFFFDF0];
	_ =	sdelay $0x4  }
0xc5: {  	v7 =	vmul.f32 v7, v52;
	_ =	sdelay $0x1  }
0xc6: {  	[tilespmem:s31+$0x7270] =	vst.add.f32.msk $0xffff, v7  }
0xc7: {  	v7 =	vld [tilespmem:s26+$0xFFFFFE00];
	_ =	sdelay $0x2  }
0xc8: {  	v53 =	vbroadcast v5, $0x4;
	_ =	sdelay $0x1  }
0xc9: {  	v7 =	vmul.f32 v7, v53  }
0xca: {  	s29 =	spop (v2sf)  }
0xcb: {  	[tilespmem:s29+$0x7200] =	vst.add.f32.msk $0xffff, v7  }
0xcc: {  	v7 =	vld [tilespmem:s26+$0xFFFFFE10];
	_ =	sdelay $0x4  }
0xcd: {  	v7 =	vmul.f32 v7, v53;
	_ =	sdelay $0x1  }
0xce: {  	[tilespmem:s29+$0x7210] =	vst.add.f32.msk $0xffff, v7  }
0xcf: {  	v7 =	vld [tilespmem:s26+$0xFFFFFE20];
	_ =	sdelay $0x4  }
0xd0: {  	v7 =	vmul.f32 v7, v53;
	_ =	sdelay $0x1  }
0xd1: {  	[tilespmem:s29+$0x7220] =	vst.add.f32.msk $0xffff, v7  }
0xd2: {  	v7 =	vld [tilespmem:s26+$0xFFFFFE30];
	_ =	sdelay $0x4  }
0xd3: {  	v7 =	vmul.f32 v7, v53;
	_ =	sdelay $0x1  }
0xd4: {  	[tilespmem:s29+$0x7230] =	vst.add.f32.msk $0xffff, v7  }
0xd5: {  	v7 =	vld [tilespmem:s26+$0xFFFFFE40];
	_ =	sdelay $0x4  }
0xd6: {  	v7 =	vmul.f32 v7, v53;
	_ =	sdelay $0x1  }
0xd7: {  	[tilespmem:s29+$0x7240] =	vst.add.f32.msk $0xffff, v7  }
0xd8: {  	v7 =	vld [tilespmem:s26+$0xFFFFFE50];
	_ =	sdelay $0x4  }
0xd9: {  	v7 =	vmul.f32 v7, v53;
	_ =	sdelay $0x1  }
0xda: {  	[tilespmem:s29+$0x7250] =	vst.add.f32.msk $0xffff, v7  }
0xdb: {  	v7 =	vld [tilespmem:s26+$0xFFFFFE60];
	_ =	sdelay $0x4  }
0xdc: {  	v7 =	vmul.f32 v7, v53;
	_ =	sdelay $0x1  }
0xdd: {  	(v2sf) =	vpush v6, $0x5;
	[tilespmem:s29+$0x7260] =	vst.add.f32.msk $0xffff, v7  }
0xde: {  	v7 =	vld [tilespmem:s26+$0xFFFFFE70];
	_ =	sdelay $0x4  }
0xdf: {  	v7 =	vmul.f32 v7, v53;
	_ =	sdelay $0x1  }
0xe0: {  	[tilespmem:s29+$0x7270] =	vst.add.f32.msk $0xffff, v7  }
0xe1: {  	v7 =	vld [tilespmem:s26+$0xFFFFFE80];
	_ =	sdelay $0x2  }
0xe2: {  	v54 =	vbroadcast v5, $0x5;
	_ =	sdelay $0x1  }
0xe3: {  	v7 =	vmul.f32 v7, v54  }
0xe4: {  	s30 =	spop (v2sf)  }
0xe5: {  	[tilespmem:s30+$0x7200] =	vst.add.f32.msk $0xffff, v7  }
0xe6: {  	v7 =	vld [tilespmem:s26+$0xFFFFFE90];
	_ =	sdelay $0x4  }
0xe7: {  	v7 =	vmul.f32 v7, v54;
	_ =	sdelay $0x1  }
0xe8: {  	[tilespmem:s30+$0x7210] =	vst.add.f32.msk $0xffff, v7  }
0xe9: {  	v7 =	vld [tilespmem:s26+$0xFFFFFEA0];
	_ =	sdelay $0x4  }
0xea: {  	v7 =	vmul.f32 v7, v54;
	_ =	sdelay $0x1  }
0xeb: {  	[tilespmem:s30+$0x7220] =	vst.add.f32.msk $0xffff, v7  }
0xec: {  	v7 =	vld [tilespmem:s26+$0xFFFFFEB0];
	_ =	sdelay $0x4  }
0xed: {  	v7 =	vmul.f32 v7, v54;
	_ =	sdelay $0x1  }
0xee: {  	[tilespmem:s30+$0x7230] =	vst.add.f32.msk $0xffff, v7  }
0xef: {  	v7 =	vld [tilespmem:s26+$0xFFFFFEC0];
	_ =	sdelay $0x4  }
0xf0: {  	v7 =	vmul.f32 v7, v54;
	_ =	sdelay $0x1  }
0xf1: {  	[tilespmem:s30+$0x7240] =	vst.add.f32.msk $0xffff, v7  }
0xf2: {  	v7 =	vld [tilespmem:s26+$0xFFFFFED0];
	_ =	sdelay $0x4  }
0xf3: {  	v7 =	vmul.f32 v7, v54;
	_ =	sdelay $0x1  }
0xf4: {  	[tilespmem:s30+$0x7250] =	vst.add.f32.msk $0xffff, v7  }
0xf5: {  	v7 =	vld [tilespmem:s26+$0xFFFFFEE0];
	_ =	sdelay $0x4  }
0xf6: {  	v7 =	vmul.f32 v7, v54;
	_ =	sdelay $0x1  }
0xf7: {  	(v2sf) =	vpush v6, $0x6;
	[tilespmem:s30+$0x7260] =	vst.add.f32.msk $0xffff, v7  }
0xf8: {  	v7 =	vld [tilespmem:s26+$0xFFFFFEF0];
	_ =	sdelay $0x4  }
0xf9: {  	v7 =	vmul.f32 v7, v54;
	_ =	sdelay $0x1  }
0xfa: {  	[tilespmem:s30+$0x7270] =	vst.add.f32.msk $0xffff, v7  }
0xfb: {  	v7 =	vld [tilespmem:s26+$0xFFFFFF00];
	_ =	sdelay $0x2  }
0xfc: {  	v55 =	vbroadcast v5, $0x6;
	_ =	sdelay $0x1  }
0xfd: {  	v7 =	vmul.f32 v7, v55  }
0xfe: {  	s31 =	spop (v2sf)  }
0xff: {  	[tilespmem:s31+$0x7200] =	vst.add.f32.msk $0xffff, v7  }
0x100: {  	v7 =	vld [tilespmem:s26+$0xFFFFFF10];
	_ =	sdelay $0x4  }
0x101: {  	v7 =	vmul.f32 v7, v55;
	_ =	sdelay $0x1  }
0x102: {  	[tilespmem:s31+$0x7210] =	vst.add.f32.msk $0xffff, v7  }
0x103: {  	v7 =	vld [tilespmem:s26+$0xFFFFFF20];
	_ =	sdelay $0x4  }
0x104: {  	v7 =	vmul.f32 v7, v55;
	_ =	sdelay $0x1  }
0x105: {  	[tilespmem:s31+$0x7220] =	vst.add.f32.msk $0xffff, v7  }
0x106: {  	v7 =	vld [tilespmem:s26+$0xFFFFFF30];
	_ =	sdelay $0x4  }
0x107: {  	v7 =	vmul.f32 v7, v55;
	_ =	sdelay $0x1  }
0x108: {  	[tilespmem:s31+$0x7230] =	vst.add.f32.msk $0xffff, v7  }
0x109: {  	v7 =	vld [tilespmem:s26+$0xFFFFFF40];
	_ =	sdelay $0x4  }
0x10a: {  	v7 =	vmul.f32 v7, v55;
	_ =	sdelay $0x1  }
0x10b: {  	[tilespmem:s31+$0x7240] =	vst.add.f32.msk $0xffff, v7  }
0x10c: {  	v7 =	vld [tilespmem:s26+$0xFFFFFF50];
	_ =	sdelay $0x4  }
0x10d: {  	v7 =	vmul.f32 v7, v55;
	_ =	sdelay $0x1  }
0x10e: {  	[tilespmem:s31+$0x7250] =	vst.add.f32.msk $0xffff, v7  }
0x10f: {  	v7 =	vld [tilespmem:s26+$0xFFFFFF60];
	_ =	sdelay $0x4  }
0x110: {  	v7 =	vmul.f32 v7, v55;
	_ =	sdelay $0x1  }
0x111: {  	(v2sf) =	vpush v6, $0x7;
	[tilespmem:s31+$0x7260] =	vst.add.f32.msk $0xffff, v7  }
0x112: {  	v7 =	vld [tilespmem:s26+$0xFFFFFF70];
	_ =	sdelay $0x4  }
0x113: {  	v7 =	vmul.f32 v7, v55;
	_ =	sdelay $0x1  }
0x114: {  	[tilespmem:s31+$0x7270] =	vst.add.f32.msk $0xffff, v7  }
0x115: {  	v7 =	vld [tilespmem:s26+$0xFFFFFF80];
	_ =	sdelay $0x2  }
0x116: {  	v56 =	vbroadcast v5, $0x7;
	_ =	sdelay $0x1  }
0x117: {  	v7 =	vmul.f32 v7, v56  }
0x118: {  	s29 =	spop (v2sf)  }
0x119: {  	[tilespmem:s29+$0x7200] =	vst.add.f32.msk $0xffff, v7  }
0x11a: {  	v7 =	vld [tilespmem:s26+$0xFFFFFF90];
	_ =	sdelay $0x4  }
0x11b: {  	v7 =	vmul.f32 v7, v56;
	_ =	sdelay $0x1  }
0x11c: {  	[tilespmem:s29+$0x7210] =	vst.add.f32.msk $0xffff, v7  }
0x11d: {  	v7 =	vld [tilespmem:s26+$0xFFFFFFA0];
	_ =	sdelay $0x4  }
0x11e: {  	v7 =	vmul.f32 v7, v56;
	_ =	sdelay $0x1  }
0x11f: {  	[tilespmem:s29+$0x7220] =	vst.add.f32.msk $0xffff, v7  }
0x120: {  	v7 =	vld [tilespmem:s26+$0xFFFFFFB0];
	_ =	sdelay $0x4  }
0x121: {  	v7 =	vmul.f32 v7, v56;
	_ =	sdelay $0x1  }
0x122: {  	[tilespmem:s29+$0x7230] =	vst.add.f32.msk $0xffff, v7  }
0x123: {  	v7 =	vld [tilespmem:s26+$0xFFFFFFC0];
	_ =	sdelay $0x4  }
0x124: {  	v7 =	vmul.f32 v7, v56;
	_ =	sdelay $0x1  }
0x125: {  	[tilespmem:s29+$0x7240] =	vst.add.f32.msk $0xffff, v7  }
0x126: {  	v7 =	vld [tilespmem:s26+$0xFFFFFFD0];
	_ =	sdelay $0x4  }
0x127: {  	v7 =	vmul.f32 v7, v56;
	_ =	sdelay $0x1  }
0x128: {  	[tilespmem:s29+$0x7250] =	vst.add.f32.msk $0xffff, v7  }
0x129: {  	v7 =	vld [tilespmem:s26+$0xFFFFFFE0];
	_ =	sdelay $0x4  }
0x12a: {  	v7 =	vmul.f32 v7, v56;
	_ =	sdelay $0x1  }
0x12b: {  	(v2sf) =	vpush v6, $0x8;
	[tilespmem:s29+$0x7260] =	vst.add.f32.msk $0xffff, v7  }
0x12c: {  	v7 =	vld [tilespmem:s26+$0xFFFFFFF0];
	_ =	sdelay $0x4  }
0x12d: {  	v7 =	vmul.f32 v7, v56;
	_ =	sdelay $0x1  }
0x12e: {  	[tilespmem:s29+$0x7270] =	vst.add.f32.msk $0xffff, v7  }
0x12f: {  	v7 =	vld [tilespmem:s26+$0x0];
	_ =	sdelay $0x2  }
0x130: {  	v57 =	vbroadcast v5, $0x8;
	_ =	sdelay $0x1  }
0x131: {  	v7 =	vmul.f32 v7, v57  }
0x132: {  	s30 =	spop (v2sf)  }
0x133: {  	[tilespmem:s30+$0x7200] =	vst.add.f32.msk $0xffff, v7  }
0x134: {  	v7 =	vld [tilespmem:s26+$0x10];
	_ =	sdelay $0x4  }
0x135: {  	v7 =	vmul.f32 v7, v57;
	_ =	sdelay $0x1  }
0x136: {  	[tilespmem:s30+$0x7210] =	vst.add.f32.msk $0xffff, v7  }
0x137: {  	v7 =	vld [tilespmem:s26+$0x20];
	_ =	sdelay $0x4  }
0x138: {  	v7 =	vmul.f32 v7, v57;
	_ =	sdelay $0x1  }
0x139: {  	[tilespmem:s30+$0x7220] =	vst.add.f32.msk $0xffff, v7  }
0x13a: {  	v7 =	vld [tilespmem:s26+$0x30];
	_ =	sdelay $0x4  }
0x13b: {  	v7 =	vmul.f32 v7, v57;
	_ =	sdelay $0x1  }
0x13c: {  	[tilespmem:s30+$0x7230] =	vst.add.f32.msk $0xffff, v7  }
0x13d: {  	v7 =	vld [tilespmem:s26+$0x40];
	_ =	sdelay $0x4  }
0x13e: {  	v7 =	vmul.f32 v7, v57;
	_ =	sdelay $0x1  }
0x13f: {  	[tilespmem:s30+$0x7240] =	vst.add.f32.msk $0xffff, v7  }
0x140: {  	v7 =	vld [tilespmem:s26+$0x50];
	_ =	sdelay $0x4  }
0x141: {  	v7 =	vmul.f32 v7, v57;
	_ =	sdelay $0x1  }
0x142: {  	[tilespmem:s30+$0x7250] =	vst.add.f32.msk $0xffff, v7  }
0x143: {  	v7 =	vld [tilespmem:s26+$0x60];
	_ =	sdelay $0x4  }
0x144: {  	v7 =	vmul.f32 v7, v57;
	_ =	sdelay $0x1  }
0x145: {  	(v2sf) =	vpush v6, $0x9;
	[tilespmem:s30+$0x7260] =	vst.add.f32.msk $0xffff, v7  }
0x146: {  	v7 =	vld [tilespmem:s26+$0x70];
	_ =	sdelay $0x4  }
0x147: {  	v7 =	vmul.f32 v7, v57;
	_ =	sdelay $0x1  }
0x148: {  	[tilespmem:s30+$0x7270] =	vst.add.f32.msk $0xffff, v7  }
0x149: {  	v7 =	vld [tilespmem:s26+$0x80];
	_ =	sdelay $0x2  }
0x14a: {  	v58 =	vbroadcast v5, $0x9;
	_ =	sdelay $0x1  }
0x14b: {  	v7 =	vmul.f32 v7, v58  }
0x14c: {  	s31 =	spop (v2sf)  }
0x14d: {  	[tilespmem:s31+$0x7200] =	vst.add.f32.msk $0xffff, v7  }
0x14e: {  	v7 =	vld [tilespmem:s26+$0x90];
	_ =	sdelay $0x4  }
0x14f: {  	v7 =	vmul.f32 v7, v58;
	_ =	sdelay $0x1  }
0x150: {  	[tilespmem:s31+$0x7210] =	vst.add.f32.msk $0xffff, v7  }
0x151: {  	v7 =	vld [tilespmem:s26+$0xA0];
	_ =	sdelay $0x4  }
0x152: {  	v7 =	vmul.f32 v7, v58;
	_ =	sdelay $0x1  }
0x153: {  	[tilespmem:s31+$0x7220] =	vst.add.f32.msk $0xffff, v7  }
0x154: {  	v7 =	vld [tilespmem:s26+$0xB0];
	_ =	sdelay $0x4  }
0x155: {  	v7 =	vmul.f32 v7, v58;
	_ =	sdelay $0x1  }
0x156: {  	[tilespmem:s31+$0x7230] =	vst.add.f32.msk $0xffff, v7  }
0x157: {  	v7 =	vld [tilespmem:s26+$0xC0];
	_ =	sdelay $0x4  }
0x158: {  	v7 =	vmul.f32 v7, v58;
	_ =	sdelay $0x1  }
0x159: {  	[tilespmem:s31+$0x7240] =	vst.add.f32.msk $0xffff, v7  }
0x15a: {  	v7 =	vld [tilespmem:s26+$0xD0];
	_ =	sdelay $0x4  }
0x15b: {  	v7 =	vmul.f32 v7, v58;
	_ =	sdelay $0x1  }
0x15c: {  	[tilespmem:s31+$0x7250] =	vst.add.f32.msk $0xffff, v7  }
0x15d: {  	v7 =	vld [tilespmem:s26+$0xE0];
	_ =	sdelay $0x4  }
0x15e: {  	v7 =	vmul.f32 v7, v58;
	_ =	sdelay $0x1  }
0x15f: {  	(v2sf) =	vpush v6, $0xA;
	[tilespmem:s31+$0x7260] =	vst.add.f32.msk $0xffff, v7  }
0x160: {  	v7 =	vld [tilespmem:s26+$0xF0];
	_ =	sdelay $0x4  }
0x161: {  	v7 =	vmul.f32 v7, v58;
	_ =	sdelay $0x1  }
0x162: {  	[tilespmem:s31+$0x7270] =	vst.add.f32.msk $0xffff, v7  }
0x163: {  	v7 =	vld [tilespmem:s26+$0x100];
	_ =	sdelay $0x2  }
0x164: {  	v59 =	vbroadcast v5, $0xA;
	_ =	sdelay $0x1  }
0x165: {  	v7 =	vmul.f32 v7, v59  }
0x166: {  	s29 =	spop (v2sf)  }
0x167: {  	[tilespmem:s29+$0x7200] =	vst.add.f32.msk $0xffff, v7  }
0x168: {  	v7 =	vld [tilespmem:s26+$0x110];
	_ =	sdelay $0x4  }
0x169: {  	v7 =	vmul.f32 v7, v59;
	_ =	sdelay $0x1  }
0x16a: {  	[tilespmem:s29+$0x7210] =	vst.add.f32.msk $0xffff, v7  }
0x16b: {  	v7 =	vld [tilespmem:s26+$0x120];
	_ =	sdelay $0x4  }
0x16c: {  	v7 =	vmul.f32 v7, v59;
	_ =	sdelay $0x1  }
0x16d: {  	[tilespmem:s29+$0x7220] =	vst.add.f32.msk $0xffff, v7  }
0x16e: {  	v7 =	vld [tilespmem:s26+$0x130];
	_ =	sdelay $0x4  }
0x16f: {  	v7 =	vmul.f32 v7, v59;
	_ =	sdelay $0x1  }
0x170: {  	[tilespmem:s29+$0x7230] =	vst.add.f32.msk $0xffff, v7  }
0x171: {  	v7 =	vld [tilespmem:s26+$0x140];
	_ =	sdelay $0x4  }
0x172: {  	v7 =	vmul.f32 v7, v59;
	_ =	sdelay $0x1  }
0x173: {  	[tilespmem:s29+$0x7240] =	vst.add.f32.msk $0xffff, v7  }
0x174: {  	v7 =	vld [tilespmem:s26+$0x150];
	_ =	sdelay $0x4  }
0x175: {  	v7 =	vmul.f32 v7, v59;
	_ =	sdelay $0x1  }
0x176: {  	[tilespmem:s29+$0x7250] =	vst.add.f32.msk $0xffff, v7  }
0x177: {  	v7 =	vld [tilespmem:s26+$0x160];
	_ =	sdelay $0x4  }
0x178: {  	v7 =	vmul.f32 v7, v59;
	_ =	sdelay $0x1  }
0x179: {  	(v2sf) =	vpush v6, $0xB;
	[tilespmem:s29+$0x7260] =	vst.add.f32.msk $0xffff, v7  }
0x17a: {  	v7 =	vld [tilespmem:s26+$0x170];
	_ =	sdelay $0x4  }
0x17b: {  	v7 =	vmul.f32 v7, v59;
	_ =	sdelay $0x1  }
0x17c: {  	[tilespmem:s29+$0x7270] =	vst.add.f32.msk $0xffff, v7  }
0x17d: {  	v7 =	vld [tilespmem:s26+$0x180];
	_ =	sdelay $0x2  }
0x17e: {  	v60 =	vbroadcast v5, $0xB;
	_ =	sdelay $0x1  }
0x17f: {  	v7 =	vmul.f32 v7, v60  }
0x180: {  	s30 =	spop (v2sf)  }
0x181: {  	[tilespmem:s30+$0x7200] =	vst.add.f32.msk $0xffff, v7  }
0x182: {  	v7 =	vld [tilespmem:s26+$0x190];
	_ =	sdelay $0x4  }
0x183: {  	v7 =	vmul.f32 v7, v60;
	_ =	sdelay $0x1  }
0x184: {  	[tilespmem:s30+$0x7210] =	vst.add.f32.msk $0xffff, v7  }
0x185: {  	v7 =	vld [tilespmem:s26+$0x1A0];
	_ =	sdelay $0x4  }
0x186: {  	v7 =	vmul.f32 v7, v60;
	_ =	sdelay $0x1  }
0x187: {  	[tilespmem:s30+$0x7220] =	vst.add.f32.msk $0xffff, v7  }
0x188: {  	v7 =	vld [tilespmem:s26+$0x1B0];
	_ =	sdelay $0x4  }
0x189: {  	v7 =	vmul.f32 v7, v60;
	_ =	sdelay $0x1  }
0x18a: {  	[tilespmem:s30+$0x7230] =	vst.add.f32.msk $0xffff, v7  }
0x18b: {  	v7 =	vld [tilespmem:s26+$0x1C0];
	_ =	sdelay $0x4  }
0x18c: {  	v7 =	vmul.f32 v7, v60;
	_ =	sdelay $0x1  }
0x18d: {  	[tilespmem:s30+$0x7240] =	vst.add.f32.msk $0xffff, v7  }
0x18e: {  	v7 =	vld [tilespmem:s26+$0x1D0];
	_ =	sdelay $0x4  }
0x18f: {  	v7 =	vmul.f32 v7, v60;
	_ =	sdelay $0x1  }
0x190: {  	[tilespmem:s30+$0x7250] =	vst.add.f32.msk $0xffff, v7  }
0x191: {  	v7 =	vld [tilespmem:s26+$0x1E0];
	_ =	sdelay $0x4  }
0x192: {  	v7 =	vmul.f32 v7, v60;
	_ =	sdelay $0x1  }
0x193: {  	(v2sf) =	vpush v6, $0xC;
	[tilespmem:s30+$0x7260] =	vst.add.f32.msk $0xffff, v7  }
0x194: {  	v7 =	vld [tilespmem:s26+$0x1F0];
	_ =	sdelay $0x4  }
0x195: {  	v7 =	vmul.f32 v7, v60;
	_ =	sdelay $0x1  }
0x196: {  	[tilespmem:s30+$0x7270] =	vst.add.f32.msk $0xffff, v7  }
0x197: {  	v7 =	vld [tilespmem:s26+$0x200];
	_ =	sdelay $0x2  }
0x198: {  	v61 =	vbroadcast v5, $0xC;
	_ =	sdelay $0x1  }
0x199: {  	v7 =	vmul.f32 v7, v61  }
0x19a: {  	s31 =	spop (v2sf)  }
0x19b: {  	[tilespmem:s31+$0x7200] =	vst.add.f32.msk $0xffff, v7  }
0x19c: {  	v7 =	vld [tilespmem:s26+$0x210];
	_ =	sdelay $0x4  }
0x19d: {  	v7 =	vmul.f32 v7, v61;
	_ =	sdelay $0x1  }
0x19e: {  	[tilespmem:s31+$0x7210] =	vst.add.f32.msk $0xffff, v7  }
0x19f: {  	v7 =	vld [tilespmem:s26+$0x220];
	_ =	sdelay $0x4  }
0x1a0: {  	v7 =	vmul.f32 v7, v61;
	_ =	sdelay $0x1  }
0x1a1: {  	[tilespmem:s31+$0x7220] =	vst.add.f32.msk $0xffff, v7  }
0x1a2: {  	v7 =	vld [tilespmem:s26+$0x230];
	_ =	sdelay $0x4  }
0x1a3: {  	v7 =	vmul.f32 v7, v61;
	_ =	sdelay $0x1  }
0x1a4: {  	[tilespmem:s31+$0x7230] =	vst.add.f32.msk $0xffff, v7  }
0x1a5: {  	v7 =	vld [tilespmem:s26+$0x240];
	_ =	sdelay $0x4  }
0x1a6: {  	v7 =	vmul.f32 v7, v61;
	_ =	sdelay $0x1  }
0x1a7: {  	[tilespmem:s31+$0x7240] =	vst.add.f32.msk $0xffff, v7  }
0x1a8: {  	v7 =	vld [tilespmem:s26+$0x250];
	_ =	sdelay $0x4  }
0x1a9: {  	v7 =	vmul.f32 v7, v61;
	_ =	sdelay $0x1  }
0x1aa: {  	[tilespmem:s31+$0x7250] =	vst.add.f32.msk $0xffff, v7  }
0x1ab: {  	v7 =	vld [tilespmem:s26+$0x260];
	_ =	sdelay $0x4  }
0x1ac: {  	v7 =	vmul.f32 v7, v61;
	_ =	sdelay $0x1  }
0x1ad: {  	(v2sf) =	vpush v6, $0xD;
	[tilespmem:s31+$0x7260] =	vst.add.f32.msk $0xffff, v7  }
0x1ae: {  	v7 =	vld [tilespmem:s26+$0x270];
	_ =	sdelay $0x4  }
0x1af: {  	v7 =	vmul.f32 v7, v61;
	_ =	sdelay $0x1  }
0x1b0: {  	[tilespmem:s31+$0x7270] =	vst.add.f32.msk $0xffff, v7  }
0x1b1: {  	v7 =	vld [tilespmem:s26+$0x280];
	_ =	sdelay $0x2  }
0x1b2: {  	v62 =	vbroadcast v5, $0xD;
	_ =	sdelay $0x1  }
0x1b3: {  	v7 =	vmul.f32 v7, v62  }
0x1b4: {  	s29 =	spop (v2sf)  }
0x1b5: {  	[tilespmem:s29+$0x7200] =	vst.add.f32.msk $0xffff, v7  }
0x1b6: {  	v7 =	vld [tilespmem:s26+$0x290];
	_ =	sdelay $0x4  }
0x1b7: {  	v7 =	vmul.f32 v7, v62;
	_ =	sdelay $0x1  }
0x1b8: {  	[tilespmem:s29+$0x7210] =	vst.add.f32.msk $0xffff, v7  }
0x1b9: {  	v7 =	vld [tilespmem:s26+$0x2A0];
	_ =	sdelay $0x4  }
0x1ba: {  	v7 =	vmul.f32 v7, v62;
	_ =	sdelay $0x1  }
0x1bb: {  	[tilespmem:s29+$0x7220] =	vst.add.f32.msk $0xffff, v7  }
0x1bc: {  	v7 =	vld [tilespmem:s26+$0x2B0];
	_ =	sdelay $0x4  }
0x1bd: {  	v7 =	vmul.f32 v7, v62;
	_ =	sdelay $0x1  }
0x1be: {  	[tilespmem:s29+$0x7230] =	vst.add.f32.msk $0xffff, v7  }
0x1bf: {  	v7 =	vld [tilespmem:s26+$0x2C0];
	_ =	sdelay $0x4  }
0x1c0: {  	v7 =	vmul.f32 v7, v62;
	_ =	sdelay $0x1  }
0x1c1: {  	[tilespmem:s29+$0x7240] =	vst.add.f32.msk $0xffff, v7  }
0x1c2: {  	v7 =	vld [tilespmem:s26+$0x2D0];
	_ =	sdelay $0x4  }
0x1c3: {  	v7 =	vmul.f32 v7, v62;
	_ =	sdelay $0x1  }
0x1c4: {  	[tilespmem:s29+$0x7250] =	vst.add.f32.msk $0xffff, v7  }
0x1c5: {  	v7 =	vld [tilespmem:s26+$0x2E0];
	_ =	sdelay $0x4  }
0x1c6: {  	v7 =	vmul.f32 v7, v62;
	_ =	sdelay $0x1  }
0x1c7: {  	(v2sf) =	vpush v6, $0xE;
	[tilespmem:s29+$0x7260] =	vst.add.f32.msk $0xffff, v7  }
0x1c8: {  	v7 =	vld [tilespmem:s26+$0x2F0];
	_ =	sdelay $0x4  }
0x1c9: {  	v7 =	vmul.f32 v7, v62;
	_ =	sdelay $0x1  }
0x1ca: {  	[tilespmem:s29+$0x7270] =	vst.add.f32.msk $0xffff, v7  }
0x1cb: {  	v7 =	vld [tilespmem:s26+$0x300];
	_ =	sdelay $0x2  }
0x1cc: {  	v63 =	vbroadcast v5, $0xE;
	_ =	sdelay $0x1  }
0x1cd: {  	v7 =	vmul.f32 v7, v63  }
0x1ce: {  	s30 =	spop (v2sf)  }
0x1cf: {  	[tilespmem:s30+$0x7200] =	vst.add.f32.msk $0xffff, v7  }
0x1d0: {  	v7 =	vld [tilespmem:s26+$0x310];
	_ =	sdelay $0x4  }
0x1d1: {  	v7 =	vmul.f32 v7, v63;
	_ =	sdelay $0x1  }
0x1d2: {  	[tilespmem:s30+$0x7210] =	vst.add.f32.msk $0xffff, v7  }
0x1d3: {  	v7 =	vld [tilespmem:s26+$0x320];
	_ =	sdelay $0x4  }
0x1d4: {  	v7 =	vmul.f32 v7, v63;
	_ =	sdelay $0x1  }
0x1d5: {  	[tilespmem:s30+$0x7220] =	vst.add.f32.msk $0xffff, v7  }
0x1d6: {  	v7 =	vld [tilespmem:s26+$0x330];
	_ =	sdelay $0x4  }
0x1d7: {  	v7 =	vmul.f32 v7, v63;
	_ =	sdelay $0x1  }
0x1d8: {  	[tilespmem:s30+$0x7230] =	vst.add.f32.msk $0xffff, v7  }
0x1d9: {  	v7 =	vld [tilespmem:s26+$0x340];
	_ =	sdelay $0x4  }
0x1da: {  	v7 =	vmul.f32 v7, v63;
	_ =	sdelay $0x1  }
0x1db: {  	[tilespmem:s30+$0x7240] =	vst.add.f32.msk $0xffff, v7  }
0x1dc: {  	v7 =	vld [tilespmem:s26+$0x350];
	_ =	sdelay $0x4  }
0x1dd: {  	v7 =	vmul.f32 v7, v63;
	_ =	sdelay $0x1  }
0x1de: {  	[tilespmem:s30+$0x7250] =	vst.add.f32.msk $0xffff, v7  }
0x1df: {  	v7 =	vld [tilespmem:s26+$0x360];
	_ =	sdelay $0x4  }
0x1e0: {  	v7 =	vmul.f32 v7, v63;
	_ =	sdelay $0x1  }
0x1e1: {  	(v2sf) =	vpush v6, $0xF;
	[tilespmem:s30+$0x7260] =	vst.add.f32.msk $0xffff, v7  }
0x1e2: {  	v6 =	vld [tilespmem:s26+$0x370];
	_ =	sdelay $0x4  }
0x1e3: {  	v6 =	vmul.f32 v6, v63;
	_ =	sdelay $0x1  }
0x1e4: {  	[tilespmem:s30+$0x7270] =	vst.add.f32.msk $0xffff, v6  }
0x1e5: {  	v6 =	vld [tilespmem:s26+$0x380];
	_ =	sdelay $0x2  }
0x1e6: {  	v5 =	vbroadcast v5, $0xF;
	_ =	sdelay $0x1  }
0x1e7: {  	v6 =	vmul.f32 v6, v5  }
0x1e8: {  	s31 =	spop (v2sf)  }
0x1e9: {  	[tilespmem:s31+$0x7200] =	vst.add.f32.msk $0xffff, v6  }
0x1ea: {  	v6 =	vld [tilespmem:s26+$0x390];
	_ =	sdelay $0x4  }
0x1eb: {  	v6 =	vmul.f32 v6, v5;
	_ =	sdelay $0x1  }
0x1ec: {  	[tilespmem:s31+$0x7210] =	vst.add.f32.msk $0xffff, v6  }
0x1ed: {  	v6 =	vld [tilespmem:s26+$0x3A0];
	_ =	sdelay $0x4  }
0x1ee: {  	v6 =	vmul.f32 v6, v5;
	_ =	sdelay $0x1  }
0x1ef: {  	[tilespmem:s31+$0x7220] =	vst.add.f32.msk $0xffff, v6  }
0x1f0: {  	v6 =	vld [tilespmem:s26+$0x3B0];
	_ =	sdelay $0x4  }
0x1f1: {  	v6 =	vmul.f32 v6, v5;
	_ =	sdelay $0x1  }
0x1f2: {  	[tilespmem:s31+$0x7230] =	vst.add.f32.msk $0xffff, v6  }
0x1f3: {  	v6 =	vld [tilespmem:s26+$0x3C0];
	_ =	sdelay $0x4  }
0x1f4: {  	v6 =	vmul.f32 v6, v5;
	_ =	sdelay $0x1  }
0x1f5: {  	[tilespmem:s31+$0x7240] =	vst.add.f32.msk $0xffff, v6  }
0x1f6: {  	v6 =	vld [tilespmem:s26+$0x3D0];
	_ =	sdelay $0x4  }
0x1f7: {  	v6 =	vmul.f32 v6, v5;
	_ =	sdelay $0x1  }
0x1f8: {  	[tilespmem:s31+$0x7250] =	vst.add.f32.msk $0xffff, v6  }
0x1f9: {  	v6 =	vld [tilespmem:s26+$0x3E0];
	_ =	sdelay $0x4  }
0x1fa: {  	v6 =	vmul.f32 v6, v5;
	_ =	sdelay $0x1  }
0x1fb: {  	[tilespmem:s31+$0x7260] =	vst.add.f32.msk $0xffff, v6  }
0x1fc: {  	v6 =	vld [tilespmem:s26+$0x3F0];
	_ =	sdelay $0x1  }
0x1fd: {  	p0 =	sne.s32 s25, $0x1C0  }
.Ltmp8:
0x1fe: {  	_ = 	snop;
	(pc) =	sbr.rel @p0 .LBB2_7-.Ltmp8, $3  }
0x1ff: {  	_ = 	snop  }
0x200: {  	v5 =	vmul.f32 v6, v5;
	_ =	sdelay $0x1  }
0x201: {  	s25 =	sadd.s32 $0x40, s25;
	s26 =	sadd.s32 $0x800, s26;
	[tilespmem:s31+$0x7270] =	vst.add.f32.msk $0xffff, v5  }
.Ltmp9:
0x202: {  	_ = 	snop;
	(pc) =	sbr.rel .LBB2_8-.Ltmp9, $1  }
0x203: {  	_ =	sdelay $0x3  }
.LBB2_9:
0x204: {  	s22 =	ssub.s32 s22, s21  }
0x205: {  	p0 =	slt.s32 s22, $0x1  }
0x206: {  	v4 =	vld @!p0 [tilespmem:s21+$0x1000];
	_ =	sdelay $0x4  }
0x207: {  	[tilespmem:$0x1000] =	vst @!p0 v4  }
0x208: {  	v4 =	vld @!p0 [tilespmem:s21+$0x2080];
	_ =	sdelay $0x3  }
0x209: {  	p1 =	slt.u32 @!p0 s22, $0x11  }
0x20a: {  	p1 =	por p0, p1;
	[tilespmem:$0x2080] =	vst @!p0 v4  }
0x20b: {  	v4 =	vld @!p1 [tilespmem:s21+$0x1010];
	_ =	sdelay $0x4  }
0x20c: {  	p2 =	slt.u32 @!p1 s22, $0x21;
	[tilespmem:$0x1010] =	vst @!p1 v4  }
0x20d: {  	p2 =	por p1, p2;
	v4 =	vld @!p1 [tilespmem:s21+$0x2090]  }
.Ltmp10:
0x20e: {  	_ = 	snop;
	(pc) =	sbr.rel @p2 .LBB2_11-.Ltmp10, $2  }
0x20f: {  	_ =	sdelay $0x2  }
0x210: {  	[tilespmem:$0x2090] =	vst @!p1 v4  }
0x211: {  	v4 =	vld [tilespmem:s21+$0x1020];
	_ =	sdelay $0x4  }
0x212: {  	[tilespmem:$0x1020] =	vst v4  }
0x213: {  	v4 =	vld [tilespmem:s21+$0x20A0];
	_ =	sdelay $0x4  }
0x214: {  	p1 =	slt.u32 s22, $0x31;
	[tilespmem:$0x20A0] =	vst v4  }
0x215: {  	v4 =	vld @!p1 [tilespmem:s21+$0x1030];
	_ =	sdelay $0x4  }
0x216: {  	[tilespmem:$0x1030] =	vst @!p1 v4  }
0x217: {  	v4 =	vld @!p1 [tilespmem:s21+$0x20B0];
	_ =	sdelay $0x3  }
0x218: {  	p2 =	slt.u32 @!p1 s22, $0x41  }
0x219: {  	p3 =	por p2, p1;
	[tilespmem:$0x20B0] =	vst @!p1 v4  }
0x21a: {  	v4 =	vld @!p3 [tilespmem:s21+$0x1040];
	_ =	sdelay $0x4  }
0x21b: {  	[tilespmem:$0x1040] =	vst @!p3 v4  }
0x21c: {  	v4 =	vld @!p3 [tilespmem:s21+$0x20C0];
	_ =	sdelay $0x2  }
0x21d: {  	p4 =	slt.u32 @!p3 s22, $0x51  }
0x21e: {  	p5 =	por @!p1 p4, p2  }
0x21f: {  	p5 =	por p5, p1;
	[tilespmem:$0x20C0] =	vst @!p3 v4  }
0x220: {  	v4 =	vld @!p5 [tilespmem:s21+$0x1050];
	_ =	sdelay $0x2  }
0x221: {  	s23 =	simm.s32 @!p2 $0x0  }
0x222: {  	s23 =	simm.s32 @p2 $0x1  }
0x223: {  	[smem:$0x7FD] =	sst s23;
	[tilespmem:$0x1050] =	vst @!p5 v4  }
0x224: {  	s23 =	simm.s32 @!p4 $0x0;
	s28 =	sld [smem:$0x7FD];
	v4 =	vld @!p5 [tilespmem:s21+$0x20D0]  }
0x225: {  	s23 =	simm.s32 @p4 $0x1;
	p2 =	slt.u32 @!p5 s22, $0x61  }
0x226: {  	[smem:$0x7FC] =	sst s23;
	s23 =	simm.s32 @!p2 $0x0  }
0x227: {  	p6 =	por @!p3 p2, p4;
	s23 =	simm.s32 @p2 $0x1;
	p2 =	seq.s32 s28, $0x1  }
0x228: {  	p6 =	por @!p1 p6, p2  }
0x229: {  	p6 =	por p6, p1;
	[tilespmem:$0x20D0] =	vst @!p5 v4  }
0x22a: {  	v4 =	vld @!p6 [tilespmem:s21+$0x1060];
	_ =	sdelay $0x2  }
0x22b: {  	[smem:$0x7FB] =	sst s23  }
0x22c: {  	s29 =	sld [smem:$0x7FB]  }
0x22d: {  	s30 =	sld [smem:$0x7FC];
	[tilespmem:$0x1060] =	vst @!p6 v4  }
0x22e: {  	s31 =	sld [smem:$0x7FD];
	v4 =	vld @!p6 [tilespmem:s21+$0x20E0]  }
0x22f: {  	p4 =	slt.u32 @!p6 s22, $0x71;
	p2 =	seq.s32 s29, $0x1  }
0x230: {  	p4 =	por @!p5 p4, p2;
	p5 =	seq.s32 s30, $0x1  }
0x231: {  	p2 =	seq.s32 s31, $0x1;
	p3 =	por @!p3 p4, p5  }
0x232: {  	p2 =	por @!p1 p3, p2  }
0x233: {  	p1 =	por p2, p1;
	[tilespmem:$0x20E0] =	vst @!p6 v4  }
0x234: {  	v4 =	vld @!p1 [tilespmem:s21+$0x1070];
	_ =	sdelay $0x4  }
0x235: {  	[tilespmem:$0x1070] =	vst @!p1 v4  }
0x236: {  	v4 =	vld @!p1 [tilespmem:s21+$0x20F0]  }
.Ltmp11:
0x237: {  	_ = 	snop;
	(pc) =	sbr.rel .LBB2_11-.Ltmp11, $2  }
0x238: {  	_ =	sdelay $0x2  }
0x239: {  	[tilespmem:$0x20F0] =	vst @!p1 v4  }
.LBB2_12:
0x23a: {  	[tilespmem:s22+$0x1000] =	vst v2  }
0x23b: {  	[tilespmem:s22+$0x2080] =	vst v3  }
0x23c: {  	[tilespmem:s22+$0x1010] =	vst v2  }
0x23d: {  	[tilespmem:s22+$0x2090] =	vst v3  }
0x23e: {  	[tilespmem:s22+$0x1020] =	vst v2  }
0x23f: {  	[tilespmem:s22+$0x20A0] =	vst v3  }
0x240: {  	[tilespmem:s22+$0x1030] =	vst v2  }
0x241: {  	[tilespmem:s22+$0x20B0] =	vst v3  }
0x242: {  	[tilespmem:s22+$0x1040] =	vst v2  }
0x243: {  	[tilespmem:s22+$0x20C0] =	vst v3  }
0x244: {  	[tilespmem:s22+$0x1050] =	vst v2  }
.Ltmp12:
0x245: {  	[tilespmem:s22+$0x20D0] =	vst v3;
	(pc) =	sbr.rel @p0 .LBB2_15-.Ltmp12, $4  }
0x246: {  	[tilespmem:s22+$0x1060] =	vst v2  }
0x247: {  	[tilespmem:s22+$0x20E0] =	vst v3  }
0x248: {  	[tilespmem:s22+$0x1070] =	vst v2  }
0x249: {  	[tilespmem:s22+$0x20F0] =	vst v3  }
0x24a: {  	[tilespmem:s13], [sflag:$0x1] =	stream.indirect.gather [hbm4b:s1+s12], $0x1, s17, s12, $0xb8;
	[tilespmem:$0x11600] =	vst v63  }
0x24b: {  	_ =	swait.ge [sflag:s14], $0x80  }
0x24c: {  	[sflag:s14] =	ssyncset.done $0x0  }
0x24d: {  	[sflag:s14] =	ssyncadd.s32 $0xFFFFFF80  }
0x24e: {  	[tilespmem:s15], [sflag:$0x1] =	stream.indirect.gather [hbm4b:s5+s12], $0x1, s17, s12, $0xb8;
	[tilespmem:$0x11600] =	vst v63  }
0x24f: {  	_ =	swait.ge [sflag:s14], $0x80  }
0x250: {  	[sflag:s14] =	ssyncset.done $0x0  }
0x251: {  	[sflag:s14] =	ssyncadd.s32 $0xFFFFFF80  }
0x252: {  	[tilespmem:s16], [sflag:$0x1] =	stream.indirect.gather [hbm4b:s0+s12], $0x80, s13, s12, $0xb8;
	[tilespmem:$0x11600] =	vst v63  }
0x253: {  	_ =	swait.ge [sflag:s14], $0x4000  }
0x254: {  	[sflag:s14] =	ssyncset.done $0x0  }
0x255: {  	s19 =	simm.s32 $0x0;
	s20 =	simm.s32 $0x3600;
	[sflag:s14] =	ssyncadd.s32 $0xFFFFC000  }
.LBB2_14:
0x256: {  	s21 =	sshra.s32 s19, $0x2  }
0x257: {  	v4 =	vld [tilespmem:s21+$0x2080];
	_ =	sdelay $0x4  }
0x258: {  	v4 =	vshll.u32 v4, $0x9  }
0x259: {  	v5 =	vshra.s32 v4, $0x2  }
0x25a: {  	(v2sf) =	vpush v5, $0x0;
	_ =	sdelay $0x6  }
0x25b: {  	v4 =	vld [tilespmem:s21+$0x3180];
	_ =	sdelay $0x1  }
0x25c: {  	v6 =	vld [tilespmem:s20+$0xFFFFFC00];
	_ =	sdelay $0x2  }
0x25d: {  	v7 =	vbroadcast v4, $0x0;
	_ =	sdelay $0x1  }
0x25e: {  	v6 =	vmul.f32 v6, v7  }
0x25f: {  	s24 =	spop (v2sf)  }
0x260: {  	[tilespmem:s24+$0x7200] =	vst.add.f32.msk $0xffff, v6  }
0x261: {  	v6 =	vld [tilespmem:s20+$0xFFFFFC10];
	_ =	sdelay $0x4  }
0x262: {  	v6 =	vmul.f32 v6, v7;
	_ =	sdelay $0x1  }
0x263: {  	[tilespmem:s24+$0x7210] =	vst.add.f32.msk $0xffff, v6  }
0x264: {  	v6 =	vld [tilespmem:s20+$0xFFFFFC20];
	_ =	sdelay $0x4  }
0x265: {  	v6 =	vmul.f32 v6, v7;
	_ =	sdelay $0x1  }
0x266: {  	[tilespmem:s24+$0x7220] =	vst.add.f32.msk $0xffff, v6  }
0x267: {  	v6 =	vld [tilespmem:s20+$0xFFFFFC30];
	_ =	sdelay $0x4  }
0x268: {  	v6 =	vmul.f32 v6, v7;
	_ =	sdelay $0x1  }
0x269: {  	[tilespmem:s24+$0x7230] =	vst.add.f32.msk $0xffff, v6  }
0x26a: {  	v6 =	vld [tilespmem:s20+$0xFFFFFC40];
	_ =	sdelay $0x4  }
0x26b: {  	v6 =	vmul.f32 v6, v7;
	_ =	sdelay $0x1  }
0x26c: {  	[tilespmem:s24+$0x7240] =	vst.add.f32.msk $0xffff, v6  }
0x26d: {  	v6 =	vld [tilespmem:s20+$0xFFFFFC50];
	_ =	sdelay $0x4  }
0x26e: {  	v6 =	vmul.f32 v6, v7;
	_ =	sdelay $0x1  }
0x26f: {  	[tilespmem:s24+$0x7250] =	vst.add.f32.msk $0xffff, v6  }
0x270: {  	v6 =	vld [tilespmem:s20+$0xFFFFFC60];
	_ =	sdelay $0x4  }
0x271: {  	v6 =	vmul.f32 v6, v7;
	_ =	sdelay $0x1  }
0x272: {  	(v2sf) =	vpush v5, $0x1;
	[tilespmem:s24+$0x7260] =	vst.add.f32.msk $0xffff, v6  }
0x273: {  	v6 =	vld [tilespmem:s20+$0xFFFFFC70];
	_ =	sdelay $0x4  }
0x274: {  	v6 =	vmul.f32 v6, v7;
	_ =	sdelay $0x1  }
0x275: {  	[tilespmem:s24+$0x7270] =	vst.add.f32.msk $0xffff, v6  }
0x276: {  	v6 =	vld [tilespmem:s20+$0xFFFFFC80];
	_ =	sdelay $0x2  }
0x277: {  	v50 =	vbroadcast v4, $0x1;
	_ =	sdelay $0x1  }
0x278: {  	v6 =	vmul.f32 v6, v50  }
0x279: {  	s25 =	spop (v2sf)  }
0x27a: {  	[tilespmem:s25+$0x7200] =	vst.add.f32.msk $0xffff, v6  }
0x27b: {  	v6 =	vld [tilespmem:s20+$0xFFFFFC90];
	_ =	sdelay $0x4  }
0x27c: {  	v6 =	vmul.f32 v6, v50;
	_ =	sdelay $0x1  }
0x27d: {  	[tilespmem:s25+$0x7210] =	vst.add.f32.msk $0xffff, v6  }
0x27e: {  	v6 =	vld [tilespmem:s20+$0xFFFFFCA0];
	_ =	sdelay $0x4  }
0x27f: {  	v6 =	vmul.f32 v6, v50;
	_ =	sdelay $0x1  }
0x280: {  	[tilespmem:s25+$0x7220] =	vst.add.f32.msk $0xffff, v6  }
0x281: {  	v6 =	vld [tilespmem:s20+$0xFFFFFCB0];
	_ =	sdelay $0x4  }
0x282: {  	v6 =	vmul.f32 v6, v50;
	_ =	sdelay $0x1  }
0x283: {  	[tilespmem:s25+$0x7230] =	vst.add.f32.msk $0xffff, v6  }
0x284: {  	v6 =	vld [tilespmem:s20+$0xFFFFFCC0];
	_ =	sdelay $0x4  }
0x285: {  	v6 =	vmul.f32 v6, v50;
	_ =	sdelay $0x1  }
0x286: {  	[tilespmem:s25+$0x7240] =	vst.add.f32.msk $0xffff, v6  }
0x287: {  	v6 =	vld [tilespmem:s20+$0xFFFFFCD0];
	_ =	sdelay $0x4  }
0x288: {  	v6 =	vmul.f32 v6, v50;
	_ =	sdelay $0x1  }
0x289: {  	[tilespmem:s25+$0x7250] =	vst.add.f32.msk $0xffff, v6  }
0x28a: {  	v6 =	vld [tilespmem:s20+$0xFFFFFCE0];
	_ =	sdelay $0x4  }
0x28b: {  	v6 =	vmul.f32 v6, v50;
	_ =	sdelay $0x1  }
0x28c: {  	(v2sf) =	vpush v5, $0x2;
	[tilespmem:s25+$0x7260] =	vst.add.f32.msk $0xffff, v6  }
0x28d: {  	v6 =	vld [tilespmem:s20+$0xFFFFFCF0];
	_ =	sdelay $0x4  }
0x28e: {  	v6 =	vmul.f32 v6, v50;
	_ =	sdelay $0x1  }
0x28f: {  	[tilespmem:s25+$0x7270] =	vst.add.f32.msk $0xffff, v6  }
0x290: {  	v6 =	vld [tilespmem:s20+$0xFFFFFD00];
	_ =	sdelay $0x2  }
0x291: {  	v51 =	vbroadcast v4, $0x2;
	_ =	sdelay $0x1  }
0x292: {  	v6 =	vmul.f32 v6, v51  }
0x293: {  	s26 =	spop (v2sf)  }
0x294: {  	[tilespmem:s26+$0x7200] =	vst.add.f32.msk $0xffff, v6  }
0x295: {  	v6 =	vld [tilespmem:s20+$0xFFFFFD10];
	_ =	sdelay $0x4  }
0x296: {  	v6 =	vmul.f32 v6, v51;
	_ =	sdelay $0x1  }
0x297: {  	[tilespmem:s26+$0x7210] =	vst.add.f32.msk $0xffff, v6  }
0x298: {  	v6 =	vld [tilespmem:s20+$0xFFFFFD20];
	_ =	sdelay $0x4  }
0x299: {  	v6 =	vmul.f32 v6, v51;
	_ =	sdelay $0x1  }
0x29a: {  	[tilespmem:s26+$0x7220] =	vst.add.f32.msk $0xffff, v6  }
0x29b: {  	v6 =	vld [tilespmem:s20+$0xFFFFFD30];
	_ =	sdelay $0x4  }
0x29c: {  	v6 =	vmul.f32 v6, v51;
	_ =	sdelay $0x1  }
0x29d: {  	[tilespmem:s26+$0x7230] =	vst.add.f32.msk $0xffff, v6  }
0x29e: {  	v6 =	vld [tilespmem:s20+$0xFFFFFD40];
	_ =	sdelay $0x4  }
0x29f: {  	v6 =	vmul.f32 v6, v51;
	_ =	sdelay $0x1  }
0x2a0: {  	[tilespmem:s26+$0x7240] =	vst.add.f32.msk $0xffff, v6  }
0x2a1: {  	v6 =	vld [tilespmem:s20+$0xFFFFFD50];
	_ =	sdelay $0x4  }
0x2a2: {  	v6 =	vmul.f32 v6, v51;
	_ =	sdelay $0x1  }
0x2a3: {  	[tilespmem:s26+$0x7250] =	vst.add.f32.msk $0xffff, v6  }
0x2a4: {  	v6 =	vld [tilespmem:s20+$0xFFFFFD60];
	_ =	sdelay $0x4  }
0x2a5: {  	v6 =	vmul.f32 v6, v51;
	_ =	sdelay $0x1  }
0x2a6: {  	(v2sf) =	vpush v5, $0x3;
	[tilespmem:s26+$0x7260] =	vst.add.f32.msk $0xffff, v6  }
0x2a7: {  	v6 =	vld [tilespmem:s20+$0xFFFFFD70];
	_ =	sdelay $0x4  }
0x2a8: {  	v6 =	vmul.f32 v6, v51;
	_ =	sdelay $0x1  }
0x2a9: {  	[tilespmem:s26+$0x7270] =	vst.add.f32.msk $0xffff, v6  }
0x2aa: {  	v6 =	vld [tilespmem:s20+$0xFFFFFD80];
	_ =	sdelay $0x2  }
0x2ab: {  	v52 =	vbroadcast v4, $0x3;
	_ =	sdelay $0x1  }
0x2ac: {  	v6 =	vmul.f32 v6, v52  }
0x2ad: {  	s28 =	spop (v2sf)  }
0x2ae: {  	[tilespmem:s28+$0x7200] =	vst.add.f32.msk $0xffff, v6  }
0x2af: {  	v6 =	vld [tilespmem:s20+$0xFFFFFD90];
	_ =	sdelay $0x4  }
0x2b0: {  	v6 =	vmul.f32 v6, v52;
	_ =	sdelay $0x1  }
0x2b1: {  	[tilespmem:s28+$0x7210] =	vst.add.f32.msk $0xffff, v6  }
0x2b2: {  	v6 =	vld [tilespmem:s20+$0xFFFFFDA0];
	_ =	sdelay $0x4  }
0x2b3: {  	v6 =	vmul.f32 v6, v52;
	_ =	sdelay $0x1  }
0x2b4: {  	[tilespmem:s28+$0x7220] =	vst.add.f32.msk $0xffff, v6  }
0x2b5: {  	v6 =	vld [tilespmem:s20+$0xFFFFFDB0];
	_ =	sdelay $0x4  }
0x2b6: {  	v6 =	vmul.f32 v6, v52;
	_ =	sdelay $0x1  }
0x2b7: {  	[tilespmem:s28+$0x7230] =	vst.add.f32.msk $0xffff, v6  }
0x2b8: {  	v6 =	vld [tilespmem:s20+$0xFFFFFDC0];
	_ =	sdelay $0x4  }
0x2b9: {  	v6 =	vmul.f32 v6, v52;
	_ =	sdelay $0x1  }
0x2ba: {  	[tilespmem:s28+$0x7240] =	vst.add.f32.msk $0xffff, v6  }
0x2bb: {  	v6 =	vld [tilespmem:s20+$0xFFFFFDD0];
	_ =	sdelay $0x4  }
0x2bc: {  	v6 =	vmul.f32 v6, v52;
	_ =	sdelay $0x1  }
0x2bd: {  	[tilespmem:s28+$0x7250] =	vst.add.f32.msk $0xffff, v6  }
0x2be: {  	v6 =	vld [tilespmem:s20+$0xFFFFFDE0];
	_ =	sdelay $0x4  }
0x2bf: {  	v6 =	vmul.f32 v6, v52;
	_ =	sdelay $0x1  }
0x2c0: {  	(v2sf) =	vpush v5, $0x4;
	[tilespmem:s28+$0x7260] =	vst.add.f32.msk $0xffff, v6  }
0x2c1: {  	v6 =	vld [tilespmem:s20+$0xFFFFFDF0];
	_ =	sdelay $0x4  }
0x2c2: {  	v6 =	vmul.f32 v6, v52;
	_ =	sdelay $0x1  }
0x2c3: {  	[tilespmem:s28+$0x7270] =	vst.add.f32.msk $0xffff, v6  }
0x2c4: {  	v6 =	vld [tilespmem:s20+$0xFFFFFE00];
	_ =	sdelay $0x2  }
0x2c5: {  	v53 =	vbroadcast v4, $0x4;
	_ =	sdelay $0x1  }
0x2c6: {  	v6 =	vmul.f32 v6, v53  }
0x2c7: {  	s29 =	spop (v2sf)  }
0x2c8: {  	[tilespmem:s29+$0x7200] =	vst.add.f32.msk $0xffff, v6  }
0x2c9: {  	v6 =	vld [tilespmem:s20+$0xFFFFFE10];
	_ =	sdelay $0x4  }
0x2ca: {  	v6 =	vmul.f32 v6, v53;
	_ =	sdelay $0x1  }
0x2cb: {  	[tilespmem:s29+$0x7210] =	vst.add.f32.msk $0xffff, v6  }
0x2cc: {  	v6 =	vld [tilespmem:s20+$0xFFFFFE20];
	_ =	sdelay $0x4  }
0x2cd: {  	v6 =	vmul.f32 v6, v53;
	_ =	sdelay $0x1  }
0x2ce: {  	[tilespmem:s29+$0x7220] =	vst.add.f32.msk $0xffff, v6  }
0x2cf: {  	v6 =	vld [tilespmem:s20+$0xFFFFFE30];
	_ =	sdelay $0x4  }
0x2d0: {  	v6 =	vmul.f32 v6, v53;
	_ =	sdelay $0x1  }
0x2d1: {  	[tilespmem:s29+$0x7230] =	vst.add.f32.msk $0xffff, v6  }
0x2d2: {  	v6 =	vld [tilespmem:s20+$0xFFFFFE40];
	_ =	sdelay $0x4  }
0x2d3: {  	v6 =	vmul.f32 v6, v53;
	_ =	sdelay $0x1  }
0x2d4: {  	[tilespmem:s29+$0x7240] =	vst.add.f32.msk $0xffff, v6  }
0x2d5: {  	v6 =	vld [tilespmem:s20+$0xFFFFFE50];
	_ =	sdelay $0x4  }
0x2d6: {  	v6 =	vmul.f32 v6, v53;
	_ =	sdelay $0x1  }
0x2d7: {  	[tilespmem:s29+$0x7250] =	vst.add.f32.msk $0xffff, v6  }
0x2d8: {  	v6 =	vld [tilespmem:s20+$0xFFFFFE60];
	_ =	sdelay $0x4  }
0x2d9: {  	v6 =	vmul.f32 v6, v53;
	_ =	sdelay $0x1  }
0x2da: {  	(v2sf) =	vpush v5, $0x5;
	[tilespmem:s29+$0x7260] =	vst.add.f32.msk $0xffff, v6  }
0x2db: {  	v6 =	vld [tilespmem:s20+$0xFFFFFE70];
	_ =	sdelay $0x4  }
0x2dc: {  	v6 =	vmul.f32 v6, v53;
	_ =	sdelay $0x1  }
0x2dd: {  	[tilespmem:s29+$0x7270] =	vst.add.f32.msk $0xffff, v6  }
0x2de: {  	v6 =	vld [tilespmem:s20+$0xFFFFFE80];
	_ =	sdelay $0x2  }
0x2df: {  	v54 =	vbroadcast v4, $0x5;
	_ =	sdelay $0x1  }
0x2e0: {  	v6 =	vmul.f32 v6, v54  }
0x2e1: {  	s30 =	spop (v2sf)  }
0x2e2: {  	[tilespmem:s30+$0x7200] =	vst.add.f32.msk $0xffff, v6  }
0x2e3: {  	v6 =	vld [tilespmem:s20+$0xFFFFFE90];
	_ =	sdelay $0x4  }
0x2e4: {  	v6 =	vmul.f32 v6, v54;
	_ =	sdelay $0x1  }
0x2e5: {  	[tilespmem:s30+$0x7210] =	vst.add.f32.msk $0xffff, v6  }
0x2e6: {  	v6 =	vld [tilespmem:s20+$0xFFFFFEA0];
	_ =	sdelay $0x4  }
0x2e7: {  	v6 =	vmul.f32 v6, v54;
	_ =	sdelay $0x1  }
0x2e8: {  	[tilespmem:s30+$0x7220] =	vst.add.f32.msk $0xffff, v6  }
0x2e9: {  	v6 =	vld [tilespmem:s20+$0xFFFFFEB0];
	_ =	sdelay $0x4  }
0x2ea: {  	v6 =	vmul.f32 v6, v54;
	_ =	sdelay $0x1  }
0x2eb: {  	[tilespmem:s30+$0x7230] =	vst.add.f32.msk $0xffff, v6  }
0x2ec: {  	v6 =	vld [tilespmem:s20+$0xFFFFFEC0];
	_ =	sdelay $0x4  }
0x2ed: {  	v6 =	vmul.f32 v6, v54;
	_ =	sdelay $0x1  }
0x2ee: {  	[tilespmem:s30+$0x7240] =	vst.add.f32.msk $0xffff, v6  }
0x2ef: {  	v6 =	vld [tilespmem:s20+$0xFFFFFED0];
	_ =	sdelay $0x4  }
0x2f0: {  	v6 =	vmul.f32 v6, v54;
	_ =	sdelay $0x1  }
0x2f1: {  	[tilespmem:s30+$0x7250] =	vst.add.f32.msk $0xffff, v6  }
0x2f2: {  	v6 =	vld [tilespmem:s20+$0xFFFFFEE0];
	_ =	sdelay $0x4  }
0x2f3: {  	v6 =	vmul.f32 v6, v54;
	_ =	sdelay $0x1  }
0x2f4: {  	(v2sf) =	vpush v5, $0x6;
	[tilespmem:s30+$0x7260] =	vst.add.f32.msk $0xffff, v6  }
0x2f5: {  	v6 =	vld [tilespmem:s20+$0xFFFFFEF0];
	_ =	sdelay $0x4  }
0x2f6: {  	v6 =	vmul.f32 v6, v54;
	_ =	sdelay $0x1  }
0x2f7: {  	[tilespmem:s30+$0x7270] =	vst.add.f32.msk $0xffff, v6  }
0x2f8: {  	v6 =	vld [tilespmem:s20+$0xFFFFFF00];
	_ =	sdelay $0x2  }
0x2f9: {  	v55 =	vbroadcast v4, $0x6;
	_ =	sdelay $0x1  }
0x2fa: {  	v6 =	vmul.f32 v6, v55  }
0x2fb: {  	s31 =	spop (v2sf)  }
0x2fc: {  	[tilespmem:s31+$0x7200] =	vst.add.f32.msk $0xffff, v6  }
0x2fd: {  	v6 =	vld [tilespmem:s20+$0xFFFFFF10];
	_ =	sdelay $0x4  }
0x2fe: {  	v6 =	vmul.f32 v6, v55;
	_ =	sdelay $0x1  }
0x2ff: {  	[tilespmem:s31+$0x7210] =	vst.add.f32.msk $0xffff, v6  }
0x300: {  	v6 =	vld [tilespmem:s20+$0xFFFFFF20];
	_ =	sdelay $0x4  }
0x301: {  	v6 =	vmul.f32 v6, v55;
	_ =	sdelay $0x1  }
0x302: {  	[tilespmem:s31+$0x7220] =	vst.add.f32.msk $0xffff, v6  }
0x303: {  	v6 =	vld [tilespmem:s20+$0xFFFFFF30];
	_ =	sdelay $0x4  }
0x304: {  	v6 =	vmul.f32 v6, v55;
	_ =	sdelay $0x1  }
0x305: {  	[tilespmem:s31+$0x7230] =	vst.add.f32.msk $0xffff, v6  }
0x306: {  	v6 =	vld [tilespmem:s20+$0xFFFFFF40];
	_ =	sdelay $0x4  }
0x307: {  	v6 =	vmul.f32 v6, v55;
	_ =	sdelay $0x1  }
0x308: {  	[tilespmem:s31+$0x7240] =	vst.add.f32.msk $0xffff, v6  }
0x309: {  	v6 =	vld [tilespmem:s20+$0xFFFFFF50];
	_ =	sdelay $0x4  }
0x30a: {  	v6 =	vmul.f32 v6, v55;
	_ =	sdelay $0x1  }
0x30b: {  	[tilespmem:s31+$0x7250] =	vst.add.f32.msk $0xffff, v6  }
0x30c: {  	v6 =	vld [tilespmem:s20+$0xFFFFFF60];
	_ =	sdelay $0x4  }
0x30d: {  	v6 =	vmul.f32 v6, v55;
	_ =	sdelay $0x1  }
0x30e: {  	(v2sf) =	vpush v5, $0x7;
	[tilespmem:s31+$0x7260] =	vst.add.f32.msk $0xffff, v6  }
0x30f: {  	v6 =	vld [tilespmem:s20+$0xFFFFFF70];
	_ =	sdelay $0x4  }
0x310: {  	v6 =	vmul.f32 v6, v55;
	_ =	sdelay $0x1  }
0x311: {  	[tilespmem:s31+$0x7270] =	vst.add.f32.msk $0xffff, v6  }
0x312: {  	v6 =	vld [tilespmem:s20+$0xFFFFFF80];
	_ =	sdelay $0x2  }
0x313: {  	v56 =	vbroadcast v4, $0x7;
	_ =	sdelay $0x1  }
0x314: {  	v6 =	vmul.f32 v6, v56  }
0x315: {  	s22 =	spop (v2sf)  }
0x316: {  	[tilespmem:s22+$0x7200] =	vst.add.f32.msk $0xffff, v6  }
0x317: {  	v6 =	vld [tilespmem:s20+$0xFFFFFF90];
	_ =	sdelay $0x4  }
0x318: {  	v6 =	vmul.f32 v6, v56;
	_ =	sdelay $0x1  }
0x319: {  	[tilespmem:s22+$0x7210] =	vst.add.f32.msk $0xffff, v6  }
0x31a: {  	v6 =	vld [tilespmem:s20+$0xFFFFFFA0];
	_ =	sdelay $0x4  }
0x31b: {  	v6 =	vmul.f32 v6, v56;
	_ =	sdelay $0x1  }
0x31c: {  	[tilespmem:s22+$0x7220] =	vst.add.f32.msk $0xffff, v6  }
0x31d: {  	v6 =	vld [tilespmem:s20+$0xFFFFFFB0];
	_ =	sdelay $0x4  }
0x31e: {  	v6 =	vmul.f32 v6, v56;
	_ =	sdelay $0x1  }
0x31f: {  	[tilespmem:s22+$0x7230] =	vst.add.f32.msk $0xffff, v6  }
0x320: {  	v6 =	vld [tilespmem:s20+$0xFFFFFFC0];
	_ =	sdelay $0x4  }
0x321: {  	v6 =	vmul.f32 v6, v56;
	_ =	sdelay $0x1  }
0x322: {  	[tilespmem:s22+$0x7240] =	vst.add.f32.msk $0xffff, v6  }
0x323: {  	v6 =	vld [tilespmem:s20+$0xFFFFFFD0];
	_ =	sdelay $0x4  }
0x324: {  	v6 =	vmul.f32 v6, v56;
	_ =	sdelay $0x1  }
0x325: {  	[tilespmem:s22+$0x7250] =	vst.add.f32.msk $0xffff, v6  }
0x326: {  	v6 =	vld [tilespmem:s20+$0xFFFFFFE0];
	_ =	sdelay $0x4  }
0x327: {  	v6 =	vmul.f32 v6, v56;
	_ =	sdelay $0x1  }
0x328: {  	(v2sf) =	vpush v5, $0x8;
	[tilespmem:s22+$0x7260] =	vst.add.f32.msk $0xffff, v6  }
0x329: {  	v6 =	vld [tilespmem:s20+$0xFFFFFFF0];
	_ =	sdelay $0x4  }
0x32a: {  	v6 =	vmul.f32 v6, v56;
	_ =	sdelay $0x1  }
0x32b: {  	[tilespmem:s22+$0x7270] =	vst.add.f32.msk $0xffff, v6  }
0x32c: {  	v6 =	vld [tilespmem:s20+$0x0];
	_ =	sdelay $0x2  }
0x32d: {  	v57 =	vbroadcast v4, $0x8;
	_ =	sdelay $0x1  }
0x32e: {  	v6 =	vmul.f32 v6, v57  }
0x32f: {  	s23 =	spop (v2sf)  }
0x330: {  	[tilespmem:s23+$0x7200] =	vst.add.f32.msk $0xffff, v6  }
0x331: {  	v6 =	vld [tilespmem:s20+$0x10];
	_ =	sdelay $0x4  }
0x332: {  	v6 =	vmul.f32 v6, v57;
	_ =	sdelay $0x1  }
0x333: {  	[tilespmem:s23+$0x7210] =	vst.add.f32.msk $0xffff, v6  }
0x334: {  	v6 =	vld [tilespmem:s20+$0x20];
	_ =	sdelay $0x4  }
0x335: {  	v6 =	vmul.f32 v6, v57;
	_ =	sdelay $0x1  }
0x336: {  	[tilespmem:s23+$0x7220] =	vst.add.f32.msk $0xffff, v6  }
0x337: {  	v6 =	vld [tilespmem:s20+$0x30];
	_ =	sdelay $0x4  }
0x338: {  	v6 =	vmul.f32 v6, v57;
	_ =	sdelay $0x1  }
0x339: {  	[tilespmem:s23+$0x7230] =	vst.add.f32.msk $0xffff, v6  }
0x33a: {  	v6 =	vld [tilespmem:s20+$0x40];
	_ =	sdelay $0x4  }
0x33b: {  	v6 =	vmul.f32 v6, v57;
	_ =	sdelay $0x1  }
0x33c: {  	[tilespmem:s23+$0x7240] =	vst.add.f32.msk $0xffff, v6  }
0x33d: {  	v6 =	vld [tilespmem:s20+$0x50];
	_ =	sdelay $0x4  }
0x33e: {  	v6 =	vmul.f32 v6, v57;
	_ =	sdelay $0x1  }
0x33f: {  	[tilespmem:s23+$0x7250] =	vst.add.f32.msk $0xffff, v6  }
0x340: {  	v6 =	vld [tilespmem:s20+$0x60];
	_ =	sdelay $0x4  }
0x341: {  	v6 =	vmul.f32 v6, v57;
	_ =	sdelay $0x1  }
0x342: {  	(v2sf) =	vpush v5, $0x9;
	[tilespmem:s23+$0x7260] =	vst.add.f32.msk $0xffff, v6  }
0x343: {  	v6 =	vld [tilespmem:s20+$0x70];
	_ =	sdelay $0x4  }
0x344: {  	v6 =	vmul.f32 v6, v57;
	_ =	sdelay $0x1  }
0x345: {  	[tilespmem:s23+$0x7270] =	vst.add.f32.msk $0xffff, v6  }
0x346: {  	v6 =	vld [tilespmem:s20+$0x80];
	_ =	sdelay $0x2  }
0x347: {  	v58 =	vbroadcast v4, $0x9;
	_ =	sdelay $0x1  }
0x348: {  	v6 =	vmul.f32 v6, v58  }
0x349: {  	s24 =	spop (v2sf)  }
0x34a: {  	[tilespmem:s24+$0x7200] =	vst.add.f32.msk $0xffff, v6  }
0x34b: {  	v6 =	vld [tilespmem:s20+$0x90];
	_ =	sdelay $0x4  }
0x34c: {  	v6 =	vmul.f32 v6, v58;
	_ =	sdelay $0x1  }
0x34d: {  	[tilespmem:s24+$0x7210] =	vst.add.f32.msk $0xffff, v6  }
0x34e: {  	v6 =	vld [tilespmem:s20+$0xA0];
	_ =	sdelay $0x4  }
0x34f: {  	v6 =	vmul.f32 v6, v58;
	_ =	sdelay $0x1  }
0x350: {  	[tilespmem:s24+$0x7220] =	vst.add.f32.msk $0xffff, v6  }
0x351: {  	v6 =	vld [tilespmem:s20+$0xB0];
	_ =	sdelay $0x4  }
0x352: {  	v6 =	vmul.f32 v6, v58;
	_ =	sdelay $0x1  }
0x353: {  	[tilespmem:s24+$0x7230] =	vst.add.f32.msk $0xffff, v6  }
0x354: {  	v6 =	vld [tilespmem:s20+$0xC0];
	_ =	sdelay $0x4  }
0x355: {  	v6 =	vmul.f32 v6, v58;
	_ =	sdelay $0x1  }
0x356: {  	[tilespmem:s24+$0x7240] =	vst.add.f32.msk $0xffff, v6  }
0x357: {  	v6 =	vld [tilespmem:s20+$0xD0];
	_ =	sdelay $0x4  }
0x358: {  	v6 =	vmul.f32 v6, v58;
	_ =	sdelay $0x1  }
0x359: {  	[tilespmem:s24+$0x7250] =	vst.add.f32.msk $0xffff, v6  }
0x35a: {  	v6 =	vld [tilespmem:s20+$0xE0];
	_ =	sdelay $0x4  }
0x35b: {  	v6 =	vmul.f32 v6, v58;
	_ =	sdelay $0x1  }
0x35c: {  	(v2sf) =	vpush v5, $0xA;
	[tilespmem:s24+$0x7260] =	vst.add.f32.msk $0xffff, v6  }
0x35d: {  	v6 =	vld [tilespmem:s20+$0xF0];
	_ =	sdelay $0x4  }
0x35e: {  	v6 =	vmul.f32 v6, v58;
	_ =	sdelay $0x1  }
0x35f: {  	[tilespmem:s24+$0x7270] =	vst.add.f32.msk $0xffff, v6  }
0x360: {  	v6 =	vld [tilespmem:s20+$0x100];
	_ =	sdelay $0x2  }
0x361: {  	v59 =	vbroadcast v4, $0xA;
	_ =	sdelay $0x1  }
0x362: {  	v6 =	vmul.f32 v6, v59  }
0x363: {  	s25 =	spop (v2sf)  }
0x364: {  	[tilespmem:s25+$0x7200] =	vst.add.f32.msk $0xffff, v6  }
0x365: {  	v6 =	vld [tilespmem:s20+$0x110];
	_ =	sdelay $0x4  }
0x366: {  	v6 =	vmul.f32 v6, v59;
	_ =	sdelay $0x1  }
0x367: {  	[tilespmem:s25+$0x7210] =	vst.add.f32.msk $0xffff, v6  }
0x368: {  	v6 =	vld [tilespmem:s20+$0x120];
	_ =	sdelay $0x4  }
0x369: {  	v6 =	vmul.f32 v6, v59;
	_ =	sdelay $0x1  }
0x36a: {  	[tilespmem:s25+$0x7220] =	vst.add.f32.msk $0xffff, v6  }
0x36b: {  	v6 =	vld [tilespmem:s20+$0x130];
	_ =	sdelay $0x4  }
0x36c: {  	v6 =	vmul.f32 v6, v59;
	_ =	sdelay $0x1  }
0x36d: {  	[tilespmem:s25+$0x7230] =	vst.add.f32.msk $0xffff, v6  }
0x36e: {  	v6 =	vld [tilespmem:s20+$0x140];
	_ =	sdelay $0x4  }
0x36f: {  	v6 =	vmul.f32 v6, v59;
	_ =	sdelay $0x1  }
0x370: {  	[tilespmem:s25+$0x7240] =	vst.add.f32.msk $0xffff, v6  }
0x371: {  	v6 =	vld [tilespmem:s20+$0x150];
	_ =	sdelay $0x4  }
0x372: {  	v6 =	vmul.f32 v6, v59;
	_ =	sdelay $0x1  }
0x373: {  	[tilespmem:s25+$0x7250] =	vst.add.f32.msk $0xffff, v6  }
0x374: {  	v6 =	vld [tilespmem:s20+$0x160];
	_ =	sdelay $0x4  }
0x375: {  	v6 =	vmul.f32 v6, v59;
	_ =	sdelay $0x1  }
0x376: {  	(v2sf) =	vpush v5, $0xB;
	[tilespmem:s25+$0x7260] =	vst.add.f32.msk $0xffff, v6  }
0x377: {  	v6 =	vld [tilespmem:s20+$0x170];
	_ =	sdelay $0x4  }
0x378: {  	v6 =	vmul.f32 v6, v59;
	_ =	sdelay $0x1  }
0x379: {  	[tilespmem:s25+$0x7270] =	vst.add.f32.msk $0xffff, v6  }
0x37a: {  	v6 =	vld [tilespmem:s20+$0x180];
	_ =	sdelay $0x2  }
0x37b: {  	v60 =	vbroadcast v4, $0xB;
	_ =	sdelay $0x1  }
0x37c: {  	v6 =	vmul.f32 v6, v60  }
0x37d: {  	s26 =	spop (v2sf)  }
0x37e: {  	[tilespmem:s26+$0x7200] =	vst.add.f32.msk $0xffff, v6  }
0x37f: {  	v6 =	vld [tilespmem:s20+$0x190];
	_ =	sdelay $0x4  }
0x380: {  	v6 =	vmul.f32 v6, v60;
	_ =	sdelay $0x1  }
0x381: {  	[tilespmem:s26+$0x7210] =	vst.add.f32.msk $0xffff, v6  }
0x382: {  	v6 =	vld [tilespmem:s20+$0x1A0];
	_ =	sdelay $0x4  }
0x383: {  	v6 =	vmul.f32 v6, v60;
	_ =	sdelay $0x1  }
0x384: {  	[tilespmem:s26+$0x7220] =	vst.add.f32.msk $0xffff, v6  }
0x385: {  	v6 =	vld [tilespmem:s20+$0x1B0];
	_ =	sdelay $0x4  }
0x386: {  	v6 =	vmul.f32 v6, v60;
	_ =	sdelay $0x1  }
0x387: {  	[tilespmem:s26+$0x7230] =	vst.add.f32.msk $0xffff, v6  }
0x388: {  	v6 =	vld [tilespmem:s20+$0x1C0];
	_ =	sdelay $0x4  }
0x389: {  	v6 =	vmul.f32 v6, v60;
	_ =	sdelay $0x1  }
0x38a: {  	[tilespmem:s26+$0x7240] =	vst.add.f32.msk $0xffff, v6  }
0x38b: {  	v6 =	vld [tilespmem:s20+$0x1D0];
	_ =	sdelay $0x4  }
0x38c: {  	v6 =	vmul.f32 v6, v60;
	_ =	sdelay $0x1  }
0x38d: {  	[tilespmem:s26+$0x7250] =	vst.add.f32.msk $0xffff, v6  }
0x38e: {  	v6 =	vld [tilespmem:s20+$0x1E0];
	_ =	sdelay $0x4  }
0x38f: {  	v6 =	vmul.f32 v6, v60;
	_ =	sdelay $0x1  }
0x390: {  	(v2sf) =	vpush v5, $0xC;
	[tilespmem:s26+$0x7260] =	vst.add.f32.msk $0xffff, v6  }
0x391: {  	v6 =	vld [tilespmem:s20+$0x1F0];
	_ =	sdelay $0x4  }
0x392: {  	v6 =	vmul.f32 v6, v60;
	_ =	sdelay $0x1  }
0x393: {  	[tilespmem:s26+$0x7270] =	vst.add.f32.msk $0xffff, v6  }
0x394: {  	v6 =	vld [tilespmem:s20+$0x200];
	_ =	sdelay $0x2  }
0x395: {  	v61 =	vbroadcast v4, $0xC;
	_ =	sdelay $0x1  }
0x396: {  	v6 =	vmul.f32 v6, v61  }
0x397: {  	s28 =	spop (v2sf)  }
0x398: {  	[tilespmem:s28+$0x7200] =	vst.add.f32.msk $0xffff, v6  }
0x399: {  	v6 =	vld [tilespmem:s20+$0x210];
	_ =	sdelay $0x4  }
0x39a: {  	v6 =	vmul.f32 v6, v61;
	_ =	sdelay $0x1  }
0x39b: {  	[tilespmem:s28+$0x7210] =	vst.add.f32.msk $0xffff, v6  }
0x39c: {  	v6 =	vld [tilespmem:s20+$0x220];
	_ =	sdelay $0x4  }
0x39d: {  	v6 =	vmul.f32 v6, v61;
	_ =	sdelay $0x1  }
0x39e: {  	[tilespmem:s28+$0x7220] =	vst.add.f32.msk $0xffff, v6  }
0x39f: {  	v6 =	vld [tilespmem:s20+$0x230];
	_ =	sdelay $0x4  }
0x3a0: {  	v6 =	vmul.f32 v6, v61;
	_ =	sdelay $0x1  }
0x3a1: {  	[tilespmem:s28+$0x7230] =	vst.add.f32.msk $0xffff, v6  }
0x3a2: {  	v6 =	vld [tilespmem:s20+$0x240];
	_ =	sdelay $0x4  }
0x3a3: {  	v6 =	vmul.f32 v6, v61;
	_ =	sdelay $0x1  }
0x3a4: {  	[tilespmem:s28+$0x7240] =	vst.add.f32.msk $0xffff, v6  }
0x3a5: {  	v6 =	vld [tilespmem:s20+$0x250];
	_ =	sdelay $0x4  }
0x3a6: {  	v6 =	vmul.f32 v6, v61;
	_ =	sdelay $0x1  }
0x3a7: {  	[tilespmem:s28+$0x7250] =	vst.add.f32.msk $0xffff, v6  }
0x3a8: {  	v6 =	vld [tilespmem:s20+$0x260];
	_ =	sdelay $0x4  }
0x3a9: {  	v6 =	vmul.f32 v6, v61;
	_ =	sdelay $0x1  }
0x3aa: {  	(v2sf) =	vpush v5, $0xD;
	[tilespmem:s28+$0x7260] =	vst.add.f32.msk $0xffff, v6  }
0x3ab: {  	v6 =	vld [tilespmem:s20+$0x270];
	_ =	sdelay $0x4  }
0x3ac: {  	v6 =	vmul.f32 v6, v61;
	_ =	sdelay $0x1  }
0x3ad: {  	[tilespmem:s28+$0x7270] =	vst.add.f32.msk $0xffff, v6  }
0x3ae: {  	v6 =	vld [tilespmem:s20+$0x280];
	_ =	sdelay $0x2  }
0x3af: {  	v62 =	vbroadcast v4, $0xD;
	_ =	sdelay $0x1  }
0x3b0: {  	v6 =	vmul.f32 v6, v62  }
0x3b1: {  	s29 =	spop (v2sf)  }
0x3b2: {  	[tilespmem:s29+$0x7200] =	vst.add.f32.msk $0xffff, v6  }
0x3b3: {  	v6 =	vld [tilespmem:s20+$0x290];
	_ =	sdelay $0x4  }
0x3b4: {  	v6 =	vmul.f32 v6, v62;
	_ =	sdelay $0x1  }
0x3b5: {  	[tilespmem:s29+$0x7210] =	vst.add.f32.msk $0xffff, v6  }
0x3b6: {  	v6 =	vld [tilespmem:s20+$0x2A0];
	_ =	sdelay $0x4  }
0x3b7: {  	v6 =	vmul.f32 v6, v62;
	_ =	sdelay $0x1  }
0x3b8: {  	[tilespmem:s29+$0x7220] =	vst.add.f32.msk $0xffff, v6  }
0x3b9: {  	v6 =	vld [tilespmem:s20+$0x2B0];
	_ =	sdelay $0x4  }
0x3ba: {  	v6 =	vmul.f32 v6, v62;
	_ =	sdelay $0x1  }
0x3bb: {  	[tilespmem:s29+$0x7230] =	vst.add.f32.msk $0xffff, v6  }
0x3bc: {  	v6 =	vld [tilespmem:s20+$0x2C0];
	_ =	sdelay $0x4  }
0x3bd: {  	v6 =	vmul.f32 v6, v62;
	_ =	sdelay $0x1  }
0x3be: {  	[tilespmem:s29+$0x7240] =	vst.add.f32.msk $0xffff, v6  }
0x3bf: {  	v6 =	vld [tilespmem:s20+$0x2D0];
	_ =	sdelay $0x4  }
0x3c0: {  	v6 =	vmul.f32 v6, v62;
	_ =	sdelay $0x1  }
0x3c1: {  	[tilespmem:s29+$0x7250] =	vst.add.f32.msk $0xffff, v6  }
0x3c2: {  	v6 =	vld [tilespmem:s20+$0x2E0];
	_ =	sdelay $0x4  }
0x3c3: {  	v6 =	vmul.f32 v6, v62;
	_ =	sdelay $0x1  }
0x3c4: {  	(v2sf) =	vpush v5, $0xE;
	[tilespmem:s29+$0x7260] =	vst.add.f32.msk $0xffff, v6  }
0x3c5: {  	v6 =	vld [tilespmem:s20+$0x2F0];
	_ =	sdelay $0x4  }
0x3c6: {  	v6 =	vmul.f32 v6, v62;
	_ =	sdelay $0x1  }
0x3c7: {  	[tilespmem:s29+$0x7270] =	vst.add.f32.msk $0xffff, v6  }
0x3c8: {  	v6 =	vld [tilespmem:s20+$0x300];
	_ =	sdelay $0x2  }
0x3c9: {  	v63 =	vbroadcast v4, $0xE;
	_ =	sdelay $0x1  }
0x3ca: {  	v6 =	vmul.f32 v6, v63  }
0x3cb: {  	s30 =	spop (v2sf)  }
0x3cc: {  	[tilespmem:s30+$0x7200] =	vst.add.f32.msk $0xffff, v6  }
0x3cd: {  	v6 =	vld [tilespmem:s20+$0x310];
	_ =	sdelay $0x4  }
0x3ce: {  	v6 =	vmul.f32 v6, v63;
	_ =	sdelay $0x1  }
0x3cf: {  	[tilespmem:s30+$0x7210] =	vst.add.f32.msk $0xffff, v6  }
0x3d0: {  	v6 =	vld [tilespmem:s20+$0x320];
	_ =	sdelay $0x4  }
0x3d1: {  	v6 =	vmul.f32 v6, v63;
	_ =	sdelay $0x1  }
0x3d2: {  	[tilespmem:s30+$0x7220] =	vst.add.f32.msk $0xffff, v6  }
0x3d3: {  	v6 =	vld [tilespmem:s20+$0x330];
	_ =	sdelay $0x4  }
0x3d4: {  	v6 =	vmul.f32 v6, v63;
	_ =	sdelay $0x1  }
0x3d5: {  	[tilespmem:s30+$0x7230] =	vst.add.f32.msk $0xffff, v6  }
0x3d6: {  	v6 =	vld [tilespmem:s20+$0x340];
	_ =	sdelay $0x4  }
0x3d7: {  	v6 =	vmul.f32 v6, v63;
	_ =	sdelay $0x1  }
0x3d8: {  	[tilespmem:s30+$0x7240] =	vst.add.f32.msk $0xffff, v6  }
0x3d9: {  	v6 =	vld [tilespmem:s20+$0x350];
	_ =	sdelay $0x4  }
0x3da: {  	v6 =	vmul.f32 v6, v63;
	_ =	sdelay $0x1  }
0x3db: {  	[tilespmem:s30+$0x7250] =	vst.add.f32.msk $0xffff, v6  }
0x3dc: {  	v6 =	vld [tilespmem:s20+$0x360];
	_ =	sdelay $0x4  }
0x3dd: {  	v6 =	vmul.f32 v6, v63;
	_ =	sdelay $0x1  }
0x3de: {  	(v2sf) =	vpush v5, $0xF;
	[tilespmem:s30+$0x7260] =	vst.add.f32.msk $0xffff, v6  }
0x3df: {  	v5 =	vld [tilespmem:s20+$0x370];
	_ =	sdelay $0x4  }
0x3e0: {  	v5 =	vmul.f32 v5, v63;
	_ =	sdelay $0x1  }
0x3e1: {  	[tilespmem:s30+$0x7270] =	vst.add.f32.msk $0xffff, v5  }
0x3e2: {  	v5 =	vld [tilespmem:s20+$0x380];
	_ =	sdelay $0x2  }
0x3e3: {  	v4 =	vbroadcast v4, $0xF;
	_ =	sdelay $0x1  }
0x3e4: {  	v5 =	vmul.f32 v5, v4  }
0x3e5: {  	s31 =	spop (v2sf)  }
0x3e6: {  	[tilespmem:s31+$0x7200] =	vst.add.f32.msk $0xffff, v5  }
0x3e7: {  	v5 =	vld [tilespmem:s20+$0x390];
	_ =	sdelay $0x4  }
0x3e8: {  	v5 =	vmul.f32 v5, v4;
	_ =	sdelay $0x1  }
0x3e9: {  	[tilespmem:s31+$0x7210] =	vst.add.f32.msk $0xffff, v5  }
0x3ea: {  	v5 =	vld [tilespmem:s20+$0x3A0];
	_ =	sdelay $0x4  }
0x3eb: {  	v5 =	vmul.f32 v5, v4;
	_ =	sdelay $0x1  }
0x3ec: {  	[tilespmem:s31+$0x7220] =	vst.add.f32.msk $0xffff, v5  }
0x3ed: {  	v5 =	vld [tilespmem:s20+$0x3B0];
	_ =	sdelay $0x4  }
0x3ee: {  	v5 =	vmul.f32 v5, v4;
	_ =	sdelay $0x1  }
0x3ef: {  	[tilespmem:s31+$0x7230] =	vst.add.f32.msk $0xffff, v5  }
0x3f0: {  	v5 =	vld [tilespmem:s20+$0x3C0];
	_ =	sdelay $0x4  }
0x3f1: {  	v5 =	vmul.f32 v5, v4;
	_ =	sdelay $0x1  }
0x3f2: {  	[tilespmem:s31+$0x7240] =	vst.add.f32.msk $0xffff, v5  }
0x3f3: {  	v5 =	vld [tilespmem:s20+$0x3D0];
	_ =	sdelay $0x4  }
0x3f4: {  	v5 =	vmul.f32 v5, v4;
	_ =	sdelay $0x1  }
0x3f5: {  	[tilespmem:s31+$0x7250] =	vst.add.f32.msk $0xffff, v5  }
0x3f6: {  	v5 =	vld [tilespmem:s20+$0x3E0];
	_ =	sdelay $0x4  }
0x3f7: {  	v5 =	vmul.f32 v5, v4;
	_ =	sdelay $0x1  }
0x3f8: {  	[tilespmem:s31+$0x7260] =	vst.add.f32.msk $0xffff, v5  }
0x3f9: {  	v5 =	vld [tilespmem:s20+$0x3F0];
	_ =	sdelay $0x1  }
0x3fa: {  	p0 =	sne.s32 s19, $0x1C0  }
.Ltmp13:
0x3fb: {  	_ = 	snop;
	(pc) =	sbr.rel @p0 .LBB2_14-.Ltmp13, $3  }
0x3fc: {  	_ = 	snop  }
0x3fd: {  	v4 =	vmul.f32 v5, v4;
	_ =	sdelay $0x1  }
0x3fe: {  	s19 =	sadd.s32 $0x40, s19;
	s20 =	sadd.s32 $0x800, s20;
	[tilespmem:s31+$0x7270] =	vst.add.f32.msk $0xffff, v4  }
.Ltmp14:
0x3ff: {  	_ = 	snop;
	(pc) =	sbr.rel .LBB2_15-.Ltmp14, $1  }
0x400: {  	_ =	sdelay $0x3  }
.LBB2_16:
0x401: {  	_ =	sfence.sel $0x180000  }
0x402: {  	[bflag:$0x0] =	sbarrier.arrive $0xFFFF  }
0x403: {  	p0 =	sne.s32 s3, $0x0;
	_ =	strace $0x90000047  }
0x404: {  	s0 =	sadd.s32 @!p0 $0x100000, s2;
	[bflag:$0x2] =	sbarrier.arrive $0xFFFF  }
0x405: {  	[sflag:s0] =	ssyncadd.tile.s32 @!p0 $0x1;
	_ =	shalt  }
.Lfunc_end2:
_tile_overlayer_lowered:
.L_overlay_start_2:
0x406: {  	(tag) =	ssettag $0x2  }
0x407: {  	s0 =	rddreg [dreg:$0x0];
	s2 =	stileid.u32  }
0x408: {  	s1 =	rddreg [dreg:$0x1];
	p0 =	sne.s32 s2, $0x0  }
0x409: {  	s3 =	rddreg [dreg:$0x2];
	[bflag:$0x3] =	sbarrier.arrive $0xFFFF;
	s2 =	simm.s32 @!p0 $0x1C02  }
0x40a: {  	[timem:s3], [sflag:s2] =	dma.local @!p0 [hbm:s0], s1  }
0x40b: {  	s0 =	simm.s32 @!p0 $0x2  }
0x40c: {  	_ =	swait.ge @!p0 [sflag:s0], s1  }
0x40d: {  	s1 =	ssub.s32 @!p0 $0x0, s1;
	[sflag:s0] =	ssyncset.done @!p0 $0x0  }
0x40e: {  	[sflag:s0] =	ssyncadd.s32 @!p0 s1  }
0x40f: {  	[bflag:$0x3] =	sbarrier.arrive $0xFFFF  }
0x410: {  	_ =	shalt  }

</sc_bundles>
